<compile_context>
chip_gen: v7x
topology: tpu7x:2x2x1
jax: 0.10.2.dev20260603
libtpu: 0.0.44.dev20260713+nightly
codegen_flags: <defaults>
</compile_context>

<pallas_src>
import functools

import jax
import jax.numpy as jnp
from jax import lax
from jax.experimental import pallas as pl
from jax.experimental.pallas import tpu as pltpu
from jax.experimental.pallas import tpu_sc as plsc

N = 10000
E = 320000
D = 128
NC = 2
NS = 16
NW = NC * NS
C = 160
C2 = 80
NPAD = 10240
RPT = NPAD // NS
EPW = 10240
EPW_CHUNKS = EPW // C
EPAD = NW * EPW


def _sc_agg_body(with_deg, *refs):
    nh = C // C2
    if with_deg:
        (x_hbm, src_hbm, dst_hbm, agg_out, deg_out, *rest) = refs
        (srcs, d0, d1, d2, d3, rows0, rows1, ones_v, agg_sh, deg_sh,
         isem0, isem1, gsem0, gsem1) = (
            rest[:2], rest[2:2 + nh], rest[2 + nh:2 + 2 * nh],
            rest[2 + 2 * nh:2 + 3 * nh], rest[2 + 3 * nh:2 + 4 * nh],
            *rest[2 + 4 * nh:])
    else:
        (x_hbm, src_hbm, dst_hbm, agg_out, *rest) = refs
        (srcs, d0, d1, d2, d3, rows0, rows1, agg_sh,
         isem0, isem1, gsem0, gsem1) = (
            rest[:2], rest[2:2 + nh], rest[2 + nh:2 + 2 * nh],
            rest[2 + 2 * nh:2 + 3 * nh], rest[2 + 3 * nh:2 + 4 * nh],
            *rest[2 + 4 * nh:])
    dsts = (d0, d1, d2, d3)
    rows = (rows0, rows1)
    isem = (isem0, isem1)
    gsem = (gsem0, gsem1)

    c = lax.axis_index("c")
    s = lax.axis_index("s")
    wid = s * NC + c
    ebase = pl.multiple_of(wid * EPW, 8)

    zero16 = jnp.zeros((16,), jnp.float32)

    def memset_row(i, carry):
        for k in range(D // 16):
            rows0[i, pl.ds(k * 16, 16)] = zero16
        return carry

    lax.fori_loop(0, 128, memset_row, 0)
    zrows = rows0 if C == 128 else rows0.at[pl.ds(0, 128)]
    for b in range(RPT // 128):
        pltpu.sync_copy(zrows, agg_sh.at[pl.ds(s * RPT + b * 128, 128)])
    if with_deg:
        one16 = jnp.ones((16,), jnp.float32)
        for k in range(C2 // 16):
            ones_v[pl.ds(k * 16, 16)] = one16
        for b in range(RPT // 128):
            pltpu.sync_copy(rows0.at[0], deg_sh.at[pl.ds(s * RPT + b * 128, 128)])

    def start_idx(j, q, b):
        base = pl.multiple_of(ebase + j * C, 8)
        pltpu.async_copy(src_hbm.at[pl.ds(base, C)], srcs[b], isem[b])
        for h in range(nh):
            pltpu.async_copy(
                dst_hbm.at[pl.ds(base + h * C2, C2)], dsts[q][h], isem[b])

    def wait_idx(b):
        pltpu.make_async_copy(
            src_hbm.at[pl.ds(0, C)], srcs[b], isem[b]).wait()
        for h in range(nh):
            pltpu.make_async_copy(
                dst_hbm.at[pl.ds(0, C2)], dsts[0][h], isem[b]).wait()

    def start_gather(b):
        pltpu.async_copy(x_hbm.at[srcs[b]], rows[b], gsem[b])

    def wait_gather(b):
        pltpu.make_async_copy(x_hbm.at[srcs[b]], rows[b], gsem[b]).wait()

    def rsrc(b, h):
        return rows[b] if nh == 1 else rows[b].at[pl.ds(h * C2, C2)]

    def scatter(q, b):
        for h in range(nh):
            pltpu.sync_copy(rsrc(b, h), agg_sh.at[dsts[q][h]], add=True)
        if with_deg:
            for h in range(nh):
                pltpu.sync_copy(ones_v, deg_sh.at[dsts[q][h]], add=True)

    start_idx(0, 0, 0)
    plsc.subcore_barrier()
    wait_idx(0)
    start_gather(0)
    start_idx(1, 1, 1)

    def quad_body(jj):
        for b4 in range(4):
            j = jj + b4
            b = b4 % 2
            wait_gather(b)
            wait_idx(b ^ 1)
            start_gather(b ^ 1)
            scatter(b4, b)
            start_idx(j + 2, (b4 + 2) % 4, b)

    def quad(i, carry):
        quad_body(i * 4)
        return carry

    lax.fori_loop(0, EPW_CHUNKS // 4, quad, 0)
    wait_gather(EPW_CHUNKS % 2)
    wait_idx((EPW_CHUNKS + 1) % 2)
    plsc.subcore_barrier()

    off = pl.multiple_of(s * RPT, 8)
    pltpu.sync_copy(agg_sh.at[pl.ds(off, RPT)], agg_out.at[c, pl.ds(off, RPT)])
    if with_deg:
        pltpu.sync_copy(deg_sh.at[pl.ds(off, RPT)], deg_out.at[c, pl.ds(off, RPT)])


def _make_sc_agg(with_deg):
    mesh = plsc.VectorSubcoreMesh(
        core_axis_name="c", subcore_axis_name="s",
        num_cores=NC, num_subcores=NS)
    if with_deg:
        out_type = (jax.ShapeDtypeStruct((NC, NPAD, D), jnp.float32),
                    jax.ShapeDtypeStruct((NC, NPAD), jnp.float32))
    else:
        out_type = jax.ShapeDtypeStruct((NC, NPAD, D), jnp.float32)
    scratch = [pltpu.VMEM((C,), jnp.int32)
               for _ in range(2)]
    scratch += [pltpu.VMEM((C2,), jnp.int32)
                for _ in range(4 * (C // C2))]
    scratch += [pltpu.VMEM((C, D), jnp.float32)
                for _ in range(2)]
    if with_deg:
        scratch.append(pltpu.VMEM((C2,), jnp.float32))
    scratch.append(pltpu.VMEM_SHARED((NPAD, D), jnp.float32))
    if with_deg:
        scratch.append(pltpu.VMEM_SHARED((NPAD,), jnp.float32))
    scratch.extend([pltpu.SemaphoreType.DMA] * 4)
    return pl.kernel(
        functools.partial(_sc_agg_body, with_deg),
        out_type=out_type, mesh=mesh, scratch_types=scratch)


_sc_agg_deg = _make_sc_agg(True)
_sc_agg = _make_sc_agg(False)

_R = 2000


def _dense_body(relu, x_ref, p0_ref, p1_ref, d0_ref, d1_ref,
                ws_ref, wn_ref, b_ref, o_ref):
    deg = d0_ref[...] + d1_ref[...]
    scale = 1.0 / jnp.maximum(deg, 1.0)
    agg = (p0_ref[...] + p1_ref[...]) * scale
    h = (jnp.dot(x_ref[...], ws_ref[...],
                 preferred_element_type=jnp.float32,
                 precision=lax.Precision.HIGHEST)
         + jnp.dot(agg, wn_ref[...],
                   preferred_element_type=jnp.float32,
                   precision=lax.Precision.HIGHEST)
         + b_ref[...])
    if relu:
        h = jnp.maximum(h, 0.0)
    o_ref[...] = h


def _dense(xa, aggp, degp, Ws, Wn, b, relu):
    d0 = degp[0].reshape(NPAD, 1)
    d1 = degp[1].reshape(NPAD, 1)
    return pl.pallas_call(
        functools.partial(_dense_body, relu),
        grid=(N // _R,),
        in_specs=[
            pl.BlockSpec((_R, D), lambda i: (i, 0)),
            pl.BlockSpec((_R, D), lambda i: (i, 0)),
            pl.BlockSpec((_R, D), lambda i: (i, 0)),
            pl.BlockSpec((_R, 1), lambda i: (i, 0)),
            pl.BlockSpec((_R, 1), lambda i: (i, 0)),
            pl.BlockSpec((D, D), lambda i: (0, 0)),
            pl.BlockSpec((D, D), lambda i: (0, 0)),
            pl.BlockSpec((1, D), lambda i: (0, 0)),
        ],
        out_specs=pl.BlockSpec((_R, D), lambda i: (i, 0)),
        out_shape=jax.ShapeDtypeStruct((N, D), jnp.float32),
    )(xa, aggp[0], aggp[1], d0, d1, Ws, Wn, b.reshape(1, D))


def kernel(x, W1s, W1n, b1, W2s, W2n, b2, W3s, W3n, b3, edge_index):
    src = edge_index[0].astype(jnp.int32)
    dst = edge_index[1].astype(jnp.int32)
    pad = EPAD + 2 * C - E
    src_p = jnp.concatenate([src, jnp.arange(pad, dtype=jnp.int32) % N])
    dst_p = jnp.concatenate(
        [dst, N + (jnp.arange(pad, dtype=jnp.int32) % (NPAD - N))])

    agg1, degp = _sc_agg_deg(x, src_p, dst_p)
    h1 = _dense(x, agg1, degp, W1s, W1n, b1, True)
    agg2 = _sc_agg(h1, src_p, dst_p)
    h2 = _dense(h1, agg2, degp, W2s, W2n, b2, True)
    agg3 = _sc_agg(h2, src_p, dst_p)
    return _dense(h2, agg3, degp, W3s, W3n, b3, False)

# --- scband reference (transcript-rebuilt; emitter-appended) ---
"""Pipeline reference for scband-sagenet-24120536334792 (READ-ONLY COPY).

The authoritative reference and input builder live on the scoring server;
editing this copy changes nothing except your own understanding.
"""

import jax, jax.numpy as jnp
import numpy as np

N_NODES = 10000
N_EDGES = 320000
D_IN = 128
D_HID = 128
D_OUT = 128


def _init_linear(key, fan_in, fan_out):
    k1, k2 = jax.random.split(key)
    bound = 1.0 / np.sqrt(fan_in)
    W = jax.random.uniform(k1, (fan_in, fan_out), minval=-bound, maxval=bound, dtype=jnp.float32)
    b = jax.random.uniform(k2, (fan_out,), minval=-bound, maxval=bound, dtype=jnp.float32)
    return W, b


def setup_inputs(seed: int = 0) -> dict:
    key = jax.random.key(seed)
    ks = jax.random.split(key, 8)
    x = jax.random.normal(ks[0], (N_NODES, D_IN), dtype=jnp.float32)
    edge_index = jax.random.randint(ks[1], (2, N_EDGES), 0, N_NODES, dtype=jnp.int64)
    W1s, b1 = _init_linear(ks[2], D_IN, D_HID)
    W1n, _ = _init_linear(ks[3], D_IN, D_HID)
    W2s, b2 = _init_linear(ks[4], D_HID, D_HID)
    W2n, _ = _init_linear(ks[5], D_HID, D_HID)
    W3s, b3 = _init_linear(ks[6], D_HID, D_OUT)
    W3n, _ = _init_linear(ks[7], D_HID, D_OUT)
    return {"x": x, "W1s": W1s, "W1n": W1n, "b1": b1,
            "W2s": W2s, "W2n": W2n, "b2": b2,
            "W3s": W3s, "W3n": W3n, "b3": b3,
            "edge_index": edge_index}


def _sage_layer(x, edge_index, Ws, Wn, b, activation):
    src = edge_index[0]
    dst = edge_index[1]
    n = x.shape[0]
    msgs = jnp.take(x, src, axis=0)                      # gather (SparseCore)
    agg = jax.ops.segment_sum(msgs, dst, num_segments=n)  # scatter-add
    deg = jax.ops.segment_sum(jnp.ones((dst.shape[0],), dtype=x.dtype), dst, num_segments=n)
    agg = agg / jnp.maximum(deg, 1.0)[:, None]            # mean aggregation
    h = x @ Ws + agg @ Wn + b
    if activation:
        h = jax.nn.relu(h)
    return h


def reference(x, W1s, W1n, b1, W2s, W2n, b2, W3s, W3n, b3, edge_index):
    h = _sage_layer(x, edge_index, W1s, W1n, b1, activation=True)   # conv1
    h = _sage_layer(h, edge_index, W2s, W2n, b2, activation=True)   # middle conv
    h = _sage_layer(h, edge_index, W3s, W3n, b3, activation=False)  # convf
    return h

if __name__ == "__main__":
    import jax
    _d = setup_inputs()
    print(jax.jit(kernel)(*tuple(_d.values())))

</pallas_src>

<mosaic_0001>
#map = affine_map<(d0, d1) -> (0, 0)>
#map1 = affine_map<(d0, d1) -> (0)>
#map2 = affine_map<(d0, d1) -> (0, 0, 0)>
module attributes {stable_mosaic.version = 14 : i64} {
  func.func @_sc_agg_body(%arg0: i32, %arg1: i32, %arg2: memref<10000x128xf32, #tpu.memory_space<hbm>>, %arg3: memref<328000xi32, #tpu.memory_space<hbm>>, %arg4: memref<328000xi32, #tpu.memory_space<hbm>>, %arg5: memref<2x10240x128xf32, #tpu.memory_space<hbm>>, %arg6: memref<2x10240xf32, #tpu.memory_space<hbm>>, %arg7: memref<160xi32, #tpu.memory_space<vmem>>, %arg8: memref<160xi32, #tpu.memory_space<vmem>>, %arg9: memref<80xi32, #tpu.memory_space<vmem>>, %arg10: memref<80xi32, #tpu.memory_space<vmem>>, %arg11: memref<80xi32, #tpu.memory_space<vmem>>, %arg12: memref<80xi32, #tpu.memory_space<vmem>>, %arg13: memref<80xi32, #tpu.memory_space<vmem>>, %arg14: memref<80xi32, #tpu.memory_space<vmem>>, %arg15: memref<80xi32, #tpu.memory_space<vmem>>, %arg16: memref<80xi32, #tpu.memory_space<vmem>>, %arg17: memref<160x128xf32, #tpu.memory_space<vmem>>, %arg18: memref<160x128xf32, #tpu.memory_space<vmem>>, %arg19: memref<80xf32, #tpu.memory_space<vmem>>, %arg20: memref<10240x128xf32, #tpu.memory_space<vmem_shared>>, %arg21: memref<10240xf32, #tpu.memory_space<vmem_shared>>, %arg22: memref<!tpu.dma_semaphore, #tpu.memory_space<semaphore_mem>>, %arg23: memref<!tpu.dma_semaphore, #tpu.memory_space<semaphore_mem>>, %arg24: memref<!tpu.dma_semaphore, #tpu.memory_space<semaphore_mem>>, %arg25: memref<!tpu.dma_semaphore, #tpu.memory_space<semaphore_mem>>) attributes {dimension_semantics = [#tpu.dimension_semantics<core_parallel>, #tpu.dimension_semantics<subcore_parallel>], iteration_bounds = array<i64: 2, 16>, scalar_prefetch = 0 : i64, scratch_operands = 19 : i64, tpu.core_type = #tpu.core_type<sc_vector_subcore>, window_params = [{transform_indices = #map}, {transform_indices = #map1}, {transform_indices = #map1}, {transform_indices = #map2}, {transform_indices = #map}]} {
    %mul3A = arith.constant 2 : i32
    %mul3A_0 = arith.muli %arg1, %mul3A : i32
    %add3A = arith.addi %mul3A_0, %arg0 : i32
    %mul3A_1 = arith.constant 10240 : i32
    %mul3A_2 = arith.muli %add3A, %mul3A_1 : i32
    %multiple_of3A = tpu.assume_multiple %mul3A_2, 8 : i32
    %broadcast_in_dim3A = arith.constant 0.000000e+00 : f32
    %broadcast_in_dim3A_3 = vector.broadcast %broadcast_in_dim3A : f32 to vector<16xf32>
    %scan3A = arith.constant 0 : i32
    %scan3A_4 = arith.constant 0 : i32
    %scan3A_5 = arith.constant 128 : i32
    %scan3A_6 = arith.addi %scan3A_4, %scan3A_5 : i32
    %scan3A_7 = arith.constant 1 : i32
    scf.for %scan3A_138 = %scan3A_4 to %scan3A_6 step %scan3A_7  : i32 {
      %swap3A_139 = arith.index_cast %scan3A_138 : i32 to index
      %swap3A_140 = arith.constant 0 : index
      %swap3A_141 = tpu.vector_load %arg17[%swap3A_139, %swap3A_140] {strides = array<i32>} : memref<160x128xf32, #tpu.memory_space<vmem>>, vector<1x16xf32>,
      %swap3A_142 = vector.shape_cast %swap3A_141 : vector<1x16xf32> to vector<16xf32>
      %swap3A_143 = vector.shape_cast %broadcast_in_dim3A_3 : vector<16xf32> to vector<1x16xf32>
      tpu.vector_store %arg17[%swap3A_139, %swap3A_140], %swap3A_143 {strides = array<i32>} : memref<160x128xf32, #tpu.memory_space<vmem>>, vector<1x16xf32>,
      %swap3A_144 = arith.index_cast %scan3A_138 : i32 to index
      %swap3A_145 = arith.constant 16 : index
      %swap3A_146 = tpu.vector_load %arg17[%swap3A_144, %swap3A_145] {strides = array<i32>} : memref<160x128xf32, #tpu.memory_space<vmem>>, vector<1x16xf32>,
      %swap3A_147 = vector.shape_cast %swap3A_146 : vector<1x16xf32> to vector<16xf32>
      %swap3A_148 = vector.shape_cast %broadcast_in_dim3A_3 : vector<16xf32> to vector<1x16xf32>
      tpu.vector_store %arg17[%swap3A_144, %swap3A_145], %swap3A_148 {strides = array<i32>} : memref<160x128xf32, #tpu.memory_space<vmem>>, vector<1x16xf32>,
      %swap3A_149 = arith.index_cast %scan3A_138 : i32 to index
      %swap3A_150 = arith.constant 32 : index
      %swap3A_151 = tpu.vector_load %arg17[%swap3A_149, %swap3A_150] {strides = array<i32>} : memref<160x128xf32, #tpu.memory_space<vmem>>, vector<1x16xf32>,
      %swap3A_152 = vector.shape_cast %swap3A_151 : vector<1x16xf32> to vector<16xf32>
      %swap3A_153 = vector.shape_cast %broadcast_in_dim3A_3 : vector<16xf32> to vector<1x16xf32>
      tpu.vector_store %arg17[%swap3A_149, %swap3A_150], %swap3A_153 {strides = array<i32>} : memref<160x128xf32, #tpu.memory_space<vmem>>, vector<1x16xf32>,
      %swap3A_154 = arith.index_cast %scan3A_138 : i32 to index
      %swap3A_155 = arith.constant 48 : index
      %swap3A_156 = tpu.vector_load %arg17[%swap3A_154, %swap3A_155] {strides = array<i32>} : memref<160x128xf32, #tpu.memory_space<vmem>>, vector<1x16xf32>,
      %swap3A_157 = vector.shape_cast %swap3A_156 : vector<1x16xf32> to vector<16xf32>
      %swap3A_158 = vector.shape_cast %broadcast_in_dim3A_3 : vector<16xf32> to vector<1x16xf32>
      tpu.vector_store %arg17[%swap3A_154, %swap3A_155], %swap3A_158 {strides = array<i32>} : memref<160x128xf32, #tpu.memory_space<vmem>>, vector<1x16xf32>,
      %swap3A_159 = arith.index_cast %scan3A_138 : i32 to index
      %swap3A_160 = arith.constant 64 : index
      %swap3A_161 = tpu.vector_load %arg17[%swap3A_159, %swap3A_160] {strides = array<i32>} : memref<160x128xf32, #tpu.memory_space<vmem>>, vector<1x16xf32>,
      %swap3A_162 = vector.shape_cast %swap3A_161 : vector<1x16xf32> to vector<16xf32>
      %swap3A_163 = vector.shape_cast %broadcast_in_dim3A_3 : vector<16xf32> to vector<1x16xf32>
      tpu.vector_store %arg17[%swap3A_159, %swap3A_160], %swap3A_163 {strides = array<i32>} : memref<160x128xf32, #tpu.memory_space<vmem>>, vector<1x16xf32>,
      %swap3A_164 = arith.index_cast %scan3A_138 : i32 to index
      %swap3A_165 = arith.constant 80 : index
      %swap3A_166 = tpu.vector_load %arg17[%swap3A_164, %swap3A_165] {strides = array<i32>} : memref<160x128xf32, #tpu.memory_space<vmem>>, vector<1x16xf32>,
      %swap3A_167 = vector.shape_cast %swap3A_166 : vector<1x16xf32> to vector<16xf32>
      %swap3A_168 = vector.shape_cast %broadcast_in_dim3A_3 : vector<16xf32> to vector<1x16xf32>
      tpu.vector_store %arg17[%swap3A_164, %swap3A_165], %swap3A_168 {strides = array<i32>} : memref<160x128xf32, #tpu.memory_space<vmem>>, vector<1x16xf32>,
      %swap3A_169 = arith.index_cast %scan3A_138 : i32 to index
      %swap3A_170 = arith.constant 96 : index
      %swap3A_171 = tpu.vector_load %arg17[%swap3A_169, %swap3A_170] {strides = array<i32>} : memref<160x128xf32, #tpu.memory_space<vmem>>, vector<1x16xf32>,
      %swap3A_172 = vector.shape_cast %swap3A_171 : vector<1x16xf32> to vector<16xf32>
      %swap3A_173 = vector.shape_cast %broadcast_in_dim3A_3 : vector<16xf32> to vector<1x16xf32>
      tpu.vector_store %arg17[%swap3A_169, %swap3A_170], %swap3A_173 {strides = array<i32>} : memref<160x128xf32, #tpu.memory_space<vmem>>, vector<1x16xf32>,
      %swap3A_174 = arith.index_cast %scan3A_138 : i32 to index
      %swap3A_175 = arith.constant 112 : index
      %swap3A_176 = tpu.vector_load %arg17[%swap3A_174, %swap3A_175] {strides = array<i32>} : memref<160x128xf32, #tpu.memory_space<vmem>>, vector<1x16xf32>,
      %swap3A_177 = vector.shape_cast %swap3A_176 : vector<1x16xf32> to vector<16xf32>
      %swap3A_178 = vector.shape_cast %broadcast_in_dim3A_3 : vector<16xf32> to vector<1x16xf32>
      tpu.vector_store %arg17[%swap3A_174, %swap3A_175], %swap3A_178 {strides = array<i32>} : memref<160x128xf32, #tpu.memory_space<vmem>>, vector<1x16xf32>,
    }
    %scan3A_8 = arith.constant 128 : i32
    %mul3A_9 = arith.constant 640 : i32
    %mul3A_10 = arith.muli %arg1, %mul3A_9 : i32
    %add3A_11 = arith.constant 0 : i32
    %add3A_12 = arith.addi %mul3A_10, %add3A_11 : i32
    "tpu.region"() ({
      %run_scoped3A_138 = tpu.sem_alloc : memref<!tpu.dma_semaphore, #tpu.memory_space<semaphore_mem>>
      %dma_start3A_139 = arith.constant 0 : i32
      %dma_start3A_140 = arith.constant 0 : i32
      %dma_start3A_141 = tpu.memref_slice %arg17[%dma_start3A_139, %dma_start3A_140] : memref<160x128xf32, #tpu.memory_space<vmem>> -> memref<128x128xf32, #tpu.memory_space<vmem>>
      %dma_start3A_142 = arith.constant 0 : i32
      %dma_start3A_143 = tpu.memref_slice %arg20[%add3A_12, %dma_start3A_142] : memref<10240x128xf32, #tpu.memory_space<vmem_shared>> -> memref<128x128xf32, #tpu.memory_space<vmem_shared>>
      %dma_start3A_144 = arith.constant 0 : i32
      %dma_start3A_145 = tpu.memref_slice %arg20[%add3A_12, %dma_start3A_144] : memref<10240x128xf32, #tpu.memory_space<vmem_shared>> -> memref<128x128xf32, #tpu.memory_space<vmem_shared>>
      %dma_start3A_146 = arith.constant 0 : i32
      %dma_start3A_147 = arith.constant 0 : i32
      %dma_start3A_148 = tpu.memref_slice %arg17[%dma_start3A_146, %dma_start3A_147] : memref<160x128xf32, #tpu.memory_space<vmem>> -> memref<128x128xf32, #tpu.memory_space<vmem>>
      tpu.enqueue_dma source(%dma_start3A_148 : memref<128x128xf32, #tpu.memory_space<vmem>>) target(%dma_start3A_145 : memref<128x128xf32, #tpu.memory_space<vmem_shared>>) target_semaphore(%run_scoped3A_138 : memref<!tpu.dma_semaphore, #tpu.memory_space<semaphore_mem>>)
      %dma_wait3A_149 = arith.constant 0 : i32
      %dma_wait3A_150 = arith.constant 0 : i32
      %dma_wait3A_151 = tpu.memref_slice %arg17[%dma_wait3A_149, %dma_wait3A_150] : memref<160x128xf32, #tpu.memory_space<vmem>> -> memref<128x128xf32, #tpu.memory_space<vmem>>
      %dma_wait3A_152 = arith.constant 0 : i32
      %dma_wait3A_153 = tpu.memref_slice %arg20[%add3A_12, %dma_wait3A_152] : memref<10240x128xf32, #tpu.memory_space<vmem_shared>> -> memref<128x128xf32, #tpu.memory_space<vmem_shared>>
      %dma_wait3A_154 = arith.constant 0 : i32
      %dma_wait3A_155 = tpu.memref_slice %arg20[%add3A_12, %dma_wait3A_154] : memref<10240x128xf32, #tpu.memory_space<vmem_shared>> -> memref<128x128xf32, #tpu.memory_space<vmem_shared>>
      %dma_wait3A_156 = arith.constant 0 : i32
      %dma_wait3A_157 = arith.constant 0 : i32
      %dma_wait3A_158 = tpu.memref_slice %arg17[%dma_wait3A_156, %dma_wait3A_157] : memref<160x128xf32, #tpu.memory_space<vmem>> -> memref<128x128xf32, #tpu.memory_space<vmem>>
      tpu.wait_dma2 semaphore(%run_scoped3A_138 : memref<!tpu.dma_semaphore, #tpu.memory_space<semaphore_mem>>) src(%dma_wait3A_158 : memref<128x128xf32, #tpu.memory_space<vmem>>) dst(%dma_wait3A_155 : memref<128x128xf32, #tpu.memory_space<vmem_shared>>)
      tpu.yield
    }) : () -> ()
    %mul3A_13 = arith.constant 640 : i32
    %mul3A_14 = arith.muli %arg1, %mul3A_13 : i32
    %add3A_15 = arith.constant 128 : i32
    %add3A_16 = arith.addi %mul3A_14, %add3A_15 : i32
    "tpu.region"() ({
      %run_scoped3A_138 = tpu.sem_alloc : memref<!tpu.dma_semaphore, #tpu.memory_space<semaphore_mem>>
      %dma_start3A_139 = arith.constant 0 : i32
      %dma_start3A_140 = arith.constant 0 : i32
      %dma_start3A_141 = tpu.memref_slice %arg17[%dma_start3A_139, %dma_start3A_140] : memref<160x128xf32, #tpu.memory_space<vmem>> -> memref<128x128xf32, #tpu.memory_space<vmem>>
      %dma_start3A_142 = arith.constant 0 : i32
      %dma_start3A_143 = tpu.memref_slice %arg20[%add3A_16, %dma_start3A_142] : memref<10240x128xf32, #tpu.memory_space<vmem_shared>> -> memref<128x128xf32, #tpu.memory_space<vmem_shared>>
      %dma_start3A_144 = arith.constant 0 : i32
      %dma_start3A_145 = tpu.memref_slice %arg20[%add3A_16, %dma_start3A_144] : memref<10240x128xf32, #tpu.memory_space<vmem_shared>> -> memref<128x128xf32, #tpu.memory_space<vmem_shared>>
      %dma_start3A_146 = arith.constant 0 : i32
      %dma_start3A_147 = arith.constant 0 : i32
      %dma_start3A_148 = tpu.memref_slice %arg17[%dma_start3A_146, %dma_start3A_147] : memref<160x128xf32, #tpu.memory_space<vmem>> -> memref<128x128xf32, #tpu.memory_space<vmem>>
      tpu.enqueue_dma source(%dma_start3A_148 : memref<128x128xf32, #tpu.memory_space<vmem>>) target(%dma_start3A_145 : memref<128x128xf32, #tpu.memory_space<vmem_shared>>) target_semaphore(%run_scoped3A_138 : memref<!tpu.dma_semaphore, #tpu.memory_space<semaphore_mem>>)
      %dma_wait3A_149 = arith.constant 0 : i32
      %dma_wait3A_150 = arith.constant 0 : i32
      %dma_wait3A_151 = tpu.memref_slice %arg17[%dma_wait3A_149, %dma_wait3A_150] : memref<160x128xf32, #tpu.memory_space<vmem>> -> memref<128x128xf32, #tpu.memory_space<vmem>>
      %dma_wait3A_152 = arith.constant 0 : i32
      %dma_wait3A_153 = tpu.memref_slice %arg20[%add3A_16, %dma_wait3A_152] : memref<10240x128xf32, #tpu.memory_space<vmem_shared>> -> memref<128x128xf32, #tpu.memory_space<vmem_shared>>
      %dma_wait3A_154 = arith.constant 0 : i32
      %dma_wait3A_155 = tpu.memref_slice %arg20[%add3A_16, %dma_wait3A_154] : memref<10240x128xf32, #tpu.memory_space<vmem_shared>> -> memref<128x128xf32, #tpu.memory_space<vmem_shared>>
      %dma_wait3A_156 = arith.constant 0 : i32
      %dma_wait3A_157 = arith.constant 0 : i32
      %dma_wait3A_158 = tpu.memref_slice %arg17[%dma_wait3A_156, %dma_wait3A_157] : memref<160x128xf32, #tpu.memory_space<vmem>> -> memref<128x128xf32, #tpu.memory_space<vmem>>
      tpu.wait_dma2 semaphore(%run_scoped3A_138 : memref<!tpu.dma_semaphore, #tpu.memory_space<semaphore_mem>>) src(%dma_wait3A_158 : memref<128x128xf32, #tpu.memory_space<vmem>>) dst(%dma_wait3A_155 : memref<128x128xf32, #tpu.memory_space<vmem_shared>>)
      tpu.yield
    }) : () -> ()
    %mul3A_17 = arith.constant 640 : i32
    %mul3A_18 = arith.muli %arg1, %mul3A_17 : i32
    %add3A_19 = arith.constant 256 : i32
    %add3A_20 = arith.addi %mul3A_18, %add3A_19 : i32
    "tpu.region"() ({
      %run_scoped3A_138 = tpu.sem_alloc : memref<!tpu.dma_semaphore, #tpu.memory_space<semaphore_mem>>
      %dma_start3A_139 = arith.constant 0 : i32
      %dma_start3A_140 = arith.constant 0 : i32
      %dma_start3A_141 = tpu.memref_slice %arg17[%dma_start3A_139, %dma_start3A_140] : memref<160x128xf32, #tpu.memory_space<vmem>> -> memref<128x128xf32, #tpu.memory_space<vmem>>
      %dma_start3A_142 = arith.constant 0 : i32
      %dma_start3A_143 = tpu.memref_slice %arg20[%add3A_20, %dma_start3A_142] : memref<10240x128xf32, #tpu.memory_space<vmem_shared>> -> memref<128x128xf32, #tpu.memory_space<vmem_shared>>
      %dma_start3A_144 = arith.constant 0 : i32
      %dma_start3A_145 = tpu.memref_slice %arg20[%add3A_20, %dma_start3A_144] : memref<10240x128xf32, #tpu.memory_space<vmem_shared>> -> memref<128x128xf32, #tpu.memory_space<vmem_shared>>
      %dma_start3A_146 = arith.constant 0 : i32
      %dma_start3A_147 = arith.constant 0 : i32
      %dma_start3A_148 = tpu.memref_slice %arg17[%dma_start3A_146, %dma_start3A_147] : memref<160x128xf32, #tpu.memory_space<vmem>> -> memref<128x128xf32, #tpu.memory_space<vmem>>
      tpu.enqueue_dma source(%dma_start3A_148 : memref<128x128xf32, #tpu.memory_space<vmem>>) target(%dma_start3A_145 : memref<128x128xf32, #tpu.memory_space<vmem_shared>>) target_semaphore(%run_scoped3A_138 : memref<!tpu.dma_semaphore, #tpu.memory_space<semaphore_mem>>)
      %dma_wait3A_149 = arith.constant 0 : i32
      %dma_wait3A_150 = arith.constant 0 : i32
      %dma_wait3A_151 = tpu.memref_slice %arg17[%dma_wait3A_149, %dma_wait3A_150] : memref<160x128xf32, #tpu.memory_space<vmem>> -> memref<128x128xf32, #tpu.memory_space<vmem>>
      %dma_wait3A_152 = arith.constant 0 : i32
      %dma_wait3A_153 = tpu.memref_slice %arg20[%add3A_20, %dma_wait3A_152] : memref<10240x128xf32, #tpu.memory_space<vmem_shared>> -> memref<128x128xf32, #tpu.memory_space<vmem_shared>>
      %dma_wait3A_154 = arith.constant 0 : i32
      %dma_wait3A_155 = tpu.memref_slice %arg20[%add3A_20, %dma_wait3A_154] : memref<10240x128xf32, #tpu.memory_space<vmem_shared>> -> memref<128x128xf32, #tpu.memory_space<vmem_shared>>
      %dma_wait3A_156 = arith.constant 0 : i32
      %dma_wait3A_157 = arith.constant 0 : i32
      %dma_wait3A_158 = tpu.memref_slice %arg17[%dma_wait3A_156, %dma_wait3A_157] : memref<160x128xf32, #tpu.memory_space<vmem>> -> memref<128x128xf32, #tpu.memory_space<vmem>>
      tpu.wait_dma2 semaphore(%run_scoped3A_138 : memref<!tpu.dma_semaphore, #tpu.memory_space<semaphore_mem>>) src(%dma_wait3A_158 : memref<128x128xf32, #tpu.memory_space<vmem>>) dst(%dma_wait3A_155 : memref<128x128xf32, #tpu.memory_space<vmem_shared>>)
      tpu.yield
    }) : () -> ()
    %mul3A_21 = arith.constant 640 : i32
    %mul3A_22 = arith.muli %arg1, %mul3A_21 : i32
    %add3A_23 = arith.constant 384 : i32
    %add3A_24 = arith.addi %mul3A_22, %add3A_23 : i32
    "tpu.region"() ({
      %run_scoped3A_138 = tpu.sem_alloc : memref<!tpu.dma_semaphore, #tpu.memory_space<semaphore_mem>>
      %dma_start3A_139 = arith.constant 0 : i32
      %dma_start3A_140 = arith.constant 0 : i32
      %dma_start3A_141 = tpu.memref_slice %arg17[%dma_start3A_139, %dma_start3A_140] : memref<160x128xf32, #tpu.memory_space<vmem>> -> memref<128x128xf32, #tpu.memory_space<vmem>>
      %dma_start3A_142 = arith.constant 0 : i32
      %dma_start3A_143 = tpu.memref_slice %arg20[%add3A_24, %dma_start3A_142] : memref<10240x128xf32, #tpu.memory_space<vmem_shared>> -> memref<128x128xf32, #tpu.memory_space<vmem_shared>>
      %dma_start3A_144 = arith.constant 0 : i32
      %dma_start3A_145 = tpu.memref_slice %arg20[%add3A_24, %dma_start3A_144] : memref<10240x128xf32, #tpu.memory_space<vmem_shared>> -> memref<128x128xf32, #tpu.memory_space<vmem_shared>>
      %dma_start3A_146 = arith.constant 0 : i32
      %dma_start3A_147 = arith.constant 0 : i32
      %dma_start3A_148 = tpu.memref_slice %arg17[%dma_start3A_146, %dma_start3A_147] : memref<160x128xf32, #tpu.memory_space<vmem>> -> memref<128x128xf32, #tpu.memory_space<vmem>>
      tpu.enqueue_dma source(%dma_start3A_148 : memref<128x128xf32, #tpu.memory_space<vmem>>) target(%dma_start3A_145 : memref<128x128xf32, #tpu.memory_space<vmem_shared>>) target_semaphore(%run_scoped3A_138 : memref<!tpu.dma_semaphore, #tpu.memory_space<semaphore_mem>>)
      %dma_wait3A_149 = arith.constant 0 : i32
      %dma_wait3A_150 = arith.constant 0 : i32
      %dma_wait3A_151 = tpu.memref_slice %arg17[%dma_wait3A_149, %dma_wait3A_150] : memref<160x128xf32, #tpu.memory_space<vmem>> -> memref<128x128xf32, #tpu.memory_space<vmem>>
      %dma_wait3A_152 = arith.constant 0 : i32
      %dma_wait3A_153 = tpu.memref_slice %arg20[%add3A_24, %dma_wait3A_152] : memref<10240x128xf32, #tpu.memory_space<vmem_shared>> -> memref<128x128xf32, #tpu.memory_space<vmem_shared>>
      %dma_wait3A_154 = arith.constant 0 : i32
      %dma_wait3A_155 = tpu.memref_slice %arg20[%add3A_24, %dma_wait3A_154] : memref<10240x128xf32, #tpu.memory_space<vmem_shared>> -> memref<128x128xf32, #tpu.memory_space<vmem_shared>>
      %dma_wait3A_156 = arith.constant 0 : i32
      %dma_wait3A_157 = arith.constant 0 : i32
      %dma_wait3A_158 = tpu.memref_slice %arg17[%dma_wait3A_156, %dma_wait3A_157] : memref<160x128xf32, #tpu.memory_space<vmem>> -> memref<128x128xf32, #tpu.memory_space<vmem>>
      tpu.wait_dma2 semaphore(%run_scoped3A_138 : memref<!tpu.dma_semaphore, #tpu.memory_space<semaphore_mem>>) src(%dma_wait3A_158 : memref<128x128xf32, #tpu.memory_space<vmem>>) dst(%dma_wait3A_155 : memref<128x128xf32, #tpu.memory_space<vmem_shared>>)
      tpu.yield
    }) : () -> ()
    %mul3A_25 = arith.constant 640 : i32
    %mul3A_26 = arith.muli %arg1, %mul3A_25 : i32
    %add3A_27 = arith.constant 512 : i32
    %add3A_28 = arith.addi %mul3A_26, %add3A_27 : i32
    "tpu.region"() ({
      %run_scoped3A_138 = tpu.sem_alloc : memref<!tpu.dma_semaphore, #tpu.memory_space<semaphore_mem>>
      %dma_start3A_139 = arith.constant 0 : i32
      %dma_start3A_140 = arith.constant 0 : i32
      %dma_start3A_141 = tpu.memref_slice %arg17[%dma_start3A_139, %dma_start3A_140] : memref<160x128xf32, #tpu.memory_space<vmem>> -> memref<128x128xf32, #tpu.memory_space<vmem>>
      %dma_start3A_142 = arith.constant 0 : i32
      %dma_start3A_143 = tpu.memref_slice %arg20[%add3A_28, %dma_start3A_142] : memref<10240x128xf32, #tpu.memory_space<vmem_shared>> -> memref<128x128xf32, #tpu.memory_space<vmem_shared>>
      %dma_start3A_144 = arith.constant 0 : i32
      %dma_start3A_145 = tpu.memref_slice %arg20[%add3A_28, %dma_start3A_144] : memref<10240x128xf32, #tpu.memory_space<vmem_shared>> -> memref<128x128xf32, #tpu.memory_space<vmem_shared>>
      %dma_start3A_146 = arith.constant 0 : i32
      %dma_start3A_147 = arith.constant 0 : i32
      %dma_start3A_148 = tpu.memref_slice %arg17[%dma_start3A_146, %dma_start3A_147] : memref<160x128xf32, #tpu.memory_space<vmem>> -> memref<128x128xf32, #tpu.memory_space<vmem>>
      tpu.enqueue_dma source(%dma_start3A_148 : memref<128x128xf32, #tpu.memory_space<vmem>>) target(%dma_start3A_145 : memref<128x128xf32, #tpu.memory_space<vmem_shared>>) target_semaphore(%run_scoped3A_138 : memref<!tpu.dma_semaphore, #tpu.memory_space<semaphore_mem>>)
      %dma_wait3A_149 = arith.constant 0 : i32
      %dma_wait3A_150 = arith.constant 0 : i32
      %dma_wait3A_151 = tpu.memref_slice %arg17[%dma_wait3A_149, %dma_wait3A_150] : memref<160x128xf32, #tpu.memory_space<vmem>> -> memref<128x128xf32, #tpu.memory_space<vmem>>
      %dma_wait3A_152 = arith.constant 0 : i32
      %dma_wait3A_153 = tpu.memref_slice %arg20[%add3A_28, %dma_wait3A_152] : memref<10240x128xf32, #tpu.memory_space<vmem_shared>> -> memref<128x128xf32, #tpu.memory_space<vmem_shared>>
      %dma_wait3A_154 = arith.constant 0 : i32
      %dma_wait3A_155 = tpu.memref_slice %arg20[%add3A_28, %dma_wait3A_154] : memref<10240x128xf32, #tpu.memory_space<vmem_shared>> -> memref<128x128xf32, #tpu.memory_space<vmem_shared>>
      %dma_wait3A_156 = arith.constant 0 : i32
      %dma_wait3A_157 = arith.constant 0 : i32
      %dma_wait3A_158 = tpu.memref_slice %arg17[%dma_wait3A_156, %dma_wait3A_157] : memref<160x128xf32, #tpu.memory_space<vmem>> -> memref<128x128xf32, #tpu.memory_space<vmem>>
      tpu.wait_dma2 semaphore(%run_scoped3A_138 : memref<!tpu.dma_semaphore, #tpu.memory_space<semaphore_mem>>) src(%dma_wait3A_158 : memref<128x128xf32, #tpu.memory_space<vmem>>) dst(%dma_wait3A_155 : memref<128x128xf32, #tpu.memory_space<vmem_shared>>)
      tpu.yield
    }) : () -> ()
    %broadcast_in_dim3A_29 = arith.constant 1.000000e+00 : f32
    %broadcast_in_dim3A_30 = vector.broadcast %broadcast_in_dim3A_29 : f32 to vector<16xf32>
    %swap3A = arith.constant 0 : index
    %swap3A_31 = tpu.vector_load %arg19[%swap3A] {strides = array<i32>} : memref<80xf32, #tpu.memory_space<vmem>>, vector<16xf32>,
    %swap3A_32 = vector.shape_cast %swap3A_31 : vector<16xf32> to vector<16xf32>
    %swap3A_33 = vector.shape_cast %broadcast_in_dim3A_30 : vector<16xf32> to vector<16xf32>
    tpu.vector_store %arg19[%swap3A], %swap3A_33 {strides = array<i32>} : memref<80xf32, #tpu.memory_space<vmem>>, vector<16xf32>,
    %swap3A_34 = arith.constant 16 : index
    %swap3A_35 = tpu.vector_load %arg19[%swap3A_34] {strides = array<i32>} : memref<80xf32, #tpu.memory_space<vmem>>, vector<16xf32>,
    %swap3A_36 = vector.shape_cast %swap3A_35 : vector<16xf32> to vector<16xf32>
    %swap3A_37 = vector.shape_cast %broadcast_in_dim3A_30 : vector<16xf32> to vector<16xf32>
    tpu.vector_store %arg19[%swap3A_34], %swap3A_37 {strides = array<i32>} : memref<80xf32, #tpu.memory_space<vmem>>, vector<16xf32>,
    %swap3A_38 = arith.constant 32 : index
    %swap3A_39 = tpu.vector_load %arg19[%swap3A_38] {strides = array<i32>} : memref<80xf32, #tpu.memory_space<vmem>>, vector<16xf32>,
    %swap3A_40 = vector.shape_cast %swap3A_39 : vector<16xf32> to vector<16xf32>
    %swap3A_41 = vector.shape_cast %broadcast_in_dim3A_30 : vector<16xf32> to vector<16xf32>
    tpu.vector_store %arg19[%swap3A_38], %swap3A_41 {strides = array<i32>} : memref<80xf32, #tpu.memory_space<vmem>>, vector<16xf32>,
    %swap3A_42 = arith.constant 48 : index
    %swap3A_43 = tpu.vector_load %arg19[%swap3A_42] {strides = array<i32>} : memref<80xf32, #tpu.memory_space<vmem>>, vector<16xf32>,
    %swap3A_44 = vector.shape_cast %swap3A_43 : vector<16xf32> to vector<16xf32>
    %swap3A_45 = vector.shape_cast %broadcast_in_dim3A_30 : vector<16xf32> to vector<16xf32>
    tpu.vector_store %arg19[%swap3A_42], %swap3A_45 {strides = array<i32>} : memref<80xf32, #tpu.memory_space<vmem>>, vector<16xf32>,
    %swap3A_46 = arith.constant 64 : index
    %swap3A_47 = tpu.vector_load %arg19[%swap3A_46] {strides = array<i32>} : memref<80xf32, #tpu.memory_space<vmem>>, vector<16xf32>,
    %swap3A_48 = vector.shape_cast %swap3A_47 : vector<16xf32> to vector<16xf32>
    %swap3A_49 = vector.shape_cast %broadcast_in_dim3A_30 : vector<16xf32> to vector<16xf32>
    tpu.vector_store %arg19[%swap3A_46], %swap3A_49 {strides = array<i32>} : memref<80xf32, #tpu.memory_space<vmem>>, vector<16xf32>,
    %mul3A_50 = arith.constant 640 : i32
    %mul3A_51 = arith.muli %arg1, %mul3A_50 : i32
    %add3A_52 = arith.constant 0 : i32
    %add3A_53 = arith.addi %mul3A_51, %add3A_52 : i32
    %run_scoped3A = arith.constant 0 : i32
    "tpu.region"() ({
      %run_scoped3A_138 = tpu.sem_alloc : memref<!tpu.dma_semaphore, #tpu.memory_space<semaphore_mem>>
      %dma_start3A_139 = arith.constant 0 : i32
      %dma_start3A_140 = tpu.memref_slice %arg17[%run_scoped3A, %dma_start3A_139] : memref<160x128xf32, #tpu.memory_space<vmem>> -> memref<1x128xf32, #tpu.memory_space<vmem>>
      %dma_start3A_141 = tpu.memref_squeeze %dma_start3A_140 : memref<1x128xf32, #tpu.memory_space<vmem>> -> memref<128xf32, #tpu.memory_space<vmem>>
      %dma_start3A_142 = tpu.memref_slice %arg21[%add3A_53] : memref<10240xf32, #tpu.memory_space<vmem_shared>> -> memref<128xf32, #tpu.memory_space<vmem_shared>>
      %dma_start3A_143 = tpu.memref_slice %arg21[%add3A_53] : memref<10240xf32, #tpu.memory_space<vmem_shared>> -> memref<128xf32, #tpu.memory_space<vmem_shared>>
      %dma_start3A_144 = arith.constant 0 : i32
      %dma_start3A_145 = tpu.memref_slice %arg17[%run_scoped3A, %dma_start3A_144] : memref<160x128xf32, #tpu.memory_space<vmem>> -> memref<1x128xf32, #tpu.memory_space<vmem>>
      %dma_start3A_146 = tpu.memref_squeeze %dma_start3A_145 : memref<1x128xf32, #tpu.memory_space<vmem>> -> memref<128xf32, #tpu.memory_space<vmem>>
      tpu.enqueue_dma source(%dma_start3A_146 : memref<128xf32, #tpu.memory_space<vmem>>) target(%dma_start3A_143 : memref<128xf32, #tpu.memory_space<vmem_shared>>) target_semaphore(%run_scoped3A_138 : memref<!tpu.dma_semaphore, #tpu.memory_space<semaphore_mem>>)
      %dma_wait3A_147 = arith.constant 0 : i32
      %dma_wait3A_148 = tpu.memref_slice %arg17[%run_scoped3A, %dma_wait3A_147] : memref<160x128xf32, #tpu.memory_space<vmem>> -> memref<1x128xf32, #tpu.memory_space<vmem>>
      %dma_wait3A_149 = tpu.memref_squeeze %dma_wait3A_148 : memref<1x128xf32, #tpu.memory_space<vmem>> -> memref<128xf32, #tpu.memory_space<vmem>>
      %dma_wait3A_150 = tpu.memref_slice %arg21[%add3A_53] : memref<10240xf32, #tpu.memory_space<vmem_shared>> -> memref<128xf32, #tpu.memory_space<vmem_shared>>
      %dma_wait3A_151 = tpu.memref_slice %arg21[%add3A_53] : memref<10240xf32, #tpu.memory_space<vmem_shared>> -> memref<128xf32, #tpu.memory_space<vmem_shared>>
      %dma_wait3A_152 = arith.constant 0 : i32
      %dma_wait3A_153 = tpu.memref_slice %arg17[%run_scoped3A, %dma_wait3A_152] : memref<160x128xf32, #tpu.memory_space<vmem>> -> memref<1x128xf32, #tpu.memory_space<vmem>>
      %dma_wait3A_154 = tpu.memref_squeeze %dma_wait3A_153 : memref<1x128xf32, #tpu.memory_space<vmem>> -> memref<128xf32, #tpu.memory_space<vmem>>
      tpu.wait_dma2 semaphore(%run_scoped3A_138 : memref<!tpu.dma_semaphore, #tpu.memory_space<semaphore_mem>>) src(%dma_wait3A_154 : memref<128xf32, #tpu.memory_space<vmem>>) dst(%dma_wait3A_151 : memref<128xf32, #tpu.memory_space<vmem_shared>>)
      tpu.yield
    }) : () -> ()
    %mul3A_54 = arith.constant 640 : i32
    %mul3A_55 = arith.muli %arg1, %mul3A_54 : i32
    %add3A_56 = arith.constant 128 : i32
    %add3A_57 = arith.addi %mul3A_55, %add3A_56 : i32
    %run_scoped3A_58 = arith.constant 0 : i32
    "tpu.region"() ({
      %run_scoped3A_138 = tpu.sem_alloc : memref<!tpu.dma_semaphore, #tpu.memory_space<semaphore_mem>>
      %dma_start3A_139 = arith.constant 0 : i32
      %dma_start3A_140 = tpu.memref_slice %arg17[%run_scoped3A_58, %dma_start3A_139] : memref<160x128xf32, #tpu.memory_space<vmem>> -> memref<1x128xf32, #tpu.memory_space<vmem>>
      %dma_start3A_141 = tpu.memref_squeeze %dma_start3A_140 : memref<1x128xf32, #tpu.memory_space<vmem>> -> memref<128xf32, #tpu.memory_space<vmem>>
      %dma_start3A_142 = tpu.memref_slice %arg21[%add3A_57] : memref<10240xf32, #tpu.memory_space<vmem_shared>> -> memref<128xf32, #tpu.memory_space<vmem_shared>>
      %dma_start3A_143 = tpu.memref_slice %arg21[%add3A_57] : memref<10240xf32, #tpu.memory_space<vmem_shared>> -> memref<128xf32, #tpu.memory_space<vmem_shared>>
      %dma_start3A_144 = arith.constant 0 : i32
      %dma_start3A_145 = tpu.memref_slice %arg17[%run_scoped3A_58, %dma_start3A_144] : memref<160x128xf32, #tpu.memory_space<vmem>> -> memref<1x128xf32, #tpu.memory_space<vmem>>
      %dma_start3A_146 = tpu.memref_squeeze %dma_start3A_145 : memref<1x128xf32, #tpu.memory_space<vmem>> -> memref<128xf32, #tpu.memory_space<vmem>>
      tpu.enqueue_dma source(%dma_start3A_146 : memref<128xf32, #tpu.memory_space<vmem>>) target(%dma_start3A_143 : memref<128xf32, #tpu.memory_space<vmem_shared>>) target_semaphore(%run_scoped3A_138 : memref<!tpu.dma_semaphore, #tpu.memory_space<semaphore_mem>>)
      %dma_wait3A_147 = arith.constant 0 : i32
      %dma_wait3A_148 = tpu.memref_slice %arg17[%run_scoped3A_58, %dma_wait3A_147] : memref<160x128xf32, #tpu.memory_space<vmem>> -> memref<1x128xf32, #tpu.memory_space<vmem>>
      %dma_wait3A_149 = tpu.memref_squeeze %dma_wait3A_148 : memref<1x128xf32, #tpu.memory_space<vmem>> -> memref<128xf32, #tpu.memory_space<vmem>>
      %dma_wait3A_150 = tpu.memref_slice %arg21[%add3A_57] : memref<10240xf32, #tpu.memory_space<vmem_shared>> -> memref<128xf32, #tpu.memory_space<vmem_shared>>
      %dma_wait3A_151 = tpu.memref_slice %arg21[%add3A_57] : memref<10240xf32, #tpu.memory_space<vmem_shared>> -> memref<128xf32, #tpu.memory_space<vmem_shared>>
      %dma_wait3A_152 = arith.constant 0 : i32
      %dma_wait3A_153 = tpu.memref_slice %arg17[%run_scoped3A_58, %dma_wait3A_152] : memref<160x128xf32, #tpu.memory_space<vmem>> -> memref<1x128xf32, #tpu.memory_space<vmem>>
      %dma_wait3A_154 = tpu.memref_squeeze %dma_wait3A_153 : memref<1x128xf32, #tpu.memory_space<vmem>> -> memref<128xf32, #tpu.memory_space<vmem>>
      tpu.wait_dma2 semaphore(%run_scoped3A_138 : memref<!tpu.dma_semaphore, #tpu.memory_space<semaphore_mem>>) src(%dma_wait3A_154 : memref<128xf32, #tpu.memory_space<vmem>>) dst(%dma_wait3A_151 : memref<128xf32, #tpu.memory_space<vmem_shared>>)
      tpu.yield
    }) : () -> ()
    %mul3A_59 = arith.constant 640 : i32
    %mul3A_60 = arith.muli %arg1, %mul3A_59 : i32
    %add3A_61 = arith.constant 256 : i32
    %add3A_62 = arith.addi %mul3A_60, %add3A_61 : i32
    %run_scoped3A_63 = arith.constant 0 : i32
    "tpu.region"() ({
      %run_scoped3A_138 = tpu.sem_alloc : memref<!tpu.dma_semaphore, #tpu.memory_space<semaphore_mem>>
      %dma_start3A_139 = arith.constant 0 : i32
      %dma_start3A_140 = tpu.memref_slice %arg17[%run_scoped3A_63, %dma_start3A_139] : memref<160x128xf32, #tpu.memory_space<vmem>> -> memref<1x128xf32, #tpu.memory_space<vmem>>
      %dma_start3A_141 = tpu.memref_squeeze %dma_start3A_140 : memref<1x128xf32, #tpu.memory_space<vmem>> -> memref<128xf32, #tpu.memory_space<vmem>>
      %dma_start3A_142 = tpu.memref_slice %arg21[%add3A_62] : memref<10240xf32, #tpu.memory_space<vmem_shared>> -> memref<128xf32, #tpu.memory_space<vmem_shared>>
      %dma_start3A_143 = tpu.memref_slice %arg21[%add3A_62] : memref<10240xf32, #tpu.memory_space<vmem_shared>> -> memref<128xf32, #tpu.memory_space<vmem_shared>>
      %dma_start3A_144 = arith.constant 0 : i32
      %dma_start3A_145 = tpu.memref_slice %arg17[%run_scoped3A_63, %dma_start3A_144] : memref<160x128xf32, #tpu.memory_space<vmem>> -> memref<1x128xf32, #tpu.memory_space<vmem>>
      %dma_start3A_146 = tpu.memref_squeeze %dma_start3A_145 : memref<1x128xf32, #tpu.memory_space<vmem>> -> memref<128xf32, #tpu.memory_space<vmem>>
      tpu.enqueue_dma source(%dma_start3A_146 : memref<128xf32, #tpu.memory_space<vmem>>) target(%dma_start3A_143 : memref<128xf32, #tpu.memory_space<vmem_shared>>) target_semaphore(%run_scoped3A_138 : memref<!tpu.dma_semaphore, #tpu.memory_space<semaphore_mem>>)
      %dma_wait3A_147 = arith.constant 0 : i32
      %dma_wait3A_148 = tpu.memref_slice %arg17[%run_scoped3A_63, %dma_wait3A_147] : memref<160x128xf32, #tpu.memory_space<vmem>> -> memref<1x128xf32, #tpu.memory_space<vmem>>
      %dma_wait3A_149 = tpu.memref_squeeze %dma_wait3A_148 : memref<1x128xf32, #tpu.memory_space<vmem>> -> memref<128xf32, #tpu.memory_space<vmem>>
      %dma_wait3A_150 = tpu.memref_slice %arg21[%add3A_62] : memref<10240xf32, #tpu.memory_space<vmem_shared>> -> memref<128xf32, #tpu.memory_space<vmem_shared>>
      %dma_wait3A_151 = tpu.memref_slice %arg21[%add3A_62] : memref<10240xf32, #tpu.memory_space<vmem_shared>> -> memref<128xf32, #tpu.memory_space<vmem_shared>>
      %dma_wait3A_152 = arith.constant 0 : i32
      %dma_wait3A_153 = tpu.memref_slice %arg17[%run_scoped3A_63, %dma_wait3A_152] : memref<160x128xf32, #tpu.memory_space<vmem>> -> memref<1x128xf32, #tpu.memory_space<vmem>>
      %dma_wait3A_154 = tpu.memref_squeeze %dma_wait3A_153 : memref<1x128xf32, #tpu.memory_space<vmem>> -> memref<128xf32, #tpu.memory_space<vmem>>
      tpu.wait_dma2 semaphore(%run_scoped3A_138 : memref<!tpu.dma_semaphore, #tpu.memory_space<semaphore_mem>>) src(%dma_wait3A_154 : memref<128xf32, #tpu.memory_space<vmem>>) dst(%dma_wait3A_151 : memref<128xf32, #tpu.memory_space<vmem_shared>>)
      tpu.yield
    }) : () -> ()
    %mul3A_64 = arith.constant 640 : i32
    %mul3A_65 = arith.muli %arg1, %mul3A_64 : i32
    %add3A_66 = arith.constant 384 : i32
    %add3A_67 = arith.addi %mul3A_65, %add3A_66 : i32
    %run_scoped3A_68 = arith.constant 0 : i32
    "tpu.region"() ({
      %run_scoped3A_138 = tpu.sem_alloc : memref<!tpu.dma_semaphore, #tpu.memory_space<semaphore_mem>>
      %dma_start3A_139 = arith.constant 0 : i32
      %dma_start3A_140 = tpu.memref_slice %arg17[%run_scoped3A_68, %dma_start3A_139] : memref<160x128xf32, #tpu.memory_space<vmem>> -> memref<1x128xf32, #tpu.memory_space<vmem>>
      %dma_start3A_141 = tpu.memref_squeeze %dma_start3A_140 : memref<1x128xf32, #tpu.memory_space<vmem>> -> memref<128xf32, #tpu.memory_space<vmem>>
      %dma_start3A_142 = tpu.memref_slice %arg21[%add3A_67] : memref<10240xf32, #tpu.memory_space<vmem_shared>> -> memref<128xf32, #tpu.memory_space<vmem_shared>>
      %dma_start3A_143 = tpu.memref_slice %arg21[%add3A_67] : memref<10240xf32, #tpu.memory_space<vmem_shared>> -> memref<128xf32, #tpu.memory_space<vmem_shared>>
      %dma_start3A_144 = arith.constant 0 : i32
      %dma_start3A_145 = tpu.memref_slice %arg17[%run_scoped3A_68, %dma_start3A_144] : memref<160x128xf32, #tpu.memory_space<vmem>> -> memref<1x128xf32, #tpu.memory_space<vmem>>
      %dma_start3A_146 = tpu.memref_squeeze %dma_start3A_145 : memref<1x128xf32, #tpu.memory_space<vmem>> -> memref<128xf32, #tpu.memory_space<vmem>>
      tpu.enqueue_dma source(%dma_start3A_146 : memref<128xf32, #tpu.memory_space<vmem>>) target(%dma_start3A_143 : memref<128xf32, #tpu.memory_space<vmem_shared>>) target_semaphore(%run_scoped3A_138 : memref<!tpu.dma_semaphore, #tpu.memory_space<semaphore_mem>>)
      %dma_wait3A_147 = arith.constant 0 : i32
      %dma_wait3A_148 = tpu.memref_slice %arg17[%run_scoped3A_68, %dma_wait3A_147] : memref<160x128xf32, #tpu.memory_space<vmem>> -> memref<1x128xf32, #tpu.memory_space<vmem>>
      %dma_wait3A_149 = tpu.memref_squeeze %dma_wait3A_148 : memref<1x128xf32, #tpu.memory_space<vmem>> -> memref<128xf32, #tpu.memory_space<vmem>>
      %dma_wait3A_150 = tpu.memref_slice %arg21[%add3A_67] : memref<10240xf32, #tpu.memory_space<vmem_shared>> -> memref<128xf32, #tpu.memory_space<vmem_shared>>
      %dma_wait3A_151 = tpu.memref_slice %arg21[%add3A_67] : memref<10240xf32, #tpu.memory_space<vmem_shared>> -> memref<128xf32, #tpu.memory_space<vmem_shared>>
      %dma_wait3A_152 = arith.constant 0 : i32
      %dma_wait3A_153 = tpu.memref_slice %arg17[%run_scoped3A_68, %dma_wait3A_152] : memref<160x128xf32, #tpu.memory_space<vmem>> -> memref<1x128xf32, #tpu.memory_space<vmem>>
      %dma_wait3A_154 = tpu.memref_squeeze %dma_wait3A_153 : memref<1x128xf32, #tpu.memory_space<vmem>> -> memref<128xf32, #tpu.memory_space<vmem>>
      tpu.wait_dma2 semaphore(%run_scoped3A_138 : memref<!tpu.dma_semaphore, #tpu.memory_space<semaphore_mem>>) src(%dma_wait3A_154 : memref<128xf32, #tpu.memory_space<vmem>>) dst(%dma_wait3A_151 : memref<128xf32, #tpu.memory_space<vmem_shared>>)
      tpu.yield
    }) : () -> ()
    %mul3A_69 = arith.constant 640 : i32
    %mul3A_70 = arith.muli %arg1, %mul3A_69 : i32
    %add3A_71 = arith.constant 512 : i32
    %add3A_72 = arith.addi %mul3A_70, %add3A_71 : i32
    %run_scoped3A_73 = arith.constant 0 : i32
    "tpu.region"() ({
      %run_scoped3A_138 = tpu.sem_alloc : memref<!tpu.dma_semaphore, #tpu.memory_space<semaphore_mem>>
      %dma_start3A_139 = arith.constant 0 : i32
      %dma_start3A_140 = tpu.memref_slice %arg17[%run_scoped3A_73, %dma_start3A_139] : memref<160x128xf32, #tpu.memory_space<vmem>> -> memref<1x128xf32, #tpu.memory_space<vmem>>
      %dma_start3A_141 = tpu.memref_squeeze %dma_start3A_140 : memref<1x128xf32, #tpu.memory_space<vmem>> -> memref<128xf32, #tpu.memory_space<vmem>>
      %dma_start3A_142 = tpu.memref_slice %arg21[%add3A_72] : memref<10240xf32, #tpu.memory_space<vmem_shared>> -> memref<128xf32, #tpu.memory_space<vmem_shared>>
      %dma_start3A_143 = tpu.memref_slice %arg21[%add3A_72] : memref<10240xf32, #tpu.memory_space<vmem_shared>> -> memref<128xf32, #tpu.memory_space<vmem_shared>>
      %dma_start3A_144 = arith.constant 0 : i32
      %dma_start3A_145 = tpu.memref_slice %arg17[%run_scoped3A_73, %dma_start3A_144] : memref<160x128xf32, #tpu.memory_space<vmem>> -> memref<1x128xf32, #tpu.memory_space<vmem>>
      %dma_start3A_146 = tpu.memref_squeeze %dma_start3A_145 : memref<1x128xf32, #tpu.memory_space<vmem>> -> memref<128xf32, #tpu.memory_space<vmem>>
      tpu.enqueue_dma source(%dma_start3A_146 : memref<128xf32, #tpu.memory_space<vmem>>) target(%dma_start3A_143 : memref<128xf32, #tpu.memory_space<vmem_shared>>) target_semaphore(%run_scoped3A_138 : memref<!tpu.dma_semaphore, #tpu.memory_space<semaphore_mem>>)
      %dma_wait3A_147 = arith.constant 0 : i32
      %dma_wait3A_148 = tpu.memref_slice %arg17[%run_scoped3A_73, %dma_wait3A_147] : memref<160x128xf32, #tpu.memory_space<vmem>> -> memref<1x128xf32, #tpu.memory_space<vmem>>
      %dma_wait3A_149 = tpu.memref_squeeze %dma_wait3A_148 : memref<1x128xf32, #tpu.memory_space<vmem>> -> memref<128xf32, #tpu.memory_space<vmem>>
      %dma_wait3A_150 = tpu.memref_slice %arg21[%add3A_72] : memref<10240xf32, #tpu.memory_space<vmem_shared>> -> memref<128xf32, #tpu.memory_space<vmem_shared>>
      %dma_wait3A_151 = tpu.memref_slice %arg21[%add3A_72] : memref<10240xf32, #tpu.memory_space<vmem_shared>> -> memref<128xf32, #tpu.memory_space<vmem_shared>>
      %dma_wait3A_152 = arith.constant 0 : i32
      %dma_wait3A_153 = tpu.memref_slice %arg17[%run_scoped3A_73, %dma_wait3A_152] : memref<160x128xf32, #tpu.memory_space<vmem>> -> memref<1x128xf32, #tpu.memory_space<vmem>>
      %dma_wait3A_154 = tpu.memref_squeeze %dma_wait3A_153 : memref<1x128xf32, #tpu.memory_space<vmem>> -> memref<128xf32, #tpu.memory_space<vmem>>
      tpu.wait_dma2 semaphore(%run_scoped3A_138 : memref<!tpu.dma_semaphore, #tpu.memory_space<semaphore_mem>>) src(%dma_wait3A_154 : memref<128xf32, #tpu.memory_space<vmem>>) dst(%dma_wait3A_151 : memref<128xf32, #tpu.memory_space<vmem_shared>>)
      tpu.yield
    }) : () -> ()
    %add3A_74 = arith.constant 0 : i32
    %add3A_75 = arith.addi %multiple_of3A, %add3A_74 : i32
    %multiple_of3A_76 = tpu.assume_multiple %add3A_75, 8 : i32
    %dma_start3A = tpu.memref_slice %arg3[%multiple_of3A_76] : memref<328000xi32, #tpu.memory_space<hbm>> -> memref<160xi32, #tpu.memory_space<hbm>>
    %dma_start3A_77 = tpu.memref_slice %arg3[%multiple_of3A_76] : memref<328000xi32, #tpu.memory_space<hbm>> -> memref<160xi32, #tpu.memory_space<hbm>>
    tpu.enqueue_dma source(%dma_start3A_77 : memref<160xi32, #tpu.memory_space<hbm>>) target(%arg7 : memref<160xi32, #tpu.memory_space<vmem>>) target_semaphore(%arg22 : memref<!tpu.dma_semaphore, #tpu.memory_space<semaphore_mem>>)
    %add3A_78 = arith.constant 0 : i32
    %add3A_79 = arith.addi %multiple_of3A_76, %add3A_78 : i32
    %dma_start3A_80 = tpu.memref_slice %arg4[%add3A_79] : memref<328000xi32, #tpu.memory_space<hbm>> -> memref<80xi32, #tpu.memory_space<hbm>>
    %dma_start3A_81 = tpu.memref_slice %arg4[%add3A_79] : memref<328000xi32, #tpu.memory_space<hbm>> -> memref<80xi32, #tpu.memory_space<hbm>>
    tpu.enqueue_dma source(%dma_start3A_81 : memref<80xi32, #tpu.memory_space<hbm>>) target(%arg9 : memref<80xi32, #tpu.memory_space<vmem>>) target_semaphore(%arg22 : memref<!tpu.dma_semaphore, #tpu.memory_space<semaphore_mem>>)
    %add3A_82 = arith.constant 80 : i32
    %add3A_83 = arith.addi %multiple_of3A_76, %add3A_82 : i32
    %dma_start3A_84 = tpu.memref_slice %arg4[%add3A_83] : memref<328000xi32, #tpu.memory_space<hbm>> -> memref<80xi32, #tpu.memory_space<hbm>>
    %dma_start3A_85 = tpu.memref_slice %arg4[%add3A_83] : memref<328000xi32, #tpu.memory_space<hbm>> -> memref<80xi32, #tpu.memory_space<hbm>>
    tpu.enqueue_dma source(%dma_start3A_85 : memref<80xi32, #tpu.memory_space<hbm>>) target(%arg10 : memref<80xi32, #tpu.memory_space<vmem>>) target_semaphore(%arg22 : memref<!tpu.dma_semaphore, #tpu.memory_space<semaphore_mem>>)
    %barrier3A = arith.constant 0 : index
    tpu.barrier barrier_id(%barrier3A)
    %dma_wait3A = arith.constant 0 : i32
    %dma_wait3A_86 = tpu.memref_slice %arg3[%dma_wait3A] : memref<328000xi32, #tpu.memory_space<hbm>> -> memref<160xi32, #tpu.memory_space<hbm>>
    %dma_wait3A_87 = arith.constant 0 : i32
    %dma_wait3A_88 = tpu.memref_slice %arg3[%dma_wait3A_87] : memref<328000xi32, #tpu.memory_space<hbm>> -> memref<160xi32, #tpu.memory_space<hbm>>
    tpu.wait_dma2 semaphore(%arg22 : memref<!tpu.dma_semaphore, #tpu.memory_space<semaphore_mem>>) src(%dma_wait3A_88 : memref<160xi32, #tpu.memory_space<hbm>>) dst(%arg7 : memref<160xi32, #tpu.memory_space<vmem>>)
    %dma_wait3A_89 = arith.constant 0 : i32
    %dma_wait3A_90 = tpu.memref_slice %arg4[%dma_wait3A_89] : memref<328000xi32, #tpu.memory_space<hbm>> -> memref<80xi32, #tpu.memory_space<hbm>>
    %dma_wait3A_91 = arith.constant 0 : i32
    %dma_wait3A_92 = tpu.memref_slice %arg4[%dma_wait3A_91] : memref<328000xi32, #tpu.memory_space<hbm>> -> memref<80xi32, #tpu.memory_space<hbm>>
    tpu.wait_dma2 semaphore(%arg22 : memref<!tpu.dma_semaphore, #tpu.memory_space<semaphore_mem>>) src(%dma_wait3A_92 : memref<80xi32, #tpu.memory_space<hbm>>) dst(%arg9 : memref<80xi32, #tpu.memory_space<vmem>>)
    %dma_wait3A_93 = arith.constant 0 : i32
    %dma_wait3A_94 = tpu.memref_slice %arg4[%dma_wait3A_93] : memref<328000xi32, #tpu.memory_space<hbm>> -> memref<80xi32, #tpu.memory_space<hbm>>
    %dma_wait3A_95 = arith.constant 0 : i32
    %dma_wait3A_96 = tpu.memref_slice %arg4[%dma_wait3A_95] : memref<328000xi32, #tpu.memory_space<hbm>> -> memref<80xi32, #tpu.memory_space<hbm>>
    tpu.wait_dma2 semaphore(%arg22 : memref<!tpu.dma_semaphore, #tpu.memory_space<semaphore_mem>>) src(%dma_wait3A_96 : memref<80xi32, #tpu.memory_space<hbm>>) dst(%arg10 : memref<80xi32, #tpu.memory_space<vmem>>)
    %dma_start3A_97 = arith.constant 0 : i32
    %dma_start3A_98 = arith.constant 0 : i32
    %dma_start3A_99 = tpu.memref_slice %arg2[%dma_start3A_97, %dma_start3A_98] : memref<10000x128xf32, #tpu.memory_space<hbm>> -> memref<10000x128xf32, #tpu.memory_space<hbm>>
    tpu.enqueue_indirect_dma source(%dma_start3A_99 : memref<10000x128xf32, #tpu.memory_space<hbm>>) target(%arg17 : memref<160x128xf32, #tpu.memory_space<vmem>>) offsets(%arg7 : memref<160xi32, #tpu.memory_space<vmem>>) semaphore(%arg24 : memref<!tpu.dma_semaphore, #tpu.memory_space<semaphore_mem>>)
    %add3A_100 = arith.constant 160 : i32
    %add3A_101 = arith.addi %multiple_of3A, %add3A_100 : i32
    %multiple_of3A_102 = tpu.assume_multiple %add3A_101, 8 : i32
    %dma_start3A_103 = tpu.memref_slice %arg3[%multiple_of3A_102] : memref<328000xi32, #tpu.memory_space<hbm>> -> memref<160xi32, #tpu.memory_space<hbm>>
    %dma_start3A_104 = tpu.memref_slice %arg3[%multiple_of3A_102] : memref<328000xi32, #tpu.memory_space<hbm>> -> memref<160xi32, #tpu.memory_space<hbm>>
    tpu.enqueue_dma source(%dma_start3A_104 : memref<160xi32, #tpu.memory_space<hbm>>) target(%arg8 : memref<160xi32, #tpu.memory_space<vmem>>) target_semaphore(%arg23 : memref<!tpu.dma_semaphore, #tpu.memory_space<semaphore_mem>>)
    %add3A_105 = arith.constant 0 : i32
    %add3A_106 = arith.addi %multiple_of3A_102, %add3A_105 : i32
    %dma_start3A_107 = tpu.memref_slice %arg4[%add3A_106] : memref<328000xi32, #tpu.memory_space<hbm>> -> memref<80xi32, #tpu.memory_space<hbm>>
    %dma_start3A_108 = tpu.memref_slice %arg4[%add3A_106] : memref<328000xi32, #tpu.memory_space<hbm>> -> memref<80xi32, #tpu.memory_space<hbm>>
    tpu.enqueue_dma source(%dma_start3A_108 : memref<80xi32, #tpu.memory_space<hbm>>) target(%arg11 : memref<80xi32, #tpu.memory_space<vmem>>) target_semaphore(%arg23 : memref<!tpu.dma_semaphore, #tpu.memory_space<semaphore_mem>>)
    %add3A_109 = arith.constant 80 : i32
    %add3A_110 = arith.addi %multiple_of3A_102, %add3A_109 : i32
    %dma_start3A_111 = tpu.memref_slice %arg4[%add3A_110] : memref<328000xi32, #tpu.memory_space<hbm>> -> memref<80xi32, #tpu.memory_space<hbm>>
    %dma_start3A_112 = tpu.memref_slice %arg4[%add3A_110] : memref<328000xi32, #tpu.memory_space<hbm>> -> memref<80xi32, #tpu.memory_space<hbm>>
    tpu.enqueue_dma source(%dma_start3A_112 : memref<80xi32, #tpu.memory_space<hbm>>) target(%arg12 : memref<80xi32, #tpu.memory_space<vmem>>) target_semaphore(%arg23 : memref<!tpu.dma_semaphore, #tpu.memory_space<semaphore_mem>>)
    %scan3A_113 = arith.constant 0 : i32
    %scan3A_114 = arith.constant 0 : i32
    %scan3A_115 = arith.constant 16 : i32
    %scan3A_116 = arith.addi %scan3A_114, %scan3A_115 : i32
    %scan3A_117 = arith.constant 1 : i32
    scf.for %scan3A_138 = %scan3A_114 to %scan3A_116 step %scan3A_117  : i32 {
      %mul3A_139 = arith.constant 4 : i32
      %mul3A_140 = arith.muli %scan3A_138, %mul3A_139 : i32
      %add3A_141 = arith.constant 0 : i32
      %add3A_142 = arith.addi %mul3A_140, %add3A_141 : i32
      %dma_wait3A_143 = arith.constant 0 : i32
      %dma_wait3A_144 = arith.constant 0 : i32
      %dma_wait3A_145 = tpu.memref_slice %arg2[%dma_wait3A_143, %dma_wait3A_144] : memref<10000x128xf32, #tpu.memory_space<hbm>> -> memref<10000x128xf32, #tpu.memory_space<hbm>>
      tpu.wait_indirect_dma semaphore(%arg24 : memref<!tpu.dma_semaphore, #tpu.memory_space<semaphore_mem>>) src(%dma_wait3A_145 : memref<10000x128xf32, #tpu.memory_space<hbm>>) dst(%arg17 : memref<160x128xf32, #tpu.memory_space<vmem>>)
      %dma_wait3A_146 = arith.constant 0 : i32
      %dma_wait3A_147 = tpu.memref_slice %arg3[%dma_wait3A_146] : memref<328000xi32, #tpu.memory_space<hbm>> -> memref<160xi32, #tpu.memory_space<hbm>>
      %dma_wait3A_148 = arith.constant 0 : i32
      %dma_wait3A_149 = tpu.memref_slice %arg3[%dma_wait3A_148] : memref<328000xi32, #tpu.memory_space<hbm>> -> memref<160xi32, #tpu.memory_space<hbm>>
      tpu.wait_dma2 semaphore(%arg23 : memref<!tpu.dma_semaphore, #tpu.memory_space<semaphore_mem>>) src(%dma_wait3A_149 : memref<160xi32, #tpu.memory_space<hbm>>) dst(%arg8 : memref<160xi32, #tpu.memory_space<vmem>>)
      %dma_wait3A_150 = arith.constant 0 : i32
      %dma_wait3A_151 = tpu.memref_slice %arg4[%dma_wait3A_150] : memref<328000xi32, #tpu.memory_space<hbm>> -> memref<80xi32, #tpu.memory_space<hbm>>
      %dma_wait3A_152 = arith.constant 0 : i32
      %dma_wait3A_153 = tpu.memref_slice %arg4[%dma_wait3A_152] : memref<328000xi32, #tpu.memory_space<hbm>> -> memref<80xi32, #tpu.memory_space<hbm>>
      tpu.wait_dma2 semaphore(%arg23 : memref<!tpu.dma_semaphore, #tpu.memory_space<semaphore_mem>>) src(%dma_wait3A_153 : memref<80xi32, #tpu.memory_space<hbm>>) dst(%arg9 : memref<80xi32, #tpu.memory_space<vmem>>)
      %dma_wait3A_154 = arith.constant 0 : i32
      %dma_wait3A_155 = tpu.memref_slice %arg4[%dma_wait3A_154] : memref<328000xi32, #tpu.memory_space<hbm>> -> memref<80xi32, #tpu.memory_space<hbm>>
      %dma_wait3A_156 = arith.constant 0 : i32
      %dma_wait3A_157 = tpu.memref_slice %arg4[%dma_wait3A_156] : memref<328000xi32, #tpu.memory_space<hbm>> -> memref<80xi32, #tpu.memory_space<hbm>>
      tpu.wait_dma2 semaphore(%arg23 : memref<!tpu.dma_semaphore, #tpu.memory_space<semaphore_mem>>) src(%dma_wait3A_157 : memref<80xi32, #tpu.memory_space<hbm>>) dst(%arg10 : memref<80xi32, #tpu.memory_space<vmem>>)
      %dma_start3A_158 = arith.constant 0 : i32
      %dma_start3A_159 = arith.constant 0 : i32
      %dma_start3A_160 = tpu.memref_slice %arg2[%dma_start3A_158, %dma_start3A_159] : memref<10000x128xf32, #tpu.memory_space<hbm>> -> memref<10000x128xf32, #tpu.memory_space<hbm>>
      tpu.enqueue_indirect_dma source(%dma_start3A_160 : memref<10000x128xf32, #tpu.memory_space<hbm>>) target(%arg18 : memref<160x128xf32, #tpu.memory_space<vmem>>) offsets(%arg8 : memref<160xi32, #tpu.memory_space<vmem>>) semaphore(%arg25 : memref<!tpu.dma_semaphore, #tpu.memory_space<semaphore_mem>>)
      "tpu.region"() ({
        %run_scoped3A_285 = tpu.sem_alloc : memref<!tpu.dma_semaphore, #tpu.memory_space<semaphore_mem>>
        %dma_start3A_286 = arith.constant 0 : i32
        %dma_start3A_287 = arith.constant 0 : i32
        %dma_start3A_288 = tpu.memref_slice %arg17[%dma_start3A_286, %dma_start3A_287] : memref<160x128xf32, #tpu.memory_space<vmem>> -> memref<80x128xf32, #tpu.memory_space<vmem>>
        %dma_start3A_289 = arith.constant 0 : i32
        %dma_start3A_290 = arith.constant 0 : i32
        %dma_start3A_291 = tpu.memref_slice %arg20[%dma_start3A_289, %dma_start3A_290] : memref<10240x128xf32, #tpu.memory_space<vmem_shared>> -> memref<10240x128xf32, #tpu.memory_space<vmem_shared>>
        tpu.enqueue_indirect_dma source(%dma_start3A_288 : memref<80x128xf32, #tpu.memory_space<vmem>>) target(%dma_start3A_291 : memref<10240x128xf32, #tpu.memory_space<vmem_shared>>) offsets(%arg9 : memref<80xi32, #tpu.memory_space<vmem>>) semaphore(%run_scoped3A_285 : memref<!tpu.dma_semaphore, #tpu.memory_space<semaphore_mem>>) {add = true}
        %dma_wait3A_292 = arith.constant 0 : i32
        %dma_wait3A_293 = arith.constant 0 : i32
        %dma_wait3A_294 = tpu.memref_slice %arg17[%dma_wait3A_292, %dma_wait3A_293] : memref<160x128xf32, #tpu.memory_space<vmem>> -> memref<80x128xf32, #tpu.memory_space<vmem>>
        %dma_wait3A_295 = arith.constant 0 : i32
        %dma_wait3A_296 = arith.constant 0 : i32
        %dma_wait3A_297 = tpu.memref_slice %arg20[%dma_wait3A_295, %dma_wait3A_296] : memref<10240x128xf32, #tpu.memory_space<vmem_shared>> -> memref<10240x128xf32, #tpu.memory_space<vmem_shared>>
        tpu.wait_indirect_dma semaphore(%run_scoped3A_285 : memref<!tpu.dma_semaphore, #tpu.memory_space<semaphore_mem>>) src(%dma_wait3A_294 : memref<80x128xf32, #tpu.memory_space<vmem>>) dst(%dma_wait3A_297 : memref<10240x128xf32, #tpu.memory_space<vmem_shared>>)
        tpu.yield
      }) : () -> ()
      "tpu.region"() ({
        %run_scoped3A_285 = tpu.sem_alloc : memref<!tpu.dma_semaphore, #tpu.memory_space<semaphore_mem>>
        %dma_start3A_286 = arith.constant 80 : i32
        %dma_start3A_287 = arith.constant 0 : i32
        %dma_start3A_288 = tpu.memref_slice %arg17[%dma_start3A_286, %dma_start3A_287] : memref<160x128xf32, #tpu.memory_space<vmem>> -> memref<80x128xf32, #tpu.memory_space<vmem>>
        %dma_start3A_289 = arith.constant 0 : i32
        %dma_start3A_290 = arith.constant 0 : i32
        %dma_start3A_291 = tpu.memref_slice %arg20[%dma_start3A_289, %dma_start3A_290] : memref<10240x128xf32, #tpu.memory_space<vmem_shared>> -> memref<10240x128xf32, #tpu.memory_space<vmem_shared>>
        tpu.enqueue_indirect_dma source(%dma_start3A_288 : memref<80x128xf32, #tpu.memory_space<vmem>>) target(%dma_start3A_291 : memref<10240x128xf32, #tpu.memory_space<vmem_shared>>) offsets(%arg10 : memref<80xi32, #tpu.memory_space<vmem>>) semaphore(%run_scoped3A_285 : memref<!tpu.dma_semaphore, #tpu.memory_space<semaphore_mem>>) {add = true}
        %dma_wait3A_292 = arith.constant 80 : i32
        %dma_wait3A_293 = arith.constant 0 : i32
        %dma_wait3A_294 = tpu.memref_slice %arg17[%dma_wait3A_292, %dma_wait3A_293] : memref<160x128xf32, #tpu.memory_space<vmem>> -> memref<80x128xf32, #tpu.memory_space<vmem>>
        %dma_wait3A_295 = arith.constant 0 : i32
        %dma_wait3A_296 = arith.constant 0 : i32
        %dma_wait3A_297 = tpu.memref_slice %arg20[%dma_wait3A_295, %dma_wait3A_296] : memref<10240x128xf32, #tpu.memory_space<vmem_shared>> -> memref<10240x128xf32, #tpu.memory_space<vmem_shared>>
        tpu.wait_indirect_dma semaphore(%run_scoped3A_285 : memref<!tpu.dma_semaphore, #tpu.memory_space<semaphore_mem>>) src(%dma_wait3A_294 : memref<80x128xf32, #tpu.memory_space<vmem>>) dst(%dma_wait3A_297 : memref<10240x128xf32, #tpu.memory_space<vmem_shared>>)
        tpu.yield
      }) : () -> ()
      "tpu.region"() ({
        %run_scoped3A_285 = tpu.sem_alloc : memref<!tpu.dma_semaphore, #tpu.memory_space<semaphore_mem>>
        %dma_start3A_286 = arith.constant 0 : i32
        %dma_start3A_287 = tpu.memref_slice %arg21[%dma_start3A_286] : memref<10240xf32, #tpu.memory_space<vmem_shared>> -> memref<10240xf32, #tpu.memory_space<vmem_shared>>
        tpu.enqueue_indirect_dma source(%arg19 : memref<80xf32, #tpu.memory_space<vmem>>) target(%dma_start3A_287 : memref<10240xf32, #tpu.memory_space<vmem_shared>>) offsets(%arg9 : memref<80xi32, #tpu.memory_space<vmem>>) semaphore(%run_scoped3A_285 : memref<!tpu.dma_semaphore, #tpu.memory_space<semaphore_mem>>) {add = true}
        %dma_wait3A_288 = arith.constant 0 : i32
        %dma_wait3A_289 = tpu.memref_slice %arg21[%dma_wait3A_288] : memref<10240xf32, #tpu.memory_space<vmem_shared>> -> memref<10240xf32, #tpu.memory_space<vmem_shared>>
        tpu.wait_indirect_dma semaphore(%run_scoped3A_285 : memref<!tpu.dma_semaphore, #tpu.memory_space<semaphore_mem>>) src(%arg19 : memref<80xf32, #tpu.memory_space<vmem>>) dst(%dma_wait3A_289 : memref<10240xf32, #tpu.memory_space<vmem_shared>>)
        tpu.yield
      }) : () -> ()
      "tpu.region"() ({
        %run_scoped3A_285 = tpu.sem_alloc : memref<!tpu.dma_semaphore, #tpu.memory_space<semaphore_mem>>
        %dma_start3A_286 = arith.constant 0 : i32
        %dma_start3A_287 = tpu.memref_slice %arg21[%dma_start3A_286] : memref<10240xf32, #tpu.memory_space<vmem_shared>> -> memref<10240xf32, #tpu.memory_space<vmem_shared>>
        tpu.enqueue_indirect_dma source(%arg19 : memref<80xf32, #tpu.memory_space<vmem>>) target(%dma_start3A_287 : memref<10240xf32, #tpu.memory_space<vmem_shared>>) offsets(%arg10 : memref<80xi32, #tpu.memory_space<vmem>>) semaphore(%run_scoped3A_285 : memref<!tpu.dma_semaphore, #tpu.memory_space<semaphore_mem>>) {add = true}
        %dma_wait3A_288 = arith.constant 0 : i32
        %dma_wait3A_289 = tpu.memref_slice %arg21[%dma_wait3A_288] : memref<10240xf32, #tpu.memory_space<vmem_shared>> -> memref<10240xf32, #tpu.memory_space<vmem_shared>>
        tpu.wait_indirect_dma semaphore(%run_scoped3A_285 : memref<!tpu.dma_semaphore, #tpu.memory_space<semaphore_mem>>) src(%arg19 : memref<80xf32, #tpu.memory_space<vmem>>) dst(%dma_wait3A_289 : memref<10240xf32, #tpu.memory_space<vmem_shared>>)
        tpu.yield
      }) : () -> ()
      %add3A_161 = arith.constant 2 : i32
      %add3A_162 = arith.addi %add3A_142, %add3A_161 : i32
      %mul3A_163 = arith.constant 160 : i32
      %mul3A_164 = arith.muli %add3A_162, %mul3A_163 : i32
      %add3A_165 = arith.addi %multiple_of3A, %mul3A_164 : i32
      %multiple_of3A_166 = tpu.assume_multiple %add3A_165, 8 : i32
      %dma_start3A_167 = tpu.memref_slice %arg3[%multiple_of3A_166] : memref<328000xi32, #tpu.memory_space<hbm>> -> memref<160xi32, #tpu.memory_space<hbm>>
      %dma_start3A_168 = tpu.memref_slice %arg3[%multiple_of3A_166] : memref<328000xi32, #tpu.memory_space<hbm>> -> memref<160xi32, #tpu.memory_space<hbm>>
      tpu.enqueue_dma source(%dma_start3A_168 : memref<160xi32, #tpu.memory_space<hbm>>) target(%arg7 : memref<160xi32, #tpu.memory_space<vmem>>) target_semaphore(%arg22 : memref<!tpu.dma_semaphore, #tpu.memory_space<semaphore_mem>>)
      %add3A_169 = arith.constant 0 : i32
      %add3A_170 = arith.addi %multiple_of3A_166, %add3A_169 : i32
      %dma_start3A_171 = tpu.memref_slice %arg4[%add3A_170] : memref<328000xi32, #tpu.memory_space<hbm>> -> memref<80xi32, #tpu.memory_space<hbm>>
      %dma_start3A_172 = tpu.memref_slice %arg4[%add3A_170] : memref<328000xi32, #tpu.memory_space<hbm>> -> memref<80xi32, #tpu.memory_space<hbm>>
      tpu.enqueue_dma source(%dma_start3A_172 : memref<80xi32, #tpu.memory_space<hbm>>) target(%arg13 : memref<80xi32, #tpu.memory_space<vmem>>) target_semaphore(%arg22 : memref<!tpu.dma_semaphore, #tpu.memory_space<semaphore_mem>>)
      %add3A_173 = arith.constant 80 : i32
      %add3A_174 = arith.addi %multiple_of3A_166, %add3A_173 : i32
      %dma_start3A_175 = tpu.memref_slice %arg4[%add3A_174] : memref<328000xi32, #tpu.memory_space<hbm>> -> memref<80xi32, #tpu.memory_space<hbm>>
      %dma_start3A_176 = tpu.memref_slice %arg4[%add3A_174] : memref<328000xi32, #tpu.memory_space<hbm>> -> memref<80xi32, #tpu.memory_space<hbm>>
      tpu.enqueue_dma source(%dma_start3A_176 : memref<80xi32, #tpu.memory_space<hbm>>) target(%arg14 : memref<80xi32, #tpu.memory_space<vmem>>) target_semaphore(%arg22 : memref<!tpu.dma_semaphore, #tpu.memory_space<semaphore_mem>>)
      %add3A_177 = arith.constant 1 : i32
      %add3A_178 = arith.addi %mul3A_140, %add3A_177 : i32
      %dma_wait3A_179 = arith.constant 0 : i32
      %dma_wait3A_180 = arith.constant 0 : i32
      %dma_wait3A_181 = tpu.memref_slice %arg2[%dma_wait3A_179, %dma_wait3A_180] : memref<10000x128xf32, #tpu.memory_space<hbm>> -> memref<10000x128xf32, #tpu.memory_space<hbm>>
      tpu.wait_indirect_dma semaphore(%arg25 : memref<!tpu.dma_semaphore, #tpu.memory_space<semaphore_mem>>) src(%dma_wait3A_181 : memref<10000x128xf32, #tpu.memory_space<hbm>>) dst(%arg18 : memref<160x128xf32, #tpu.memory_space<vmem>>)
      %dma_wait3A_182 = arith.constant 0 : i32
      %dma_wait3A_183 = tpu.memref_slice %arg3[%dma_wait3A_182] : memref<328000xi32, #tpu.memory_space<hbm>> -> memref<160xi32, #tpu.memory_space<hbm>>
      %dma_wait3A_184 = arith.constant 0 : i32
      %dma_wait3A_185 = tpu.memref_slice %arg3[%dma_wait3A_184] : memref<328000xi32, #tpu.memory_space<hbm>> -> memref<160xi32, #tpu.memory_space<hbm>>
      tpu.wait_dma2 semaphore(%arg22 : memref<!tpu.dma_semaphore, #tpu.memory_space<semaphore_mem>>) src(%dma_wait3A_185 : memref<160xi32, #tpu.memory_space<hbm>>) dst(%arg7 : memref<160xi32, #tpu.memory_space<vmem>>)
      %dma_wait3A_186 = arith.constant 0 : i32
      %dma_wait3A_187 = tpu.memref_slice %arg4[%dma_wait3A_186] : memref<328000xi32, #tpu.memory_space<hbm>> -> memref<80xi32, #tpu.memory_space<hbm>>
      %dma_wait3A_188 = arith.constant 0 : i32
      %dma_wait3A_189 = tpu.memref_slice %arg4[%dma_wait3A_188] : memref<328000xi32, #tpu.memory_space<hbm>> -> memref<80xi32, #tpu.memory_space<hbm>>
      tpu.wait_dma2 semaphore(%arg22 : memref<!tpu.dma_semaphore, #tpu.memory_space<semaphore_mem>>) src(%dma_wait3A_189 : memref<80xi32, #tpu.memory_space<hbm>>) dst(%arg9 : memref<80xi32, #tpu.memory_space<vmem>>)
      %dma_wait3A_190 = arith.constant 0 : i32
      %dma_wait3A_191 = tpu.memref_slice %arg4[%dma_wait3A_190] : memref<328000xi32, #tpu.memory_space<hbm>> -> memref<80xi32, #tpu.memory_space<hbm>>
      %dma_wait3A_192 = arith.constant 0 : i32
      %dma_wait3A_193 = tpu.memref_slice %arg4[%dma_wait3A_192] : memref<328000xi32, #tpu.memory_space<hbm>> -> memref<80xi32, #tpu.memory_space<hbm>>
      tpu.wait_dma2 semaphore(%arg22 : memref<!tpu.dma_semaphore, #tpu.memory_space<semaphore_mem>>) src(%dma_wait3A_193 : memref<80xi32, #tpu.memory_space<hbm>>) dst(%arg10 : memref<80xi32, #tpu.memory_space<vmem>>)
      %dma_start3A_194 = arith.constant 0 : i32
      %dma_start3A_195 = arith.constant 0 : i32
      %dma_start3A_196 = tpu.memref_slice %arg2[%dma_start3A_194, %dma_start3A_195] : memref<10000x128xf32, #tpu.memory_space<hbm>> -> memref<10000x128xf32, #tpu.memory_space<hbm>>
      tpu.enqueue_indirect_dma source(%dma_start3A_196 : memref<10000x128xf32, #tpu.memory_space<hbm>>) target(%arg17 : memref<160x128xf32, #tpu.memory_space<vmem>>) offsets(%arg7 : memref<160xi32, #tpu.memory_space<vmem>>) semaphore(%arg24 : memref<!tpu.dma_semaphore, #tpu.memory_space<semaphore_mem>>)
      "tpu.region"() ({
        %run_scoped3A_285 = tpu.sem_alloc : memref<!tpu.dma_semaphore, #tpu.memory_space<semaphore_mem>>
        %dma_start3A_286 = arith.constant 0 : i32
        %dma_start3A_287 = arith.constant 0 : i32
        %dma_start3A_288 = tpu.memref_slice %arg18[%dma_start3A_286, %dma_start3A_287] : memref<160x128xf32, #tpu.memory_space<vmem>> -> memref<80x128xf32, #tpu.memory_space<vmem>>
        %dma_start3A_289 = arith.constant 0 : i32
        %dma_start3A_290 = arith.constant 0 : i32
        %dma_start3A_291 = tpu.memref_slice %arg20[%dma_start3A_289, %dma_start3A_290] : memref<10240x128xf32, #tpu.memory_space<vmem_shared>> -> memref<10240x128xf32, #tpu.memory_space<vmem_shared>>
        tpu.enqueue_indirect_dma source(%dma_start3A_288 : memref<80x128xf32, #tpu.memory_space<vmem>>) target(%dma_start3A_291 : memref<10240x128xf32, #tpu.memory_space<vmem_shared>>) offsets(%arg11 : memref<80xi32, #tpu.memory_space<vmem>>) semaphore(%run_scoped3A_285 : memref<!tpu.dma_semaphore, #tpu.memory_space<semaphore_mem>>) {add = true}
        %dma_wait3A_292 = arith.constant 0 : i32
        %dma_wait3A_293 = arith.constant 0 : i32
        %dma_wait3A_294 = tpu.memref_slice %arg18[%dma_wait3A_292, %dma_wait3A_293] : memref<160x128xf32, #tpu.memory_space<vmem>> -> memref<80x128xf32, #tpu.memory_space<vmem>>
        %dma_wait3A_295 = arith.constant 0 : i32
        %dma_wait3A_296 = arith.constant 0 : i32
        %dma_wait3A_297 = tpu.memref_slice %arg20[%dma_wait3A_295, %dma_wait3A_296] : memref<10240x128xf32, #tpu.memory_space<vmem_shared>> -> memref<10240x128xf32, #tpu.memory_space<vmem_shared>>
        tpu.wait_indirect_dma semaphore(%run_scoped3A_285 : memref<!tpu.dma_semaphore, #tpu.memory_space<semaphore_mem>>) src(%dma_wait3A_294 : memref<80x128xf32, #tpu.memory_space<vmem>>) dst(%dma_wait3A_297 : memref<10240x128xf32, #tpu.memory_space<vmem_shared>>)
        tpu.yield
      }) : () -> ()
      "tpu.region"() ({
        %run_scoped3A_285 = tpu.sem_alloc : memref<!tpu.dma_semaphore, #tpu.memory_space<semaphore_mem>>
        %dma_start3A_286 = arith.constant 80 : i32
        %dma_start3A_287 = arith.constant 0 : i32
        %dma_start3A_288 = tpu.memref_slice %arg18[%dma_start3A_286, %dma_start3A_287] : memref<160x128xf32, #tpu.memory_space<vmem>> -> memref<80x128xf32, #tpu.memory_space<vmem>>
        %dma_start3A_289 = arith.constant 0 : i32
        %dma_start3A_290 = arith.constant 0 : i32
        %dma_start3A_291 = tpu.memref_slice %arg20[%dma_start3A_289, %dma_start3A_290] : memref<10240x128xf32, #tpu.memory_space<vmem_shared>> -> memref<10240x128xf32, #tpu.memory_space<vmem_shared>>
        tpu.enqueue_indirect_dma source(%dma_start3A_288 : memref<80x128xf32, #tpu.memory_space<vmem>>) target(%dma_start3A_291 : memref<10240x128xf32, #tpu.memory_space<vmem_shared>>) offsets(%arg12 : memref<80xi32, #tpu.memory_space<vmem>>) semaphore(%run_scoped3A_285 : memref<!tpu.dma_semaphore, #tpu.memory_space<semaphore_mem>>) {add = true}
        %dma_wait3A_292 = arith.constant 80 : i32
        %dma_wait3A_293 = arith.constant 0 : i32
        %dma_wait3A_294 = tpu.memref_slice %arg18[%dma_wait3A_292, %dma_wait3A_293] : memref<160x128xf32, #tpu.memory_space<vmem>> -> memref<80x128xf32, #tpu.memory_space<vmem>>
        %dma_wait3A_295 = arith.constant 0 : i32
        %dma_wait3A_296 = arith.constant 0 : i32
        %dma_wait3A_297 = tpu.memref_slice %arg20[%dma_wait3A_295, %dma_wait3A_296] : memref<10240x128xf32, #tpu.memory_space<vmem_shared>> -> memref<10240x128xf32, #tpu.memory_space<vmem_shared>>
        tpu.wait_indirect_dma semaphore(%run_scoped3A_285 : memref<!tpu.dma_semaphore, #tpu.memory_space<semaphore_mem>>) src(%dma_wait3A_294 : memref<80x128xf32, #tpu.memory_space<vmem>>) dst(%dma_wait3A_297 : memref<10240x128xf32, #tpu.memory_space<vmem_shared>>)
        tpu.yield
      }) : () -> ()
      "tpu.region"() ({
        %run_scoped3A_285 = tpu.sem_alloc : memref<!tpu.dma_semaphore, #tpu.memory_space<semaphore_mem>>
        %dma_start3A_286 = arith.constant 0 : i32
        %dma_start3A_287 = tpu.memref_slice %arg21[%dma_start3A_286] : memref<10240xf32, #tpu.memory_space<vmem_shared>> -> memref<10240xf32, #tpu.memory_space<vmem_shared>>
        tpu.enqueue_indirect_dma source(%arg19 : memref<80xf32, #tpu.memory_space<vmem>>) target(%dma_start3A_287 : memref<10240xf32, #tpu.memory_space<vmem_shared>>) offsets(%arg11 : memref<80xi32, #tpu.memory_space<vmem>>) semaphore(%run_scoped3A_285 : memref<!tpu.dma_semaphore, #tpu.memory_space<semaphore_mem>>) {add = true}
        %dma_wait3A_288 = arith.constant 0 : i32
        %dma_wait3A_289 = tpu.memref_slice %arg21[%dma_wait3A_288] : memref<10240xf32, #tpu.memory_space<vmem_shared>> -> memref<10240xf32, #tpu.memory_space<vmem_shared>>
        tpu.wait_indirect_dma semaphore(%run_scoped3A_285 : memref<!tpu.dma_semaphore, #tpu.memory_space<semaphore_mem>>) src(%arg19 : memref<80xf32, #tpu.memory_space<vmem>>) dst(%dma_wait3A_289 : memref<10240xf32, #tpu.memory_space<vmem_shared>>)
        tpu.yield
      }) : () -> ()
      "tpu.region"() ({
        %run_scoped3A_285 = tpu.sem_alloc : memref<!tpu.dma_semaphore, #tpu.memory_space<semaphore_mem>>
        %dma_start3A_286 = arith.constant 0 : i32
        %dma_start3A_287 = tpu.memref_slice %arg21[%dma_start3A_286] : memref<10240xf32, #tpu.memory_space<vmem_shared>> -> memref<10240xf32, #tpu.memory_space<vmem_shared>>
        tpu.enqueue_indirect_dma source(%arg19 : memref<80xf32, #tpu.memory_space<vmem>>) target(%dma_start3A_287 : memref<10240xf32, #tpu.memory_space<vmem_shared>>) offsets(%arg12 : memref<80xi32, #tpu.memory_space<vmem>>) semaphore(%run_scoped3A_285 : memref<!tpu.dma_semaphore, #tpu.memory_space<semaphore_mem>>) {add = true}
        %dma_wait3A_288 = arith.constant 0 : i32
        %dma_wait3A_289 = tpu.memref_slice %arg21[%dma_wait3A_288] : memref<10240xf32, #tpu.memory_space<vmem_shared>> -> memref<10240xf32, #tpu.memory_space<vmem_shared>>
        tpu.wait_indirect_dma semaphore(%run_scoped3A_285 : memref<!tpu.dma_semaphore, #tpu.memory_space<semaphore_mem>>) src(%arg19 : memref<80xf32, #tpu.memory_space<vmem>>) dst(%dma_wait3A_289 : memref<10240xf32, #tpu.memory_space<vmem_shared>>)
        tpu.yield
      }) : () -> ()
      %add3A_197 = arith.constant 2 : i32
      %add3A_198 = arith.addi %add3A_178, %add3A_197 : i32
      %mul3A_199 = arith.constant 160 : i32
      %mul3A_200 = arith.muli %add3A_198, %mul3A_199 : i32
      %add3A_201 = arith.addi %multiple_of3A, %mul3A_200 : i32
      %multiple_of3A_202 = tpu.assume_multiple %add3A_201, 8 : i32
      %dma_start3A_203 = tpu.memref_slice %arg3[%multiple_of3A_202] : memref<328000xi32, #tpu.memory_space<hbm>> -> memref<160xi32, #tpu.memory_space<hbm>>
      %dma_start3A_204 = tpu.memref_slice %arg3[%multiple_of3A_202] : memref<328000xi32, #tpu.memory_space<hbm>> -> memref<160xi32, #tpu.memory_space<hbm>>
      tpu.enqueue_dma source(%dma_start3A_204 : memref<160xi32, #tpu.memory_space<hbm>>) target(%arg8 : memref<160xi32, #tpu.memory_space<vmem>>) target_semaphore(%arg23 : memref<!tpu.dma_semaphore, #tpu.memory_space<semaphore_mem>>)
      %add3A_205 = arith.constant 0 : i32
      %add3A_206 = arith.addi %multiple_of3A_202, %add3A_205 : i32
      %dma_start3A_207 = tpu.memref_slice %arg4[%add3A_206] : memref<328000xi32, #tpu.memory_space<hbm>> -> memref<80xi32, #tpu.memory_space<hbm>>
      %dma_start3A_208 = tpu.memref_slice %arg4[%add3A_206] : memref<328000xi32, #tpu.memory_space<hbm>> -> memref<80xi32, #tpu.memory_space<hbm>>
      tpu.enqueue_dma source(%dma_start3A_208 : memref<80xi32, #tpu.memory_space<hbm>>) target(%arg15 : memref<80xi32, #tpu.memory_space<vmem>>) target_semaphore(%arg23 : memref<!tpu.dma_semaphore, #tpu.memory_space<semaphore_mem>>)
      %add3A_209 = arith.constant 80 : i32
      %add3A_210 = arith.addi %multiple_of3A_202, %add3A_209 : i32
      %dma_start3A_211 = tpu.memref_slice %arg4[%add3A_210] : memref<328000xi32, #tpu.memory_space<hbm>> -> memref<80xi32, #tpu.memory_space<hbm>>
      %dma_start3A_212 = tpu.memref_slice %arg4[%add3A_210] : memref<328000xi32, #tpu.memory_space<hbm>> -> memref<80xi32, #tpu.memory_space<hbm>>
      tpu.enqueue_dma source(%dma_start3A_212 : memref<80xi32, #tpu.memory_space<hbm>>) target(%arg16 : memref<80xi32, #tpu.memory_space<vmem>>) target_semaphore(%arg23 : memref<!tpu.dma_semaphore, #tpu.memory_space<semaphore_mem>>)
      %add3A_213 = arith.constant 2 : i32
      %add3A_214 = arith.addi %mul3A_140, %add3A_213 : i32
      %dma_wait3A_215 = arith.constant 0 : i32
      %dma_wait3A_216 = arith.constant 0 : i32
      %dma_wait3A_217 = tpu.memref_slice %arg2[%dma_wait3A_215, %dma_wait3A_216] : memref<10000x128xf32, #tpu.memory_space<hbm>> -> memref<10000x128xf32, #tpu.memory_space<hbm>>
      tpu.wait_indirect_dma semaphore(%arg24 : memref<!tpu.dma_semaphore, #tpu.memory_space<semaphore_mem>>) src(%dma_wait3A_217 : memref<10000x128xf32, #tpu.memory_space<hbm>>) dst(%arg17 : memref<160x128xf32, #tpu.memory_space<vmem>>)
      %dma_wait3A_218 = arith.constant 0 : i32
      %dma_wait3A_219 = tpu.memref_slice %arg3[%dma_wait3A_218] : memref<328000xi32, #tpu.memory_space<hbm>> -> memref<160xi32, #tpu.memory_space<hbm>>
      %dma_wait3A_220 = arith.constant 0 : i32
      %dma_wait3A_221 = tpu.memref_slice %arg3[%dma_wait3A_220] : memref<328000xi32, #tpu.memory_space<hbm>> -> memref<160xi32, #tpu.memory_space<hbm>>
      tpu.wait_dma2 semaphore(%arg23 : memref<!tpu.dma_semaphore, #tpu.memory_space<semaphore_mem>>) src(%dma_wait3A_221 : memref<160xi32, #tpu.memory_space<hbm>>) dst(%arg8 : memref<160xi32, #tpu.memory_space<vmem>>)
      %dma_wait3A_222 = arith.constant 0 : i32
      %dma_wait3A_223 = tpu.memref_slice %arg4[%dma_wait3A_222] : memref<328000xi32, #tpu.memory_space<hbm>> -> memref<80xi32, #tpu.memory_space<hbm>>
      %dma_wait3A_224 = arith.constant 0 : i32
      %dma_wait3A_225 = tpu.memref_slice %arg4[%dma_wait3A_224] : memref<328000xi32, #tpu.memory_space<hbm>> -> memref<80xi32, #tpu.memory_space<hbm>>
      tpu.wait_dma2 semaphore(%arg23 : memref<!tpu.dma_semaphore, #tpu.memory_space<semaphore_mem>>) src(%dma_wait3A_225 : memref<80xi32, #tpu.memory_space<hbm>>) dst(%arg9 : memref<80xi32, #tpu.memory_space<vmem>>)
      %dma_wait3A_226 = arith.constant 0 : i32
      %dma_wait3A_227 = tpu.memref_slice %arg4[%dma_wait3A_226] : memref<328000xi32, #tpu.memory_space<hbm>> -> memref<80xi32, #tpu.memory_space<hbm>>
      %dma_wait3A_228 = arith.constant 0 : i32
      %dma_wait3A_229 = tpu.memref_slice %arg4[%dma_wait3A_228] : memref<328000xi32, #tpu.memory_space<hbm>> -> memref<80xi32, #tpu.memory_space<hbm>>
      tpu.wait_dma2 semaphore(%arg23 : memref<!tpu.dma_semaphore, #tpu.memory_space<semaphore_mem>>) src(%dma_wait3A_229 : memref<80xi32, #tpu.memory_space<hbm>>) dst(%arg10 : memref<80xi32, #tpu.memory_space<vmem>>)
      %dma_start3A_230 = arith.constant 0 : i32
      %dma_start3A_231 = arith.constant 0 : i32
      %dma_start3A_232 = tpu.memref_slice %arg2[%dma_start3A_230, %dma_start3A_231] : memref<10000x128xf32, #tpu.memory_space<hbm>> -> memref<10000x128xf32, #tpu.memory_space<hbm>>
      tpu.enqueue_indirect_dma source(%dma_start3A_232 : memref<10000x128xf32, #tpu.memory_space<hbm>>) target(%arg18 : memref<160x128xf32, #tpu.memory_space<vmem>>) offsets(%arg8 : memref<160xi32, #tpu.memory_space<vmem>>) semaphore(%arg25 : memref<!tpu.dma_semaphore, #tpu.memory_space<semaphore_mem>>)
      "tpu.region"() ({
        %run_scoped3A_285 = tpu.sem_alloc : memref<!tpu.dma_semaphore, #tpu.memory_space<semaphore_mem>>
        %dma_start3A_286 = arith.constant 0 : i32
        %dma_start3A_287 = arith.constant 0 : i32
        %dma_start3A_288 = tpu.memref_slice %arg17[%dma_start3A_286, %dma_start3A_287] : memref<160x128xf32, #tpu.memory_space<vmem>> -> memref<80x128xf32, #tpu.memory_space<vmem>>
        %dma_start3A_289 = arith.constant 0 : i32
        %dma_start3A_290 = arith.constant 0 : i32
        %dma_start3A_291 = tpu.memref_slice %arg20[%dma_start3A_289, %dma_start3A_290] : memref<10240x128xf32, #tpu.memory_space<vmem_shared>> -> memref<10240x128xf32, #tpu.memory_space<vmem_shared>>
        tpu.enqueue_indirect_dma source(%dma_start3A_288 : memref<80x128xf32, #tpu.memory_space<vmem>>) target(%dma_start3A_291 : memref<10240x128xf32, #tpu.memory_space<vmem_shared>>) offsets(%arg13 : memref<80xi32, #tpu.memory_space<vmem>>) semaphore(%run_scoped3A_285 : memref<!tpu.dma_semaphore, #tpu.memory_space<semaphore_mem>>) {add = true}
        %dma_wait3A_292 = arith.constant 0 : i32
        %dma_wait3A_293 = arith.constant 0 : i32
        %dma_wait3A_294 = tpu.memref_slice %arg17[%dma_wait3A_292, %dma_wait3A_293] : memref<160x128xf32, #tpu.memory_space<vmem>> -> memref<80x128xf32, #tpu.memory_space<vmem>>
        %dma_wait3A_295 = arith.constant 0 : i32
        %dma_wait3A_296 = arith.constant 0 : i32
        %dma_wait3A_297 = tpu.memref_slice %arg20[%dma_wait3A_295, %dma_wait3A_296] : memref<10240x128xf32, #tpu.memory_space<vmem_shared>> -> memref<10240x128xf32, #tpu.memory_space<vmem_shared>>
        tpu.wait_indirect_dma semaphore(%run_scoped3A_285 : memref<!tpu.dma_semaphore, #tpu.memory_space<semaphore_mem>>) src(%dma_wait3A_294 : memref<80x128xf32, #tpu.memory_space<vmem>>) dst(%dma_wait3A_297 : memref<10240x128xf32, #tpu.memory_space<vmem_shared>>)
        tpu.yield
      }) : () -> ()
      "tpu.region"() ({
        %run_scoped3A_285 = tpu.sem_alloc : memref<!tpu.dma_semaphore, #tpu.memory_space<semaphore_mem>>
        %dma_start3A_286 = arith.constant 80 : i32
        %dma_start3A_287 = arith.constant 0 : i32
        %dma_start3A_288 = tpu.memref_slice %arg17[%dma_start3A_286, %dma_start3A_287] : memref<160x128xf32, #tpu.memory_space<vmem>> -> memref<80x128xf32, #tpu.memory_space<vmem>>
        %dma_start3A_289 = arith.constant 0 : i32
        %dma_start3A_290 = arith.constant 0 : i32
        %dma_start3A_291 = tpu.memref_slice %arg20[%dma_start3A_289, %dma_start3A_290] : memref<10240x128xf32, #tpu.memory_space<vmem_shared>> -> memref<10240x128xf32, #tpu.memory_space<vmem_shared>>
        tpu.enqueue_indirect_dma source(%dma_start3A_288 : memref<80x128xf32, #tpu.memory_space<vmem>>) target(%dma_start3A_291 : memref<10240x128xf32, #tpu.memory_space<vmem_shared>>) offsets(%arg14 : memref<80xi32, #tpu.memory_space<vmem>>) semaphore(%run_scoped3A_285 : memref<!tpu.dma_semaphore, #tpu.memory_space<semaphore_mem>>) {add = true}
        %dma_wait3A_292 = arith.constant 80 : i32
        %dma_wait3A_293 = arith.constant 0 : i32
        %dma_wait3A_294 = tpu.memref_slice %arg17[%dma_wait3A_292, %dma_wait3A_293] : memref<160x128xf32, #tpu.memory_space<vmem>> -> memref<80x128xf32, #tpu.memory_space<vmem>>
        %dma_wait3A_295 = arith.constant 0 : i32
        %dma_wait3A_296 = arith.constant 0 : i32
        %dma_wait3A_297 = tpu.memref_slice %arg20[%dma_wait3A_295, %dma_wait3A_296] : memref<10240x128xf32, #tpu.memory_space<vmem_shared>> -> memref<10240x128xf32, #tpu.memory_space<vmem_shared>>
        tpu.wait_indirect_dma semaphore(%run_scoped3A_285 : memref<!tpu.dma_semaphore, #tpu.memory_space<semaphore_mem>>) src(%dma_wait3A_294 : memref<80x128xf32, #tpu.memory_space<vmem>>) dst(%dma_wait3A_297 : memref<10240x128xf32, #tpu.memory_space<vmem_shared>>)
        tpu.yield
      }) : () -> ()
      "tpu.region"() ({
        %run_scoped3A_285 = tpu.sem_alloc : memref<!tpu.dma_semaphore, #tpu.memory_space<semaphore_mem>>
        %dma_start3A_286 = arith.constant 0 : i32
        %dma_start3A_287 = tpu.memref_slice %arg21[%dma_start3A_286] : memref<10240xf32, #tpu.memory_space<vmem_shared>> -> memref<10240xf32, #tpu.memory_space<vmem_shared>>
        tpu.enqueue_indirect_dma source(%arg19 : memref<80xf32, #tpu.memory_space<vmem>>) target(%dma_start3A_287 : memref<10240xf32, #tpu.memory_space<vmem_shared>>) offsets(%arg13 : memref<80xi32, #tpu.memory_space<vmem>>) semaphore(%run_scoped3A_285 : memref<!tpu.dma_semaphore, #tpu.memory_space<semaphore_mem>>) {add = true}
        %dma_wait3A_288 = arith.constant 0 : i32
        %dma_wait3A_289 = tpu.memref_slice %arg21[%dma_wait3A_288] : memref<10240xf32, #tpu.memory_space<vmem_shared>> -> memref<10240xf32, #tpu.memory_space<vmem_shared>>
        tpu.wait_indirect_dma semaphore(%run_scoped3A_285 : memref<!tpu.dma_semaphore, #tpu.memory_space<semaphore_mem>>) src(%arg19 : memref<80xf32, #tpu.memory_space<vmem>>) dst(%dma_wait3A_289 : memref<10240xf32, #tpu.memory_space<vmem_shared>>)
        tpu.yield
      }) : () -> ()
      "tpu.region"() ({
        %run_scoped3A_285 = tpu.sem_alloc : memref<!tpu.dma_semaphore, #tpu.memory_space<semaphore_mem>>
        %dma_start3A_286 = arith.constant 0 : i32
        %dma_start3A_287 = tpu.memref_slice %arg21[%dma_start3A_286] : memref<10240xf32, #tpu.memory_space<vmem_shared>> -> memref<10240xf32, #tpu.memory_space<vmem_shared>>
        tpu.enqueue_indirect_dma source(%arg19 : memref<80xf32, #tpu.memory_space<vmem>>) target(%dma_start3A_287 : memref<10240xf32, #tpu.memory_space<vmem_shared>>) offsets(%arg14 : memref<80xi32, #tpu.memory_space<vmem>>) semaphore(%run_scoped3A_285 : memref<!tpu.dma_semaphore, #tpu.memory_space<semaphore_mem>>) {add = true}
        %dma_wait3A_288 = arith.constant 0 : i32
        %dma_wait3A_289 = tpu.memref_slice %arg21[%dma_wait3A_288] : memref<10240xf32, #tpu.memory_space<vmem_shared>> -> memref<10240xf32, #tpu.memory_space<vmem_shared>>
        tpu.wait_indirect_dma semaphore(%run_scoped3A_285 : memref<!tpu.dma_semaphore, #tpu.memory_space<semaphore_mem>>) src(%arg19 : memref<80xf32, #tpu.memory_space<vmem>>) dst(%dma_wait3A_289 : memref<10240xf32, #tpu.memory_space<vmem_shared>>)
        tpu.yield
      }) : () -> ()
      %add3A_233 = arith.constant 2 : i32
      %add3A_234 = arith.addi %add3A_214, %add3A_233 : i32
      %mul3A_235 = arith.constant 160 : i32
      %mul3A_236 = arith.muli %add3A_234, %mul3A_235 : i32
      %add3A_237 = arith.addi %multiple_of3A, %mul3A_236 : i32
      %multiple_of3A_238 = tpu.assume_multiple %add3A_237, 8 : i32
      %dma_start3A_239 = tpu.memref_slice %arg3[%multiple_of3A_238] : memref<328000xi32, #tpu.memory_space<hbm>> -> memref<160xi32, #tpu.memory_space<hbm>>
      %dma_start3A_240 = tpu.memref_slice %arg3[%multiple_of3A_238] : memref<328000xi32, #tpu.memory_space<hbm>> -> memref<160xi32, #tpu.memory_space<hbm>>
      tpu.enqueue_dma source(%dma_start3A_240 : memref<160xi32, #tpu.memory_space<hbm>>) target(%arg7 : memref<160xi32, #tpu.memory_space<vmem>>) target_semaphore(%arg22 : memref<!tpu.dma_semaphore, #tpu.memory_space<semaphore_mem>>)
      %add3A_241 = arith.constant 0 : i32
      %add3A_242 = arith.addi %multiple_of3A_238, %add3A_241 : i32
      %dma_start3A_243 = tpu.memref_slice %arg4[%add3A_242] : memref<328000xi32, #tpu.memory_space<hbm>> -> memref<80xi32, #tpu.memory_space<hbm>>
      %dma_start3A_244 = tpu.memref_slice %arg4[%add3A_242] : memref<328000xi32, #tpu.memory_space<hbm>> -> memref<80xi32, #tpu.memory_space<hbm>>
      tpu.enqueue_dma source(%dma_start3A_244 : memref<80xi32, #tpu.memory_space<hbm>>) target(%arg9 : memref<80xi32, #tpu.memory_space<vmem>>) target_semaphore(%arg22 : memref<!tpu.dma_semaphore, #tpu.memory_space<semaphore_mem>>)
      %add3A_245 = arith.constant 80 : i32
      %add3A_246 = arith.addi %multiple_of3A_238, %add3A_245 : i32
      %dma_start3A_247 = tpu.memref_slice %arg4[%add3A_246] : memref<328000xi32, #tpu.memory_space<hbm>> -> memref<80xi32, #tpu.memory_space<hbm>>
      %dma_start3A_248 = tpu.memref_slice %arg4[%add3A_246] : memref<328000xi32, #tpu.memory_space<hbm>> -> memref<80xi32, #tpu.memory_space<hbm>>
      tpu.enqueue_dma source(%dma_start3A_248 : memref<80xi32, #tpu.memory_space<hbm>>) target(%arg10 : memref<80xi32, #tpu.memory_space<vmem>>) target_semaphore(%arg22 : memref<!tpu.dma_semaphore, #tpu.memory_space<semaphore_mem>>)
      %add3A_249 = arith.constant 3 : i32
      %add3A_250 = arith.addi %mul3A_140, %add3A_249 : i32
      %dma_wait3A_251 = arith.constant 0 : i32
      %dma_wait3A_252 = arith.constant 0 : i32
      %dma_wait3A_253 = tpu.memref_slice %arg2[%dma_wait3A_251, %dma_wait3A_252] : memref<10000x128xf32, #tpu.memory_space<hbm>> -> memref<10000x128xf32, #tpu.memory_space<hbm>>
      tpu.wait_indirect_dma semaphore(%arg25 : memref<!tpu.dma_semaphore, #tpu.memory_space<semaphore_mem>>) src(%dma_wait3A_253 : memref<10000x128xf32, #tpu.memory_space<hbm>>) dst(%arg18 : memref<160x128xf32, #tpu.memory_space<vmem>>)
      %dma_wait3A_254 = arith.constant 0 : i32
      %dma_wait3A_255 = tpu.memref_slice %arg3[%dma_wait3A_254] : memref<328000xi32, #tpu.memory_space<hbm>> -> memref<160xi32, #tpu.memory_space<hbm>>
      %dma_wait3A_256 = arith.constant 0 : i32
      %dma_wait3A_257 = tpu.memref_slice %arg3[%dma_wait3A_256] : memref<328000xi32, #tpu.memory_space<hbm>> -> memref<160xi32, #tpu.memory_space<hbm>>
      tpu.wait_dma2 semaphore(%arg22 : memref<!tpu.dma_semaphore, #tpu.memory_space<semaphore_mem>>) src(%dma_wait3A_257 : memref<160xi32, #tpu.memory_space<hbm>>) dst(%arg7 : memref<160xi32, #tpu.memory_space<vmem>>)
      %dma_wait3A_258 = arith.constant 0 : i32
      %dma_wait3A_259 = tpu.memref_slice %arg4[%dma_wait3A_258] : memref<328000xi32, #tpu.memory_space<hbm>> -> memref<80xi32, #tpu.memory_space<hbm>>
      %dma_wait3A_260 = arith.constant 0 : i32
      %dma_wait3A_261 = tpu.memref_slice %arg4[%dma_wait3A_260] : memref<328000xi32, #tpu.memory_space<hbm>> -> memref<80xi32, #tpu.memory_space<hbm>>
      tpu.wait_dma2 semaphore(%arg22 : memref<!tpu.dma_semaphore, #tpu.memory_space<semaphore_mem>>) src(%dma_wait3A_261 : memref<80xi32, #tpu.memory_space<hbm>>) dst(%arg9 : memref<80xi32, #tpu.memory_space<vmem>>)
      %dma_wait3A_262 = arith.constant 0 : i32
      %dma_wait3A_263 = tpu.memref_slice %arg4[%dma_wait3A_262] : memref<328000xi32, #tpu.memory_space<hbm>> -> memref<80xi32, #tpu.memory_space<hbm>>
      %dma_wait3A_264 = arith.constant 0 : i32
      %dma_wait3A_265 = tpu.memref_slice %arg4[%dma_wait3A_264] : memref<328000xi32, #tpu.memory_space<hbm>> -> memref<80xi32, #tpu.memory_space<hbm>>
      tpu.wait_dma2 semaphore(%arg22 : memref<!tpu.dma_semaphore, #tpu.memory_space<semaphore_mem>>) src(%dma_wait3A_265 : memref<80xi32, #tpu.memory_space<hbm>>) dst(%arg10 : memref<80xi32, #tpu.memory_space<vmem>>)
      %dma_start3A_266 = arith.constant 0 : i32
      %dma_start3A_267 = arith.constant 0 : i32
      %dma_start3A_268 = tpu.memref_slice %arg2[%dma_start3A_266, %dma_start3A_267] : memref<10000x128xf32, #tpu.memory_space<hbm>> -> memref<10000x128xf32, #tpu.memory_space<hbm>>
      tpu.enqueue_indirect_dma source(%dma_start3A_268 : memref<10000x128xf32, #tpu.memory_space<hbm>>) target(%arg17 : memref<160x128xf32, #tpu.memory_space<vmem>>) offsets(%arg7 : memref<160xi32, #tpu.memory_space<vmem>>) semaphore(%arg24 : memref<!tpu.dma_semaphore, #tpu.memory_space<semaphore_mem>>)
      "tpu.region"() ({
        %run_scoped3A_285 = tpu.sem_alloc : memref<!tpu.dma_semaphore, #tpu.memory_space<semaphore_mem>>
        %dma_start3A_286 = arith.constant 0 : i32
        %dma_start3A_287 = arith.constant 0 : i32
        %dma_start3A_288 = tpu.memref_slice %arg18[%dma_start3A_286, %dma_start3A_287] : memref<160x128xf32, #tpu.memory_space<vmem>> -> memref<80x128xf32, #tpu.memory_space<vmem>>
        %dma_start3A_289 = arith.constant 0 : i32
        %dma_start3A_290 = arith.constant 0 : i32
        %dma_start3A_291 = tpu.memref_slice %arg20[%dma_start3A_289, %dma_start3A_290] : memref<10240x128xf32, #tpu.memory_space<vmem_shared>> -> memref<10240x128xf32, #tpu.memory_space<vmem_shared>>
        tpu.enqueue_indirect_dma source(%dma_start3A_288 : memref<80x128xf32, #tpu.memory_space<vmem>>) target(%dma_start3A_291 : memref<10240x128xf32, #tpu.memory_space<vmem_shared>>) offsets(%arg15 : memref<80xi32, #tpu.memory_space<vmem>>) semaphore(%run_scoped3A_285 : memref<!tpu.dma_semaphore, #tpu.memory_space<semaphore_mem>>) {add = true}
        %dma_wait3A_292 = arith.constant 0 : i32
        %dma_wait3A_293 = arith.constant 0 : i32
        %dma_wait3A_294 = tpu.memref_slice %arg18[%dma_wait3A_292, %dma_wait3A_293] : memref<160x128xf32, #tpu.memory_space<vmem>> -> memref<80x128xf32, #tpu.memory_space<vmem>>
        %dma_wait3A_295 = arith.constant 0 : i32
        %dma_wait3A_296 = arith.constant 0 : i32
        %dma_wait3A_297 = tpu.memref_slice %arg20[%dma_wait3A_295, %dma_wait3A_296] : memref<10240x128xf32, #tpu.memory_space<vmem_shared>> -> memref<10240x128xf32, #tpu.memory_space<vmem_shared>>
        tpu.wait_indirect_dma semaphore(%run_scoped3A_285 : memref<!tpu.dma_semaphore, #tpu.memory_space<semaphore_mem>>) src(%dma_wait3A_294 : memref<80x128xf32, #tpu.memory_space<vmem>>) dst(%dma_wait3A_297 : memref<10240x128xf32, #tpu.memory_space<vmem_shared>>)
        tpu.yield
      }) : () -> ()
      "tpu.region"() ({
        %run_scoped3A_285 = tpu.sem_alloc : memref<!tpu.dma_semaphore, #tpu.memory_space<semaphore_mem>>
        %dma_start3A_286 = arith.constant 80 : i32
        %dma_start3A_287 = arith.constant 0 : i32
        %dma_start3A_288 = tpu.memref_slice %arg18[%dma_start3A_286, %dma_start3A_287] : memref<160x128xf32, #tpu.memory_space<vmem>> -> memref<80x128xf32, #tpu.memory_space<vmem>>
        %dma_start3A_289 = arith.constant 0 : i32
        %dma_start3A_290 = arith.constant 0 : i32
        %dma_start3A_291 = tpu.memref_slice %arg20[%dma_start3A_289, %dma_start3A_290] : memref<10240x128xf32, #tpu.memory_space<vmem_shared>> -> memref<10240x128xf32, #tpu.memory_space<vmem_shared>>
        tpu.enqueue_indirect_dma source(%dma_start3A_288 : memref<80x128xf32, #tpu.memory_space<vmem>>) target(%dma_start3A_291 : memref<10240x128xf32, #tpu.memory_space<vmem_shared>>) offsets(%arg16 : memref<80xi32, #tpu.memory_space<vmem>>) semaphore(%run_scoped3A_285 : memref<!tpu.dma_semaphore, #tpu.memory_space<semaphore_mem>>) {add = true}
        %dma_wait3A_292 = arith.constant 80 : i32
        %dma_wait3A_293 = arith.constant 0 : i32
        %dma_wait3A_294 = tpu.memref_slice %arg18[%dma_wait3A_292, %dma_wait3A_293] : memref<160x128xf32, #tpu.memory_space<vmem>> -> memref<80x128xf32, #tpu.memory_space<vmem>>
        %dma_wait3A_295 = arith.constant 0 : i32
        %dma_wait3A_296 = arith.constant 0 : i32
        %dma_wait3A_297 = tpu.memref_slice %arg20[%dma_wait3A_295, %dma_wait3A_296] : memref<10240x128xf32, #tpu.memory_space<vmem_shared>> -> memref<10240x128xf32, #tpu.memory_space<vmem_shared>>
        tpu.wait_indirect_dma semaphore(%run_scoped3A_285 : memref<!tpu.dma_semaphore, #tpu.memory_space<semaphore_mem>>) src(%dma_wait3A_294 : memref<80x128xf32, #tpu.memory_space<vmem>>) dst(%dma_wait3A_297 : memref<10240x128xf32, #tpu.memory_space<vmem_shared>>)
        tpu.yield
      }) : () -> ()
      "tpu.region"() ({
        %run_scoped3A_285 = tpu.sem_alloc : memref<!tpu.dma_semaphore, #tpu.memory_space<semaphore_mem>>
        %dma_start3A_286 = arith.constant 0 : i32
        %dma_start3A_287 = tpu.memref_slice %arg21[%dma_start3A_286] : memref<10240xf32, #tpu.memory_space<vmem_shared>> -> memref<10240xf32, #tpu.memory_space<vmem_shared>>
        tpu.enqueue_indirect_dma source(%arg19 : memref<80xf32, #tpu.memory_space<vmem>>) target(%dma_start3A_287 : memref<10240xf32, #tpu.memory_space<vmem_shared>>) offsets(%arg15 : memref<80xi32, #tpu.memory_space<vmem>>) semaphore(%run_scoped3A_285 : memref<!tpu.dma_semaphore, #tpu.memory_space<semaphore_mem>>) {add = true}
        %dma_wait3A_288 = arith.constant 0 : i32
        %dma_wait3A_289 = tpu.memref_slice %arg21[%dma_wait3A_288] : memref<10240xf32, #tpu.memory_space<vmem_shared>> -> memref<10240xf32, #tpu.memory_space<vmem_shared>>
        tpu.wait_indirect_dma semaphore(%run_scoped3A_285 : memref<!tpu.dma_semaphore, #tpu.memory_space<semaphore_mem>>) src(%arg19 : memref<80xf32, #tpu.memory_space<vmem>>) dst(%dma_wait3A_289 : memref<10240xf32, #tpu.memory_space<vmem_shared>>)
        tpu.yield
      }) : () -> ()
      "tpu.region"() ({
        %run_scoped3A_285 = tpu.sem_alloc : memref<!tpu.dma_semaphore, #tpu.memory_space<semaphore_mem>>
        %dma_start3A_286 = arith.constant 0 : i32
        %dma_start3A_287 = tpu.memref_slice %arg21[%dma_start3A_286] : memref<10240xf32, #tpu.memory_space<vmem_shared>> -> memref<10240xf32, #tpu.memory_space<vmem_shared>>
        tpu.enqueue_indirect_dma source(%arg19 : memref<80xf32, #tpu.memory_space<vmem>>) target(%dma_start3A_287 : memref<10240xf32, #tpu.memory_space<vmem_shared>>) offsets(%arg16 : memref<80xi32, #tpu.memory_space<vmem>>) semaphore(%run_scoped3A_285 : memref<!tpu.dma_semaphore, #tpu.memory_space<semaphore_mem>>) {add = true}
        %dma_wait3A_288 = arith.constant 0 : i32
        %dma_wait3A_289 = tpu.memref_slice %arg21[%dma_wait3A_288] : memref<10240xf32, #tpu.memory_space<vmem_shared>> -> memref<10240xf32, #tpu.memory_space<vmem_shared>>
        tpu.wait_indirect_dma semaphore(%run_scoped3A_285 : memref<!tpu.dma_semaphore, #tpu.memory_space<semaphore_mem>>) src(%arg19 : memref<80xf32, #tpu.memory_space<vmem>>) dst(%dma_wait3A_289 : memref<10240xf32, #tpu.memory_space<vmem_shared>>)
        tpu.yield
      }) : () -> ()
      %add3A_269 = arith.constant 2 : i32
      %add3A_270 = arith.addi %add3A_250, %add3A_269 : i32
      %mul3A_271 = arith.constant 160 : i32
      %mul3A_272 = arith.muli %add3A_270, %mul3A_271 : i32
      %add3A_273 = arith.addi %multiple_of3A, %mul3A_272 : i32
      %multiple_of3A_274 = tpu.assume_multiple %add3A_273, 8 : i32
      %dma_start3A_275 = tpu.memref_slice %arg3[%multiple_of3A_274] : memref<328000xi32, #tpu.memory_space<hbm>> -> memref<160xi32, #tpu.memory_space<hbm>>
      %dma_start3A_276 = tpu.memref_slice %arg3[%multiple_of3A_274] : memref<328000xi32, #tpu.memory_space<hbm>> -> memref<160xi32, #tpu.memory_space<hbm>>
      tpu.enqueue_dma source(%dma_start3A_276 : memref<160xi32, #tpu.memory_space<hbm>>) target(%arg8 : memref<160xi32, #tpu.memory_space<vmem>>) target_semaphore(%arg23 : memref<!tpu.dma_semaphore, #tpu.memory_space<semaphore_mem>>)
      %add3A_277 = arith.constant 0 : i32
      %add3A_278 = arith.addi %multiple_of3A_274, %add3A_277 : i32
      %dma_start3A_279 = tpu.memref_slice %arg4[%add3A_278] : memref<328000xi32, #tpu.memory_space<hbm>> -> memref<80xi32, #tpu.memory_space<hbm>>
      %dma_start3A_280 = tpu.memref_slice %arg4[%add3A_278] : memref<328000xi32, #tpu.memory_space<hbm>> -> memref<80xi32, #tpu.memory_space<hbm>>
      tpu.enqueue_dma source(%dma_start3A_280 : memref<80xi32, #tpu.memory_space<hbm>>) target(%arg11 : memref<80xi32, #tpu.memory_space<vmem>>) target_semaphore(%arg23 : memref<!tpu.dma_semaphore, #tpu.memory_space<semaphore_mem>>)
      %add3A_281 = arith.constant 80 : i32
      %add3A_282 = arith.addi %multiple_of3A_274, %add3A_281 : i32
      %dma_start3A_283 = tpu.memref_slice %arg4[%add3A_282] : memref<328000xi32, #tpu.memory_space<hbm>> -> memref<80xi32, #tpu.memory_space<hbm>>
      %dma_start3A_284 = tpu.memref_slice %arg4[%add3A_282] : memref<328000xi32, #tpu.memory_space<hbm>> -> memref<80xi32, #tpu.memory_space<hbm>>
      tpu.enqueue_dma source(%dma_start3A_284 : memref<80xi32, #tpu.memory_space<hbm>>) target(%arg12 : memref<80xi32, #tpu.memory_space<vmem>>) target_semaphore(%arg23 : memref<!tpu.dma_semaphore, #tpu.memory_space<semaphore_mem>>)
    }
    %scan3A_118 = arith.constant 16 : i32
    %dma_wait3A_119 = arith.constant 0 : i32
    %dma_wait3A_120 = arith.constant 0 : i32
    %dma_wait3A_121 = tpu.memref_slice %arg2[%dma_wait3A_119, %dma_wait3A_120] : memref<10000x128xf32, #tpu.memory_space<hbm>> -> memref<10000x128xf32, #tpu.memory_space<hbm>>
    tpu.wait_indirect_dma semaphore(%arg24 : memref<!tpu.dma_semaphore, #tpu.memory_space<semaphore_mem>>) src(%dma_wait3A_121 : memref<10000x128xf32, #tpu.memory_space<hbm>>) dst(%arg17 : memref<160x128xf32, #tpu.memory_space<vmem>>)
    %dma_wait3A_122 = arith.constant 0 : i32
    %dma_wait3A_123 = tpu.memref_slice %arg3[%dma_wait3A_122] : memref<328000xi32, #tpu.memory_space<hbm>> -> memref<160xi32, #tpu.memory_space<hbm>>
    %dma_wait3A_124 = arith.constant 0 : i32
    %dma_wait3A_125 = tpu.memref_slice %arg3[%dma_wait3A_124] : memref<328000xi32, #tpu.memory_space<hbm>> -> memref<160xi32, #tpu.memory_space<hbm>>
    tpu.wait_dma2 semaphore(%arg23 : memref<!tpu.dma_semaphore, #tpu.memory_space<semaphore_mem>>) src(%dma_wait3A_125 : memref<160xi32, #tpu.memory_space<hbm>>) dst(%arg8 : memref<160xi32, #tpu.memory_space<vmem>>)
    %dma_wait3A_126 = arith.constant 0 : i32
    %dma_wait3A_127 = tpu.memref_slice %arg4[%dma_wait3A_126] : memref<328000xi32, #tpu.memory_space<hbm>> -> memref<80xi32, #tpu.memory_space<hbm>>
    %dma_wait3A_128 = arith.constant 0 : i32
    %dma_wait3A_129 = tpu.memref_slice %arg4[%dma_wait3A_128] : memref<328000xi32, #tpu.memory_space<hbm>> -> memref<80xi32, #tpu.memory_space<hbm>>
    tpu.wait_dma2 semaphore(%arg23 : memref<!tpu.dma_semaphore, #tpu.memory_space<semaphore_mem>>) src(%dma_wait3A_129 : memref<80xi32, #tpu.memory_space<hbm>>) dst(%arg9 : memref<80xi32, #tpu.memory_space<vmem>>)
    %dma_wait3A_130 = arith.constant 0 : i32
    %dma_wait3A_131 = tpu.memref_slice %arg4[%dma_wait3A_130] : memref<328000xi32, #tpu.memory_space<hbm>> -> memref<80xi32, #tpu.memory_space<hbm>>
    %dma_wait3A_132 = arith.constant 0 : i32
    %dma_wait3A_133 = tpu.memref_slice %arg4[%dma_wait3A_132] : memref<328000xi32, #tpu.memory_space<hbm>> -> memref<80xi32, #tpu.memory_space<hbm>>
    tpu.wait_dma2 semaphore(%arg23 : memref<!tpu.dma_semaphore, #tpu.memory_space<semaphore_mem>>) src(%dma_wait3A_133 : memref<80xi32, #tpu.memory_space<hbm>>) dst(%arg10 : memref<80xi32, #tpu.memory_space<vmem>>)
    %barrier3A_134 = arith.constant 0 : index
    tpu.barrier barrier_id(%barrier3A_134)
    %mul3A_135 = arith.constant 640 : i32
    %mul3A_136 = arith.muli %arg1, %mul3A_135 : i32
    %multiple_of3A_137 = tpu.assume_multiple %mul3A_136, 8 : i32
    "tpu.region"() ({
      %run_scoped3A_138 = tpu.sem_alloc : memref<!tpu.dma_semaphore, #tpu.memory_space<semaphore_mem>>
      %dma_start3A_139 = arith.constant 0 : i32
      %dma_start3A_140 = tpu.memref_slice %arg5[%arg0, %multiple_of3A_137, %dma_start3A_139] : memref<2x10240x128xf32, #tpu.memory_space<hbm>> -> memref<1x640x128xf32, #tpu.memory_space<hbm>>
      %dma_start3A_141 = tpu.memref_squeeze %dma_start3A_140 : memref<1x640x128xf32, #tpu.memory_space<hbm>> -> memref<640x128xf32, #tpu.memory_space<hbm>>
      %dma_start3A_142 = arith.constant 0 : i32
      %dma_start3A_143 = tpu.memref_slice %arg20[%multiple_of3A_137, %dma_start3A_142] : memref<10240x128xf32, #tpu.memory_space<vmem_shared>> -> memref<640x128xf32, #tpu.memory_space<vmem_shared>>
      tpu.enqueue_dma source(%dma_start3A_143 : memref<640x128xf32, #tpu.memory_space<vmem_shared>>) target(%dma_start3A_141 : memref<640x128xf32, #tpu.memory_space<hbm>>) target_semaphore(%run_scoped3A_138 : memref<!tpu.dma_semaphore, #tpu.memory_space<semaphore_mem>>)
      %dma_wait3A_144 = arith.constant 0 : i32
      %dma_wait3A_145 = tpu.memref_slice %arg5[%arg0, %multiple_of3A_137, %dma_wait3A_144] : memref<2x10240x128xf32, #tpu.memory_space<hbm>> -> memref<1x640x128xf32, #tpu.memory_space<hbm>>
      %dma_wait3A_146 = tpu.memref_squeeze %dma_wait3A_145 : memref<1x640x128xf32, #tpu.memory_space<hbm>> -> memref<640x128xf32, #tpu.memory_space<hbm>>
      %dma_wait3A_147 = arith.constant 0 : i32
      %dma_wait3A_148 = tpu.memref_slice %arg20[%multiple_of3A_137, %dma_wait3A_147] : memref<10240x128xf32, #tpu.memory_space<vmem_shared>> -> memref<640x128xf32, #tpu.memory_space<vmem_shared>>
      tpu.wait_dma2 semaphore(%run_scoped3A_138 : memref<!tpu.dma_semaphore, #tpu.memory_space<semaphore_mem>>) src(%dma_wait3A_148 : memref<640x128xf32, #tpu.memory_space<vmem_shared>>) dst(%dma_wait3A_146 : memref<640x128xf32, #tpu.memory_space<hbm>>)
      tpu.yield
    }) : () -> ()
    "tpu.region"() ({
      %run_scoped3A_138 = tpu.sem_alloc : memref<!tpu.dma_semaphore, #tpu.memory_space<semaphore_mem>>
      %dma_start3A_139 = tpu.memref_slice %arg6[%arg0, %multiple_of3A_137] : memref<2x10240xf32, #tpu.memory_space<hbm>> -> memref<1x640xf32, #tpu.memory_space<hbm>>
      %dma_start3A_140 = tpu.memref_squeeze %dma_start3A_139 : memref<1x640xf32, #tpu.memory_space<hbm>> -> memref<640xf32, #tpu.memory_space<hbm>>
      %dma_start3A_141 = tpu.memref_slice %arg21[%multiple_of3A_137] : memref<10240xf32, #tpu.memory_space<vmem_shared>> -> memref<640xf32, #tpu.memory_space<vmem_shared>>
      tpu.enqueue_dma source(%dma_start3A_141 : memref<640xf32, #tpu.memory_space<vmem_shared>>) target(%dma_start3A_140 : memref<640xf32, #tpu.memory_space<hbm>>) target_semaphore(%run_scoped3A_138 : memref<!tpu.dma_semaphore, #tpu.memory_space<semaphore_mem>>)
      %dma_wait3A_142 = tpu.memref_slice %arg6[%arg0, %multiple_of3A_137] : memref<2x10240xf32, #tpu.memory_space<hbm>> -> memref<1x640xf32, #tpu.memory_space<hbm>>
      %dma_wait3A_143 = tpu.memref_squeeze %dma_wait3A_142 : memref<1x640xf32, #tpu.memory_space<hbm>> -> memref<640xf32, #tpu.memory_space<hbm>>
      %dma_wait3A_144 = tpu.memref_slice %arg21[%multiple_of3A_137] : memref<10240xf32, #tpu.memory_space<vmem_shared>> -> memref<640xf32, #tpu.memory_space<vmem_shared>>
      tpu.wait_dma2 semaphore(%run_scoped3A_138 : memref<!tpu.dma_semaphore, #tpu.memory_space<semaphore_mem>>) src(%dma_wait3A_144 : memref<640xf32, #tpu.memory_space<vmem_shared>>) dst(%dma_wait3A_143 : memref<640xf32, #tpu.memory_space<hbm>>)
      tpu.yield
    }) : () -> ()
    return
  }
}

#map = affine_map<(d0, d1) -> (0, 0)>
#map1 = affine_map<(d0, d1) -> (0)>
#map2 = affine_map<(d0, d1) -> (0, 0, 0)>
module attributes {stable_mosaic.version = 14 : i64} {
  func.func @_sc_agg_body(%arg0: i32, %arg1: i32, %arg2: memref<10000x128xf32, #tpu.memory_space<hbm>>, %arg3: memref<328000xi32, #tpu.memory_space<hbm>>, %arg4: memref<328000xi32, #tpu.memory_space<hbm>>, %arg5: memref<2x10240x128xf32, #tpu.memory_space<hbm>>, %arg6: memref<160xi32, #tpu.memory_space<vmem>>, %arg7: memref<160xi32, #tpu.memory_space<vmem>>, %arg8: memref<80xi32, #tpu.memory_space<vmem>>, %arg9: memref<80xi32, #tpu.memory_space<vmem>>, %arg10: memref<80xi32, #tpu.memory_space<vmem>>, %arg11: memref<80xi32, #tpu.memory_space<vmem>>, %arg12: memref<80xi32, #tpu.memory_space<vmem>>, %arg13: memref<80xi32, #tpu.memory_space<vmem>>, %arg14: memref<80xi32, #tpu.memory_space<vmem>>, %arg15: memref<80xi32, #tpu.memory_space<vmem>>, %arg16: memref<160x128xf32, #tpu.memory_space<vmem>>, %arg17: memref<160x128xf32, #tpu.memory_space<vmem>>, %arg18: memref<10240x128xf32, #tpu.memory_space<vmem_shared>>, %arg19: memref<!tpu.dma_semaphore, #tpu.memory_space<semaphore_mem>>, %arg20: memref<!tpu.dma_semaphore, #tpu.memory_space<semaphore_mem>>, %arg21: memref<!tpu.dma_semaphore, #tpu.memory_space<semaphore_mem>>, %arg22: memref<!tpu.dma_semaphore, #tpu.memory_space<semaphore_mem>>) attributes {dimension_semantics = [#tpu.dimension_semantics<core_parallel>, #tpu.dimension_semantics<subcore_parallel>], iteration_bounds = array<i64: 2, 16>, scalar_prefetch = 0 : i64, scratch_operands = 17 : i64, tpu.core_type = #tpu.core_type<sc_vector_subcore>, window_params = [{transform_indices = #map}, {transform_indices = #map1}, {transform_indices = #map1}, {transform_indices = #map2}]} {
    %mul3A = arith.constant 2 : i32
    %mul3A_0 = arith.muli %arg1, %mul3A : i32
    %add3A = arith.addi %mul3A_0, %arg0 : i32
    %mul3A_1 = arith.constant 10240 : i32
    %mul3A_2 = arith.muli %add3A, %mul3A_1 : i32
    %multiple_of3A = tpu.assume_multiple %mul3A_2, 8 : i32
    %broadcast_in_dim3A = arith.constant 0.000000e+00 : f32
    %broadcast_in_dim3A_3 = vector.broadcast %broadcast_in_dim3A : f32 to vector<16xf32>
    %scan3A = arith.constant 0 : i32
    %scan3A_4 = arith.constant 0 : i32
    %scan3A_5 = arith.constant 128 : i32
    %scan3A_6 = arith.addi %scan3A_4, %scan3A_5 : i32
    %scan3A_7 = arith.constant 1 : i32
    scf.for %scan3A_93 = %scan3A_4 to %scan3A_6 step %scan3A_7  : i32 {
      %swap3A = arith.index_cast %scan3A_93 : i32 to index
      %swap3A_94 = arith.constant 0 : index
      %swap3A_95 = tpu.vector_load %arg16[%swap3A, %swap3A_94] {strides = array<i32>} : memref<160x128xf32, #tpu.memory_space<vmem>>, vector<1x16xf32>,
      %swap3A_96 = vector.shape_cast %swap3A_95 : vector<1x16xf32> to vector<16xf32>
      %swap3A_97 = vector.shape_cast %broadcast_in_dim3A_3 : vector<16xf32> to vector<1x16xf32>
      tpu.vector_store %arg16[%swap3A, %swap3A_94], %swap3A_97 {strides = array<i32>} : memref<160x128xf32, #tpu.memory_space<vmem>>, vector<1x16xf32>,
      %swap3A_98 = arith.index_cast %scan3A_93 : i32 to index
      %swap3A_99 = arith.constant 16 : index
      %swap3A_100 = tpu.vector_load %arg16[%swap3A_98, %swap3A_99] {strides = array<i32>} : memref<160x128xf32, #tpu.memory_space<vmem>>, vector<1x16xf32>,
      %swap3A_101 = vector.shape_cast %swap3A_100 : vector<1x16xf32> to vector<16xf32>
      %swap3A_102 = vector.shape_cast %broadcast_in_dim3A_3 : vector<16xf32> to vector<1x16xf32>
      tpu.vector_store %arg16[%swap3A_98, %swap3A_99], %swap3A_102 {strides = array<i32>} : memref<160x128xf32, #tpu.memory_space<vmem>>, vector<1x16xf32>,
      %swap3A_103 = arith.index_cast %scan3A_93 : i32 to index
      %swap3A_104 = arith.constant 32 : index
      %swap3A_105 = tpu.vector_load %arg16[%swap3A_103, %swap3A_104] {strides = array<i32>} : memref<160x128xf32, #tpu.memory_space<vmem>>, vector<1x16xf32>,
      %swap3A_106 = vector.shape_cast %swap3A_105 : vector<1x16xf32> to vector<16xf32>
      %swap3A_107 = vector.shape_cast %broadcast_in_dim3A_3 : vector<16xf32> to vector<1x16xf32>
      tpu.vector_store %arg16[%swap3A_103, %swap3A_104], %swap3A_107 {strides = array<i32>} : memref<160x128xf32, #tpu.memory_space<vmem>>, vector<1x16xf32>,
      %swap3A_108 = arith.index_cast %scan3A_93 : i32 to index
      %swap3A_109 = arith.constant 48 : index
      %swap3A_110 = tpu.vector_load %arg16[%swap3A_108, %swap3A_109] {strides = array<i32>} : memref<160x128xf32, #tpu.memory_space<vmem>>, vector<1x16xf32>,
      %swap3A_111 = vector.shape_cast %swap3A_110 : vector<1x16xf32> to vector<16xf32>
      %swap3A_112 = vector.shape_cast %broadcast_in_dim3A_3 : vector<16xf32> to vector<1x16xf32>
      tpu.vector_store %arg16[%swap3A_108, %swap3A_109], %swap3A_112 {strides = array<i32>} : memref<160x128xf32, #tpu.memory_space<vmem>>, vector<1x16xf32>,
      %swap3A_113 = arith.index_cast %scan3A_93 : i32 to index
      %swap3A_114 = arith.constant 64 : index
      %swap3A_115 = tpu.vector_load %arg16[%swap3A_113, %swap3A_114] {strides = array<i32>} : memref<160x128xf32, #tpu.memory_space<vmem>>, vector<1x16xf32>,
      %swap3A_116 = vector.shape_cast %swap3A_115 : vector<1x16xf32> to vector<16xf32>
      %swap3A_117 = vector.shape_cast %broadcast_in_dim3A_3 : vector<16xf32> to vector<1x16xf32>
      tpu.vector_store %arg16[%swap3A_113, %swap3A_114], %swap3A_117 {strides = array<i32>} : memref<160x128xf32, #tpu.memory_space<vmem>>, vector<1x16xf32>,
      %swap3A_118 = arith.index_cast %scan3A_93 : i32 to index
      %swap3A_119 = arith.constant 80 : index
      %swap3A_120 = tpu.vector_load %arg16[%swap3A_118, %swap3A_119] {strides = array<i32>} : memref<160x128xf32, #tpu.memory_space<vmem>>, vector<1x16xf32>,
      %swap3A_121 = vector.shape_cast %swap3A_120 : vector<1x16xf32> to vector<16xf32>
      %swap3A_122 = vector.shape_cast %broadcast_in_dim3A_3 : vector<16xf32> to vector<1x16xf32>
      tpu.vector_store %arg16[%swap3A_118, %swap3A_119], %swap3A_122 {strides = array<i32>} : memref<160x128xf32, #tpu.memory_space<vmem>>, vector<1x16xf32>,
      %swap3A_123 = arith.index_cast %scan3A_93 : i32 to index
      %swap3A_124 = arith.constant 96 : index
      %swap3A_125 = tpu.vector_load %arg16[%swap3A_123, %swap3A_124] {strides = array<i32>} : memref<160x128xf32, #tpu.memory_space<vmem>>, vector<1x16xf32>,
      %swap3A_126 = vector.shape_cast %swap3A_125 : vector<1x16xf32> to vector<16xf32>
      %swap3A_127 = vector.shape_cast %broadcast_in_dim3A_3 : vector<16xf32> to vector<1x16xf32>
      tpu.vector_store %arg16[%swap3A_123, %swap3A_124], %swap3A_127 {strides = array<i32>} : memref<160x128xf32, #tpu.memory_space<vmem>>, vector<1x16xf32>,
      %swap3A_128 = arith.index_cast %scan3A_93 : i32 to index
      %swap3A_129 = arith.constant 112 : index
      %swap3A_130 = tpu.vector_load %arg16[%swap3A_128, %swap3A_129] {strides = array<i32>} : memref<160x128xf32, #tpu.memory_space<vmem>>, vector<1x16xf32>,
      %swap3A_131 = vector.shape_cast %swap3A_130 : vector<1x16xf32> to vector<16xf32>
      %swap3A_132 = vector.shape_cast %broadcast_in_dim3A_3 : vector<16xf32> to vector<1x16xf32>
      tpu.vector_store %arg16[%swap3A_128, %swap3A_129], %swap3A_132 {strides = array<i32>} : memref<160x128xf32, #tpu.memory_space<vmem>>, vector<1x16xf32>,
    }
    %scan3A_8 = arith.constant 128 : i32
    %mul3A_9 = arith.constant 640 : i32
    %mul3A_10 = arith.muli %arg1, %mul3A_9 : i32
    %add3A_11 = arith.constant 0 : i32
    %add3A_12 = arith.addi %mul3A_10, %add3A_11 : i32
    "tpu.region"() ({
      %run_scoped3A = tpu.sem_alloc : memref<!tpu.dma_semaphore, #tpu.memory_space<semaphore_mem>>
      %dma_start3A_93 = arith.constant 0 : i32
      %dma_start3A_94 = arith.constant 0 : i32
      %dma_start3A_95 = tpu.memref_slice %arg16[%dma_start3A_93, %dma_start3A_94] : memref<160x128xf32, #tpu.memory_space<vmem>> -> memref<128x128xf32, #tpu.memory_space<vmem>>
      %dma_start3A_96 = arith.constant 0 : i32
      %dma_start3A_97 = tpu.memref_slice %arg18[%add3A_12, %dma_start3A_96] : memref<10240x128xf32, #tpu.memory_space<vmem_shared>> -> memref<128x128xf32, #tpu.memory_space<vmem_shared>>
      %dma_start3A_98 = arith.constant 0 : i32
      %dma_start3A_99 = tpu.memref_slice %arg18[%add3A_12, %dma_start3A_98] : memref<10240x128xf32, #tpu.memory_space<vmem_shared>> -> memref<128x128xf32, #tpu.memory_space<vmem_shared>>
      %dma_start3A_100 = arith.constant 0 : i32
      %dma_start3A_101 = arith.constant 0 : i32
      %dma_start3A_102 = tpu.memref_slice %arg16[%dma_start3A_100, %dma_start3A_101] : memref<160x128xf32, #tpu.memory_space<vmem>> -> memref<128x128xf32, #tpu.memory_space<vmem>>
      tpu.enqueue_dma source(%dma_start3A_102 : memref<128x128xf32, #tpu.memory_space<vmem>>) target(%dma_start3A_99 : memref<128x128xf32, #tpu.memory_space<vmem_shared>>) target_semaphore(%run_scoped3A : memref<!tpu.dma_semaphore, #tpu.memory_space<semaphore_mem>>)
      %dma_wait3A_103 = arith.constant 0 : i32
      %dma_wait3A_104 = arith.constant 0 : i32
      %dma_wait3A_105 = tpu.memref_slice %arg16[%dma_wait3A_103, %dma_wait3A_104] : memref<160x128xf32, #tpu.memory_space<vmem>> -> memref<128x128xf32, #tpu.memory_space<vmem>>
      %dma_wait3A_106 = arith.constant 0 : i32
      %dma_wait3A_107 = tpu.memref_slice %arg18[%add3A_12, %dma_wait3A_106] : memref<10240x128xf32, #tpu.memory_space<vmem_shared>> -> memref<128x128xf32, #tpu.memory_space<vmem_shared>>
      %dma_wait3A_108 = arith.constant 0 : i32
      %dma_wait3A_109 = tpu.memref_slice %arg18[%add3A_12, %dma_wait3A_108] : memref<10240x128xf32, #tpu.memory_space<vmem_shared>> -> memref<128x128xf32, #tpu.memory_space<vmem_shared>>
      %dma_wait3A_110 = arith.constant 0 : i32
      %dma_wait3A_111 = arith.constant 0 : i32
      %dma_wait3A_112 = tpu.memref_slice %arg16[%dma_wait3A_110, %dma_wait3A_111] : memref<160x128xf32, #tpu.memory_space<vmem>> -> memref<128x128xf32, #tpu.memory_space<vmem>>
      tpu.wait_dma2 semaphore(%run_scoped3A : memref<!tpu.dma_semaphore, #tpu.memory_space<semaphore_mem>>) src(%dma_wait3A_112 : memref<128x128xf32, #tpu.memory_space<vmem>>) dst(%dma_wait3A_109 : memref<128x128xf32, #tpu.memory_space<vmem_shared>>)
      tpu.yield
    }) : () -> ()
    %mul3A_13 = arith.constant 640 : i32
    %mul3A_14 = arith.muli %arg1, %mul3A_13 : i32
    %add3A_15 = arith.constant 128 : i32
    %add3A_16 = arith.addi %mul3A_14, %add3A_15 : i32
    "tpu.region"() ({
      %run_scoped3A = tpu.sem_alloc : memref<!tpu.dma_semaphore, #tpu.memory_space<semaphore_mem>>
      %dma_start3A_93 = arith.constant 0 : i32
      %dma_start3A_94 = arith.constant 0 : i32
      %dma_start3A_95 = tpu.memref_slice %arg16[%dma_start3A_93, %dma_start3A_94] : memref<160x128xf32, #tpu.memory_space<vmem>> -> memref<128x128xf32, #tpu.memory_space<vmem>>
      %dma_start3A_96 = arith.constant 0 : i32
      %dma_start3A_97 = tpu.memref_slice %arg18[%add3A_16, %dma_start3A_96] : memref<10240x128xf32, #tpu.memory_space<vmem_shared>> -> memref<128x128xf32, #tpu.memory_space<vmem_shared>>
      %dma_start3A_98 = arith.constant 0 : i32
      %dma_start3A_99 = tpu.memref_slice %arg18[%add3A_16, %dma_start3A_98] : memref<10240x128xf32, #tpu.memory_space<vmem_shared>> -> memref<128x128xf32, #tpu.memory_space<vmem_shared>>
      %dma_start3A_100 = arith.constant 0 : i32
      %dma_start3A_101 = arith.constant 0 : i32
      %dma_start3A_102 = tpu.memref_slice %arg16[%dma_start3A_100, %dma_start3A_101] : memref<160x128xf32, #tpu.memory_space<vmem>> -> memref<128x128xf32, #tpu.memory_space<vmem>>
      tpu.enqueue_dma source(%dma_start3A_102 : memref<128x128xf32, #tpu.memory_space<vmem>>) target(%dma_start3A_99 : memref<128x128xf32, #tpu.memory_space<vmem_shared>>) target_semaphore(%run_scoped3A : memref<!tpu.dma_semaphore, #tpu.memory_space<semaphore_mem>>)
      %dma_wait3A_103 = arith.constant 0 : i32
      %dma_wait3A_104 = arith.constant 0 : i32
      %dma_wait3A_105 = tpu.memref_slice %arg16[%dma_wait3A_103, %dma_wait3A_104] : memref<160x128xf32, #tpu.memory_space<vmem>> -> memref<128x128xf32, #tpu.memory_space<vmem>>
      %dma_wait3A_106 = arith.constant 0 : i32
      %dma_wait3A_107 = tpu.memref_slice %arg18[%add3A_16, %dma_wait3A_106] : memref<10240x128xf32, #tpu.memory_space<vmem_shared>> -> memref<128x128xf32, #tpu.memory_space<vmem_shared>>
      %dma_wait3A_108 = arith.constant 0 : i32
      %dma_wait3A_109 = tpu.memref_slice %arg18[%add3A_16, %dma_wait3A_108] : memref<10240x128xf32, #tpu.memory_space<vmem_shared>> -> memref<128x128xf32, #tpu.memory_space<vmem_shared>>
      %dma_wait3A_110 = arith.constant 0 : i32
      %dma_wait3A_111 = arith.constant 0 : i32
      %dma_wait3A_112 = tpu.memref_slice %arg16[%dma_wait3A_110, %dma_wait3A_111] : memref<160x128xf32, #tpu.memory_space<vmem>> -> memref<128x128xf32, #tpu.memory_space<vmem>>
      tpu.wait_dma2 semaphore(%run_scoped3A : memref<!tpu.dma_semaphore, #tpu.memory_space<semaphore_mem>>) src(%dma_wait3A_112 : memref<128x128xf32, #tpu.memory_space<vmem>>) dst(%dma_wait3A_109 : memref<128x128xf32, #tpu.memory_space<vmem_shared>>)
      tpu.yield
    }) : () -> ()
    %mul3A_17 = arith.constant 640 : i32
    %mul3A_18 = arith.muli %arg1, %mul3A_17 : i32
    %add3A_19 = arith.constant 256 : i32
    %add3A_20 = arith.addi %mul3A_18, %add3A_19 : i32
    "tpu.region"() ({
      %run_scoped3A = tpu.sem_alloc : memref<!tpu.dma_semaphore, #tpu.memory_space<semaphore_mem>>
      %dma_start3A_93 = arith.constant 0 : i32
      %dma_start3A_94 = arith.constant 0 : i32
      %dma_start3A_95 = tpu.memref_slice %arg16[%dma_start3A_93, %dma_start3A_94] : memref<160x128xf32, #tpu.memory_space<vmem>> -> memref<128x128xf32, #tpu.memory_space<vmem>>
      %dma_start3A_96 = arith.constant 0 : i32
      %dma_start3A_97 = tpu.memref_slice %arg18[%add3A_20, %dma_start3A_96] : memref<10240x128xf32, #tpu.memory_space<vmem_shared>> -> memref<128x128xf32, #tpu.memory_space<vmem_shared>>
      %dma_start3A_98 = arith.constant 0 : i32
      %dma_start3A_99 = tpu.memref_slice %arg18[%add3A_20, %dma_start3A_98] : memref<10240x128xf32, #tpu.memory_space<vmem_shared>> -> memref<128x128xf32, #tpu.memory_space<vmem_shared>>
      %dma_start3A_100 = arith.constant 0 : i32
      %dma_start3A_101 = arith.constant 0 : i32
      %dma_start3A_102 = tpu.memref_slice %arg16[%dma_start3A_100, %dma_start3A_101] : memref<160x128xf32, #tpu.memory_space<vmem>> -> memref<128x128xf32, #tpu.memory_space<vmem>>
      tpu.enqueue_dma source(%dma_start3A_102 : memref<128x128xf32, #tpu.memory_space<vmem>>) target(%dma_start3A_99 : memref<128x128xf32, #tpu.memory_space<vmem_shared>>) target_semaphore(%run_scoped3A : memref<!tpu.dma_semaphore, #tpu.memory_space<semaphore_mem>>)
      %dma_wait3A_103 = arith.constant 0 : i32
      %dma_wait3A_104 = arith.constant 0 : i32
      %dma_wait3A_105 = tpu.memref_slice %arg16[%dma_wait3A_103, %dma_wait3A_104] : memref<160x128xf32, #tpu.memory_space<vmem>> -> memref<128x128xf32, #tpu.memory_space<vmem>>
      %dma_wait3A_106 = arith.constant 0 : i32
      %dma_wait3A_107 = tpu.memref_slice %arg18[%add3A_20, %dma_wait3A_106] : memref<10240x128xf32, #tpu.memory_space<vmem_shared>> -> memref<128x128xf32, #tpu.memory_space<vmem_shared>>
      %dma_wait3A_108 = arith.constant 0 : i32
      %dma_wait3A_109 = tpu.memref_slice %arg18[%add3A_20, %dma_wait3A_108] : memref<10240x128xf32, #tpu.memory_space<vmem_shared>> -> memref<128x128xf32, #tpu.memory_space<vmem_shared>>
      %dma_wait3A_110 = arith.constant 0 : i32
      %dma_wait3A_111 = arith.constant 0 : i32
      %dma_wait3A_112 = tpu.memref_slice %arg16[%dma_wait3A_110, %dma_wait3A_111] : memref<160x128xf32, #tpu.memory_space<vmem>> -> memref<128x128xf32, #tpu.memory_space<vmem>>
      tpu.wait_dma2 semaphore(%run_scoped3A : memref<!tpu.dma_semaphore, #tpu.memory_space<semaphore_mem>>) src(%dma_wait3A_112 : memref<128x128xf32, #tpu.memory_space<vmem>>) dst(%dma_wait3A_109 : memref<128x128xf32, #tpu.memory_space<vmem_shared>>)
      tpu.yield
    }) : () -> ()
    %mul3A_21 = arith.constant 640 : i32
    %mul3A_22 = arith.muli %arg1, %mul3A_21 : i32
    %add3A_23 = arith.constant 384 : i32
    %add3A_24 = arith.addi %mul3A_22, %add3A_23 : i32
    "tpu.region"() ({
      %run_scoped3A = tpu.sem_alloc : memref<!tpu.dma_semaphore, #tpu.memory_space<semaphore_mem>>
      %dma_start3A_93 = arith.constant 0 : i32
      %dma_start3A_94 = arith.constant 0 : i32
      %dma_start3A_95 = tpu.memref_slice %arg16[%dma_start3A_93, %dma_start3A_94] : memref<160x128xf32, #tpu.memory_space<vmem>> -> memref<128x128xf32, #tpu.memory_space<vmem>>
      %dma_start3A_96 = arith.constant 0 : i32
      %dma_start3A_97 = tpu.memref_slice %arg18[%add3A_24, %dma_start3A_96] : memref<10240x128xf32, #tpu.memory_space<vmem_shared>> -> memref<128x128xf32, #tpu.memory_space<vmem_shared>>
      %dma_start3A_98 = arith.constant 0 : i32
      %dma_start3A_99 = tpu.memref_slice %arg18[%add3A_24, %dma_start3A_98] : memref<10240x128xf32, #tpu.memory_space<vmem_shared>> -> memref<128x128xf32, #tpu.memory_space<vmem_shared>>
      %dma_start3A_100 = arith.constant 0 : i32
      %dma_start3A_101 = arith.constant 0 : i32
      %dma_start3A_102 = tpu.memref_slice %arg16[%dma_start3A_100, %dma_start3A_101] : memref<160x128xf32, #tpu.memory_space<vmem>> -> memref<128x128xf32, #tpu.memory_space<vmem>>
      tpu.enqueue_dma source(%dma_start3A_102 : memref<128x128xf32, #tpu.memory_space<vmem>>) target(%dma_start3A_99 : memref<128x128xf32, #tpu.memory_space<vmem_shared>>) target_semaphore(%run_scoped3A : memref<!tpu.dma_semaphore, #tpu.memory_space<semaphore_mem>>)
      %dma_wait3A_103 = arith.constant 0 : i32
      %dma_wait3A_104 = arith.constant 0 : i32
      %dma_wait3A_105 = tpu.memref_slice %arg16[%dma_wait3A_103, %dma_wait3A_104] : memref<160x128xf32, #tpu.memory_space<vmem>> -> memref<128x128xf32, #tpu.memory_space<vmem>>
      %dma_wait3A_106 = arith.constant 0 : i32
      %dma_wait3A_107 = tpu.memref_slice %arg18[%add3A_24, %dma_wait3A_106] : memref<10240x128xf32, #tpu.memory_space<vmem_shared>> -> memref<128x128xf32, #tpu.memory_space<vmem_shared>>
      %dma_wait3A_108 = arith.constant 0 : i32
      %dma_wait3A_109 = tpu.memref_slice %arg18[%add3A_24, %dma_wait3A_108] : memref<10240x128xf32, #tpu.memory_space<vmem_shared>> -> memref<128x128xf32, #tpu.memory_space<vmem_shared>>
      %dma_wait3A_110 = arith.constant 0 : i32
      %dma_wait3A_111 = arith.constant 0 : i32
      %dma_wait3A_112 = tpu.memref_slice %arg16[%dma_wait3A_110, %dma_wait3A_111] : memref<160x128xf32, #tpu.memory_space<vmem>> -> memref<128x128xf32, #tpu.memory_space<vmem>>
      tpu.wait_dma2 semaphore(%run_scoped3A : memref<!tpu.dma_semaphore, #tpu.memory_space<semaphore_mem>>) src(%dma_wait3A_112 : memref<128x128xf32, #tpu.memory_space<vmem>>) dst(%dma_wait3A_109 : memref<128x128xf32, #tpu.memory_space<vmem_shared>>)
      tpu.yield
    }) : () -> ()
    %mul3A_25 = arith.constant 640 : i32
    %mul3A_26 = arith.muli %arg1, %mul3A_25 : i32
    %add3A_27 = arith.constant 512 : i32
    %add3A_28 = arith.addi %mul3A_26, %add3A_27 : i32
    "tpu.region"() ({
      %run_scoped3A = tpu.sem_alloc : memref<!tpu.dma_semaphore, #tpu.memory_space<semaphore_mem>>
      %dma_start3A_93 = arith.constant 0 : i32
      %dma_start3A_94 = arith.constant 0 : i32
      %dma_start3A_95 = tpu.memref_slice %arg16[%dma_start3A_93, %dma_start3A_94] : memref<160x128xf32, #tpu.memory_space<vmem>> -> memref<128x128xf32, #tpu.memory_space<vmem>>
      %dma_start3A_96 = arith.constant 0 : i32
      %dma_start3A_97 = tpu.memref_slice %arg18[%add3A_28, %dma_start3A_96] : memref<10240x128xf32, #tpu.memory_space<vmem_shared>> -> memref<128x128xf32, #tpu.memory_space<vmem_shared>>
      %dma_start3A_98 = arith.constant 0 : i32
      %dma_start3A_99 = tpu.memref_slice %arg18[%add3A_28, %dma_start3A_98] : memref<10240x128xf32, #tpu.memory_space<vmem_shared>> -> memref<128x128xf32, #tpu.memory_space<vmem_shared>>
      %dma_start3A_100 = arith.constant 0 : i32
      %dma_start3A_101 = arith.constant 0 : i32
      %dma_start3A_102 = tpu.memref_slice %arg16[%dma_start3A_100, %dma_start3A_101] : memref<160x128xf32, #tpu.memory_space<vmem>> -> memref<128x128xf32, #tpu.memory_space<vmem>>
      tpu.enqueue_dma source(%dma_start3A_102 : memref<128x128xf32, #tpu.memory_space<vmem>>) target(%dma_start3A_99 : memref<128x128xf32, #tpu.memory_space<vmem_shared>>) target_semaphore(%run_scoped3A : memref<!tpu.dma_semaphore, #tpu.memory_space<semaphore_mem>>)
      %dma_wait3A_103 = arith.constant 0 : i32
      %dma_wait3A_104 = arith.constant 0 : i32
      %dma_wait3A_105 = tpu.memref_slice %arg16[%dma_wait3A_103, %dma_wait3A_104] : memref<160x128xf32, #tpu.memory_space<vmem>> -> memref<128x128xf32, #tpu.memory_space<vmem>>
      %dma_wait3A_106 = arith.constant 0 : i32
      %dma_wait3A_107 = tpu.memref_slice %arg18[%add3A_28, %dma_wait3A_106] : memref<10240x128xf32, #tpu.memory_space<vmem_shared>> -> memref<128x128xf32, #tpu.memory_space<vmem_shared>>
      %dma_wait3A_108 = arith.constant 0 : i32
      %dma_wait3A_109 = tpu.memref_slice %arg18[%add3A_28, %dma_wait3A_108] : memref<10240x128xf32, #tpu.memory_space<vmem_shared>> -> memref<128x128xf32, #tpu.memory_space<vmem_shared>>
      %dma_wait3A_110 = arith.constant 0 : i32
      %dma_wait3A_111 = arith.constant 0 : i32
      %dma_wait3A_112 = tpu.memref_slice %arg16[%dma_wait3A_110, %dma_wait3A_111] : memref<160x128xf32, #tpu.memory_space<vmem>> -> memref<128x128xf32, #tpu.memory_space<vmem>>
      tpu.wait_dma2 semaphore(%run_scoped3A : memref<!tpu.dma_semaphore, #tpu.memory_space<semaphore_mem>>) src(%dma_wait3A_112 : memref<128x128xf32, #tpu.memory_space<vmem>>) dst(%dma_wait3A_109 : memref<128x128xf32, #tpu.memory_space<vmem_shared>>)
      tpu.yield
    }) : () -> ()
    %add3A_29 = arith.constant 0 : i32
    %add3A_30 = arith.addi %multiple_of3A, %add3A_29 : i32
    %multiple_of3A_31 = tpu.assume_multiple %add3A_30, 8 : i32
    %dma_start3A = tpu.memref_slice %arg3[%multiple_of3A_31] : memref<328000xi32, #tpu.memory_space<hbm>> -> memref<160xi32, #tpu.memory_space<hbm>>
    %dma_start3A_32 = tpu.memref_slice %arg3[%multiple_of3A_31] : memref<328000xi32, #tpu.memory_space<hbm>> -> memref<160xi32, #tpu.memory_space<hbm>>
    tpu.enqueue_dma source(%dma_start3A_32 : memref<160xi32, #tpu.memory_space<hbm>>) target(%arg6 : memref<160xi32, #tpu.memory_space<vmem>>) target_semaphore(%arg19 : memref<!tpu.dma_semaphore, #tpu.memory_space<semaphore_mem>>)
    %add3A_33 = arith.constant 0 : i32
    %add3A_34 = arith.addi %multiple_of3A_31, %add3A_33 : i32
    %dma_start3A_35 = tpu.memref_slice %arg4[%add3A_34] : memref<328000xi32, #tpu.memory_space<hbm>> -> memref<80xi32, #tpu.memory_space<hbm>>
    %dma_start3A_36 = tpu.memref_slice %arg4[%add3A_34] : memref<328000xi32, #tpu.memory_space<hbm>> -> memref<80xi32, #tpu.memory_space<hbm>>
    tpu.enqueue_dma source(%dma_start3A_36 : memref<80xi32, #tpu.memory_space<hbm>>) target(%arg8 : memref<80xi32, #tpu.memory_space<vmem>>) target_semaphore(%arg19 : memref<!tpu.dma_semaphore, #tpu.memory_space<semaphore_mem>>)
    %add3A_37 = arith.constant 80 : i32
    %add3A_38 = arith.addi %multiple_of3A_31, %add3A_37 : i32
    %dma_start3A_39 = tpu.memref_slice %arg4[%add3A_38] : memref<328000xi32, #tpu.memory_space<hbm>> -> memref<80xi32, #tpu.memory_space<hbm>>
    %dma_start3A_40 = tpu.memref_slice %arg4[%add3A_38] : memref<328000xi32, #tpu.memory_space<hbm>> -> memref<80xi32, #tpu.memory_space<hbm>>
    tpu.enqueue_dma source(%dma_start3A_40 : memref<80xi32, #tpu.memory_space<hbm>>) target(%arg9 : memref<80xi32, #tpu.memory_space<vmem>>) target_semaphore(%arg19 : memref<!tpu.dma_semaphore, #tpu.memory_space<semaphore_mem>>)
    %barrier3A = arith.constant 0 : index
    tpu.barrier barrier_id(%barrier3A)
    %dma_wait3A = arith.constant 0 : i32
    %dma_wait3A_41 = tpu.memref_slice %arg3[%dma_wait3A] : memref<328000xi32, #tpu.memory_space<hbm>> -> memref<160xi32, #tpu.memory_space<hbm>>
    %dma_wait3A_42 = arith.constant 0 : i32
    %dma_wait3A_43 = tpu.memref_slice %arg3[%dma_wait3A_42] : memref<328000xi32, #tpu.memory_space<hbm>> -> memref<160xi32, #tpu.memory_space<hbm>>
    tpu.wait_dma2 semaphore(%arg19 : memref<!tpu.dma_semaphore, #tpu.memory_space<semaphore_mem>>) src(%dma_wait3A_43 : memref<160xi32, #tpu.memory_space<hbm>>) dst(%arg6 : memref<160xi32, #tpu.memory_space<vmem>>)
    %dma_wait3A_44 = arith.constant 0 : i32
    %dma_wait3A_45 = tpu.memref_slice %arg4[%dma_wait3A_44] : memref<328000xi32, #tpu.memory_space<hbm>> -> memref<80xi32, #tpu.memory_space<hbm>>
    %dma_wait3A_46 = arith.constant 0 : i32
    %dma_wait3A_47 = tpu.memref_slice %arg4[%dma_wait3A_46] : memref<328000xi32, #tpu.memory_space<hbm>> -> memref<80xi32, #tpu.memory_space<hbm>>
    tpu.wait_dma2 semaphore(%arg19 : memref<!tpu.dma_semaphore, #tpu.memory_space<semaphore_mem>>) src(%dma_wait3A_47 : memref<80xi32, #tpu.memory_space<hbm>>) dst(%arg8 : memref<80xi32, #tpu.memory_space<vmem>>)
    %dma_wait3A_48 = arith.constant 0 : i32
    %dma_wait3A_49 = tpu.memref_slice %arg4[%dma_wait3A_48] : memref<328000xi32, #tpu.memory_space<hbm>> -> memref<80xi32, #tpu.memory_space<hbm>>
    %dma_wait3A_50 = arith.constant 0 : i32
    %dma_wait3A_51 = tpu.memref_slice %arg4[%dma_wait3A_50] : memref<328000xi32, #tpu.memory_space<hbm>> -> memref<80xi32, #tpu.memory_space<hbm>>
    tpu.wait_dma2 semaphore(%arg19 : memref<!tpu.dma_semaphore, #tpu.memory_space<semaphore_mem>>) src(%dma_wait3A_51 : memref<80xi32, #tpu.memory_space<hbm>>) dst(%arg9 : memref<80xi32, #tpu.memory_space<vmem>>)
    %dma_start3A_52 = arith.constant 0 : i32
    %dma_start3A_53 = arith.constant 0 : i32
    %dma_start3A_54 = tpu.memref_slice %arg2[%dma_start3A_52, %dma_start3A_53] : memref<10000x128xf32, #tpu.memory_space<hbm>> -> memref<10000x128xf32, #tpu.memory_space<hbm>>
    tpu.enqueue_indirect_dma source(%dma_start3A_54 : memref<10000x128xf32, #tpu.memory_space<hbm>>) target(%arg16 : memref<160x128xf32, #tpu.memory_space<vmem>>) offsets(%arg6 : memref<160xi32, #tpu.memory_space<vmem>>) semaphore(%arg21 : memref<!tpu.dma_semaphore, #tpu.memory_space<semaphore_mem>>)
    %add3A_55 = arith.constant 160 : i32
    %add3A_56 = arith.addi %multiple_of3A, %add3A_55 : i32
    %multiple_of3A_57 = tpu.assume_multiple %add3A_56, 8 : i32
    %dma_start3A_58 = tpu.memref_slice %arg3[%multiple_of3A_57] : memref<328000xi32, #tpu.memory_space<hbm>> -> memref<160xi32, #tpu.memory_space<hbm>>
    %dma_start3A_59 = tpu.memref_slice %arg3[%multiple_of3A_57] : memref<328000xi32, #tpu.memory_space<hbm>> -> memref<160xi32, #tpu.memory_space<hbm>>
    tpu.enqueue_dma source(%dma_start3A_59 : memref<160xi32, #tpu.memory_space<hbm>>) target(%arg7 : memref<160xi32, #tpu.memory_space<vmem>>) target_semaphore(%arg20 : memref<!tpu.dma_semaphore, #tpu.memory_space<semaphore_mem>>)
    %add3A_60 = arith.constant 0 : i32
    %add3A_61 = arith.addi %multiple_of3A_57, %add3A_60 : i32
    %dma_start3A_62 = tpu.memref_slice %arg4[%add3A_61] : memref<328000xi32, #tpu.memory_space<hbm>> -> memref<80xi32, #tpu.memory_space<hbm>>
    %dma_start3A_63 = tpu.memref_slice %arg4[%add3A_61] : memref<328000xi32, #tpu.memory_space<hbm>> -> memref<80xi32, #tpu.memory_space<hbm>>
    tpu.enqueue_dma source(%dma_start3A_63 : memref<80xi32, #tpu.memory_space<hbm>>) target(%arg10 : memref<80xi32, #tpu.memory_space<vmem>>) target_semaphore(%arg20 : memref<!tpu.dma_semaphore, #tpu.memory_space<semaphore_mem>>)
    %add3A_64 = arith.constant 80 : i32
    %add3A_65 = arith.addi %multiple_of3A_57, %add3A_64 : i32
    %dma_start3A_66 = tpu.memref_slice %arg4[%add3A_65] : memref<328000xi32, #tpu.memory_space<hbm>> -> memref<80xi32, #tpu.memory_space<hbm>>
    %dma_start3A_67 = tpu.memref_slice %arg4[%add3A_65] : memref<328000xi32, #tpu.memory_space<hbm>> -> memref<80xi32, #tpu.memory_space<hbm>>
    tpu.enqueue_dma source(%dma_start3A_67 : memref<80xi32, #tpu.memory_space<hbm>>) target(%arg11 : memref<80xi32, #tpu.memory_space<vmem>>) target_semaphore(%arg20 : memref<!tpu.dma_semaphore, #tpu.memory_space<semaphore_mem>>)
    %scan3A_68 = arith.constant 0 : i32
    %scan3A_69 = arith.constant 0 : i32
    %scan3A_70 = arith.constant 16 : i32
    %scan3A_71 = arith.addi %scan3A_69, %scan3A_70 : i32
    %scan3A_72 = arith.constant 1 : i32
    scf.for %scan3A_93 = %scan3A_69 to %scan3A_71 step %scan3A_72  : i32 {
      %mul3A_94 = arith.constant 4 : i32
      %mul3A_95 = arith.muli %scan3A_93, %mul3A_94 : i32
      %add3A_96 = arith.constant 0 : i32
      %add3A_97 = arith.addi %mul3A_95, %add3A_96 : i32
      %dma_wait3A_98 = arith.constant 0 : i32
      %dma_wait3A_99 = arith.constant 0 : i32
      %dma_wait3A_100 = tpu.memref_slice %arg2[%dma_wait3A_98, %dma_wait3A_99] : memref<10000x128xf32, #tpu.memory_space<hbm>> -> memref<10000x128xf32, #tpu.memory_space<hbm>>
      tpu.wait_indirect_dma semaphore(%arg21 : memref<!tpu.dma_semaphore, #tpu.memory_space<semaphore_mem>>) src(%dma_wait3A_100 : memref<10000x128xf32, #tpu.memory_space<hbm>>) dst(%arg16 : memref<160x128xf32, #tpu.memory_space<vmem>>)
      %dma_wait3A_101 = arith.constant 0 : i32
      %dma_wait3A_102 = tpu.memref_slice %arg3[%dma_wait3A_101] : memref<328000xi32, #tpu.memory_space<hbm>> -> memref<160xi32, #tpu.memory_space<hbm>>
      %dma_wait3A_103 = arith.constant 0 : i32
      %dma_wait3A_104 = tpu.memref_slice %arg3[%dma_wait3A_103] : memref<328000xi32, #tpu.memory_space<hbm>> -> memref<160xi32, #tpu.memory_space<hbm>>
      tpu.wait_dma2 semaphore(%arg20 : memref<!tpu.dma_semaphore, #tpu.memory_space<semaphore_mem>>) src(%dma_wait3A_104 : memref<160xi32, #tpu.memory_space<hbm>>) dst(%arg7 : memref<160xi32, #tpu.memory_space<vmem>>)
      %dma_wait3A_105 = arith.constant 0 : i32
      %dma_wait3A_106 = tpu.memref_slice %arg4[%dma_wait3A_105] : memref<328000xi32, #tpu.memory_space<hbm>> -> memref<80xi32, #tpu.memory_space<hbm>>
      %dma_wait3A_107 = arith.constant 0 : i32
      %dma_wait3A_108 = tpu.memref_slice %arg4[%dma_wait3A_107] : memref<328000xi32, #tpu.memory_space<hbm>> -> memref<80xi32, #tpu.memory_space<hbm>>
      tpu.wait_dma2 semaphore(%arg20 : memref<!tpu.dma_semaphore, #tpu.memory_space<semaphore_mem>>) src(%dma_wait3A_108 : memref<80xi32, #tpu.memory_space<hbm>>) dst(%arg8 : memref<80xi32, #tpu.memory_space<vmem>>)
      %dma_wait3A_109 = arith.constant 0 : i32
      %dma_wait3A_110 = tpu.memref_slice %arg4[%dma_wait3A_109] : memref<328000xi32, #tpu.memory_space<hbm>> -> memref<80xi32, #tpu.memory_space<hbm>>
      %dma_wait3A_111 = arith.constant 0 : i32
      %dma_wait3A_112 = tpu.memref_slice %arg4[%dma_wait3A_111] : memref<328000xi32, #tpu.memory_space<hbm>> -> memref<80xi32, #tpu.memory_space<hbm>>
      tpu.wait_dma2 semaphore(%arg20 : memref<!tpu.dma_semaphore, #tpu.memory_space<semaphore_mem>>) src(%dma_wait3A_112 : memref<80xi32, #tpu.memory_space<hbm>>) dst(%arg9 : memref<80xi32, #tpu.memory_space<vmem>>)
      %dma_start3A_113 = arith.constant 0 : i32
      %dma_start3A_114 = arith.constant 0 : i32
      %dma_start3A_115 = tpu.memref_slice %arg2[%dma_start3A_113, %dma_start3A_114] : memref<10000x128xf32, #tpu.memory_space<hbm>> -> memref<10000x128xf32, #tpu.memory_space<hbm>>
      tpu.enqueue_indirect_dma source(%dma_start3A_115 : memref<10000x128xf32, #tpu.memory_space<hbm>>) target(%arg17 : memref<160x128xf32, #tpu.memory_space<vmem>>) offsets(%arg7 : memref<160xi32, #tpu.memory_space<vmem>>) semaphore(%arg22 : memref<!tpu.dma_semaphore, #tpu.memory_space<semaphore_mem>>)
      "tpu.region"() ({
        %run_scoped3A = tpu.sem_alloc : memref<!tpu.dma_semaphore, #tpu.memory_space<semaphore_mem>>
        %dma_start3A_240 = arith.constant 0 : i32
        %dma_start3A_241 = arith.constant 0 : i32
        %dma_start3A_242 = tpu.memref_slice %arg16[%dma_start3A_240, %dma_start3A_241] : memref<160x128xf32, #tpu.memory_space<vmem>> -> memref<80x128xf32, #tpu.memory_space<vmem>>
        %dma_start3A_243 = arith.constant 0 : i32
        %dma_start3A_244 = arith.constant 0 : i32
        %dma_start3A_245 = tpu.memref_slice %arg18[%dma_start3A_243, %dma_start3A_244] : memref<10240x128xf32, #tpu.memory_space<vmem_shared>> -> memref<10240x128xf32, #tpu.memory_space<vmem_shared>>
        tpu.enqueue_indirect_dma source(%dma_start3A_242 : memref<80x128xf32, #tpu.memory_space<vmem>>) target(%dma_start3A_245 : memref<10240x128xf32, #tpu.memory_space<vmem_shared>>) offsets(%arg8 : memref<80xi32, #tpu.memory_space<vmem>>) semaphore(%run_scoped3A : memref<!tpu.dma_semaphore, #tpu.memory_space<semaphore_mem>>) {add = true}
        %dma_wait3A_246 = arith.constant 0 : i32
        %dma_wait3A_247 = arith.constant 0 : i32
        %dma_wait3A_248 = tpu.memref_slice %arg16[%dma_wait3A_246, %dma_wait3A_247] : memref<160x128xf32, #tpu.memory_space<vmem>> -> memref<80x128xf32, #tpu.memory_space<vmem>>
        %dma_wait3A_249 = arith.constant 0 : i32
        %dma_wait3A_250 = arith.constant 0 : i32
        %dma_wait3A_251 = tpu.memref_slice %arg18[%dma_wait3A_249, %dma_wait3A_250] : memref<10240x128xf32, #tpu.memory_space<vmem_shared>> -> memref<10240x128xf32, #tpu.memory_space<vmem_shared>>
        tpu.wait_indirect_dma semaphore(%run_scoped3A : memref<!tpu.dma_semaphore, #tpu.memory_space<semaphore_mem>>) src(%dma_wait3A_248 : memref<80x128xf32, #tpu.memory_space<vmem>>) dst(%dma_wait3A_251 : memref<10240x128xf32, #tpu.memory_space<vmem_shared>>)
        tpu.yield
      }) : () -> ()
      "tpu.region"() ({
        %run_scoped3A = tpu.sem_alloc : memref<!tpu.dma_semaphore, #tpu.memory_space<semaphore_mem>>
        %dma_start3A_240 = arith.constant 80 : i32
        %dma_start3A_241 = arith.constant 0 : i32
        %dma_start3A_242 = tpu.memref_slice %arg16[%dma_start3A_240, %dma_start3A_241] : memref<160x128xf32, #tpu.memory_space<vmem>> -> memref<80x128xf32, #tpu.memory_space<vmem>>
        %dma_start3A_243 = arith.constant 0 : i32
        %dma_start3A_244 = arith.constant 0 : i32
        %dma_start3A_245 = tpu.memref_slice %arg18[%dma_start3A_243, %dma_start3A_244] : memref<10240x128xf32, #tpu.memory_space<vmem_shared>> -> memref<10240x128xf32, #tpu.memory_space<vmem_shared>>
        tpu.enqueue_indirect_dma source(%dma_start3A_242 : memref<80x128xf32, #tpu.memory_space<vmem>>) target(%dma_start3A_245 : memref<10240x128xf32, #tpu.memory_space<vmem_shared>>) offsets(%arg9 : memref<80xi32, #tpu.memory_space<vmem>>) semaphore(%run_scoped3A : memref<!tpu.dma_semaphore, #tpu.memory_space<semaphore_mem>>) {add = true}
        %dma_wait3A_246 = arith.constant 80 : i32
        %dma_wait3A_247 = arith.constant 0 : i32
        %dma_wait3A_248 = tpu.memref_slice %arg16[%dma_wait3A_246, %dma_wait3A_247] : memref<160x128xf32, #tpu.memory_space<vmem>> -> memref<80x128xf32, #tpu.memory_space<vmem>>
        %dma_wait3A_249 = arith.constant 0 : i32
        %dma_wait3A_250 = arith.constant 0 : i32
        %dma_wait3A_251 = tpu.memref_slice %arg18[%dma_wait3A_249, %dma_wait3A_250] : memref<10240x128xf32, #tpu.memory_space<vmem_shared>> -> memref<10240x128xf32, #tpu.memory_space<vmem_shared>>
        tpu.wait_indirect_dma semaphore(%run_scoped3A : memref<!tpu.dma_semaphore, #tpu.memory_space<semaphore_mem>>) src(%dma_wait3A_248 : memref<80x128xf32, #tpu.memory_space<vmem>>) dst(%dma_wait3A_251 : memref<10240x128xf32, #tpu.memory_space<vmem_shared>>)
        tpu.yield
      }) : () -> ()
      %add3A_116 = arith.constant 2 : i32
      %add3A_117 = arith.addi %add3A_97, %add3A_116 : i32
      %mul3A_118 = arith.constant 160 : i32
      %mul3A_119 = arith.muli %add3A_117, %mul3A_118 : i32
      %add3A_120 = arith.addi %multiple_of3A, %mul3A_119 : i32
      %multiple_of3A_121 = tpu.assume_multiple %add3A_120, 8 : i32
      %dma_start3A_122 = tpu.memref_slice %arg3[%multiple_of3A_121] : memref<328000xi32, #tpu.memory_space<hbm>> -> memref<160xi32, #tpu.memory_space<hbm>>
      %dma_start3A_123 = tpu.memref_slice %arg3[%multiple_of3A_121] : memref<328000xi32, #tpu.memory_space<hbm>> -> memref<160xi32, #tpu.memory_space<hbm>>
      tpu.enqueue_dma source(%dma_start3A_123 : memref<160xi32, #tpu.memory_space<hbm>>) target(%arg6 : memref<160xi32, #tpu.memory_space<vmem>>) target_semaphore(%arg19 : memref<!tpu.dma_semaphore, #tpu.memory_space<semaphore_mem>>)
      %add3A_124 = arith.constant 0 : i32
      %add3A_125 = arith.addi %multiple_of3A_121, %add3A_124 : i32
      %dma_start3A_126 = tpu.memref_slice %arg4[%add3A_125] : memref<328000xi32, #tpu.memory_space<hbm>> -> memref<80xi32, #tpu.memory_space<hbm>>
      %dma_start3A_127 = tpu.memref_slice %arg4[%add3A_125] : memref<328000xi32, #tpu.memory_space<hbm>> -> memref<80xi32, #tpu.memory_space<hbm>>
      tpu.enqueue_dma source(%dma_start3A_127 : memref<80xi32, #tpu.memory_space<hbm>>) target(%arg12 : memref<80xi32, #tpu.memory_space<vmem>>) target_semaphore(%arg19 : memref<!tpu.dma_semaphore, #tpu.memory_space<semaphore_mem>>)
      %add3A_128 = arith.constant 80 : i32
      %add3A_129 = arith.addi %multiple_of3A_121, %add3A_128 : i32
      %dma_start3A_130 = tpu.memref_slice %arg4[%add3A_129] : memref<328000xi32, #tpu.memory_space<hbm>> -> memref<80xi32, #tpu.memory_space<hbm>>
      %dma_start3A_131 = tpu.memref_slice %arg4[%add3A_129] : memref<328000xi32, #tpu.memory_space<hbm>> -> memref<80xi32, #tpu.memory_space<hbm>>
      tpu.enqueue_dma source(%dma_start3A_131 : memref<80xi32, #tpu.memory_space<hbm>>) target(%arg13 : memref<80xi32, #tpu.memory_space<vmem>>) target_semaphore(%arg19 : memref<!tpu.dma_semaphore, #tpu.memory_space<semaphore_mem>>)
      %add3A_132 = arith.constant 1 : i32
      %add3A_133 = arith.addi %mul3A_95, %add3A_132 : i32
      %dma_wait3A_134 = arith.constant 0 : i32
      %dma_wait3A_135 = arith.constant 0 : i32
      %dma_wait3A_136 = tpu.memref_slice %arg2[%dma_wait3A_134, %dma_wait3A_135] : memref<10000x128xf32, #tpu.memory_space<hbm>> -> memref<10000x128xf32, #tpu.memory_space<hbm>>
      tpu.wait_indirect_dma semaphore(%arg22 : memref<!tpu.dma_semaphore, #tpu.memory_space<semaphore_mem>>) src(%dma_wait3A_136 : memref<10000x128xf32, #tpu.memory_space<hbm>>) dst(%arg17 : memref<160x128xf32, #tpu.memory_space<vmem>>)
      %dma_wait3A_137 = arith.constant 0 : i32
      %dma_wait3A_138 = tpu.memref_slice %arg3[%dma_wait3A_137] : memref<328000xi32, #tpu.memory_space<hbm>> -> memref<160xi32, #tpu.memory_space<hbm>>
      %dma_wait3A_139 = arith.constant 0 : i32
      %dma_wait3A_140 = tpu.memref_slice %arg3[%dma_wait3A_139] : memref<328000xi32, #tpu.memory_space<hbm>> -> memref<160xi32, #tpu.memory_space<hbm>>
      tpu.wait_dma2 semaphore(%arg19 : memref<!tpu.dma_semaphore, #tpu.memory_space<semaphore_mem>>) src(%dma_wait3A_140 : memref<160xi32, #tpu.memory_space<hbm>>) dst(%arg6 : memref<160xi32, #tpu.memory_space<vmem>>)
      %dma_wait3A_141 = arith.constant 0 : i32
      %dma_wait3A_142 = tpu.memref_slice %arg4[%dma_wait3A_141] : memref<328000xi32, #tpu.memory_space<hbm>> -> memref<80xi32, #tpu.memory_space<hbm>>
      %dma_wait3A_143 = arith.constant 0 : i32
      %dma_wait3A_144 = tpu.memref_slice %arg4[%dma_wait3A_143] : memref<328000xi32, #tpu.memory_space<hbm>> -> memref<80xi32, #tpu.memory_space<hbm>>
      tpu.wait_dma2 semaphore(%arg19 : memref<!tpu.dma_semaphore, #tpu.memory_space<semaphore_mem>>) src(%dma_wait3A_144 : memref<80xi32, #tpu.memory_space<hbm>>) dst(%arg8 : memref<80xi32, #tpu.memory_space<vmem>>)
      %dma_wait3A_145 = arith.constant 0 : i32
      %dma_wait3A_146 = tpu.memref_slice %arg4[%dma_wait3A_145] : memref<328000xi32, #tpu.memory_space<hbm>> -> memref<80xi32, #tpu.memory_space<hbm>>
      %dma_wait3A_147 = arith.constant 0 : i32
      %dma_wait3A_148 = tpu.memref_slice %arg4[%dma_wait3A_147] : memref<328000xi32, #tpu.memory_space<hbm>> -> memref<80xi32, #tpu.memory_space<hbm>>
      tpu.wait_dma2 semaphore(%arg19 : memref<!tpu.dma_semaphore, #tpu.memory_space<semaphore_mem>>) src(%dma_wait3A_148 : memref<80xi32, #tpu.memory_space<hbm>>) dst(%arg9 : memref<80xi32, #tpu.memory_space<vmem>>)
      %dma_start3A_149 = arith.constant 0 : i32
      %dma_start3A_150 = arith.constant 0 : i32
      %dma_start3A_151 = tpu.memref_slice %arg2[%dma_start3A_149, %dma_start3A_150] : memref<10000x128xf32, #tpu.memory_space<hbm>> -> memref<10000x128xf32, #tpu.memory_space<hbm>>
      tpu.enqueue_indirect_dma source(%dma_start3A_151 : memref<10000x128xf32, #tpu.memory_space<hbm>>) target(%arg16 : memref<160x128xf32, #tpu.memory_space<vmem>>) offsets(%arg6 : memref<160xi32, #tpu.memory_space<vmem>>) semaphore(%arg21 : memref<!tpu.dma_semaphore, #tpu.memory_space<semaphore_mem>>)
      "tpu.region"() ({
        %run_scoped3A = tpu.sem_alloc : memref<!tpu.dma_semaphore, #tpu.memory_space<semaphore_mem>>
        %dma_start3A_240 = arith.constant 0 : i32
        %dma_start3A_241 = arith.constant 0 : i32
        %dma_start3A_242 = tpu.memref_slice %arg17[%dma_start3A_240, %dma_start3A_241] : memref<160x128xf32, #tpu.memory_space<vmem>> -> memref<80x128xf32, #tpu.memory_space<vmem>>
        %dma_start3A_243 = arith.constant 0 : i32
        %dma_start3A_244 = arith.constant 0 : i32
        %dma_start3A_245 = tpu.memref_slice %arg18[%dma_start3A_243, %dma_start3A_244] : memref<10240x128xf32, #tpu.memory_space<vmem_shared>> -> memref<10240x128xf32, #tpu.memory_space<vmem_shared>>
        tpu.enqueue_indirect_dma source(%dma_start3A_242 : memref<80x128xf32, #tpu.memory_space<vmem>>) target(%dma_start3A_245 : memref<10240x128xf32, #tpu.memory_space<vmem_shared>>) offsets(%arg10 : memref<80xi32, #tpu.memory_space<vmem>>) semaphore(%run_scoped3A : memref<!tpu.dma_semaphore, #tpu.memory_space<semaphore_mem>>) {add = true}
        %dma_wait3A_246 = arith.constant 0 : i32
        %dma_wait3A_247 = arith.constant 0 : i32
        %dma_wait3A_248 = tpu.memref_slice %arg17[%dma_wait3A_246, %dma_wait3A_247] : memref<160x128xf32, #tpu.memory_space<vmem>> -> memref<80x128xf32, #tpu.memory_space<vmem>>
        %dma_wait3A_249 = arith.constant 0 : i32
        %dma_wait3A_250 = arith.constant 0 : i32
        %dma_wait3A_251 = tpu.memref_slice %arg18[%dma_wait3A_249, %dma_wait3A_250] : memref<10240x128xf32, #tpu.memory_space<vmem_shared>> -> memref<10240x128xf32, #tpu.memory_space<vmem_shared>>
        tpu.wait_indirect_dma semaphore(%run_scoped3A : memref<!tpu.dma_semaphore, #tpu.memory_space<semaphore_mem>>) src(%dma_wait3A_248 : memref<80x128xf32, #tpu.memory_space<vmem>>) dst(%dma_wait3A_251 : memref<10240x128xf32, #tpu.memory_space<vmem_shared>>)
        tpu.yield
      }) : () -> ()
      "tpu.region"() ({
        %run_scoped3A = tpu.sem_alloc : memref<!tpu.dma_semaphore, #tpu.memory_space<semaphore_mem>>
        %dma_start3A_240 = arith.constant 80 : i32
        %dma_start3A_241 = arith.constant 0 : i32
        %dma_start3A_242 = tpu.memref_slice %arg17[%dma_start3A_240, %dma_start3A_241] : memref<160x128xf32, #tpu.memory_space<vmem>> -> memref<80x128xf32, #tpu.memory_space<vmem>>
        %dma_start3A_243 = arith.constant 0 : i32
        %dma_start3A_244 = arith.constant 0 : i32
        %dma_start3A_245 = tpu.memref_slice %arg18[%dma_start3A_243, %dma_start3A_244] : memref<10240x128xf32, #tpu.memory_space<vmem_shared>> -> memref<10240x128xf32, #tpu.memory_space<vmem_shared>>
        tpu.enqueue_indirect_dma source(%dma_start3A_242 : memref<80x128xf32, #tpu.memory_space<vmem>>) target(%dma_start3A_245 : memref<10240x128xf32, #tpu.memory_space<vmem_shared>>) offsets(%arg11 : memref<80xi32, #tpu.memory_space<vmem>>) semaphore(%run_scoped3A : memref<!tpu.dma_semaphore, #tpu.memory_space<semaphore_mem>>) {add = true}
        %dma_wait3A_246 = arith.constant 80 : i32
        %dma_wait3A_247 = arith.constant 0 : i32
        %dma_wait3A_248 = tpu.memref_slice %arg17[%dma_wait3A_246, %dma_wait3A_247] : memref<160x128xf32, #tpu.memory_space<vmem>> -> memref<80x128xf32, #tpu.memory_space<vmem>>
        %dma_wait3A_249 = arith.constant 0 : i32
        %dma_wait3A_250 = arith.constant 0 : i32
        %dma_wait3A_251 = tpu.memref_slice %arg18[%dma_wait3A_249, %dma_wait3A_250] : memref<10240x128xf32, #tpu.memory_space<vmem_shared>> -> memref<10240x128xf32, #tpu.memory_space<vmem_shared>>
        tpu.wait_indirect_dma semaphore(%run_scoped3A : memref<!tpu.dma_semaphore, #tpu.memory_space<semaphore_mem>>) src(%dma_wait3A_248 : memref<80x128xf32, #tpu.memory_space<vmem>>) dst(%dma_wait3A_251 : memref<10240x128xf32, #tpu.memory_space<vmem_shared>>)
        tpu.yield
      }) : () -> ()
      %add3A_152 = arith.constant 2 : i32
      %add3A_153 = arith.addi %add3A_133, %add3A_152 : i32
      %mul3A_154 = arith.constant 160 : i32
      %mul3A_155 = arith.muli %add3A_153, %mul3A_154 : i32
      %add3A_156 = arith.addi %multiple_of3A, %mul3A_155 : i32
      %multiple_of3A_157 = tpu.assume_multiple %add3A_156, 8 : i32
      %dma_start3A_158 = tpu.memref_slice %arg3[%multiple_of3A_157] : memref<328000xi32, #tpu.memory_space<hbm>> -> memref<160xi32, #tpu.memory_space<hbm>>
      %dma_start3A_159 = tpu.memref_slice %arg3[%multiple_of3A_157] : memref<328000xi32, #tpu.memory_space<hbm>> -> memref<160xi32, #tpu.memory_space<hbm>>
      tpu.enqueue_dma source(%dma_start3A_159 : memref<160xi32, #tpu.memory_space<hbm>>) target(%arg7 : memref<160xi32, #tpu.memory_space<vmem>>) target_semaphore(%arg20 : memref<!tpu.dma_semaphore, #tpu.memory_space<semaphore_mem>>)
      %add3A_160 = arith.constant 0 : i32
      %add3A_161 = arith.addi %multiple_of3A_157, %add3A_160 : i32
      %dma_start3A_162 = tpu.memref_slice %arg4[%add3A_161] : memref<328000xi32, #tpu.memory_space<hbm>> -> memref<80xi32, #tpu.memory_space<hbm>>
      %dma_start3A_163 = tpu.memref_slice %arg4[%add3A_161] : memref<328000xi32, #tpu.memory_space<hbm>> -> memref<80xi32, #tpu.memory_space<hbm>>
      tpu.enqueue_dma source(%dma_start3A_163 : memref<80xi32, #tpu.memory_space<hbm>>) target(%arg14 : memref<80xi32, #tpu.memory_space<vmem>>) target_semaphore(%arg20 : memref<!tpu.dma_semaphore, #tpu.memory_space<semaphore_mem>>)
      %add3A_164 = arith.constant 80 : i32
      %add3A_165 = arith.addi %multiple_of3A_157, %add3A_164 : i32
      %dma_start3A_166 = tpu.memref_slice %arg4[%add3A_165] : memref<328000xi32, #tpu.memory_space<hbm>> -> memref<80xi32, #tpu.memory_space<hbm>>
      %dma_start3A_167 = tpu.memref_slice %arg4[%add3A_165] : memref<328000xi32, #tpu.memory_space<hbm>> -> memref<80xi32, #tpu.memory_space<hbm>>
      tpu.enqueue_dma source(%dma_start3A_167 : memref<80xi32, #tpu.memory_space<hbm>>) target(%arg15 : memref<80xi32, #tpu.memory_space<vmem>>) target_semaphore(%arg20 : memref<!tpu.dma_semaphore, #tpu.memory_space<semaphore_mem>>)
      %add3A_168 = arith.constant 2 : i32
      %add3A_169 = arith.addi %mul3A_95, %add3A_168 : i32
      %dma_wait3A_170 = arith.constant 0 : i32
      %dma_wait3A_171 = arith.constant 0 : i32
      %dma_wait3A_172 = tpu.memref_slice %arg2[%dma_wait3A_170, %dma_wait3A_171] : memref<10000x128xf32, #tpu.memory_space<hbm>> -> memref<10000x128xf32, #tpu.memory_space<hbm>>
      tpu.wait_indirect_dma semaphore(%arg21 : memref<!tpu.dma_semaphore, #tpu.memory_space<semaphore_mem>>) src(%dma_wait3A_172 : memref<10000x128xf32, #tpu.memory_space<hbm>>) dst(%arg16 : memref<160x128xf32, #tpu.memory_space<vmem>>)
      %dma_wait3A_173 = arith.constant 0 : i32
      %dma_wait3A_174 = tpu.memref_slice %arg3[%dma_wait3A_173] : memref<328000xi32, #tpu.memory_space<hbm>> -> memref<160xi32, #tpu.memory_space<hbm>>
      %dma_wait3A_175 = arith.constant 0 : i32
      %dma_wait3A_176 = tpu.memref_slice %arg3[%dma_wait3A_175] : memref<328000xi32, #tpu.memory_space<hbm>> -> memref<160xi32, #tpu.memory_space<hbm>>
      tpu.wait_dma2 semaphore(%arg20 : memref<!tpu.dma_semaphore, #tpu.memory_space<semaphore_mem>>) src(%dma_wait3A_176 : memref<160xi32, #tpu.memory_space<hbm>>) dst(%arg7 : memref<160xi32, #tpu.memory_space<vmem>>)
      %dma_wait3A_177 = arith.constant 0 : i32
      %dma_wait3A_178 = tpu.memref_slice %arg4[%dma_wait3A_177] : memref<328000xi32, #tpu.memory_space<hbm>> -> memref<80xi32, #tpu.memory_space<hbm>>
      %dma_wait3A_179 = arith.constant 0 : i32
      %dma_wait3A_180 = tpu.memref_slice %arg4[%dma_wait3A_179] : memref<328000xi32, #tpu.memory_space<hbm>> -> memref<80xi32, #tpu.memory_space<hbm>>
      tpu.wait_dma2 semaphore(%arg20 : memref<!tpu.dma_semaphore, #tpu.memory_space<semaphore_mem>>) src(%dma_wait3A_180 : memref<80xi32, #tpu.memory_space<hbm>>) dst(%arg8 : memref<80xi32, #tpu.memory_space<vmem>>)
      %dma_wait3A_181 = arith.constant 0 : i32
      %dma_wait3A_182 = tpu.memref_slice %arg4[%dma_wait3A_181] : memref<328000xi32, #tpu.memory_space<hbm>> -> memref<80xi32, #tpu.memory_space<hbm>>
      %dma_wait3A_183 = arith.constant 0 : i32
      %dma_wait3A_184 = tpu.memref_slice %arg4[%dma_wait3A_183] : memref<328000xi32, #tpu.memory_space<hbm>> -> memref<80xi32, #tpu.memory_space<hbm>>
      tpu.wait_dma2 semaphore(%arg20 : memref<!tpu.dma_semaphore, #tpu.memory_space<semaphore_mem>>) src(%dma_wait3A_184 : memref<80xi32, #tpu.memory_space<hbm>>) dst(%arg9 : memref<80xi32, #tpu.memory_space<vmem>>)
      %dma_start3A_185 = arith.constant 0 : i32
      %dma_start3A_186 = arith.constant 0 : i32
      %dma_start3A_187 = tpu.memref_slice %arg2[%dma_start3A_185, %dma_start3A_186] : memref<10000x128xf32, #tpu.memory_space<hbm>> -> memref<10000x128xf32, #tpu.memory_space<hbm>>
      tpu.enqueue_indirect_dma source(%dma_start3A_187 : memref<10000x128xf32, #tpu.memory_space<hbm>>) target(%arg17 : memref<160x128xf32, #tpu.memory_space<vmem>>) offsets(%arg7 : memref<160xi32, #tpu.memory_space<vmem>>) semaphore(%arg22 : memref<!tpu.dma_semaphore, #tpu.memory_space<semaphore_mem>>)
      "tpu.region"() ({
        %run_scoped3A = tpu.sem_alloc : memref<!tpu.dma_semaphore, #tpu.memory_space<semaphore_mem>>
        %dma_start3A_240 = arith.constant 0 : i32
        %dma_start3A_241 = arith.constant 0 : i32
        %dma_start3A_242 = tpu.memref_slice %arg16[%dma_start3A_240, %dma_start3A_241] : memref<160x128xf32, #tpu.memory_space<vmem>> -> memref<80x128xf32, #tpu.memory_space<vmem>>
        %dma_start3A_243 = arith.constant 0 : i32
        %dma_start3A_244 = arith.constant 0 : i32
        %dma_start3A_245 = tpu.memref_slice %arg18[%dma_start3A_243, %dma_start3A_244] : memref<10240x128xf32, #tpu.memory_space<vmem_shared>> -> memref<10240x128xf32, #tpu.memory_space<vmem_shared>>
        tpu.enqueue_indirect_dma source(%dma_start3A_242 : memref<80x128xf32, #tpu.memory_space<vmem>>) target(%dma_start3A_245 : memref<10240x128xf32, #tpu.memory_space<vmem_shared>>) offsets(%arg12 : memref<80xi32, #tpu.memory_space<vmem>>) semaphore(%run_scoped3A : memref<!tpu.dma_semaphore, #tpu.memory_space<semaphore_mem>>) {add = true}
        %dma_wait3A_246 = arith.constant 0 : i32
        %dma_wait3A_247 = arith.constant 0 : i32
        %dma_wait3A_248 = tpu.memref_slice %arg16[%dma_wait3A_246, %dma_wait3A_247] : memref<160x128xf32, #tpu.memory_space<vmem>> -> memref<80x128xf32, #tpu.memory_space<vmem>>
        %dma_wait3A_249 = arith.constant 0 : i32
        %dma_wait3A_250 = arith.constant 0 : i32
        %dma_wait3A_251 = tpu.memref_slice %arg18[%dma_wait3A_249, %dma_wait3A_250] : memref<10240x128xf32, #tpu.memory_space<vmem_shared>> -> memref<10240x128xf32, #tpu.memory_space<vmem_shared>>
        tpu.wait_indirect_dma semaphore(%run_scoped3A : memref<!tpu.dma_semaphore, #tpu.memory_space<semaphore_mem>>) src(%dma_wait3A_248 : memref<80x128xf32, #tpu.memory_space<vmem>>) dst(%dma_wait3A_251 : memref<10240x128xf32, #tpu.memory_space<vmem_shared>>)
        tpu.yield
      }) : () -> ()
      "tpu.region"() ({
        %run_scoped3A = tpu.sem_alloc : memref<!tpu.dma_semaphore, #tpu.memory_space<semaphore_mem>>
        %dma_start3A_240 = arith.constant 80 : i32
        %dma_start3A_241 = arith.constant 0 : i32
        %dma_start3A_242 = tpu.memref_slice %arg16[%dma_start3A_240, %dma_start3A_241] : memref<160x128xf32, #tpu.memory_space<vmem>> -> memref<80x128xf32, #tpu.memory_space<vmem>>
        %dma_start3A_243 = arith.constant 0 : i32
        %dma_start3A_244 = arith.constant 0 : i32
        %dma_start3A_245 = tpu.memref_slice %arg18[%dma_start3A_243, %dma_start3A_244] : memref<10240x128xf32, #tpu.memory_space<vmem_shared>> -> memref<10240x128xf32, #tpu.memory_space<vmem_shared>>
        tpu.enqueue_indirect_dma source(%dma_start3A_242 : memref<80x128xf32, #tpu.memory_space<vmem>>) target(%dma_start3A_245 : memref<10240x128xf32, #tpu.memory_space<vmem_shared>>) offsets(%arg13 : memref<80xi32, #tpu.memory_space<vmem>>) semaphore(%run_scoped3A : memref<!tpu.dma_semaphore, #tpu.memory_space<semaphore_mem>>) {add = true}
        %dma_wait3A_246 = arith.constant 80 : i32
        %dma_wait3A_247 = arith.constant 0 : i32
        %dma_wait3A_248 = tpu.memref_slice %arg16[%dma_wait3A_246, %dma_wait3A_247] : memref<160x128xf32, #tpu.memory_space<vmem>> -> memref<80x128xf32, #tpu.memory_space<vmem>>
        %dma_wait3A_249 = arith.constant 0 : i32
        %dma_wait3A_250 = arith.constant 0 : i32
        %dma_wait3A_251 = tpu.memref_slice %arg18[%dma_wait3A_249, %dma_wait3A_250] : memref<10240x128xf32, #tpu.memory_space<vmem_shared>> -> memref<10240x128xf32, #tpu.memory_space<vmem_shared>>
        tpu.wait_indirect_dma semaphore(%run_scoped3A : memref<!tpu.dma_semaphore, #tpu.memory_space<semaphore_mem>>) src(%dma_wait3A_248 : memref<80x128xf32, #tpu.memory_space<vmem>>) dst(%dma_wait3A_251 : memref<10240x128xf32, #tpu.memory_space<vmem_shared>>)
        tpu.yield
      }) : () -> ()
      %add3A_188 = arith.constant 2 : i32
      %add3A_189 = arith.addi %add3A_169, %add3A_188 : i32
      %mul3A_190 = arith.constant 160 : i32
      %mul3A_191 = arith.muli %add3A_189, %mul3A_190 : i32
      %add3A_192 = arith.addi %multiple_of3A, %mul3A_191 : i32
      %multiple_of3A_193 = tpu.assume_multiple %add3A_192, 8 : i32
      %dma_start3A_194 = tpu.memref_slice %arg3[%multiple_of3A_193] : memref<328000xi32, #tpu.memory_space<hbm>> -> memref<160xi32, #tpu.memory_space<hbm>>
      %dma_start3A_195 = tpu.memref_slice %arg3[%multiple_of3A_193] : memref<328000xi32, #tpu.memory_space<hbm>> -> memref<160xi32, #tpu.memory_space<hbm>>
      tpu.enqueue_dma source(%dma_start3A_195 : memref<160xi32, #tpu.memory_space<hbm>>) target(%arg6 : memref<160xi32, #tpu.memory_space<vmem>>) target_semaphore(%arg19 : memref<!tpu.dma_semaphore, #tpu.memory_space<semaphore_mem>>)
      %add3A_196 = arith.constant 0 : i32
      %add3A_197 = arith.addi %multiple_of3A_193, %add3A_196 : i32
      %dma_start3A_198 = tpu.memref_slice %arg4[%add3A_197] : memref<328000xi32, #tpu.memory_space<hbm>> -> memref<80xi32, #tpu.memory_space<hbm>>
      %dma_start3A_199 = tpu.memref_slice %arg4[%add3A_197] : memref<328000xi32, #tpu.memory_space<hbm>> -> memref<80xi32, #tpu.memory_space<hbm>>
      tpu.enqueue_dma source(%dma_start3A_199 : memref<80xi32, #tpu.memory_space<hbm>>) target(%arg8 : memref<80xi32, #tpu.memory_space<vmem>>) target_semaphore(%arg19 : memref<!tpu.dma_semaphore, #tpu.memory_space<semaphore_mem>>)
      %add3A_200 = arith.constant 80 : i32
      %add3A_201 = arith.addi %multiple_of3A_193, %add3A_200 : i32
      %dma_start3A_202 = tpu.memref_slice %arg4[%add3A_201] : memref<328000xi32, #tpu.memory_space<hbm>> -> memref<80xi32, #tpu.memory_space<hbm>>
      %dma_start3A_203 = tpu.memref_slice %arg4[%add3A_201] : memref<328000xi32, #tpu.memory_space<hbm>> -> memref<80xi32, #tpu.memory_space<hbm>>
      tpu.enqueue_dma source(%dma_start3A_203 : memref<80xi32, #tpu.memory_space<hbm>>) target(%arg9 : memref<80xi32, #tpu.memory_space<vmem>>) target_semaphore(%arg19 : memref<!tpu.dma_semaphore, #tpu.memory_space<semaphore_mem>>)
      %add3A_204 = arith.constant 3 : i32
      %add3A_205 = arith.addi %mul3A_95, %add3A_204 : i32
      %dma_wait3A_206 = arith.constant 0 : i32
      %dma_wait3A_207 = arith.constant 0 : i32
      %dma_wait3A_208 = tpu.memref_slice %arg2[%dma_wait3A_206, %dma_wait3A_207] : memref<10000x128xf32, #tpu.memory_space<hbm>> -> memref<10000x128xf32, #tpu.memory_space<hbm>>
      tpu.wait_indirect_dma semaphore(%arg22 : memref<!tpu.dma_semaphore, #tpu.memory_space<semaphore_mem>>) src(%dma_wait3A_208 : memref<10000x128xf32, #tpu.memory_space<hbm>>) dst(%arg17 : memref<160x128xf32, #tpu.memory_space<vmem>>)
      %dma_wait3A_209 = arith.constant 0 : i32
      %dma_wait3A_210 = tpu.memref_slice %arg3[%dma_wait3A_209] : memref<328000xi32, #tpu.memory_space<hbm>> -> memref<160xi32, #tpu.memory_space<hbm>>
      %dma_wait3A_211 = arith.constant 0 : i32
      %dma_wait3A_212 = tpu.memref_slice %arg3[%dma_wait3A_211] : memref<328000xi32, #tpu.memory_space<hbm>> -> memref<160xi32, #tpu.memory_space<hbm>>
      tpu.wait_dma2 semaphore(%arg19 : memref<!tpu.dma_semaphore, #tpu.memory_space<semaphore_mem>>) src(%dma_wait3A_212 : memref<160xi32, #tpu.memory_space<hbm>>) dst(%arg6 : memref<160xi32, #tpu.memory_space<vmem>>)
      %dma_wait3A_213 = arith.constant 0 : i32
      %dma_wait3A_214 = tpu.memref_slice %arg4[%dma_wait3A_213] : memref<328000xi32, #tpu.memory_space<hbm>> -> memref<80xi32, #tpu.memory_space<hbm>>
      %dma_wait3A_215 = arith.constant 0 : i32
      %dma_wait3A_216 = tpu.memref_slice %arg4[%dma_wait3A_215] : memref<328000xi32, #tpu.memory_space<hbm>> -> memref<80xi32, #tpu.memory_space<hbm>>
      tpu.wait_dma2 semaphore(%arg19 : memref<!tpu.dma_semaphore, #tpu.memory_space<semaphore_mem>>) src(%dma_wait3A_216 : memref<80xi32, #tpu.memory_space<hbm>>) dst(%arg8 : memref<80xi32, #tpu.memory_space<vmem>>)
      %dma_wait3A_217 = arith.constant 0 : i32
      %dma_wait3A_218 = tpu.memref_slice %arg4[%dma_wait3A_217] : memref<328000xi32, #tpu.memory_space<hbm>> -> memref<80xi32, #tpu.memory_space<hbm>>
      %dma_wait3A_219 = arith.constant 0 : i32
      %dma_wait3A_220 = tpu.memref_slice %arg4[%dma_wait3A_219] : memref<328000xi32, #tpu.memory_space<hbm>> -> memref<80xi32, #tpu.memory_space<hbm>>
      tpu.wait_dma2 semaphore(%arg19 : memref<!tpu.dma_semaphore, #tpu.memory_space<semaphore_mem>>) src(%dma_wait3A_220 : memref<80xi32, #tpu.memory_space<hbm>>) dst(%arg9 : memref<80xi32, #tpu.memory_space<vmem>>)
      %dma_start3A_221 = arith.constant 0 : i32
      %dma_start3A_222 = arith.constant 0 : i32
      %dma_start3A_223 = tpu.memref_slice %arg2[%dma_start3A_221, %dma_start3A_222] : memref<10000x128xf32, #tpu.memory_space<hbm>> -> memref<10000x128xf32, #tpu.memory_space<hbm>>
      tpu.enqueue_indirect_dma source(%dma_start3A_223 : memref<10000x128xf32, #tpu.memory_space<hbm>>) target(%arg16 : memref<160x128xf32, #tpu.memory_space<vmem>>) offsets(%arg6 : memref<160xi32, #tpu.memory_space<vmem>>) semaphore(%arg21 : memref<!tpu.dma_semaphore, #tpu.memory_space<semaphore_mem>>)
      "tpu.region"() ({
        %run_scoped3A = tpu.sem_alloc : memref<!tpu.dma_semaphore, #tpu.memory_space<semaphore_mem>>
        %dma_start3A_240 = arith.constant 0 : i32
        %dma_start3A_241 = arith.constant 0 : i32
        %dma_start3A_242 = tpu.memref_slice %arg17[%dma_start3A_240, %dma_start3A_241] : memref<160x128xf32, #tpu.memory_space<vmem>> -> memref<80x128xf32, #tpu.memory_space<vmem>>
        %dma_start3A_243 = arith.constant 0 : i32
        %dma_start3A_244 = arith.constant 0 : i32
        %dma_start3A_245 = tpu.memref_slice %arg18[%dma_start3A_243, %dma_start3A_244] : memref<10240x128xf32, #tpu.memory_space<vmem_shared>> -> memref<10240x128xf32, #tpu.memory_space<vmem_shared>>
        tpu.enqueue_indirect_dma source(%dma_start3A_242 : memref<80x128xf32, #tpu.memory_space<vmem>>) target(%dma_start3A_245 : memref<10240x128xf32, #tpu.memory_space<vmem_shared>>) offsets(%arg14 : memref<80xi32, #tpu.memory_space<vmem>>) semaphore(%run_scoped3A : memref<!tpu.dma_semaphore, #tpu.memory_space<semaphore_mem>>) {add = true}
        %dma_wait3A_246 = arith.constant 0 : i32
        %dma_wait3A_247 = arith.constant 0 : i32
        %dma_wait3A_248 = tpu.memref_slice %arg17[%dma_wait3A_246, %dma_wait3A_247] : memref<160x128xf32, #tpu.memory_space<vmem>> -> memref<80x128xf32, #tpu.memory_space<vmem>>
        %dma_wait3A_249 = arith.constant 0 : i32
        %dma_wait3A_250 = arith.constant 0 : i32
        %dma_wait3A_251 = tpu.memref_slice %arg18[%dma_wait3A_249, %dma_wait3A_250] : memref<10240x128xf32, #tpu.memory_space<vmem_shared>> -> memref<10240x128xf32, #tpu.memory_space<vmem_shared>>
        tpu.wait_indirect_dma semaphore(%run_scoped3A : memref<!tpu.dma_semaphore, #tpu.memory_space<semaphore_mem>>) src(%dma_wait3A_248 : memref<80x128xf32, #tpu.memory_space<vmem>>) dst(%dma_wait3A_251 : memref<10240x128xf32, #tpu.memory_space<vmem_shared>>)
        tpu.yield
      }) : () -> ()
      "tpu.region"() ({
        %run_scoped3A = tpu.sem_alloc : memref<!tpu.dma_semaphore, #tpu.memory_space<semaphore_mem>>
        %dma_start3A_240 = arith.constant 80 : i32
        %dma_start3A_241 = arith.constant 0 : i32
        %dma_start3A_242 = tpu.memref_slice %arg17[%dma_start3A_240, %dma_start3A_241] : memref<160x128xf32, #tpu.memory_space<vmem>> -> memref<80x128xf32, #tpu.memory_space<vmem>>
        %dma_start3A_243 = arith.constant 0 : i32
        %dma_start3A_244 = arith.constant 0 : i32
        %dma_start3A_245 = tpu.memref_slice %arg18[%dma_start3A_243, %dma_start3A_244] : memref<10240x128xf32, #tpu.memory_space<vmem_shared>> -> memref<10240x128xf32, #tpu.memory_space<vmem_shared>>
        tpu.enqueue_indirect_dma source(%dma_start3A_242 : memref<80x128xf32, #tpu.memory_space<vmem>>) target(%dma_start3A_245 : memref<10240x128xf32, #tpu.memory_space<vmem_shared>>) offsets(%arg15 : memref<80xi32, #tpu.memory_space<vmem>>) semaphore(%run_scoped3A : memref<!tpu.dma_semaphore, #tpu.memory_space<semaphore_mem>>) {add = true}
        %dma_wait3A_246 = arith.constant 80 : i32
        %dma_wait3A_247 = arith.constant 0 : i32
        %dma_wait3A_248 = tpu.memref_slice %arg17[%dma_wait3A_246, %dma_wait3A_247] : memref<160x128xf32, #tpu.memory_space<vmem>> -> memref<80x128xf32, #tpu.memory_space<vmem>>
        %dma_wait3A_249 = arith.constant 0 : i32
        %dma_wait3A_250 = arith.constant 0 : i32
        %dma_wait3A_251 = tpu.memref_slice %arg18[%dma_wait3A_249, %dma_wait3A_250] : memref<10240x128xf32, #tpu.memory_space<vmem_shared>> -> memref<10240x128xf32, #tpu.memory_space<vmem_shared>>
        tpu.wait_indirect_dma semaphore(%run_scoped3A : memref<!tpu.dma_semaphore, #tpu.memory_space<semaphore_mem>>) src(%dma_wait3A_248 : memref<80x128xf32, #tpu.memory_space<vmem>>) dst(%dma_wait3A_251 : memref<10240x128xf32, #tpu.memory_space<vmem_shared>>)
        tpu.yield
      }) : () -> ()
      %add3A_224 = arith.constant 2 : i32
      %add3A_225 = arith.addi %add3A_205, %add3A_224 : i32
      %mul3A_226 = arith.constant 160 : i32
      %mul3A_227 = arith.muli %add3A_225, %mul3A_226 : i32
      %add3A_228 = arith.addi %multiple_of3A, %mul3A_227 : i32
      %multiple_of3A_229 = tpu.assume_multiple %add3A_228, 8 : i32
      %dma_start3A_230 = tpu.memref_slice %arg3[%multiple_of3A_229] : memref<328000xi32, #tpu.memory_space<hbm>> -> memref<160xi32, #tpu.memory_space<hbm>>
      %dma_start3A_231 = tpu.memref_slice %arg3[%multiple_of3A_229] : memref<328000xi32, #tpu.memory_space<hbm>> -> memref<160xi32, #tpu.memory_space<hbm>>
      tpu.enqueue_dma source(%dma_start3A_231 : memref<160xi32, #tpu.memory_space<hbm>>) target(%arg7 : memref<160xi32, #tpu.memory_space<vmem>>) target_semaphore(%arg20 : memref<!tpu.dma_semaphore, #tpu.memory_space<semaphore_mem>>)
      %add3A_232 = arith.constant 0 : i32
      %add3A_233 = arith.addi %multiple_of3A_229, %add3A_232 : i32
      %dma_start3A_234 = tpu.memref_slice %arg4[%add3A_233] : memref<328000xi32, #tpu.memory_space<hbm>> -> memref<80xi32, #tpu.memory_space<hbm>>
      %dma_start3A_235 = tpu.memref_slice %arg4[%add3A_233] : memref<328000xi32, #tpu.memory_space<hbm>> -> memref<80xi32, #tpu.memory_space<hbm>>
      tpu.enqueue_dma source(%dma_start3A_235 : memref<80xi32, #tpu.memory_space<hbm>>) target(%arg10 : memref<80xi32, #tpu.memory_space<vmem>>) target_semaphore(%arg20 : memref<!tpu.dma_semaphore, #tpu.memory_space<semaphore_mem>>)
      %add3A_236 = arith.constant 80 : i32
      %add3A_237 = arith.addi %multiple_of3A_229, %add3A_236 : i32
      %dma_start3A_238 = tpu.memref_slice %arg4[%add3A_237] : memref<328000xi32, #tpu.memory_space<hbm>> -> memref<80xi32, #tpu.memory_space<hbm>>
      %dma_start3A_239 = tpu.memref_slice %arg4[%add3A_237] : memref<328000xi32, #tpu.memory_space<hbm>> -> memref<80xi32, #tpu.memory_space<hbm>>
      tpu.enqueue_dma source(%dma_start3A_239 : memref<80xi32, #tpu.memory_space<hbm>>) target(%arg11 : memref<80xi32, #tpu.memory_space<vmem>>) target_semaphore(%arg20 : memref<!tpu.dma_semaphore, #tpu.memory_space<semaphore_mem>>)
    }
    %scan3A_73 = arith.constant 16 : i32
    %dma_wait3A_74 = arith.constant 0 : i32
    %dma_wait3A_75 = arith.constant 0 : i32
    %dma_wait3A_76 = tpu.memref_slice %arg2[%dma_wait3A_74, %dma_wait3A_75] : memref<10000x128xf32, #tpu.memory_space<hbm>> -> memref<10000x128xf32, #tpu.memory_space<hbm>>
    tpu.wait_indirect_dma semaphore(%arg21 : memref<!tpu.dma_semaphore, #tpu.memory_space<semaphore_mem>>) src(%dma_wait3A_76 : memref<10000x128xf32, #tpu.memory_space<hbm>>) dst(%arg16 : memref<160x128xf32, #tpu.memory_space<vmem>>)
    %dma_wait3A_77 = arith.constant 0 : i32
    %dma_wait3A_78 = tpu.memref_slice %arg3[%dma_wait3A_77] : memref<328000xi32, #tpu.memory_space<hbm>> -> memref<160xi32, #tpu.memory_space<hbm>>
    %dma_wait3A_79 = arith.constant 0 : i32
    %dma_wait3A_80 = tpu.memref_slice %arg3[%dma_wait3A_79] : memref<328000xi32, #tpu.memory_space<hbm>> -> memref<160xi32, #tpu.memory_space<hbm>>
    tpu.wait_dma2 semaphore(%arg20 : memref<!tpu.dma_semaphore, #tpu.memory_space<semaphore_mem>>) src(%dma_wait3A_80 : memref<160xi32, #tpu.memory_space<hbm>>) dst(%arg7 : memref<160xi32, #tpu.memory_space<vmem>>)
    %dma_wait3A_81 = arith.constant 0 : i32
    %dma_wait3A_82 = tpu.memref_slice %arg4[%dma_wait3A_81] : memref<328000xi32, #tpu.memory_space<hbm>> -> memref<80xi32, #tpu.memory_space<hbm>>
    %dma_wait3A_83 = arith.constant 0 : i32
    %dma_wait3A_84 = tpu.memref_slice %arg4[%dma_wait3A_83] : memref<328000xi32, #tpu.memory_space<hbm>> -> memref<80xi32, #tpu.memory_space<hbm>>
    tpu.wait_dma2 semaphore(%arg20 : memref<!tpu.dma_semaphore, #tpu.memory_space<semaphore_mem>>) src(%dma_wait3A_84 : memref<80xi32, #tpu.memory_space<hbm>>) dst(%arg8 : memref<80xi32, #tpu.memory_space<vmem>>)
    %dma_wait3A_85 = arith.constant 0 : i32
    %dma_wait3A_86 = tpu.memref_slice %arg4[%dma_wait3A_85] : memref<328000xi32, #tpu.memory_space<hbm>> -> memref<80xi32, #tpu.memory_space<hbm>>
    %dma_wait3A_87 = arith.constant 0 : i32
    %dma_wait3A_88 = tpu.memref_slice %arg4[%dma_wait3A_87] : memref<328000xi32, #tpu.memory_space<hbm>> -> memref<80xi32, #tpu.memory_space<hbm>>
    tpu.wait_dma2 semaphore(%arg20 : memref<!tpu.dma_semaphore, #tpu.memory_space<semaphore_mem>>) src(%dma_wait3A_88 : memref<80xi32, #tpu.memory_space<hbm>>) dst(%arg9 : memref<80xi32, #tpu.memory_space<vmem>>)
    %barrier3A_89 = arith.constant 0 : index
    tpu.barrier barrier_id(%barrier3A_89)
    %mul3A_90 = arith.constant 640 : i32
    %mul3A_91 = arith.muli %arg1, %mul3A_90 : i32
    %multiple_of3A_92 = tpu.assume_multiple %mul3A_91, 8 : i32
    "tpu.region"() ({
      %run_scoped3A = tpu.sem_alloc : memref<!tpu.dma_semaphore, #tpu.memory_space<semaphore_mem>>
      %dma_start3A_93 = arith.constant 0 : i32
      %dma_start3A_94 = tpu.memref_slice %arg5[%arg0, %multiple_of3A_92, %dma_start3A_93] : memref<2x10240x128xf32, #tpu.memory_space<hbm>> -> memref<1x640x128xf32, #tpu.memory_space<hbm>>
      %dma_start3A_95 = tpu.memref_squeeze %dma_start3A_94 : memref<1x640x128xf32, #tpu.memory_space<hbm>> -> memref<640x128xf32, #tpu.memory_space<hbm>>
      %dma_start3A_96 = arith.constant 0 : i32
      %dma_start3A_97 = tpu.memref_slice %arg18[%multiple_of3A_92, %dma_start3A_96] : memref<10240x128xf32, #tpu.memory_space<vmem_shared>> -> memref<640x128xf32, #tpu.memory_space<vmem_shared>>
      tpu.enqueue_dma source(%dma_start3A_97 : memref<640x128xf32, #tpu.memory_space<vmem_shared>>) target(%dma_start3A_95 : memref<640x128xf32, #tpu.memory_space<hbm>>) target_semaphore(%run_scoped3A : memref<!tpu.dma_semaphore, #tpu.memory_space<semaphore_mem>>)
      %dma_wait3A_98 = arith.constant 0 : i32
      %dma_wait3A_99 = tpu.memref_slice %arg5[%arg0, %multiple_of3A_92, %dma_wait3A_98] : memref<2x10240x128xf32, #tpu.memory_space<hbm>> -> memref<1x640x128xf32, #tpu.memory_space<hbm>>
      %dma_wait3A_100 = tpu.memref_squeeze %dma_wait3A_99 : memref<1x640x128xf32, #tpu.memory_space<hbm>> -> memref<640x128xf32, #tpu.memory_space<hbm>>
      %dma_wait3A_101 = arith.constant 0 : i32
      %dma_wait3A_102 = tpu.memref_slice %arg18[%multiple_of3A_92, %dma_wait3A_101] : memref<10240x128xf32, #tpu.memory_space<vmem_shared>> -> memref<640x128xf32, #tpu.memory_space<vmem_shared>>
      tpu.wait_dma2 semaphore(%run_scoped3A : memref<!tpu.dma_semaphore, #tpu.memory_space<semaphore_mem>>) src(%dma_wait3A_102 : memref<640x128xf32, #tpu.memory_space<vmem_shared>>) dst(%dma_wait3A_100 : memref<640x128xf32, #tpu.memory_space<hbm>>)
      tpu.yield
    }) : () -> ()
    return
  }
}

#map = affine_map<(d0, d1) -> (0, 0)>
#map1 = affine_map<(d0, d1) -> (0)>
#map2 = affine_map<(d0, d1) -> (0, 0, 0)>
module attributes {stable_mosaic.version = 14 : i64} {
  func.func @_sc_agg_body(%arg0: i32, %arg1: i32, %arg2: memref<10000x128xf32, #tpu.memory_space<hbm>>, %arg3: memref<328000xi32, #tpu.memory_space<hbm>>, %arg4: memref<328000xi32, #tpu.memory_space<hbm>>, %arg5: memref<2x10240x128xf32, #tpu.memory_space<hbm>>, %arg6: memref<160xi32, #tpu.memory_space<vmem>>, %arg7: memref<160xi32, #tpu.memory_space<vmem>>, %arg8: memref<80xi32, #tpu.memory_space<vmem>>, %arg9: memref<80xi32, #tpu.memory_space<vmem>>, %arg10: memref<80xi32, #tpu.memory_space<vmem>>, %arg11: memref<80xi32, #tpu.memory_space<vmem>>, %arg12: memref<80xi32, #tpu.memory_space<vmem>>, %arg13: memref<80xi32, #tpu.memory_space<vmem>>, %arg14: memref<80xi32, #tpu.memory_space<vmem>>, %arg15: memref<80xi32, #tpu.memory_space<vmem>>, %arg16: memref<160x128xf32, #tpu.memory_space<vmem>>, %arg17: memref<160x128xf32, #tpu.memory_space<vmem>>, %arg18: memref<10240x128xf32, #tpu.memory_space<vmem_shared>>, %arg19: memref<!tpu.dma_semaphore, #tpu.memory_space<semaphore_mem>>, %arg20: memref<!tpu.dma_semaphore, #tpu.memory_space<semaphore_mem>>, %arg21: memref<!tpu.dma_semaphore, #tpu.memory_space<semaphore_mem>>, %arg22: memref<!tpu.dma_semaphore, #tpu.memory_space<semaphore_mem>>) attributes {dimension_semantics = [#tpu.dimension_semantics<core_parallel>, #tpu.dimension_semantics<subcore_parallel>], iteration_bounds = array<i64: 2, 16>, scalar_prefetch = 0 : i64, scratch_operands = 17 : i64, tpu.core_type = #tpu.core_type<sc_vector_subcore>, window_params = [{transform_indices = #map}, {transform_indices = #map1}, {transform_indices = #map1}, {transform_indices = #map2}]} {
    %mul3A = arith.constant 2 : i32
    %mul3A_0 = arith.muli %arg1, %mul3A : i32
    %add3A = arith.addi %mul3A_0, %arg0 : i32
    %mul3A_1 = arith.constant 10240 : i32
    %mul3A_2 = arith.muli %add3A, %mul3A_1 : i32
    %multiple_of3A = tpu.assume_multiple %mul3A_2, 8 : i32
    %broadcast_in_dim3A = arith.constant 0.000000e+00 : f32
    %broadcast_in_dim3A_3 = vector.broadcast %broadcast_in_dim3A : f32 to vector<16xf32>
    %scan3A = arith.constant 0 : i32
    %scan3A_4 = arith.constant 0 : i32
    %scan3A_5 = arith.constant 128 : i32
    %scan3A_6 = arith.addi %scan3A_4, %scan3A_5 : i32
    %scan3A_7 = arith.constant 1 : i32
    scf.for %scan3A_93 = %scan3A_4 to %scan3A_6 step %scan3A_7  : i32 {
      %swap3A = arith.index_cast %scan3A_93 : i32 to index
      %swap3A_94 = arith.constant 0 : index
      %swap3A_95 = tpu.vector_load %arg16[%swap3A, %swap3A_94] {strides = array<i32>} : memref<160x128xf32, #tpu.memory_space<vmem>>, vector<1x16xf32>,
      %swap3A_96 = vector.shape_cast %swap3A_95 : vector<1x16xf32> to vector<16xf32>
      %swap3A_97 = vector.shape_cast %broadcast_in_dim3A_3 : vector<16xf32> to vector<1x16xf32>
      tpu.vector_store %arg16[%swap3A, %swap3A_94], %swap3A_97 {strides = array<i32>} : memref<160x128xf32, #tpu.memory_space<vmem>>, vector<1x16xf32>,
      %swap3A_98 = arith.index_cast %scan3A_93 : i32 to index
      %swap3A_99 = arith.constant 16 : index
      %swap3A_100 = tpu.vector_load %arg16[%swap3A_98, %swap3A_99] {strides = array<i32>} : memref<160x128xf32, #tpu.memory_space<vmem>>, vector<1x16xf32>,
      %swap3A_101 = vector.shape_cast %swap3A_100 : vector<1x16xf32> to vector<16xf32>
      %swap3A_102 = vector.shape_cast %broadcast_in_dim3A_3 : vector<16xf32> to vector<1x16xf32>
      tpu.vector_store %arg16[%swap3A_98, %swap3A_99], %swap3A_102 {strides = array<i32>} : memref<160x128xf32, #tpu.memory_space<vmem>>, vector<1x16xf32>,
      %swap3A_103 = arith.index_cast %scan3A_93 : i32 to index
      %swap3A_104 = arith.constant 32 : index
      %swap3A_105 = tpu.vector_load %arg16[%swap3A_103, %swap3A_104] {strides = array<i32>} : memref<160x128xf32, #tpu.memory_space<vmem>>, vector<1x16xf32>,
      %swap3A_106 = vector.shape_cast %swap3A_105 : vector<1x16xf32> to vector<16xf32>
      %swap3A_107 = vector.shape_cast %broadcast_in_dim3A_3 : vector<16xf32> to vector<1x16xf32>
      tpu.vector_store %arg16[%swap3A_103, %swap3A_104], %swap3A_107 {strides = array<i32>} : memref<160x128xf32, #tpu.memory_space<vmem>>, vector<1x16xf32>,
      %swap3A_108 = arith.index_cast %scan3A_93 : i32 to index
      %swap3A_109 = arith.constant 48 : index
      %swap3A_110 = tpu.vector_load %arg16[%swap3A_108, %swap3A_109] {strides = array<i32>} : memref<160x128xf32, #tpu.memory_space<vmem>>, vector<1x16xf32>,
      %swap3A_111 = vector.shape_cast %swap3A_110 : vector<1x16xf32> to vector<16xf32>
      %swap3A_112 = vector.shape_cast %broadcast_in_dim3A_3 : vector<16xf32> to vector<1x16xf32>
      tpu.vector_store %arg16[%swap3A_108, %swap3A_109], %swap3A_112 {strides = array<i32>} : memref<160x128xf32, #tpu.memory_space<vmem>>, vector<1x16xf32>,
      %swap3A_113 = arith.index_cast %scan3A_93 : i32 to index
      %swap3A_114 = arith.constant 64 : index
      %swap3A_115 = tpu.vector_load %arg16[%swap3A_113, %swap3A_114] {strides = array<i32>} : memref<160x128xf32, #tpu.memory_space<vmem>>, vector<1x16xf32>,
      %swap3A_116 = vector.shape_cast %swap3A_115 : vector<1x16xf32> to vector<16xf32>
      %swap3A_117 = vector.shape_cast %broadcast_in_dim3A_3 : vector<16xf32> to vector<1x16xf32>
      tpu.vector_store %arg16[%swap3A_113, %swap3A_114], %swap3A_117 {strides = array<i32>} : memref<160x128xf32, #tpu.memory_space<vmem>>, vector<1x16xf32>,
      %swap3A_118 = arith.index_cast %scan3A_93 : i32 to index
      %swap3A_119 = arith.constant 80 : index
      %swap3A_120 = tpu.vector_load %arg16[%swap3A_118, %swap3A_119] {strides = array<i32>} : memref<160x128xf32, #tpu.memory_space<vmem>>, vector<1x16xf32>,
      %swap3A_121 = vector.shape_cast %swap3A_120 : vector<1x16xf32> to vector<16xf32>
      %swap3A_122 = vector.shape_cast %broadcast_in_dim3A_3 : vector<16xf32> to vector<1x16xf32>
      tpu.vector_store %arg16[%swap3A_118, %swap3A_119], %swap3A_122 {strides = array<i32>} : memref<160x128xf32, #tpu.memory_space<vmem>>, vector<1x16xf32>,
      %swap3A_123 = arith.index_cast %scan3A_93 : i32 to index
      %swap3A_124 = arith.constant 96 : index
      %swap3A_125 = tpu.vector_load %arg16[%swap3A_123, %swap3A_124] {strides = array<i32>} : memref<160x128xf32, #tpu.memory_space<vmem>>, vector<1x16xf32>,
      %swap3A_126 = vector.shape_cast %swap3A_125 : vector<1x16xf32> to vector<16xf32>
      %swap3A_127 = vector.shape_cast %broadcast_in_dim3A_3 : vector<16xf32> to vector<1x16xf32>
      tpu.vector_store %arg16[%swap3A_123, %swap3A_124], %swap3A_127 {strides = array<i32>} : memref<160x128xf32, #tpu.memory_space<vmem>>, vector<1x16xf32>,
      %swap3A_128 = arith.index_cast %scan3A_93 : i32 to index
      %swap3A_129 = arith.constant 112 : index
      %swap3A_130 = tpu.vector_load %arg16[%swap3A_128, %swap3A_129] {strides = array<i32>} : memref<160x128xf32, #tpu.memory_space<vmem>>, vector<1x16xf32>,
      %swap3A_131 = vector.shape_cast %swap3A_130 : vector<1x16xf32> to vector<16xf32>
      %swap3A_132 = vector.shape_cast %broadcast_in_dim3A_3 : vector<16xf32> to vector<1x16xf32>
      tpu.vector_store %arg16[%swap3A_128, %swap3A_129], %swap3A_132 {strides = array<i32>} : memref<160x128xf32, #tpu.memory_space<vmem>>, vector<1x16xf32>,
    }
    %scan3A_8 = arith.constant 128 : i32
    %mul3A_9 = arith.constant 640 : i32
    %mul3A_10 = arith.muli %arg1, %mul3A_9 : i32
    %add3A_11 = arith.constant 0 : i32
    %add3A_12 = arith.addi %mul3A_10, %add3A_11 : i32
    "tpu.region"() ({
      %run_scoped3A = tpu.sem_alloc : memref<!tpu.dma_semaphore, #tpu.memory_space<semaphore_mem>>
      %dma_start3A_93 = arith.constant 0 : i32
      %dma_start3A_94 = arith.constant 0 : i32
      %dma_start3A_95 = tpu.memref_slice %arg16[%dma_start3A_93, %dma_start3A_94] : memref<160x128xf32, #tpu.memory_space<vmem>> -> memref<128x128xf32, #tpu.memory_space<vmem>>
      %dma_start3A_96 = arith.constant 0 : i32
      %dma_start3A_97 = tpu.memref_slice %arg18[%add3A_12, %dma_start3A_96] : memref<10240x128xf32, #tpu.memory_space<vmem_shared>> -> memref<128x128xf32, #tpu.memory_space<vmem_shared>>
      %dma_start3A_98 = arith.constant 0 : i32
      %dma_start3A_99 = tpu.memref_slice %arg18[%add3A_12, %dma_start3A_98] : memref<10240x128xf32, #tpu.memory_space<vmem_shared>> -> memref<128x128xf32, #tpu.memory_space<vmem_shared>>
      %dma_start3A_100 = arith.constant 0 : i32
      %dma_start3A_101 = arith.constant 0 : i32
      %dma_start3A_102 = tpu.memref_slice %arg16[%dma_start3A_100, %dma_start3A_101] : memref<160x128xf32, #tpu.memory_space<vmem>> -> memref<128x128xf32, #tpu.memory_space<vmem>>
      tpu.enqueue_dma source(%dma_start3A_102 : memref<128x128xf32, #tpu.memory_space<vmem>>) target(%dma_start3A_99 : memref<128x128xf32, #tpu.memory_space<vmem_shared>>) target_semaphore(%run_scoped3A : memref<!tpu.dma_semaphore, #tpu.memory_space<semaphore_mem>>)
      %dma_wait3A_103 = arith.constant 0 : i32
      %dma_wait3A_104 = arith.constant 0 : i32
      %dma_wait3A_105 = tpu.memref_slice %arg16[%dma_wait3A_103, %dma_wait3A_104] : memref<160x128xf32, #tpu.memory_space<vmem>> -> memref<128x128xf32, #tpu.memory_space<vmem>>
      %dma_wait3A_106 = arith.constant 0 : i32
      %dma_wait3A_107 = tpu.memref_slice %arg18[%add3A_12, %dma_wait3A_106] : memref<10240x128xf32, #tpu.memory_space<vmem_shared>> -> memref<128x128xf32, #tpu.memory_space<vmem_shared>>
      %dma_wait3A_108 = arith.constant 0 : i32
      %dma_wait3A_109 = tpu.memref_slice %arg18[%add3A_12, %dma_wait3A_108] : memref<10240x128xf32, #tpu.memory_space<vmem_shared>> -> memref<128x128xf32, #tpu.memory_space<vmem_shared>>
      %dma_wait3A_110 = arith.constant 0 : i32
      %dma_wait3A_111 = arith.constant 0 : i32
      %dma_wait3A_112 = tpu.memref_slice %arg16[%dma_wait3A_110, %dma_wait3A_111] : memref<160x128xf32, #tpu.memory_space<vmem>> -> memref<128x128xf32, #tpu.memory_space<vmem>>
      tpu.wait_dma2 semaphore(%run_scoped3A : memref<!tpu.dma_semaphore, #tpu.memory_space<semaphore_mem>>) src(%dma_wait3A_112 : memref<128x128xf32, #tpu.memory_space<vmem>>) dst(%dma_wait3A_109 : memref<128x128xf32, #tpu.memory_space<vmem_shared>>)
      tpu.yield
    }) : () -> ()
    %mul3A_13 = arith.constant 640 : i32
    %mul3A_14 = arith.muli %arg1, %mul3A_13 : i32
    %add3A_15 = arith.constant 128 : i32
    %add3A_16 = arith.addi %mul3A_14, %add3A_15 : i32
    "tpu.region"() ({
      %run_scoped3A = tpu.sem_alloc : memref<!tpu.dma_semaphore, #tpu.memory_space<semaphore_mem>>
      %dma_start3A_93 = arith.constant 0 : i32
      %dma_start3A_94 = arith.constant 0 : i32
      %dma_start3A_95 = tpu.memref_slice %arg16[%dma_start3A_93, %dma_start3A_94] : memref<160x128xf32, #tpu.memory_space<vmem>> -> memref<128x128xf32, #tpu.memory_space<vmem>>
      %dma_start3A_96 = arith.constant 0 : i32
      %dma_start3A_97 = tpu.memref_slice %arg18[%add3A_16, %dma_start3A_96] : memref<10240x128xf32, #tpu.memory_space<vmem_shared>> -> memref<128x128xf32, #tpu.memory_space<vmem_shared>>
      %dma_start3A_98 = arith.constant 0 : i32
      %dma_start3A_99 = tpu.memref_slice %arg18[%add3A_16, %dma_start3A_98] : memref<10240x128xf32, #tpu.memory_space<vmem_shared>> -> memref<128x128xf32, #tpu.memory_space<vmem_shared>>
      %dma_start3A_100 = arith.constant 0 : i32
      %dma_start3A_101 = arith.constant 0 : i32
      %dma_start3A_102 = tpu.memref_slice %arg16[%dma_start3A_100, %dma_start3A_101] : memref<160x128xf32, #tpu.memory_space<vmem>> -> memref<128x128xf32, #tpu.memory_space<vmem>>
      tpu.enqueue_dma source(%dma_start3A_102 : memref<128x128xf32, #tpu.memory_space<vmem>>) target(%dma_start3A_99 : memref<128x128xf32, #tpu.memory_space<vmem_shared>>) target_semaphore(%run_scoped3A : memref<!tpu.dma_semaphore, #tpu.memory_space<semaphore_mem>>)
      %dma_wait3A_103 = arith.constant 0 : i32
      %dma_wait3A_104 = arith.constant 0 : i32
      %dma_wait3A_105 = tpu.memref_slice %arg16[%dma_wait3A_103, %dma_wait3A_104] : memref<160x128xf32, #tpu.memory_space<vmem>> -> memref<128x128xf32, #tpu.memory_space<vmem>>
      %dma_wait3A_106 = arith.constant 0 : i32
      %dma_wait3A_107 = tpu.memref_slice %arg18[%add3A_16, %dma_wait3A_106] : memref<10240x128xf32, #tpu.memory_space<vmem_shared>> -> memref<128x128xf32, #tpu.memory_space<vmem_shared>>
      %dma_wait3A_108 = arith.constant 0 : i32
      %dma_wait3A_109 = tpu.memref_slice %arg18[%add3A_16, %dma_wait3A_108] : memref<10240x128xf32, #tpu.memory_space<vmem_shared>> -> memref<128x128xf32, #tpu.memory_space<vmem_shared>>
      %dma_wait3A_110 = arith.constant 0 : i32
      %dma_wait3A_111 = arith.constant 0 : i32
      %dma_wait3A_112 = tpu.memref_slice %arg16[%dma_wait3A_110, %dma_wait3A_111] : memref<160x128xf32, #tpu.memory_space<vmem>> -> memref<128x128xf32, #tpu.memory_space<vmem>>
      tpu.wait_dma2 semaphore(%run_scoped3A : memref<!tpu.dma_semaphore, #tpu.memory_space<semaphore_mem>>) src(%dma_wait3A_112 : memref<128x128xf32, #tpu.memory_space<vmem>>) dst(%dma_wait3A_109 : memref<128x128xf32, #tpu.memory_space<vmem_shared>>)
      tpu.yield
    }) : () -> ()
    %mul3A_17 = arith.constant 640 : i32
    %mul3A_18 = arith.muli %arg1, %mul3A_17 : i32
    %add3A_19 = arith.constant 256 : i32
    %add3A_20 = arith.addi %mul3A_18, %add3A_19 : i32
    "tpu.region"() ({
      %run_scoped3A = tpu.sem_alloc : memref<!tpu.dma_semaphore, #tpu.memory_space<semaphore_mem>>
      %dma_start3A_93 = arith.constant 0 : i32
      %dma_start3A_94 = arith.constant 0 : i32
      %dma_start3A_95 = tpu.memref_slice %arg16[%dma_start3A_93, %dma_start3A_94] : memref<160x128xf32, #tpu.memory_space<vmem>> -> memref<128x128xf32, #tpu.memory_space<vmem>>
      %dma_start3A_96 = arith.constant 0 : i32
      %dma_start3A_97 = tpu.memref_slice %arg18[%add3A_20, %dma_start3A_96] : memref<10240x128xf32, #tpu.memory_space<vmem_shared>> -> memref<128x128xf32, #tpu.memory_space<vmem_shared>>
      %dma_start3A_98 = arith.constant 0 : i32
      %dma_start3A_99 = tpu.memref_slice %arg18[%add3A_20, %dma_start3A_98] : memref<10240x128xf32, #tpu.memory_space<vmem_shared>> -> memref<128x128xf32, #tpu.memory_space<vmem_shared>>
      %dma_start3A_100 = arith.constant 0 : i32
      %dma_start3A_101 = arith.constant 0 : i32
      %dma_start3A_102 = tpu.memref_slice %arg16[%dma_start3A_100, %dma_start3A_101] : memref<160x128xf32, #tpu.memory_space<vmem>> -> memref<128x128xf32, #tpu.memory_space<vmem>>
      tpu.enqueue_dma source(%dma_start3A_102 : memref<128x128xf32, #tpu.memory_space<vmem>>) target(%dma_start3A_99 : memref<128x128xf32, #tpu.memory_space<vmem_shared>>) target_semaphore(%run_scoped3A : memref<!tpu.dma_semaphore, #tpu.memory_space<semaphore_mem>>)
      %dma_wait3A_103 = arith.constant 0 : i32
      %dma_wait3A_104 = arith.constant 0 : i32
      %dma_wait3A_105 = tpu.memref_slice %arg16[%dma_wait3A_103, %dma_wait3A_104] : memref<160x128xf32, #tpu.memory_space<vmem>> -> memref<128x128xf32, #tpu.memory_space<vmem>>
      %dma_wait3A_106 = arith.constant 0 : i32
      %dma_wait3A_107 = tpu.memref_slice %arg18[%add3A_20, %dma_wait3A_106] : memref<10240x128xf32, #tpu.memory_space<vmem_shared>> -> memref<128x128xf32, #tpu.memory_space<vmem_shared>>
      %dma_wait3A_108 = arith.constant 0 : i32
      %dma_wait3A_109 = tpu.memref_slice %arg18[%add3A_20, %dma_wait3A_108] : memref<10240x128xf32, #tpu.memory_space<vmem_shared>> -> memref<128x128xf32, #tpu.memory_space<vmem_shared>>
      %dma_wait3A_110 = arith.constant 0 : i32
      %dma_wait3A_111 = arith.constant 0 : i32
      %dma_wait3A_112 = tpu.memref_slice %arg16[%dma_wait3A_110, %dma_wait3A_111] : memref<160x128xf32, #tpu.memory_space<vmem>> -> memref<128x128xf32, #tpu.memory_space<vmem>>
      tpu.wait_dma2 semaphore(%run_scoped3A : memref<!tpu.dma_semaphore, #tpu.memory_space<semaphore_mem>>) src(%dma_wait3A_112 : memref<128x128xf32, #tpu.memory_space<vmem>>) dst(%dma_wait3A_109 : memref<128x128xf32, #tpu.memory_space<vmem_shared>>)
      tpu.yield
    }) : () -> ()
    %mul3A_21 = arith.constant 640 : i32
    %mul3A_22 = arith.muli %arg1, %mul3A_21 : i32
    %add3A_23 = arith.constant 384 : i32
    %add3A_24 = arith.addi %mul3A_22, %add3A_23 : i32
    "tpu.region"() ({
      %run_scoped3A = tpu.sem_alloc : memref<!tpu.dma_semaphore, #tpu.memory_space<semaphore_mem>>
      %dma_start3A_93 = arith.constant 0 : i32
      %dma_start3A_94 = arith.constant 0 : i32
      %dma_start3A_95 = tpu.memref_slice %arg16[%dma_start3A_93, %dma_start3A_94] : memref<160x128xf32, #tpu.memory_space<vmem>> -> memref<128x128xf32, #tpu.memory_space<vmem>>
      %dma_start3A_96 = arith.constant 0 : i32
      %dma_start3A_97 = tpu.memref_slice %arg18[%add3A_24, %dma_start3A_96] : memref<10240x128xf32, #tpu.memory_space<vmem_shared>> -> memref<128x128xf32, #tpu.memory_space<vmem_shared>>
      %dma_start3A_98 = arith.constant 0 : i32
      %dma_start3A_99 = tpu.memref_slice %arg18[%add3A_24, %dma_start3A_98] : memref<10240x128xf32, #tpu.memory_space<vmem_shared>> -> memref<128x128xf32, #tpu.memory_space<vmem_shared>>
      %dma_start3A_100 = arith.constant 0 : i32
      %dma_start3A_101 = arith.constant 0 : i32
      %dma_start3A_102 = tpu.memref_slice %arg16[%dma_start3A_100, %dma_start3A_101] : memref<160x128xf32, #tpu.memory_space<vmem>> -> memref<128x128xf32, #tpu.memory_space<vmem>>
      tpu.enqueue_dma source(%dma_start3A_102 : memref<128x128xf32, #tpu.memory_space<vmem>>) target(%dma_start3A_99 : memref<128x128xf32, #tpu.memory_space<vmem_shared>>) target_semaphore(%run_scoped3A : memref<!tpu.dma_semaphore, #tpu.memory_space<semaphore_mem>>)
      %dma_wait3A_103 = arith.constant 0 : i32
      %dma_wait3A_104 = arith.constant 0 : i32
      %dma_wait3A_105 = tpu.memref_slice %arg16[%dma_wait3A_103, %dma_wait3A_104] : memref<160x128xf32, #tpu.memory_space<vmem>> -> memref<128x128xf32, #tpu.memory_space<vmem>>
      %dma_wait3A_106 = arith.constant 0 : i32
      %dma_wait3A_107 = tpu.memref_slice %arg18[%add3A_24, %dma_wait3A_106] : memref<10240x128xf32, #tpu.memory_space<vmem_shared>> -> memref<128x128xf32, #tpu.memory_space<vmem_shared>>
      %dma_wait3A_108 = arith.constant 0 : i32
      %dma_wait3A_109 = tpu.memref_slice %arg18[%add3A_24, %dma_wait3A_108] : memref<10240x128xf32, #tpu.memory_space<vmem_shared>> -> memref<128x128xf32, #tpu.memory_space<vmem_shared>>
      %dma_wait3A_110 = arith.constant 0 : i32
      %dma_wait3A_111 = arith.constant 0 : i32
      %dma_wait3A_112 = tpu.memref_slice %arg16[%dma_wait3A_110, %dma_wait3A_111] : memref<160x128xf32, #tpu.memory_space<vmem>> -> memref<128x128xf32, #tpu.memory_space<vmem>>
      tpu.wait_dma2 semaphore(%run_scoped3A : memref<!tpu.dma_semaphore, #tpu.memory_space<semaphore_mem>>) src(%dma_wait3A_112 : memref<128x128xf32, #tpu.memory_space<vmem>>) dst(%dma_wait3A_109 : memref<128x128xf32, #tpu.memory_space<vmem_shared>>)
      tpu.yield
    }) : () -> ()
    %mul3A_25 = arith.constant 640 : i32
    %mul3A_26 = arith.muli %arg1, %mul3A_25 : i32
    %add3A_27 = arith.constant 512 : i32
    %add3A_28 = arith.addi %mul3A_26, %add3A_27 : i32
    "tpu.region"() ({
      %run_scoped3A = tpu.sem_alloc : memref<!tpu.dma_semaphore, #tpu.memory_space<semaphore_mem>>
      %dma_start3A_93 = arith.constant 0 : i32
      %dma_start3A_94 = arith.constant 0 : i32
      %dma_start3A_95 = tpu.memref_slice %arg16[%dma_start3A_93, %dma_start3A_94] : memref<160x128xf32, #tpu.memory_space<vmem>> -> memref<128x128xf32, #tpu.memory_space<vmem>>
      %dma_start3A_96 = arith.constant 0 : i32
      %dma_start3A_97 = tpu.memref_slice %arg18[%add3A_28, %dma_start3A_96] : memref<10240x128xf32, #tpu.memory_space<vmem_shared>> -> memref<128x128xf32, #tpu.memory_space<vmem_shared>>
      %dma_start3A_98 = arith.constant 0 : i32
      %dma_start3A_99 = tpu.memref_slice %arg18[%add3A_28, %dma_start3A_98] : memref<10240x128xf32, #tpu.memory_space<vmem_shared>> -> memref<128x128xf32, #tpu.memory_space<vmem_shared>>
      %dma_start3A_100 = arith.constant 0 : i32
      %dma_start3A_101 = arith.constant 0 : i32
      %dma_start3A_102 = tpu.memref_slice %arg16[%dma_start3A_100, %dma_start3A_101] : memref<160x128xf32, #tpu.memory_space<vmem>> -> memref<128x128xf32, #tpu.memory_space<vmem>>
      tpu.enqueue_dma source(%dma_start3A_102 : memref<128x128xf32, #tpu.memory_space<vmem>>) target(%dma_start3A_99 : memref<128x128xf32, #tpu.memory_space<vmem_shared>>) target_semaphore(%run_scoped3A : memref<!tpu.dma_semaphore, #tpu.memory_space<semaphore_mem>>)
      %dma_wait3A_103 = arith.constant 0 : i32
      %dma_wait3A_104 = arith.constant 0 : i32
      %dma_wait3A_105 = tpu.memref_slice %arg16[%dma_wait3A_103, %dma_wait3A_104] : memref<160x128xf32, #tpu.memory_space<vmem>> -> memref<128x128xf32, #tpu.memory_space<vmem>>
      %dma_wait3A_106 = arith.constant 0 : i32
      %dma_wait3A_107 = tpu.memref_slice %arg18[%add3A_28, %dma_wait3A_106] : memref<10240x128xf32, #tpu.memory_space<vmem_shared>> -> memref<128x128xf32, #tpu.memory_space<vmem_shared>>
      %dma_wait3A_108 = arith.constant 0 : i32
      %dma_wait3A_109 = tpu.memref_slice %arg18[%add3A_28, %dma_wait3A_108] : memref<10240x128xf32, #tpu.memory_space<vmem_shared>> -> memref<128x128xf32, #tpu.memory_space<vmem_shared>>
      %dma_wait3A_110 = arith.constant 0 : i32
      %dma_wait3A_111 = arith.constant 0 : i32
      %dma_wait3A_112 = tpu.memref_slice %arg16[%dma_wait3A_110, %dma_wait3A_111] : memref<160x128xf32, #tpu.memory_space<vmem>> -> memref<128x128xf32, #tpu.memory_space<vmem>>
      tpu.wait_dma2 semaphore(%run_scoped3A : memref<!tpu.dma_semaphore, #tpu.memory_space<semaphore_mem>>) src(%dma_wait3A_112 : memref<128x128xf32, #tpu.memory_space<vmem>>) dst(%dma_wait3A_109 : memref<128x128xf32, #tpu.memory_space<vmem_shared>>)
      tpu.yield
    }) : () -> ()
    %add3A_29 = arith.constant 0 : i32
    %add3A_30 = arith.addi %multiple_of3A, %add3A_29 : i32
    %multiple_of3A_31 = tpu.assume_multiple %add3A_30, 8 : i32
    %dma_start3A = tpu.memref_slice %arg3[%multiple_of3A_31] : memref<328000xi32, #tpu.memory_space<hbm>> -> memref<160xi32, #tpu.memory_space<hbm>>
    %dma_start3A_32 = tpu.memref_slice %arg3[%multiple_of3A_31] : memref<328000xi32, #tpu.memory_space<hbm>> -> memref<160xi32, #tpu.memory_space<hbm>>
    tpu.enqueue_dma source(%dma_start3A_32 : memref<160xi32, #tpu.memory_space<hbm>>) target(%arg6 : memref<160xi32, #tpu.memory_space<vmem>>) target_semaphore(%arg19 : memref<!tpu.dma_semaphore, #tpu.memory_space<semaphore_mem>>)
    %add3A_33 = arith.constant 0 : i32
    %add3A_34 = arith.addi %multiple_of3A_31, %add3A_33 : i32
    %dma_start3A_35 = tpu.memref_slice %arg4[%add3A_34] : memref<328000xi32, #tpu.memory_space<hbm>> -> memref<80xi32, #tpu.memory_space<hbm>>
    %dma_start3A_36 = tpu.memref_slice %arg4[%add3A_34] : memref<328000xi32, #tpu.memory_space<hbm>> -> memref<80xi32, #tpu.memory_space<hbm>>
    tpu.enqueue_dma source(%dma_start3A_36 : memref<80xi32, #tpu.memory_space<hbm>>) target(%arg8 : memref<80xi32, #tpu.memory_space<vmem>>) target_semaphore(%arg19 : memref<!tpu.dma_semaphore, #tpu.memory_space<semaphore_mem>>)
    %add3A_37 = arith.constant 80 : i32
    %add3A_38 = arith.addi %multiple_of3A_31, %add3A_37 : i32
    %dma_start3A_39 = tpu.memref_slice %arg4[%add3A_38] : memref<328000xi32, #tpu.memory_space<hbm>> -> memref<80xi32, #tpu.memory_space<hbm>>
    %dma_start3A_40 = tpu.memref_slice %arg4[%add3A_38] : memref<328000xi32, #tpu.memory_space<hbm>> -> memref<80xi32, #tpu.memory_space<hbm>>
    tpu.enqueue_dma source(%dma_start3A_40 : memref<80xi32, #tpu.memory_space<hbm>>) target(%arg9 : memref<80xi32, #tpu.memory_space<vmem>>) target_semaphore(%arg19 : memref<!tpu.dma_semaphore, #tpu.memory_space<semaphore_mem>>)
    %barrier3A = arith.constant 0 : index
    tpu.barrier barrier_id(%barrier3A)
    %dma_wait3A = arith.constant 0 : i32
    %dma_wait3A_41 = tpu.memref_slice %arg3[%dma_wait3A] : memref<328000xi32, #tpu.memory_space<hbm>> -> memref<160xi32, #tpu.memory_space<hbm>>
    %dma_wait3A_42 = arith.constant 0 : i32
    %dma_wait3A_43 = tpu.memref_slice %arg3[%dma_wait3A_42] : memref<328000xi32, #tpu.memory_space<hbm>> -> memref<160xi32, #tpu.memory_space<hbm>>
    tpu.wait_dma2 semaphore(%arg19 : memref<!tpu.dma_semaphore, #tpu.memory_space<semaphore_mem>>) src(%dma_wait3A_43 : memref<160xi32, #tpu.memory_space<hbm>>) dst(%arg6 : memref<160xi32, #tpu.memory_space<vmem>>)
    %dma_wait3A_44 = arith.constant 0 : i32
    %dma_wait3A_45 = tpu.memref_slice %arg4[%dma_wait3A_44] : memref<328000xi32, #tpu.memory_space<hbm>> -> memref<80xi32, #tpu.memory_space<hbm>>
    %dma_wait3A_46 = arith.constant 0 : i32
    %dma_wait3A_47 = tpu.memref_slice %arg4[%dma_wait3A_46] : memref<328000xi32, #tpu.memory_space<hbm>> -> memref<80xi32, #tpu.memory_space<hbm>>
    tpu.wait_dma2 semaphore(%arg19 : memref<!tpu.dma_semaphore, #tpu.memory_space<semaphore_mem>>) src(%dma_wait3A_47 : memref<80xi32, #tpu.memory_space<hbm>>) dst(%arg8 : memref<80xi32, #tpu.memory_space<vmem>>)
    %dma_wait3A_48 = arith.constant 0 : i32
    %dma_wait3A_49 = tpu.memref_slice %arg4[%dma_wait3A_48] : memref<328000xi32, #tpu.memory_space<hbm>> -> memref<80xi32, #tpu.memory_space<hbm>>
    %dma_wait3A_50 = arith.constant 0 : i32
    %dma_wait3A_51 = tpu.memref_slice %arg4[%dma_wait3A_50] : memref<328000xi32, #tpu.memory_space<hbm>> -> memref<80xi32, #tpu.memory_space<hbm>>
    tpu.wait_dma2 semaphore(%arg19 : memref<!tpu.dma_semaphore, #tpu.memory_space<semaphore_mem>>) src(%dma_wait3A_51 : memref<80xi32, #tpu.memory_space<hbm>>) dst(%arg9 : memref<80xi32, #tpu.memory_space<vmem>>)
    %dma_start3A_52 = arith.constant 0 : i32
    %dma_start3A_53 = arith.constant 0 : i32
    %dma_start3A_54 = tpu.memref_slice %arg2[%dma_start3A_52, %dma_start3A_53] : memref<10000x128xf32, #tpu.memory_space<hbm>> -> memref<10000x128xf32, #tpu.memory_space<hbm>>
    tpu.enqueue_indirect_dma source(%dma_start3A_54 : memref<10000x128xf32, #tpu.memory_space<hbm>>) target(%arg16 : memref<160x128xf32, #tpu.memory_space<vmem>>) offsets(%arg6 : memref<160xi32, #tpu.memory_space<vmem>>) semaphore(%arg21 : memref<!tpu.dma_semaphore, #tpu.memory_space<semaphore_mem>>)
    %add3A_55 = arith.constant 160 : i32
    %add3A_56 = arith.addi %multiple_of3A, %add3A_55 : i32
    %multiple_of3A_57 = tpu.assume_multiple %add3A_56, 8 : i32
    %dma_start3A_58 = tpu.memref_slice %arg3[%multiple_of3A_57] : memref<328000xi32, #tpu.memory_space<hbm>> -> memref<160xi32, #tpu.memory_space<hbm>>
    %dma_start3A_59 = tpu.memref_slice %arg3[%multiple_of3A_57] : memref<328000xi32, #tpu.memory_space<hbm>> -> memref<160xi32, #tpu.memory_space<hbm>>
    tpu.enqueue_dma source(%dma_start3A_59 : memref<160xi32, #tpu.memory_space<hbm>>) target(%arg7 : memref<160xi32, #tpu.memory_space<vmem>>) target_semaphore(%arg20 : memref<!tpu.dma_semaphore, #tpu.memory_space<semaphore_mem>>)
    %add3A_60 = arith.constant 0 : i32
    %add3A_61 = arith.addi %multiple_of3A_57, %add3A_60 : i32
    %dma_start3A_62 = tpu.memref_slice %arg4[%add3A_61] : memref<328000xi32, #tpu.memory_space<hbm>> -> memref<80xi32, #tpu.memory_space<hbm>>
    %dma_start3A_63 = tpu.memref_slice %arg4[%add3A_61] : memref<328000xi32, #tpu.memory_space<hbm>> -> memref<80xi32, #tpu.memory_space<hbm>>
    tpu.enqueue_dma source(%dma_start3A_63 : memref<80xi32, #tpu.memory_space<hbm>>) target(%arg10 : memref<80xi32, #tpu.memory_space<vmem>>) target_semaphore(%arg20 : memref<!tpu.dma_semaphore, #tpu.memory_space<semaphore_mem>>)
    %add3A_64 = arith.constant 80 : i32
    %add3A_65 = arith.addi %multiple_of3A_57, %add3A_64 : i32
    %dma_start3A_66 = tpu.memref_slice %arg4[%add3A_65] : memref<328000xi32, #tpu.memory_space<hbm>> -> memref<80xi32, #tpu.memory_space<hbm>>
    %dma_start3A_67 = tpu.memref_slice %arg4[%add3A_65] : memref<328000xi32, #tpu.memory_space<hbm>> -> memref<80xi32, #tpu.memory_space<hbm>>
    tpu.enqueue_dma source(%dma_start3A_67 : memref<80xi32, #tpu.memory_space<hbm>>) target(%arg11 : memref<80xi32, #tpu.memory_space<vmem>>) target_semaphore(%arg20 : memref<!tpu.dma_semaphore, #tpu.memory_space<semaphore_mem>>)
    %scan3A_68 = arith.constant 0 : i32
    %scan3A_69 = arith.constant 0 : i32
    %scan3A_70 = arith.constant 16 : i32
    %scan3A_71 = arith.addi %scan3A_69, %scan3A_70 : i32
    %scan3A_72 = arith.constant 1 : i32
    scf.for %scan3A_93 = %scan3A_69 to %scan3A_71 step %scan3A_72  : i32 {
      %mul3A_94 = arith.constant 4 : i32
      %mul3A_95 = arith.muli %scan3A_93, %mul3A_94 : i32
      %add3A_96 = arith.constant 0 : i32
      %add3A_97 = arith.addi %mul3A_95, %add3A_96 : i32
      %dma_wait3A_98 = arith.constant 0 : i32
      %dma_wait3A_99 = arith.constant 0 : i32
      %dma_wait3A_100 = tpu.memref_slice %arg2[%dma_wait3A_98, %dma_wait3A_99] : memref<10000x128xf32, #tpu.memory_space<hbm>> -> memref<10000x128xf32, #tpu.memory_space<hbm>>
      tpu.wait_indirect_dma semaphore(%arg21 : memref<!tpu.dma_semaphore, #tpu.memory_space<semaphore_mem>>) src(%dma_wait3A_100 : memref<10000x128xf32, #tpu.memory_space<hbm>>) dst(%arg16 : memref<160x128xf32, #tpu.memory_space<vmem>>)
      %dma_wait3A_101 = arith.constant 0 : i32
      %dma_wait3A_102 = tpu.memref_slice %arg3[%dma_wait3A_101] : memref<328000xi32, #tpu.memory_space<hbm>> -> memref<160xi32, #tpu.memory_space<hbm>>
      %dma_wait3A_103 = arith.constant 0 : i32
      %dma_wait3A_104 = tpu.memref_slice %arg3[%dma_wait3A_103] : memref<328000xi32, #tpu.memory_space<hbm>> -> memref<160xi32, #tpu.memory_space<hbm>>
      tpu.wait_dma2 semaphore(%arg20 : memref<!tpu.dma_semaphore, #tpu.memory_space<semaphore_mem>>) src(%dma_wait3A_104 : memref<160xi32, #tpu.memory_space<hbm>>) dst(%arg7 : memref<160xi32, #tpu.memory_space<vmem>>)
      %dma_wait3A_105 = arith.constant 0 : i32
      %dma_wait3A_106 = tpu.memref_slice %arg4[%dma_wait3A_105] : memref<328000xi32, #tpu.memory_space<hbm>> -> memref<80xi32, #tpu.memory_space<hbm>>
      %dma_wait3A_107 = arith.constant 0 : i32
      %dma_wait3A_108 = tpu.memref_slice %arg4[%dma_wait3A_107] : memref<328000xi32, #tpu.memory_space<hbm>> -> memref<80xi32, #tpu.memory_space<hbm>>
      tpu.wait_dma2 semaphore(%arg20 : memref<!tpu.dma_semaphore, #tpu.memory_space<semaphore_mem>>) src(%dma_wait3A_108 : memref<80xi32, #tpu.memory_space<hbm>>) dst(%arg8 : memref<80xi32, #tpu.memory_space<vmem>>)
      %dma_wait3A_109 = arith.constant 0 : i32
      %dma_wait3A_110 = tpu.memref_slice %arg4[%dma_wait3A_109] : memref<328000xi32, #tpu.memory_space<hbm>> -> memref<80xi32, #tpu.memory_space<hbm>>
      %dma_wait3A_111 = arith.constant 0 : i32
      %dma_wait3A_112 = tpu.memref_slice %arg4[%dma_wait3A_111] : memref<328000xi32, #tpu.memory_space<hbm>> -> memref<80xi32, #tpu.memory_space<hbm>>
      tpu.wait_dma2 semaphore(%arg20 : memref<!tpu.dma_semaphore, #tpu.memory_space<semaphore_mem>>) src(%dma_wait3A_112 : memref<80xi32, #tpu.memory_space<hbm>>) dst(%arg9 : memref<80xi32, #tpu.memory_space<vmem>>)
      %dma_start3A_113 = arith.constant 0 : i32
      %dma_start3A_114 = arith.constant 0 : i32
      %dma_start3A_115 = tpu.memref_slice %arg2[%dma_start3A_113, %dma_start3A_114] : memref<10000x128xf32, #tpu.memory_space<hbm>> -> memref<10000x128xf32, #tpu.memory_space<hbm>>
      tpu.enqueue_indirect_dma source(%dma_start3A_115 : memref<10000x128xf32, #tpu.memory_space<hbm>>) target(%arg17 : memref<160x128xf32, #tpu.memory_space<vmem>>) offsets(%arg7 : memref<160xi32, #tpu.memory_space<vmem>>) semaphore(%arg22 : memref<!tpu.dma_semaphore, #tpu.memory_space<semaphore_mem>>)
      "tpu.region"() ({
        %run_scoped3A = tpu.sem_alloc : memref<!tpu.dma_semaphore, #tpu.memory_space<semaphore_mem>>
        %dma_start3A_240 = arith.constant 0 : i32
        %dma_start3A_241 = arith.constant 0 : i32
        %dma_start3A_242 = tpu.memref_slice %arg16[%dma_start3A_240, %dma_start3A_241] : memref<160x128xf32, #tpu.memory_space<vmem>> -> memref<80x128xf32, #tpu.memory_space<vmem>>
        %dma_start3A_243 = arith.constant 0 : i32
        %dma_start3A_244 = arith.constant 0 : i32
        %dma_start3A_245 = tpu.memref_slice %arg18[%dma_start3A_243, %dma_start3A_244] : memref<10240x128xf32, #tpu.memory_space<vmem_shared>> -> memref<10240x128xf32, #tpu.memory_space<vmem_shared>>
        tpu.enqueue_indirect_dma source(%dma_start3A_242 : memref<80x128xf32, #tpu.memory_space<vmem>>) target(%dma_start3A_245 : memref<10240x128xf32, #tpu.memory_space<vmem_shared>>) offsets(%arg8 : memref<80xi32, #tpu.memory_space<vmem>>) semaphore(%run_scoped3A : memref<!tpu.dma_semaphore, #tpu.memory_space<semaphore_mem>>) {add = true}
        %dma_wait3A_246 = arith.constant 0 : i32
        %dma_wait3A_247 = arith.constant 0 : i32
        %dma_wait3A_248 = tpu.memref_slice %arg16[%dma_wait3A_246, %dma_wait3A_247] : memref<160x128xf32, #tpu.memory_space<vmem>> -> memref<80x128xf32, #tpu.memory_space<vmem>>
        %dma_wait3A_249 = arith.constant 0 : i32
        %dma_wait3A_250 = arith.constant 0 : i32
        %dma_wait3A_251 = tpu.memref_slice %arg18[%dma_wait3A_249, %dma_wait3A_250] : memref<10240x128xf32, #tpu.memory_space<vmem_shared>> -> memref<10240x128xf32, #tpu.memory_space<vmem_shared>>
        tpu.wait_indirect_dma semaphore(%run_scoped3A : memref<!tpu.dma_semaphore, #tpu.memory_space<semaphore_mem>>) src(%dma_wait3A_248 : memref<80x128xf32, #tpu.memory_space<vmem>>) dst(%dma_wait3A_251 : memref<10240x128xf32, #tpu.memory_space<vmem_shared>>)
        tpu.yield
      }) : () -> ()
      "tpu.region"() ({
        %run_scoped3A = tpu.sem_alloc : memref<!tpu.dma_semaphore, #tpu.memory_space<semaphore_mem>>
        %dma_start3A_240 = arith.constant 80 : i32
        %dma_start3A_241 = arith.constant 0 : i32
        %dma_start3A_242 = tpu.memref_slice %arg16[%dma_start3A_240, %dma_start3A_241] : memref<160x128xf32, #tpu.memory_space<vmem>> -> memref<80x128xf32, #tpu.memory_space<vmem>>
        %dma_start3A_243 = arith.constant 0 : i32
        %dma_start3A_244 = arith.constant 0 : i32
        %dma_start3A_245 = tpu.memref_slice %arg18[%dma_start3A_243, %dma_start3A_244] : memref<10240x128xf32, #tpu.memory_space<vmem_shared>> -> memref<10240x128xf32, #tpu.memory_space<vmem_shared>>
        tpu.enqueue_indirect_dma source(%dma_start3A_242 : memref<80x128xf32, #tpu.memory_space<vmem>>) target(%dma_start3A_245 : memref<10240x128xf32, #tpu.memory_space<vmem_shared>>) offsets(%arg9 : memref<80xi32, #tpu.memory_space<vmem>>) semaphore(%run_scoped3A : memref<!tpu.dma_semaphore, #tpu.memory_space<semaphore_mem>>) {add = true}
        %dma_wait3A_246 = arith.constant 80 : i32
        %dma_wait3A_247 = arith.constant 0 : i32
        %dma_wait3A_248 = tpu.memref_slice %arg16[%dma_wait3A_246, %dma_wait3A_247] : memref<160x128xf32, #tpu.memory_space<vmem>> -> memref<80x128xf32, #tpu.memory_space<vmem>>
        %dma_wait3A_249 = arith.constant 0 : i32
        %dma_wait3A_250 = arith.constant 0 : i32
        %dma_wait3A_251 = tpu.memref_slice %arg18[%dma_wait3A_249, %dma_wait3A_250] : memref<10240x128xf32, #tpu.memory_space<vmem_shared>> -> memref<10240x128xf32, #tpu.memory_space<vmem_shared>>
        tpu.wait_indirect_dma semaphore(%run_scoped3A : memref<!tpu.dma_semaphore, #tpu.memory_space<semaphore_mem>>) src(%dma_wait3A_248 : memref<80x128xf32, #tpu.memory_space<vmem>>) dst(%dma_wait3A_251 : memref<10240x128xf32, #tpu.memory_space<vmem_shared>>)
        tpu.yield
      }) : () -> ()
      %add3A_116 = arith.constant 2 : i32
      %add3A_117 = arith.addi %add3A_97, %add3A_116 : i32
      %mul3A_118 = arith.constant 160 : i32
      %mul3A_119 = arith.muli %add3A_117, %mul3A_118 : i32
      %add3A_120 = arith.addi %multiple_of3A, %mul3A_119 : i32
      %multiple_of3A_121 = tpu.assume_multiple %add3A_120, 8 : i32
      %dma_start3A_122 = tpu.memref_slice %arg3[%multiple_of3A_121] : memref<328000xi32, #tpu.memory_space<hbm>> -> memref<160xi32, #tpu.memory_space<hbm>>
      %dma_start3A_123 = tpu.memref_slice %arg3[%multiple_of3A_121] : memref<328000xi32, #tpu.memory_space<hbm>> -> memref<160xi32, #tpu.memory_space<hbm>>
      tpu.enqueue_dma source(%dma_start3A_123 : memref<160xi32, #tpu.memory_space<hbm>>) target(%arg6 : memref<160xi32, #tpu.memory_space<vmem>>) target_semaphore(%arg19 : memref<!tpu.dma_semaphore, #tpu.memory_space<semaphore_mem>>)
      %add3A_124 = arith.constant 0 : i32
      %add3A_125 = arith.addi %multiple_of3A_121, %add3A_124 : i32
      %dma_start3A_126 = tpu.memref_slice %arg4[%add3A_125] : memref<328000xi32, #tpu.memory_space<hbm>> -> memref<80xi32, #tpu.memory_space<hbm>>
      %dma_start3A_127 = tpu.memref_slice %arg4[%add3A_125] : memref<328000xi32, #tpu.memory_space<hbm>> -> memref<80xi32, #tpu.memory_space<hbm>>
      tpu.enqueue_dma source(%dma_start3A_127 : memref<80xi32, #tpu.memory_space<hbm>>) target(%arg12 : memref<80xi32, #tpu.memory_space<vmem>>) target_semaphore(%arg19 : memref<!tpu.dma_semaphore, #tpu.memory_space<semaphore_mem>>)
      %add3A_128 = arith.constant 80 : i32
      %add3A_129 = arith.addi %multiple_of3A_121, %add3A_128 : i32
      %dma_start3A_130 = tpu.memref_slice %arg4[%add3A_129] : memref<328000xi32, #tpu.memory_space<hbm>> -> memref<80xi32, #tpu.memory_space<hbm>>
      %dma_start3A_131 = tpu.memref_slice %arg4[%add3A_129] : memref<328000xi32, #tpu.memory_space<hbm>> -> memref<80xi32, #tpu.memory_space<hbm>>
      tpu.enqueue_dma source(%dma_start3A_131 : memref<80xi32, #tpu.memory_space<hbm>>) target(%arg13 : memref<80xi32, #tpu.memory_space<vmem>>) target_semaphore(%arg19 : memref<!tpu.dma_semaphore, #tpu.memory_space<semaphore_mem>>)
      %add3A_132 = arith.constant 1 : i32
      %add3A_133 = arith.addi %mul3A_95, %add3A_132 : i32
      %dma_wait3A_134 = arith.constant 0 : i32
      %dma_wait3A_135 = arith.constant 0 : i32
      %dma_wait3A_136 = tpu.memref_slice %arg2[%dma_wait3A_134, %dma_wait3A_135] : memref<10000x128xf32, #tpu.memory_space<hbm>> -> memref<10000x128xf32, #tpu.memory_space<hbm>>
      tpu.wait_indirect_dma semaphore(%arg22 : memref<!tpu.dma_semaphore, #tpu.memory_space<semaphore_mem>>) src(%dma_wait3A_136 : memref<10000x128xf32, #tpu.memory_space<hbm>>) dst(%arg17 : memref<160x128xf32, #tpu.memory_space<vmem>>)
      %dma_wait3A_137 = arith.constant 0 : i32
      %dma_wait3A_138 = tpu.memref_slice %arg3[%dma_wait3A_137] : memref<328000xi32, #tpu.memory_space<hbm>> -> memref<160xi32, #tpu.memory_space<hbm>>
      %dma_wait3A_139 = arith.constant 0 : i32
      %dma_wait3A_140 = tpu.memref_slice %arg3[%dma_wait3A_139] : memref<328000xi32, #tpu.memory_space<hbm>> -> memref<160xi32, #tpu.memory_space<hbm>>
      tpu.wait_dma2 semaphore(%arg19 : memref<!tpu.dma_semaphore, #tpu.memory_space<semaphore_mem>>) src(%dma_wait3A_140 : memref<160xi32, #tpu.memory_space<hbm>>) dst(%arg6 : memref<160xi32, #tpu.memory_space<vmem>>)
      %dma_wait3A_141 = arith.constant 0 : i32
      %dma_wait3A_142 = tpu.memref_slice %arg4[%dma_wait3A_141] : memref<328000xi32, #tpu.memory_space<hbm>> -> memref<80xi32, #tpu.memory_space<hbm>>
      %dma_wait3A_143 = arith.constant 0 : i32
      %dma_wait3A_144 = tpu.memref_slice %arg4[%dma_wait3A_143] : memref<328000xi32, #tpu.memory_space<hbm>> -> memref<80xi32, #tpu.memory_space<hbm>>
      tpu.wait_dma2 semaphore(%arg19 : memref<!tpu.dma_semaphore, #tpu.memory_space<semaphore_mem>>) src(%dma_wait3A_144 : memref<80xi32, #tpu.memory_space<hbm>>) dst(%arg8 : memref<80xi32, #tpu.memory_space<vmem>>)
      %dma_wait3A_145 = arith.constant 0 : i32
      %dma_wait3A_146 = tpu.memref_slice %arg4[%dma_wait3A_145] : memref<328000xi32, #tpu.memory_space<hbm>> -> memref<80xi32, #tpu.memory_space<hbm>>
      %dma_wait3A_147 = arith.constant 0 : i32
      %dma_wait3A_148 = tpu.memref_slice %arg4[%dma_wait3A_147] : memref<328000xi32, #tpu.memory_space<hbm>> -> memref<80xi32, #tpu.memory_space<hbm>>
      tpu.wait_dma2 semaphore(%arg19 : memref<!tpu.dma_semaphore, #tpu.memory_space<semaphore_mem>>) src(%dma_wait3A_148 : memref<80xi32, #tpu.memory_space<hbm>>) dst(%arg9 : memref<80xi32, #tpu.memory_space<vmem>>)
      %dma_start3A_149 = arith.constant 0 : i32
      %dma_start3A_150 = arith.constant 0 : i32
      %dma_start3A_151 = tpu.memref_slice %arg2[%dma_start3A_149, %dma_start3A_150] : memref<10000x128xf32, #tpu.memory_space<hbm>> -> memref<10000x128xf32, #tpu.memory_space<hbm>>
      tpu.enqueue_indirect_dma source(%dma_start3A_151 : memref<10000x128xf32, #tpu.memory_space<hbm>>) target(%arg16 : memref<160x128xf32, #tpu.memory_space<vmem>>) offsets(%arg6 : memref<160xi32, #tpu.memory_space<vmem>>) semaphore(%arg21 : memref<!tpu.dma_semaphore, #tpu.memory_space<semaphore_mem>>)
      "tpu.region"() ({
        %run_scoped3A = tpu.sem_alloc : memref<!tpu.dma_semaphore, #tpu.memory_space<semaphore_mem>>
        %dma_start3A_240 = arith.constant 0 : i32
        %dma_start3A_241 = arith.constant 0 : i32
        %dma_start3A_242 = tpu.memref_slice %arg17[%dma_start3A_240, %dma_start3A_241] : memref<160x128xf32, #tpu.memory_space<vmem>> -> memref<80x128xf32, #tpu.memory_space<vmem>>
        %dma_start3A_243 = arith.constant 0 : i32
        %dma_start3A_244 = arith.constant 0 : i32
        %dma_start3A_245 = tpu.memref_slice %arg18[%dma_start3A_243, %dma_start3A_244] : memref<10240x128xf32, #tpu.memory_space<vmem_shared>> -> memref<10240x128xf32, #tpu.memory_space<vmem_shared>>
        tpu.enqueue_indirect_dma source(%dma_start3A_242 : memref<80x128xf32, #tpu.memory_space<vmem>>) target(%dma_start3A_245 : memref<10240x128xf32, #tpu.memory_space<vmem_shared>>) offsets(%arg10 : memref<80xi32, #tpu.memory_space<vmem>>) semaphore(%run_scoped3A : memref<!tpu.dma_semaphore, #tpu.memory_space<semaphore_mem>>) {add = true}
        %dma_wait3A_246 = arith.constant 0 : i32
        %dma_wait3A_247 = arith.constant 0 : i32
        %dma_wait3A_248 = tpu.memref_slice %arg17[%dma_wait3A_246, %dma_wait3A_247] : memref<160x128xf32, #tpu.memory_space<vmem>> -> memref<80x128xf32, #tpu.memory_space<vmem>>
        %dma_wait3A_249 = arith.constant 0 : i32
        %dma_wait3A_250 = arith.constant 0 : i32
        %dma_wait3A_251 = tpu.memref_slice %arg18[%dma_wait3A_249, %dma_wait3A_250] : memref<10240x128xf32, #tpu.memory_space<vmem_shared>> -> memref<10240x128xf32, #tpu.memory_space<vmem_shared>>
        tpu.wait_indirect_dma semaphore(%run_scoped3A : memref<!tpu.dma_semaphore, #tpu.memory_space<semaphore_mem>>) src(%dma_wait3A_248 : memref<80x128xf32, #tpu.memory_space<vmem>>) dst(%dma_wait3A_251 : memref<10240x128xf32, #tpu.memory_space<vmem_shared>>)
        tpu.yield
      }) : () -> ()
      "tpu.region"() ({
        %run_scoped3A = tpu.sem_alloc : memref<!tpu.dma_semaphore, #tpu.memory_space<semaphore_mem>>
        %dma_start3A_240 = arith.constant 80 : i32
        %dma_start3A_241 = arith.constant 0 : i32
        %dma_start3A_242 = tpu.memref_slice %arg17[%dma_start3A_240, %dma_start3A_241] : memref<160x128xf32, #tpu.memory_space<vmem>> -> memref<80x128xf32, #tpu.memory_space<vmem>>
        %dma_start3A_243 = arith.constant 0 : i32
        %dma_start3A_244 = arith.constant 0 : i32
        %dma_start3A_245 = tpu.memref_slice %arg18[%dma_start3A_243, %dma_start3A_244] : memref<10240x128xf32, #tpu.memory_space<vmem_shared>> -> memref<10240x128xf32, #tpu.memory_space<vmem_shared>>
        tpu.enqueue_indirect_dma source(%dma_start3A_242 : memref<80x128xf32, #tpu.memory_space<vmem>>) target(%dma_start3A_245 : memref<10240x128xf32, #tpu.memory_space<vmem_shared>>) offsets(%arg11 : memref<80xi32, #tpu.memory_space<vmem>>) semaphore(%run_scoped3A : memref<!tpu.dma_semaphore, #tpu.memory_space<semaphore_mem>>) {add = true}
        %dma_wait3A_246 = arith.constant 80 : i32
        %dma_wait3A_247 = arith.constant 0 : i32
        %dma_wait3A_248 = tpu.memref_slice %arg17[%dma_wait3A_246, %dma_wait3A_247] : memref<160x128xf32, #tpu.memory_space<vmem>> -> memref<80x128xf32, #tpu.memory_space<vmem>>
        %dma_wait3A_249 = arith.constant 0 : i32
        %dma_wait3A_250 = arith.constant 0 : i32
        %dma_wait3A_251 = tpu.memref_slice %arg18[%dma_wait3A_249, %dma_wait3A_250] : memref<10240x128xf32, #tpu.memory_space<vmem_shared>> -> memref<10240x128xf32, #tpu.memory_space<vmem_shared>>
        tpu.wait_indirect_dma semaphore(%run_scoped3A : memref<!tpu.dma_semaphore, #tpu.memory_space<semaphore_mem>>) src(%dma_wait3A_248 : memref<80x128xf32, #tpu.memory_space<vmem>>) dst(%dma_wait3A_251 : memref<10240x128xf32, #tpu.memory_space<vmem_shared>>)
        tpu.yield
      }) : () -> ()
      %add3A_152 = arith.constant 2 : i32
      %add3A_153 = arith.addi %add3A_133, %add3A_152 : i32
      %mul3A_154 = arith.constant 160 : i32
      %mul3A_155 = arith.muli %add3A_153, %mul3A_154 : i32
      %add3A_156 = arith.addi %multiple_of3A, %mul3A_155 : i32
      %multiple_of3A_157 = tpu.assume_multiple %add3A_156, 8 : i32
      %dma_start3A_158 = tpu.memref_slice %arg3[%multiple_of3A_157] : memref<328000xi32, #tpu.memory_space<hbm>> -> memref<160xi32, #tpu.memory_space<hbm>>
      %dma_start3A_159 = tpu.memref_slice %arg3[%multiple_of3A_157] : memref<328000xi32, #tpu.memory_space<hbm>> -> memref<160xi32, #tpu.memory_space<hbm>>
      tpu.enqueue_dma source(%dma_start3A_159 : memref<160xi32, #tpu.memory_space<hbm>>) target(%arg7 : memref<160xi32, #tpu.memory_space<vmem>>) target_semaphore(%arg20 : memref<!tpu.dma_semaphore, #tpu.memory_space<semaphore_mem>>)
      %add3A_160 = arith.constant 0 : i32
      %add3A_161 = arith.addi %multiple_of3A_157, %add3A_160 : i32
      %dma_start3A_162 = tpu.memref_slice %arg4[%add3A_161] : memref<328000xi32, #tpu.memory_space<hbm>> -> memref<80xi32, #tpu.memory_space<hbm>>
      %dma_start3A_163 = tpu.memref_slice %arg4[%add3A_161] : memref<328000xi32, #tpu.memory_space<hbm>> -> memref<80xi32, #tpu.memory_space<hbm>>
      tpu.enqueue_dma source(%dma_start3A_163 : memref<80xi32, #tpu.memory_space<hbm>>) target(%arg14 : memref<80xi32, #tpu.memory_space<vmem>>) target_semaphore(%arg20 : memref<!tpu.dma_semaphore, #tpu.memory_space<semaphore_mem>>)
      %add3A_164 = arith.constant 80 : i32
      %add3A_165 = arith.addi %multiple_of3A_157, %add3A_164 : i32
      %dma_start3A_166 = tpu.memref_slice %arg4[%add3A_165] : memref<328000xi32, #tpu.memory_space<hbm>> -> memref<80xi32, #tpu.memory_space<hbm>>
      %dma_start3A_167 = tpu.memref_slice %arg4[%add3A_165] : memref<328000xi32, #tpu.memory_space<hbm>> -> memref<80xi32, #tpu.memory_space<hbm>>
      tpu.enqueue_dma source(%dma_start3A_167 : memref<80xi32, #tpu.memory_space<hbm>>) target(%arg15 : memref<80xi32, #tpu.memory_space<vmem>>) target_semaphore(%arg20 : memref<!tpu.dma_semaphore, #tpu.memory_space<semaphore_mem>>)
      %add3A_168 = arith.constant 2 : i32
      %add3A_169 = arith.addi %mul3A_95, %add3A_168 : i32
      %dma_wait3A_170 = arith.constant 0 : i32
      %dma_wait3A_171 = arith.constant 0 : i32
      %dma_wait3A_172 = tpu.memref_slice %arg2[%dma_wait3A_170, %dma_wait3A_171] : memref<10000x128xf32, #tpu.memory_space<hbm>> -> memref<10000x128xf32, #tpu.memory_space<hbm>>
      tpu.wait_indirect_dma semaphore(%arg21 : memref<!tpu.dma_semaphore, #tpu.memory_space<semaphore_mem>>) src(%dma_wait3A_172 : memref<10000x128xf32, #tpu.memory_space<hbm>>) dst(%arg16 : memref<160x128xf32, #tpu.memory_space<vmem>>)
      %dma_wait3A_173 = arith.constant 0 : i32
      %dma_wait3A_174 = tpu.memref_slice %arg3[%dma_wait3A_173] : memref<328000xi32, #tpu.memory_space<hbm>> -> memref<160xi32, #tpu.memory_space<hbm>>
      %dma_wait3A_175 = arith.constant 0 : i32
      %dma_wait3A_176 = tpu.memref_slice %arg3[%dma_wait3A_175] : memref<328000xi32, #tpu.memory_space<hbm>> -> memref<160xi32, #tpu.memory_space<hbm>>
      tpu.wait_dma2 semaphore(%arg20 : memref<!tpu.dma_semaphore, #tpu.memory_space<semaphore_mem>>) src(%dma_wait3A_176 : memref<160xi32, #tpu.memory_space<hbm>>) dst(%arg7 : memref<160xi32, #tpu.memory_space<vmem>>)
      %dma_wait3A_177 = arith.constant 0 : i32
      %dma_wait3A_178 = tpu.memref_slice %arg4[%dma_wait3A_177] : memref<328000xi32, #tpu.memory_space<hbm>> -> memref<80xi32, #tpu.memory_space<hbm>>
      %dma_wait3A_179 = arith.constant 0 : i32
      %dma_wait3A_180 = tpu.memref_slice %arg4[%dma_wait3A_179] : memref<328000xi32, #tpu.memory_space<hbm>> -> memref<80xi32, #tpu.memory_space<hbm>>
      tpu.wait_dma2 semaphore(%arg20 : memref<!tpu.dma_semaphore, #tpu.memory_space<semaphore_mem>>) src(%dma_wait3A_180 : memref<80xi32, #tpu.memory_space<hbm>>) dst(%arg8 : memref<80xi32, #tpu.memory_space<vmem>>)
      %dma_wait3A_181 = arith.constant 0 : i32
      %dma_wait3A_182 = tpu.memref_slice %arg4[%dma_wait3A_181] : memref<328000xi32, #tpu.memory_space<hbm>> -> memref<80xi32, #tpu.memory_space<hbm>>
      %dma_wait3A_183 = arith.constant 0 : i32
      %dma_wait3A_184 = tpu.memref_slice %arg4[%dma_wait3A_183] : memref<328000xi32, #tpu.memory_space<hbm>> -> memref<80xi32, #tpu.memory_space<hbm>>
      tpu.wait_dma2 semaphore(%arg20 : memref<!tpu.dma_semaphore, #tpu.memory_space<semaphore_mem>>) src(%dma_wait3A_184 : memref<80xi32, #tpu.memory_space<hbm>>) dst(%arg9 : memref<80xi32, #tpu.memory_space<vmem>>)
      %dma_start3A_185 = arith.constant 0 : i32
      %dma_start3A_186 = arith.constant 0 : i32
      %dma_start3A_187 = tpu.memref_slice %arg2[%dma_start3A_185, %dma_start3A_186] : memref<10000x128xf32, #tpu.memory_space<hbm>> -> memref<10000x128xf32, #tpu.memory_space<hbm>>
      tpu.enqueue_indirect_dma source(%dma_start3A_187 : memref<10000x128xf32, #tpu.memory_space<hbm>>) target(%arg17 : memref<160x128xf32, #tpu.memory_space<vmem>>) offsets(%arg7 : memref<160xi32, #tpu.memory_space<vmem>>) semaphore(%arg22 : memref<!tpu.dma_semaphore, #tpu.memory_space<semaphore_mem>>)
      "tpu.region"() ({
        %run_scoped3A = tpu.sem_alloc : memref<!tpu.dma_semaphore, #tpu.memory_space<semaphore_mem>>
        %dma_start3A_240 = arith.constant 0 : i32
        %dma_start3A_241 = arith.constant 0 : i32
        %dma_start3A_242 = tpu.memref_slice %arg16[%dma_start3A_240, %dma_start3A_241] : memref<160x128xf32, #tpu.memory_space<vmem>> -> memref<80x128xf32, #tpu.memory_space<vmem>>
        %dma_start3A_243 = arith.constant 0 : i32
        %dma_start3A_244 = arith.constant 0 : i32
        %dma_start3A_245 = tpu.memref_slice %arg18[%dma_start3A_243, %dma_start3A_244] : memref<10240x128xf32, #tpu.memory_space<vmem_shared>> -> memref<10240x128xf32, #tpu.memory_space<vmem_shared>>
        tpu.enqueue_indirect_dma source(%dma_start3A_242 : memref<80x128xf32, #tpu.memory_space<vmem>>) target(%dma_start3A_245 : memref<10240x128xf32, #tpu.memory_space<vmem_shared>>) offsets(%arg12 : memref<80xi32, #tpu.memory_space<vmem>>) semaphore(%run_scoped3A : memref<!tpu.dma_semaphore, #tpu.memory_space<semaphore_mem>>) {add = true}
        %dma_wait3A_246 = arith.constant 0 : i32
        %dma_wait3A_247 = arith.constant 0 : i32
        %dma_wait3A_248 = tpu.memref_slice %arg16[%dma_wait3A_246, %dma_wait3A_247] : memref<160x128xf32, #tpu.memory_space<vmem>> -> memref<80x128xf32, #tpu.memory_space<vmem>>
        %dma_wait3A_249 = arith.constant 0 : i32
        %dma_wait3A_250 = arith.constant 0 : i32
        %dma_wait3A_251 = tpu.memref_slice %arg18[%dma_wait3A_249, %dma_wait3A_250] : memref<10240x128xf32, #tpu.memory_space<vmem_shared>> -> memref<10240x128xf32, #tpu.memory_space<vmem_shared>>
        tpu.wait_indirect_dma semaphore(%run_scoped3A : memref<!tpu.dma_semaphore, #tpu.memory_space<semaphore_mem>>) src(%dma_wait3A_248 : memref<80x128xf32, #tpu.memory_space<vmem>>) dst(%dma_wait3A_251 : memref<10240x128xf32, #tpu.memory_space<vmem_shared>>)
        tpu.yield
      }) : () -> ()
      "tpu.region"() ({
        %run_scoped3A = tpu.sem_alloc : memref<!tpu.dma_semaphore, #tpu.memory_space<semaphore_mem>>
        %dma_start3A_240 = arith.constant 80 : i32
        %dma_start3A_241 = arith.constant 0 : i32
        %dma_start3A_242 = tpu.memref_slice %arg16[%dma_start3A_240, %dma_start3A_241] : memref<160x128xf32, #tpu.memory_space<vmem>> -> memref<80x128xf32, #tpu.memory_space<vmem>>
        %dma_start3A_243 = arith.constant 0 : i32
        %dma_start3A_244 = arith.constant 0 : i32
        %dma_start3A_245 = tpu.memref_slice %arg18[%dma_start3A_243, %dma_start3A_244] : memref<10240x128xf32, #tpu.memory_space<vmem_shared>> -> memref<10240x128xf32, #tpu.memory_space<vmem_shared>>
        tpu.enqueue_indirect_dma source(%dma_start3A_242 : memref<80x128xf32, #tpu.memory_space<vmem>>) target(%dma_start3A_245 : memref<10240x128xf32, #tpu.memory_space<vmem_shared>>) offsets(%arg13 : memref<80xi32, #tpu.memory_space<vmem>>) semaphore(%run_scoped3A : memref<!tpu.dma_semaphore, #tpu.memory_space<semaphore_mem>>) {add = true}
        %dma_wait3A_246 = arith.constant 80 : i32
        %dma_wait3A_247 = arith.constant 0 : i32
        %dma_wait3A_248 = tpu.memref_slice %arg16[%dma_wait3A_246, %dma_wait3A_247] : memref<160x128xf32, #tpu.memory_space<vmem>> -> memref<80x128xf32, #tpu.memory_space<vmem>>
        %dma_wait3A_249 = arith.constant 0 : i32
        %dma_wait3A_250 = arith.constant 0 : i32
        %dma_wait3A_251 = tpu.memref_slice %arg18[%dma_wait3A_249, %dma_wait3A_250] : memref<10240x128xf32, #tpu.memory_space<vmem_shared>> -> memref<10240x128xf32, #tpu.memory_space<vmem_shared>>
        tpu.wait_indirect_dma semaphore(%run_scoped3A : memref<!tpu.dma_semaphore, #tpu.memory_space<semaphore_mem>>) src(%dma_wait3A_248 : memref<80x128xf32, #tpu.memory_space<vmem>>) dst(%dma_wait3A_251 : memref<10240x128xf32, #tpu.memory_space<vmem_shared>>)
        tpu.yield
      }) : () -> ()
      %add3A_188 = arith.constant 2 : i32
      %add3A_189 = arith.addi %add3A_169, %add3A_188 : i32
      %mul3A_190 = arith.constant 160 : i32
      %mul3A_191 = arith.muli %add3A_189, %mul3A_190 : i32
      %add3A_192 = arith.addi %multiple_of3A, %mul3A_191 : i32
      %multiple_of3A_193 = tpu.assume_multiple %add3A_192, 8 : i32
      %dma_start3A_194 = tpu.memref_slice %arg3[%multiple_of3A_193] : memref<328000xi32, #tpu.memory_space<hbm>> -> memref<160xi32, #tpu.memory_space<hbm>>
      %dma_start3A_195 = tpu.memref_slice %arg3[%multiple_of3A_193] : memref<328000xi32, #tpu.memory_space<hbm>> -> memref<160xi32, #tpu.memory_space<hbm>>
      tpu.enqueue_dma source(%dma_start3A_195 : memref<160xi32, #tpu.memory_space<hbm>>) target(%arg6 : memref<160xi32, #tpu.memory_space<vmem>>) target_semaphore(%arg19 : memref<!tpu.dma_semaphore, #tpu.memory_space<semaphore_mem>>)
      %add3A_196 = arith.constant 0 : i32
      %add3A_197 = arith.addi %multiple_of3A_193, %add3A_196 : i32
      %dma_start3A_198 = tpu.memref_slice %arg4[%add3A_197] : memref<328000xi32, #tpu.memory_space<hbm>> -> memref<80xi32, #tpu.memory_space<hbm>>
      %dma_start3A_199 = tpu.memref_slice %arg4[%add3A_197] : memref<328000xi32, #tpu.memory_space<hbm>> -> memref<80xi32, #tpu.memory_space<hbm>>
      tpu.enqueue_dma source(%dma_start3A_199 : memref<80xi32, #tpu.memory_space<hbm>>) target(%arg8 : memref<80xi32, #tpu.memory_space<vmem>>) target_semaphore(%arg19 : memref<!tpu.dma_semaphore, #tpu.memory_space<semaphore_mem>>)
      %add3A_200 = arith.constant 80 : i32
      %add3A_201 = arith.addi %multiple_of3A_193, %add3A_200 : i32
      %dma_start3A_202 = tpu.memref_slice %arg4[%add3A_201] : memref<328000xi32, #tpu.memory_space<hbm>> -> memref<80xi32, #tpu.memory_space<hbm>>
      %dma_start3A_203 = tpu.memref_slice %arg4[%add3A_201] : memref<328000xi32, #tpu.memory_space<hbm>> -> memref<80xi32, #tpu.memory_space<hbm>>
      tpu.enqueue_dma source(%dma_start3A_203 : memref<80xi32, #tpu.memory_space<hbm>>) target(%arg9 : memref<80xi32, #tpu.memory_space<vmem>>) target_semaphore(%arg19 : memref<!tpu.dma_semaphore, #tpu.memory_space<semaphore_mem>>)
      %add3A_204 = arith.constant 3 : i32
      %add3A_205 = arith.addi %mul3A_95, %add3A_204 : i32
      %dma_wait3A_206 = arith.constant 0 : i32
      %dma_wait3A_207 = arith.constant 0 : i32
      %dma_wait3A_208 = tpu.memref_slice %arg2[%dma_wait3A_206, %dma_wait3A_207] : memref<10000x128xf32, #tpu.memory_space<hbm>> -> memref<10000x128xf32, #tpu.memory_space<hbm>>
      tpu.wait_indirect_dma semaphore(%arg22 : memref<!tpu.dma_semaphore, #tpu.memory_space<semaphore_mem>>) src(%dma_wait3A_208 : memref<10000x128xf32, #tpu.memory_space<hbm>>) dst(%arg17 : memref<160x128xf32, #tpu.memory_space<vmem>>)
      %dma_wait3A_209 = arith.constant 0 : i32
      %dma_wait3A_210 = tpu.memref_slice %arg3[%dma_wait3A_209] : memref<328000xi32, #tpu.memory_space<hbm>> -> memref<160xi32, #tpu.memory_space<hbm>>
      %dma_wait3A_211 = arith.constant 0 : i32
      %dma_wait3A_212 = tpu.memref_slice %arg3[%dma_wait3A_211] : memref<328000xi32, #tpu.memory_space<hbm>> -> memref<160xi32, #tpu.memory_space<hbm>>
      tpu.wait_dma2 semaphore(%arg19 : memref<!tpu.dma_semaphore, #tpu.memory_space<semaphore_mem>>) src(%dma_wait3A_212 : memref<160xi32, #tpu.memory_space<hbm>>) dst(%arg6 : memref<160xi32, #tpu.memory_space<vmem>>)
      %dma_wait3A_213 = arith.constant 0 : i32
      %dma_wait3A_214 = tpu.memref_slice %arg4[%dma_wait3A_213] : memref<328000xi32, #tpu.memory_space<hbm>> -> memref<80xi32, #tpu.memory_space<hbm>>
      %dma_wait3A_215 = arith.constant 0 : i32
      %dma_wait3A_216 = tpu.memref_slice %arg4[%dma_wait3A_215] : memref<328000xi32, #tpu.memory_space<hbm>> -> memref<80xi32, #tpu.memory_space<hbm>>
      tpu.wait_dma2 semaphore(%arg19 : memref<!tpu.dma_semaphore, #tpu.memory_space<semaphore_mem>>) src(%dma_wait3A_216 : memref<80xi32, #tpu.memory_space<hbm>>) dst(%arg8 : memref<80xi32, #tpu.memory_space<vmem>>)
      %dma_wait3A_217 = arith.constant 0 : i32
      %dma_wait3A_218 = tpu.memref_slice %arg4[%dma_wait3A_217] : memref<328000xi32, #tpu.memory_space<hbm>> -> memref<80xi32, #tpu.memory_space<hbm>>
      %dma_wait3A_219 = arith.constant 0 : i32
      %dma_wait3A_220 = tpu.memref_slice %arg4[%dma_wait3A_219] : memref<328000xi32, #tpu.memory_space<hbm>> -> memref<80xi32, #tpu.memory_space<hbm>>
      tpu.wait_dma2 semaphore(%arg19 : memref<!tpu.dma_semaphore, #tpu.memory_space<semaphore_mem>>) src(%dma_wait3A_220 : memref<80xi32, #tpu.memory_space<hbm>>) dst(%arg9 : memref<80xi32, #tpu.memory_space<vmem>>)
      %dma_start3A_221 = arith.constant 0 : i32
      %dma_start3A_222 = arith.constant 0 : i32
      %dma_start3A_223 = tpu.memref_slice %arg2[%dma_start3A_221, %dma_start3A_222] : memref<10000x128xf32, #tpu.memory_space<hbm>> -> memref<10000x128xf32, #tpu.memory_space<hbm>>
      tpu.enqueue_indirect_dma source(%dma_start3A_223 : memref<10000x128xf32, #tpu.memory_space<hbm>>) target(%arg16 : memref<160x128xf32, #tpu.memory_space<vmem>>) offsets(%arg6 : memref<160xi32, #tpu.memory_space<vmem>>) semaphore(%arg21 : memref<!tpu.dma_semaphore, #tpu.memory_space<semaphore_mem>>)
      "tpu.region"() ({
        %run_scoped3A = tpu.sem_alloc : memref<!tpu.dma_semaphore, #tpu.memory_space<semaphore_mem>>
        %dma_start3A_240 = arith.constant 0 : i32
        %dma_start3A_241 = arith.constant 0 : i32
        %dma_start3A_242 = tpu.memref_slice %arg17[%dma_start3A_240, %dma_start3A_241] : memref<160x128xf32, #tpu.memory_space<vmem>> -> memref<80x128xf32, #tpu.memory_space<vmem>>
        %dma_start3A_243 = arith.constant 0 : i32
        %dma_start3A_244 = arith.constant 0 : i32
        %dma_start3A_245 = tpu.memref_slice %arg18[%dma_start3A_243, %dma_start3A_244] : memref<10240x128xf32, #tpu.memory_space<vmem_shared>> -> memref<10240x128xf32, #tpu.memory_space<vmem_shared>>
        tpu.enqueue_indirect_dma source(%dma_start3A_242 : memref<80x128xf32, #tpu.memory_space<vmem>>) target(%dma_start3A_245 : memref<10240x128xf32, #tpu.memory_space<vmem_shared>>) offsets(%arg14 : memref<80xi32, #tpu.memory_space<vmem>>) semaphore(%run_scoped3A : memref<!tpu.dma_semaphore, #tpu.memory_space<semaphore_mem>>) {add = true}
        %dma_wait3A_246 = arith.constant 0 : i32
        %dma_wait3A_247 = arith.constant 0 : i32
        %dma_wait3A_248 = tpu.memref_slice %arg17[%dma_wait3A_246, %dma_wait3A_247] : memref<160x128xf32, #tpu.memory_space<vmem>> -> memref<80x128xf32, #tpu.memory_space<vmem>>
        %dma_wait3A_249 = arith.constant 0 : i32
        %dma_wait3A_250 = arith.constant 0 : i32
        %dma_wait3A_251 = tpu.memref_slice %arg18[%dma_wait3A_249, %dma_wait3A_250] : memref<10240x128xf32, #tpu.memory_space<vmem_shared>> -> memref<10240x128xf32, #tpu.memory_space<vmem_shared>>
        tpu.wait_indirect_dma semaphore(%run_scoped3A : memref<!tpu.dma_semaphore, #tpu.memory_space<semaphore_mem>>) src(%dma_wait3A_248 : memref<80x128xf32, #tpu.memory_space<vmem>>) dst(%dma_wait3A_251 : memref<10240x128xf32, #tpu.memory_space<vmem_shared>>)
        tpu.yield
      }) : () -> ()
      "tpu.region"() ({
        %run_scoped3A = tpu.sem_alloc : memref<!tpu.dma_semaphore, #tpu.memory_space<semaphore_mem>>
        %dma_start3A_240 = arith.constant 80 : i32
        %dma_start3A_241 = arith.constant 0 : i32
        %dma_start3A_242 = tpu.memref_slice %arg17[%dma_start3A_240, %dma_start3A_241] : memref<160x128xf32, #tpu.memory_space<vmem>> -> memref<80x128xf32, #tpu.memory_space<vmem>>
        %dma_start3A_243 = arith.constant 0 : i32
        %dma_start3A_244 = arith.constant 0 : i32
        %dma_start3A_245 = tpu.memref_slice %arg18[%dma_start3A_243, %dma_start3A_244] : memref<10240x128xf32, #tpu.memory_space<vmem_shared>> -> memref<10240x128xf32, #tpu.memory_space<vmem_shared>>
        tpu.enqueue_indirect_dma source(%dma_start3A_242 : memref<80x128xf32, #tpu.memory_space<vmem>>) target(%dma_start3A_245 : memref<10240x128xf32, #tpu.memory_space<vmem_shared>>) offsets(%arg15 : memref<80xi32, #tpu.memory_space<vmem>>) semaphore(%run_scoped3A : memref<!tpu.dma_semaphore, #tpu.memory_space<semaphore_mem>>) {add = true}
        %dma_wait3A_246 = arith.constant 80 : i32
        %dma_wait3A_247 = arith.constant 0 : i32
        %dma_wait3A_248 = tpu.memref_slice %arg17[%dma_wait3A_246, %dma_wait3A_247] : memref<160x128xf32, #tpu.memory_space<vmem>> -> memref<80x128xf32, #tpu.memory_space<vmem>>
        %dma_wait3A_249 = arith.constant 0 : i32
        %dma_wait3A_250 = arith.constant 0 : i32
        %dma_wait3A_251 = tpu.memref_slice %arg18[%dma_wait3A_249, %dma_wait3A_250] : memref<10240x128xf32, #tpu.memory_space<vmem_shared>> -> memref<10240x128xf32, #tpu.memory_space<vmem_shared>>
        tpu.wait_indirect_dma semaphore(%run_scoped3A : memref<!tpu.dma_semaphore, #tpu.memory_space<semaphore_mem>>) src(%dma_wait3A_248 : memref<80x128xf32, #tpu.memory_space<vmem>>) dst(%dma_wait3A_251 : memref<10240x128xf32, #tpu.memory_space<vmem_shared>>)
        tpu.yield
      }) : () -> ()
      %add3A_224 = arith.constant 2 : i32
      %add3A_225 = arith.addi %add3A_205, %add3A_224 : i32
      %mul3A_226 = arith.constant 160 : i32
      %mul3A_227 = arith.muli %add3A_225, %mul3A_226 : i32
      %add3A_228 = arith.addi %multiple_of3A, %mul3A_227 : i32
      %multiple_of3A_229 = tpu.assume_multiple %add3A_228, 8 : i32
      %dma_start3A_230 = tpu.memref_slice %arg3[%multiple_of3A_229] : memref<328000xi32, #tpu.memory_space<hbm>> -> memref<160xi32, #tpu.memory_space<hbm>>
      %dma_start3A_231 = tpu.memref_slice %arg3[%multiple_of3A_229] : memref<328000xi32, #tpu.memory_space<hbm>> -> memref<160xi32, #tpu.memory_space<hbm>>
      tpu.enqueue_dma source(%dma_start3A_231 : memref<160xi32, #tpu.memory_space<hbm>>) target(%arg7 : memref<160xi32, #tpu.memory_space<vmem>>) target_semaphore(%arg20 : memref<!tpu.dma_semaphore, #tpu.memory_space<semaphore_mem>>)
      %add3A_232 = arith.constant 0 : i32
      %add3A_233 = arith.addi %multiple_of3A_229, %add3A_232 : i32
      %dma_start3A_234 = tpu.memref_slice %arg4[%add3A_233] : memref<328000xi32, #tpu.memory_space<hbm>> -> memref<80xi32, #tpu.memory_space<hbm>>
      %dma_start3A_235 = tpu.memref_slice %arg4[%add3A_233] : memref<328000xi32, #tpu.memory_space<hbm>> -> memref<80xi32, #tpu.memory_space<hbm>>
      tpu.enqueue_dma source(%dma_start3A_235 : memref<80xi32, #tpu.memory_space<hbm>>) target(%arg10 : memref<80xi32, #tpu.memory_space<vmem>>) target_semaphore(%arg20 : memref<!tpu.dma_semaphore, #tpu.memory_space<semaphore_mem>>)
      %add3A_236 = arith.constant 80 : i32
      %add3A_237 = arith.addi %multiple_of3A_229, %add3A_236 : i32
      %dma_start3A_238 = tpu.memref_slice %arg4[%add3A_237] : memref<328000xi32, #tpu.memory_space<hbm>> -> memref<80xi32, #tpu.memory_space<hbm>>
      %dma_start3A_239 = tpu.memref_slice %arg4[%add3A_237] : memref<328000xi32, #tpu.memory_space<hbm>> -> memref<80xi32, #tpu.memory_space<hbm>>
      tpu.enqueue_dma source(%dma_start3A_239 : memref<80xi32, #tpu.memory_space<hbm>>) target(%arg11 : memref<80xi32, #tpu.memory_space<vmem>>) target_semaphore(%arg20 : memref<!tpu.dma_semaphore, #tpu.memory_space<semaphore_mem>>)
    }
    %scan3A_73 = arith.constant 16 : i32
    %dma_wait3A_74 = arith.constant 0 : i32
    %dma_wait3A_75 = arith.constant 0 : i32
    %dma_wait3A_76 = tpu.memref_slice %arg2[%dma_wait3A_74, %dma_wait3A_75] : memref<10000x128xf32, #tpu.memory_space<hbm>> -> memref<10000x128xf32, #tpu.memory_space<hbm>>
    tpu.wait_indirect_dma semaphore(%arg21 : memref<!tpu.dma_semaphore, #tpu.memory_space<semaphore_mem>>) src(%dma_wait3A_76 : memref<10000x128xf32, #tpu.memory_space<hbm>>) dst(%arg16 : memref<160x128xf32, #tpu.memory_space<vmem>>)
    %dma_wait3A_77 = arith.constant 0 : i32
    %dma_wait3A_78 = tpu.memref_slice %arg3[%dma_wait3A_77] : memref<328000xi32, #tpu.memory_space<hbm>> -> memref<160xi32, #tpu.memory_space<hbm>>
    %dma_wait3A_79 = arith.constant 0 : i32
    %dma_wait3A_80 = tpu.memref_slice %arg3[%dma_wait3A_79] : memref<328000xi32, #tpu.memory_space<hbm>> -> memref<160xi32, #tpu.memory_space<hbm>>
    tpu.wait_dma2 semaphore(%arg20 : memref<!tpu.dma_semaphore, #tpu.memory_space<semaphore_mem>>) src(%dma_wait3A_80 : memref<160xi32, #tpu.memory_space<hbm>>) dst(%arg7 : memref<160xi32, #tpu.memory_space<vmem>>)
    %dma_wait3A_81 = arith.constant 0 : i32
    %dma_wait3A_82 = tpu.memref_slice %arg4[%dma_wait3A_81] : memref<328000xi32, #tpu.memory_space<hbm>> -> memref<80xi32, #tpu.memory_space<hbm>>
    %dma_wait3A_83 = arith.constant 0 : i32
    %dma_wait3A_84 = tpu.memref_slice %arg4[%dma_wait3A_83] : memref<328000xi32, #tpu.memory_space<hbm>> -> memref<80xi32, #tpu.memory_space<hbm>>
    tpu.wait_dma2 semaphore(%arg20 : memref<!tpu.dma_semaphore, #tpu.memory_space<semaphore_mem>>) src(%dma_wait3A_84 : memref<80xi32, #tpu.memory_space<hbm>>) dst(%arg8 : memref<80xi32, #tpu.memory_space<vmem>>)
    %dma_wait3A_85 = arith.constant 0 : i32
    %dma_wait3A_86 = tpu.memref_slice %arg4[%dma_wait3A_85] : memref<328000xi32, #tpu.memory_space<hbm>> -> memref<80xi32, #tpu.memory_space<hbm>>
    %dma_wait3A_87 = arith.constant 0 : i32
    %dma_wait3A_88 = tpu.memref_slice %arg4[%dma_wait3A_87] : memref<328000xi32, #tpu.memory_space<hbm>> -> memref<80xi32, #tpu.memory_space<hbm>>
    tpu.wait_dma2 semaphore(%arg20 : memref<!tpu.dma_semaphore, #tpu.memory_space<semaphore_mem>>) src(%dma_wait3A_88 : memref<80xi32, #tpu.memory_space<hbm>>) dst(%arg9 : memref<80xi32, #tpu.memory_space<vmem>>)
    %barrier3A_89 = arith.constant 0 : index
    tpu.barrier barrier_id(%barrier3A_89)
    %mul3A_90 = arith.constant 640 : i32
    %mul3A_91 = arith.muli %arg1, %mul3A_90 : i32
    %multiple_of3A_92 = tpu.assume_multiple %mul3A_91, 8 : i32
    "tpu.region"() ({
      %run_scoped3A = tpu.sem_alloc : memref<!tpu.dma_semaphore, #tpu.memory_space<semaphore_mem>>
      %dma_start3A_93 = arith.constant 0 : i32
      %dma_start3A_94 = tpu.memref_slice %arg5[%arg0, %multiple_of3A_92, %dma_start3A_93] : memref<2x10240x128xf32, #tpu.memory_space<hbm>> -> memref<1x640x128xf32, #tpu.memory_space<hbm>>
      %dma_start3A_95 = tpu.memref_squeeze %dma_start3A_94 : memref<1x640x128xf32, #tpu.memory_space<hbm>> -> memref<640x128xf32, #tpu.memory_space<hbm>>
      %dma_start3A_96 = arith.constant 0 : i32
      %dma_start3A_97 = tpu.memref_slice %arg18[%multiple_of3A_92, %dma_start3A_96] : memref<10240x128xf32, #tpu.memory_space<vmem_shared>> -> memref<640x128xf32, #tpu.memory_space<vmem_shared>>
      tpu.enqueue_dma source(%dma_start3A_97 : memref<640x128xf32, #tpu.memory_space<vmem_shared>>) target(%dma_start3A_95 : memref<640x128xf32, #tpu.memory_space<hbm>>) target_semaphore(%run_scoped3A : memref<!tpu.dma_semaphore, #tpu.memory_space<semaphore_mem>>)
      %dma_wait3A_98 = arith.constant 0 : i32
      %dma_wait3A_99 = tpu.memref_slice %arg5[%arg0, %multiple_of3A_92, %dma_wait3A_98] : memref<2x10240x128xf32, #tpu.memory_space<hbm>> -> memref<1x640x128xf32, #tpu.memory_space<hbm>>
      %dma_wait3A_100 = tpu.memref_squeeze %dma_wait3A_99 : memref<1x640x128xf32, #tpu.memory_space<hbm>> -> memref<640x128xf32, #tpu.memory_space<hbm>>
      %dma_wait3A_101 = arith.constant 0 : i32
      %dma_wait3A_102 = tpu.memref_slice %arg18[%multiple_of3A_92, %dma_wait3A_101] : memref<10240x128xf32, #tpu.memory_space<vmem_shared>> -> memref<640x128xf32, #tpu.memory_space<vmem_shared>>
      tpu.wait_dma2 semaphore(%run_scoped3A : memref<!tpu.dma_semaphore, #tpu.memory_space<semaphore_mem>>) src(%dma_wait3A_102 : memref<640x128xf32, #tpu.memory_space<vmem_shared>>) dst(%dma_wait3A_100 : memref<640x128xf32, #tpu.memory_space<hbm>>)
      tpu.yield
    }) : () -> ()
    return
  }
}

module attributes {stable_mosaic.version = 14 : i64} {
  func.func @_dense_body(%arg0: i32, %arg1: memref<2000x128xf32, #tpu.memory_space<vmem>>, %arg2: memref<2000x128xf32, #tpu.memory_space<vmem>>, %arg3: memref<2000x128xf32, #tpu.memory_space<vmem>>, %arg4: memref<2000x1xf32, #tpu.memory_space<vmem>>, %arg5: memref<2000x1xf32, #tpu.memory_space<vmem>>, %arg6: memref<128x128xf32, #tpu.memory_space<vmem>>, %arg7: memref<128x128xf32, #tpu.memory_space<vmem>>, %arg8: memref<1x128xf32, #tpu.memory_space<vmem>>, %arg9: memref<2000x128xf32, #tpu.memory_space<vmem>>) attributes {dimension_semantics = [#tpu.dimension_semantics<arbitrary>], iteration_bounds = array<i64: 5>, scalar_prefetch = 0 : i64, scratch_operands = 0 : i64, tpu.core_type = #tpu.core_type<tc>, window_params = [{transform_indices = @transform_0, window_bounds = array<i64: 2000, 128>}, {transform_indices = @transform_1, window_bounds = array<i64: 2000, 128>}, {transform_indices = @transform_2, window_bounds = array<i64: 2000, 128>}, {transform_indices = @transform_3, window_bounds = array<i64: 2000, 1>}, {transform_indices = @transform_4, window_bounds = array<i64: 2000, 1>}, {pipeline_mode = #tpu.pipeline_mode<synchronous>, transform_indices = @transform_5, window_bounds = array<i64: 128, 128>}, {pipeline_mode = #tpu.pipeline_mode<synchronous>, transform_indices = @transform_6, window_bounds = array<i64: 128, 128>}, {pipeline_mode = #tpu.pipeline_mode<synchronous>, transform_indices = @transform_7, window_bounds = array<i64: 1, 128>}, {transform_indices = @transform_8, window_bounds = array<i64: 2000, 128>}]} {
    %get3A = arith.constant 0 : index
    %get3A_0 = arith.constant 0 : index
    %get3A_1 = vector.load %arg4[%get3A, %get3A_0] : memref<2000x1xf32, #tpu.memory_space<vmem>>, vector<2000x1xf32>
    %get3A_2 = arith.constant 0 : index
    %get3A_3 = arith.constant 0 : index
    %get3A_4 = vector.load %arg5[%get3A_2, %get3A_3] : memref<2000x1xf32, #tpu.memory_space<vmem>>, vector<2000x1xf32>
    %add3A = arith.addf %get3A_1, %get3A_4 : vector<2000x1xf32>
    %max3A = arith.constant 1.000000e+00 : f32
    %max3A_5 = vector.broadcast %max3A : f32 to vector<2000x1xf32>
    %max3A_6 = arith.maximumf %add3A, %max3A_5 : vector<2000x1xf32>
    %div3A = arith.constant 1.000000e+00 : f32
    %div3A_7 = vector.broadcast %div3A : f32 to vector<2000x1xf32>
    %div3A_8 = arith.divf %div3A_7, %max3A_6 : vector<2000x1xf32>
    %get3A_9 = arith.constant 0 : index
    %get3A_10 = arith.constant 0 : index
    %get3A_11 = vector.load %arg2[%get3A_9, %get3A_10] : memref<2000x128xf32, #tpu.memory_space<vmem>>, vector<2000x128xf32>
    %get3A_12 = arith.constant 0 : index
    %get3A_13 = arith.constant 0 : index
    %get3A_14 = vector.load %arg3[%get3A_12, %get3A_13] : memref<2000x128xf32, #tpu.memory_space<vmem>>, vector<2000x128xf32>
    %add3A_15 = arith.addf %get3A_11, %get3A_14 : vector<2000x128xf32>
    %mul3A = vector.broadcast %div3A_8 : vector<2000x1xf32> to vector<2000x128xf32>
    %mul3A_16 = arith.mulf %add3A_15, %mul3A : vector<2000x128xf32>
    %get3A_17 = arith.constant 0 : index
    %get3A_18 = arith.constant 0 : index
    %get3A_19 = vector.load %arg1[%get3A_17, %get3A_18] : memref<2000x128xf32, #tpu.memory_space<vmem>>, vector<2000x128xf32>
    %get3A_20 = arith.constant 0 : index
    %get3A_21 = arith.constant 0 : index
    %get3A_22 = vector.load %arg6[%get3A_20, %get3A_21] : memref<128x128xf32, #tpu.memory_space<vmem>>, vector<128x128xf32>
    %dot_general3A = arith.constant dense<0.000000e+00> : vector<2000x128xf32>
    %dot_general3A_23 = tpu.matmul %get3A_19, %get3A_22, %dot_general3A {dimension_numbers = #tpu.dot_dimension_numbers<[1], [0], [0], [1], [0, 0, 1, 1], [], []>, precision = #tpu.contract_precision<fp32>, transpose_lhs_hint = false} : vector<2000x128xf32>, vector<128x128xf32>, vector<2000x128xf32> -> vector<2000x128xf32>
    %get3A_24 = arith.constant 0 : index
    %get3A_25 = arith.constant 0 : index
    %get3A_26 = vector.load %arg7[%get3A_24, %get3A_25] : memref<128x128xf32, #tpu.memory_space<vmem>>, vector<128x128xf32>
    %dot_general3A_27 = arith.constant dense<0.000000e+00> : vector<2000x128xf32>
    %dot_general3A_28 = tpu.matmul %mul3A_16, %get3A_26, %dot_general3A_27 {dimension_numbers = #tpu.dot_dimension_numbers<[1], [0], [0], [1], [0, 0, 1, 1], [], []>, precision = #tpu.contract_precision<fp32>, transpose_lhs_hint = false} : vector<2000x128xf32>, vector<128x128xf32>, vector<2000x128xf32> -> vector<2000x128xf32>
    %add3A_29 = arith.addf %dot_general3A_23, %dot_general3A_28 : vector<2000x128xf32>
    %get3A_30 = arith.constant 0 : index
    %get3A_31 = arith.constant 0 : index
    %get3A_32 = vector.load %arg8[%get3A_30, %get3A_31] : memref<1x128xf32, #tpu.memory_space<vmem>>, vector<1x128xf32>
    %add3A_33 = vector.broadcast %get3A_32 : vector<1x128xf32> to vector<2000x128xf32>
    %add3A_34 = arith.addf %add3A_29, %add3A_33 : vector<2000x128xf32>
    %max3A_35 = arith.constant 0.000000e+00 : f32
    %max3A_36 = vector.broadcast %max3A_35 : f32 to vector<2000x128xf32>
    %max3A_37 = arith.maximumf %add3A_34, %max3A_36 : vector<2000x128xf32>
    %swap3A = arith.constant 0 : index
    %swap3A_38 = arith.constant 0 : index
    %swap3A_39 = vector.load %arg9[%swap3A, %swap3A_38] : memref<2000x128xf32, #tpu.memory_space<vmem>>, vector<2000x128xf32>
    tpu.vector_store %arg9[%swap3A, %swap3A_38], %max3A_37 {strides = array<i32>} : memref<2000x128xf32, #tpu.memory_space<vmem>>, vector<2000x128xf32>,
    return
  }
  func.func @transform_0(%arg0: i32) -> (i32, i32) {
    %c0_i32 = arith.constant 0 : i32
    %c0_i32_0 = arith.constant 0 : i32
    return %arg0, %c0_i32 : i32, i32
  }
  func.func @transform_1(%arg0: i32) -> (i32, i32) {
    %c0_i32 = arith.constant 0 : i32
    %c0_i32_0 = arith.constant 0 : i32
    return %arg0, %c0_i32 : i32, i32
  }
  func.func @transform_2(%arg0: i32) -> (i32, i32) {
    %c0_i32 = arith.constant 0 : i32
    %c0_i32_0 = arith.constant 0 : i32
    return %arg0, %c0_i32 : i32, i32
  }
  func.func @transform_3(%arg0: i32) -> (i32, i32) {
    %c0_i32 = arith.constant 0 : i32
    %c0_i32_0 = arith.constant 0 : i32
    return %arg0, %c0_i32 : i32, i32
  }
  func.func @transform_4(%arg0: i32) -> (i32, i32) {
    %c0_i32 = arith.constant 0 : i32
    %c0_i32_0 = arith.constant 0 : i32
    return %arg0, %c0_i32 : i32, i32
  }
  func.func @transform_5(%arg0: i32) -> (i32, i32) {
    %c0_i32 = arith.constant 0 : i32
    %c0_i32_0 = arith.constant 0 : i32
    %c0_i32_1 = arith.constant 0 : i32
    return %c0_i32, %c0_i32_0 : i32, i32
  }
  func.func @transform_6(%arg0: i32) -> (i32, i32) {
    %c0_i32 = arith.constant 0 : i32
    %c0_i32_0 = arith.constant 0 : i32
    %c0_i32_1 = arith.constant 0 : i32
    return %c0_i32, %c0_i32_0 : i32, i32
  }
  func.func @transform_7(%arg0: i32) -> (i32, i32) {
    %c0_i32 = arith.constant 0 : i32
    %c0_i32_0 = arith.constant 0 : i32
    %c0_i32_1 = arith.constant 0 : i32
    return %c0_i32, %c0_i32_0 : i32, i32
  }
  func.func @transform_8(%arg0: i32) -> (i32, i32) {
    %c0_i32 = arith.constant 0 : i32
    %c0_i32_0 = arith.constant 0 : i32
    return %arg0, %c0_i32 : i32, i32
  }
}

module attributes {stable_mosaic.version = 14 : i64} {
  func.func @_dense_body(%arg0: i32, %arg1: memref<2000x128xf32, #tpu.memory_space<vmem>>, %arg2: memref<2000x128xf32, #tpu.memory_space<vmem>>, %arg3: memref<2000x128xf32, #tpu.memory_space<vmem>>, %arg4: memref<2000x1xf32, #tpu.memory_space<vmem>>, %arg5: memref<2000x1xf32, #tpu.memory_space<vmem>>, %arg6: memref<128x128xf32, #tpu.memory_space<vmem>>, %arg7: memref<128x128xf32, #tpu.memory_space<vmem>>, %arg8: memref<1x128xf32, #tpu.memory_space<vmem>>, %arg9: memref<2000x128xf32, #tpu.memory_space<vmem>>) attributes {dimension_semantics = [#tpu.dimension_semantics<arbitrary>], iteration_bounds = array<i64: 5>, scalar_prefetch = 0 : i64, scratch_operands = 0 : i64, tpu.core_type = #tpu.core_type<tc>, window_params = [{transform_indices = @transform_0, window_bounds = array<i64: 2000, 128>}, {transform_indices = @transform_1, window_bounds = array<i64: 2000, 128>}, {transform_indices = @transform_2, window_bounds = array<i64: 2000, 128>}, {transform_indices = @transform_3, window_bounds = array<i64: 2000, 1>}, {transform_indices = @transform_4, window_bounds = array<i64: 2000, 1>}, {pipeline_mode = #tpu.pipeline_mode<synchronous>, transform_indices = @transform_5, window_bounds = array<i64: 128, 128>}, {pipeline_mode = #tpu.pipeline_mode<synchronous>, transform_indices = @transform_6, window_bounds = array<i64: 128, 128>}, {pipeline_mode = #tpu.pipeline_mode<synchronous>, transform_indices = @transform_7, window_bounds = array<i64: 1, 128>}, {transform_indices = @transform_8, window_bounds = array<i64: 2000, 128>}]} {
    %get3A = arith.constant 0 : index
    %get3A_0 = arith.constant 0 : index
    %get3A_1 = vector.load %arg4[%get3A, %get3A_0] : memref<2000x1xf32, #tpu.memory_space<vmem>>, vector<2000x1xf32>
    %get3A_2 = arith.constant 0 : index
    %get3A_3 = arith.constant 0 : index
    %get3A_4 = vector.load %arg5[%get3A_2, %get3A_3] : memref<2000x1xf32, #tpu.memory_space<vmem>>, vector<2000x1xf32>
    %add3A = arith.addf %get3A_1, %get3A_4 : vector<2000x1xf32>
    %max3A = arith.constant 1.000000e+00 : f32
    %max3A_5 = vector.broadcast %max3A : f32 to vector<2000x1xf32>
    %max3A_6 = arith.maximumf %add3A, %max3A_5 : vector<2000x1xf32>
    %div3A = arith.constant 1.000000e+00 : f32
    %div3A_7 = vector.broadcast %div3A : f32 to vector<2000x1xf32>
    %div3A_8 = arith.divf %div3A_7, %max3A_6 : vector<2000x1xf32>
    %get3A_9 = arith.constant 0 : index
    %get3A_10 = arith.constant 0 : index
    %get3A_11 = vector.load %arg2[%get3A_9, %get3A_10] : memref<2000x128xf32, #tpu.memory_space<vmem>>, vector<2000x128xf32>
    %get3A_12 = arith.constant 0 : index
    %get3A_13 = arith.constant 0 : index
    %get3A_14 = vector.load %arg3[%get3A_12, %get3A_13] : memref<2000x128xf32, #tpu.memory_space<vmem>>, vector<2000x128xf32>
    %add3A_15 = arith.addf %get3A_11, %get3A_14 : vector<2000x128xf32>
    %mul3A = vector.broadcast %div3A_8 : vector<2000x1xf32> to vector<2000x128xf32>
    %mul3A_16 = arith.mulf %add3A_15, %mul3A : vector<2000x128xf32>
    %get3A_17 = arith.constant 0 : index
    %get3A_18 = arith.constant 0 : index
    %get3A_19 = vector.load %arg1[%get3A_17, %get3A_18] : memref<2000x128xf32, #tpu.memory_space<vmem>>, vector<2000x128xf32>
    %get3A_20 = arith.constant 0 : index
    %get3A_21 = arith.constant 0 : index
    %get3A_22 = vector.load %arg6[%get3A_20, %get3A_21] : memref<128x128xf32, #tpu.memory_space<vmem>>, vector<128x128xf32>
    %dot_general3A = arith.constant dense<0.000000e+00> : vector<2000x128xf32>
    %dot_general3A_23 = tpu.matmul %get3A_19, %get3A_22, %dot_general3A {dimension_numbers = #tpu.dot_dimension_numbers<[1], [0], [0], [1], [0, 0, 1, 1], [], []>, precision = #tpu.contract_precision<fp32>, transpose_lhs_hint = false} : vector<2000x128xf32>, vector<128x128xf32>, vector<2000x128xf32> -> vector<2000x128xf32>
    %get3A_24 = arith.constant 0 : index
    %get3A_25 = arith.constant 0 : index
    %get3A_26 = vector.load %arg7[%get3A_24, %get3A_25] : memref<128x128xf32, #tpu.memory_space<vmem>>, vector<128x128xf32>
    %dot_general3A_27 = arith.constant dense<0.000000e+00> : vector<2000x128xf32>
    %dot_general3A_28 = tpu.matmul %mul3A_16, %get3A_26, %dot_general3A_27 {dimension_numbers = #tpu.dot_dimension_numbers<[1], [0], [0], [1], [0, 0, 1, 1], [], []>, precision = #tpu.contract_precision<fp32>, transpose_lhs_hint = false} : vector<2000x128xf32>, vector<128x128xf32>, vector<2000x128xf32> -> vector<2000x128xf32>
    %add3A_29 = arith.addf %dot_general3A_23, %dot_general3A_28 : vector<2000x128xf32>
    %get3A_30 = arith.constant 0 : index
    %get3A_31 = arith.constant 0 : index
    %get3A_32 = vector.load %arg8[%get3A_30, %get3A_31] : memref<1x128xf32, #tpu.memory_space<vmem>>, vector<1x128xf32>
    %add3A_33 = vector.broadcast %get3A_32 : vector<1x128xf32> to vector<2000x128xf32>
    %add3A_34 = arith.addf %add3A_29, %add3A_33 : vector<2000x128xf32>
    %swap3A = arith.constant 0 : index
    %swap3A_35 = arith.constant 0 : index
    %swap3A_36 = vector.load %arg9[%swap3A, %swap3A_35] : memref<2000x128xf32, #tpu.memory_space<vmem>>, vector<2000x128xf32>
    tpu.vector_store %arg9[%swap3A, %swap3A_35], %add3A_34 {strides = array<i32>} : memref<2000x128xf32, #tpu.memory_space<vmem>>, vector<2000x128xf32>,
    return
  }
  func.func @transform_0(%arg0: i32) -> (i32, i32) {
    %c0_i32 = arith.constant 0 : i32
    %c0_i32_0 = arith.constant 0 : i32
    return %arg0, %c0_i32 : i32, i32
  }
  func.func @transform_1(%arg0: i32) -> (i32, i32) {
    %c0_i32 = arith.constant 0 : i32
    %c0_i32_0 = arith.constant 0 : i32
    return %arg0, %c0_i32 : i32, i32
  }
  func.func @transform_2(%arg0: i32) -> (i32, i32) {
    %c0_i32 = arith.constant 0 : i32
    %c0_i32_0 = arith.constant 0 : i32
    return %arg0, %c0_i32 : i32, i32
  }
  func.func @transform_3(%arg0: i32) -> (i32, i32) {
    %c0_i32 = arith.constant 0 : i32
    %c0_i32_0 = arith.constant 0 : i32
    return %arg0, %c0_i32 : i32, i32
  }
  func.func @transform_4(%arg0: i32) -> (i32, i32) {
    %c0_i32 = arith.constant 0 : i32
    %c0_i32_0 = arith.constant 0 : i32
    return %arg0, %c0_i32 : i32, i32
  }
  func.func @transform_5(%arg0: i32) -> (i32, i32) {
    %c0_i32 = arith.constant 0 : i32
    %c0_i32_0 = arith.constant 0 : i32
    %c0_i32_1 = arith.constant 0 : i32
    return %c0_i32, %c0_i32_0 : i32, i32
  }
  func.func @transform_6(%arg0: i32) -> (i32, i32) {
    %c0_i32 = arith.constant 0 : i32
    %c0_i32_0 = arith.constant 0 : i32
    %c0_i32_1 = arith.constant 0 : i32
    return %c0_i32, %c0_i32_0 : i32, i32
  }
  func.func @transform_7(%arg0: i32) -> (i32, i32) {
    %c0_i32 = arith.constant 0 : i32
    %c0_i32_0 = arith.constant 0 : i32
    %c0_i32_1 = arith.constant 0 : i32
    return %c0_i32, %c0_i32_0 : i32, i32
  }
  func.func @transform_8(%arg0: i32) -> (i32, i32) {
    %c0_i32 = arith.constant 0 : i32
    %c0_i32_0 = arith.constant 0 : i32
    return %arg0, %c0_i32 : i32, i32
  }
}

</mosaic_0001>

<sc_bundles>
// kernel: kernel.11.cloned.1.call-start
scs
__scs_entry_jumppad:
0x0: {  	(pc) =	sbr.rel $0x88, $3  }
0x1: {  	(tag) =	ssettag $0x0;
	lr =	simm.s32 $0x1  }
0x2: {  	[smem:$0x3F96] =	sst lr;
	_ =	strace $0xD0000000  }
0x3: {  	_ = 	snop  }
0x4: {  	_ = 	snop  }
0x5: {  	_ = 	snop  }
0x6: {  	_ = 	snop  }
0x7: {  	_ = 	snop  }
__scs_overlays_trampoline_lowered:
0x8: {  	[smem:$0x3FA5] =	sst s0  }
0x9: {  	[smem:$0x3FA6] =	sst s1  }
0xa: {  	[smem:$0x3FA7] =	sst s2  }
0xb: {  	[smem:$0x3FA8] =	sst s3  }
0xc: {  	[smem:$0x3FA9] =	sst s4  }
0xd: {  	[smem:$0x3FAA] =	sst s5  }
0xe: {  	[smem:$0x3FAB] =	sst s6  }
0xf: {  	[smem:$0x3FAC] =	sst s7  }
0x10: {  	[smem:$0x3FAD] =	sst s8  }
0x11: {  	[smem:$0x3FAE] =	sst s9;
	s0 =	simm.s32 @!p0 $0x0  }
0x12: {  	s1 =	sld [smem:$0x3F94];
	s0 =	simm.s32 @p0 $0x1  }
0x13: {  	[smem:$0x3FAF] =	sst s0;
	s0 =	simm.s32 @!p1 $0x0  }
0x14: {  	s2 =	sld [smem:$0x3F93];
	s0 =	simm.s32 @p1 $0x1  }
0x15: {  	[smem:$0x3FB0] =	sst s0;
	s0 =	simm.s32 @!p2 $0x0  }
0x16: {  	s3 =	sld [smem:$0x3FDB];
	s0 =	simm.s32 @p2 $0x1  }
0x17: {  	s4 =	simm.s32 $0x1BF5;
	[smem:$0x3FB2] =	sst s0  }
0x18: {  	s0 =	sld [smem:$0x3F95];
	_ =	swait.ge [sflag:s4], $0x0  }
0x19: {  	s7 =	sld [smem:$0x3F96]  }
0x1a: {  	s8 =	sadd.s32 $0xFFFFE003, lr  }
0x1b: {  	s9 =	sadd.s32 $0xFFFFFEF7, lr;
	s5 =	simm.s32 $0xFFFFFFFF;
	p2 =	slt.u32 s8, $0xFFFFF086  }
0x1c: {  	p1 =	slt.u32 s9, $0xF7A;
	s5 =	simm.s32 @!p2 $0x0  }
0x1d: {  	s5 =	simm.s32 @p1 $0x1;
	p0 =	seq.s32 s7, s2  }
0x1e: {  	s7 =	smul.u32 @!p0 $0xF7A, s2;
	p2 =	seq.s32 @!p0 s5, $0x0  }
0x1f: {  	s9 =	smul.u32 $0xF7A, s1;
	s8 =	simm.s32 @!p0 $0x1BF5;
	p2 =	por !p2, p0  }
0x20: {  	[sflag:s8] =	ssyncset.s32 @!p0 $0xFFFFF086;
	s6 =	sadd.s32 @!p0 s3, s7;
	s7 =	simm.s32 @!p0 $0x108  }
0x21: {  	s3 =	sadd.s32 s3, s9;
	s6 =	sadd.s32 @!p0 $0x88, s6;
	s7 =	simm.s32 @p2 $0x1082  }
0x22: {  	[simem:s7], [sflag:s8] =	dma.local @!p0 [hbm:s6], $0xF7A  }
0x23: {  	s9 =	sor.u32 $0xD0000000, s2;
	s6 =	simm.s32 $0x108;
	_ =	swait.ge @!p0 [sflag:s8], $0x0  }
0x24: {  	s3 =	sadd.s32 $0x88, s3;
	s6 =	simm.s32 @!p1 $0x1082;
	[sflag:s4] =	ssyncset.s32 $0xFFFFF086  }
0x25: {  	[simem:s6], [sflag:s4] =	dma.local [hbm:s3], $0xF7A  }
0x26: {  	[smem:$0x3F96] =	sst s1;
	(tag) =	ssettag s2;
	_ =	strace s9  }
0x27: {  	s1 =	sld [smem:$0x3FA6]  }
0x28: {  	s2 =	sld [smem:$0x3FA7]  }
0x29: {  	s4 =	sld [smem:$0x3FA9]  }
0x2a: {  	p0 =	seq.s32 s5, $0x0;
	s5 =	sld [smem:$0x3FAA]  }
0x2b: {  	s6 =	sld [smem:$0x3FAB]  }
0x2c: {  	s7 =	sld [smem:$0x3FAC]  }
0x2d: {  	s3 =	simm.s32 $0x108;
	s8 =	sld [smem:$0x3FAD]  }
0x2e: {  	s3 =	simm.s32 @!p0 $0x1082;
	s9 =	sld [smem:$0x3FAE]  }
0x2f: {  	lr =	sadd.s32 s0, s3;
	s0 =	sld [smem:$0x3FA5]  }
0x30: {  	s3 =	sld [smem:$0x3FA8]  }
0x31: {  	[smem:$0x3FB1] =	sst s10  }
0x32: {  	s10 =	sld [smem:$0x3FAF];
	_ =	sdelay $0x3  }
0x33: {  	p0 =	seq.s32 s10, $0x1;
	s10 =	sld [smem:$0x3FB1];
	_ =	sdelay $0x3  }
0x34: {  	[smem:$0x3FB1] =	sst s10  }
0x35: {  	s10 =	sld [smem:$0x3FB0];
	_ =	sdelay $0x3  }
0x36: {  	p1 =	seq.s32 s10, $0x1;
	s10 =	sld [smem:$0x3FB1];
	_ =	sdelay $0x3  }
0x37: {  	[smem:$0x3FB1] =	sst s10  }
0x38: {  	s10 =	sld [smem:$0x3FB2]  }
0x39: {  	_ = 	snop;
	(pc) =	sbr.ind lr, $3  }
0x3a: {  	_ = 	snop  }
0x3b: {  	_ = 	snop  }
0x3c: {  	p2 =	seq.s32 s10, $0x1;
	s10 =	sld [smem:$0x3FB1]  }
0x3d: {  	_ =	shalt  }
0x3e: {  	_ =	shalt  }
0x3f: {  	_ =	shalt  }
0x40: {  	_ =	shalt  }
0x41: {  	_ =	shalt  }
0x42: {  	_ =	shalt  }
0x43: {  	_ =	shalt  }
0x44: {  	_ =	shalt  }
0x45: {  	_ =	shalt  }
0x46: {  	_ =	shalt  }
0x47: {  	_ =	shalt  }
0x48: {  	_ =	shalt  }
0x49: {  	_ =	shalt  }
0x4a: {  	_ =	shalt  }
0x4b: {  	_ =	shalt  }
0x4c: {  	_ =	shalt  }
0x4d: {  	_ =	shalt  }
0x4e: {  	_ =	shalt  }
0x4f: {  	_ =	shalt  }
0x50: {  	_ =	shalt  }
0x51: {  	_ =	shalt  }
0x52: {  	_ =	shalt  }
0x53: {  	_ =	shalt  }
0x54: {  	_ =	shalt  }
0x55: {  	_ =	shalt  }
0x56: {  	_ =	shalt  }
0x57: {  	_ =	shalt  }
0x58: {  	_ =	shalt  }
0x59: {  	_ =	shalt  }
0x5a: {  	_ =	shalt  }
0x5b: {  	_ =	shalt  }
0x5c: {  	_ =	shalt  }
0x5d: {  	_ =	shalt  }
0x5e: {  	_ =	shalt  }
0x5f: {  	_ =	shalt  }
0x60: {  	_ =	shalt  }
0x61: {  	_ =	shalt  }
0x62: {  	_ =	shalt  }
0x63: {  	_ =	shalt  }
0x64: {  	_ =	shalt  }
0x65: {  	_ =	shalt  }
0x66: {  	_ =	shalt  }
0x67: {  	_ =	shalt  }
0x68: {  	_ =	shalt  }
0x69: {  	_ =	shalt  }
0x6a: {  	_ =	shalt  }
0x6b: {  	_ =	shalt  }
0x6c: {  	_ =	shalt  }
0x6d: {  	_ =	shalt  }
0x6e: {  	_ =	shalt  }
0x6f: {  	_ =	shalt  }
0x70: {  	_ =	shalt  }
0x71: {  	_ =	shalt  }
0x72: {  	_ =	shalt  }
0x73: {  	_ =	shalt  }
0x74: {  	_ =	shalt  }
0x75: {  	_ =	shalt  }
0x76: {  	_ =	shalt  }
0x77: {  	_ =	shalt  }
0x78: {  	_ =	shalt  }
0x79: {  	_ =	shalt  }
0x7a: {  	_ =	shalt  }
0x7b: {  	_ =	shalt  }
0x7c: {  	_ =	shalt  }
0x7d: {  	_ =	shalt  }
0x7e: {  	_ =	shalt  }
0x7f: {  	_ =	shalt  }
0x80: {  	_ =	shalt  }
0x81: {  	_ =	shalt  }
0x82: {  	_ =	shalt  }
0x83: {  	_ =	shalt  }
0x84: {  	_ =	shalt  }
0x85: {  	_ =	shalt  }
0x86: {  	_ =	shalt  }
0x87: {  	_ =	shalt  }
.Lfunc_end0:
.L_simem_size_0:
called_computation.1_lowered:
.L_overlay_start_0:
0x88: {  	s2 =	sld [smem:$0x3FD9]  }
0x89: {  	s3 =	sld [smem:$0x3FFE];
	_ =	sdelay $0x1  }
0x8a: {  	s1 =	srdreg.scid  }
0x8b: {  	s0 =	sand.u32 $0x1, s1  }
0x8c: {  	s17 =	sshll.u32 s0, $0xA;
	s2 =	sadd.s32 s3, s2  }
0x8d: {  	s2 =	sadd.s32 s2, s17  }
0x8e: {  	[smem:$0x3FBD] =	sst s2  }
0x8f: {  	_ = 	snop  }
0x90: {  	s2 =	sld [smem:$0x3FD0];
	(tm) =	ssettm $0x1  }
0x91: {  	s18 =	sld [smem:$0x3FFB];
	_ =	sdelay $0x3  }
0x92: {  	_ =	strace s18  }
0x93: {  	s3 =	sld [smem:$0x3FFC];
	_ =	sdelay $0x3  }
0x94: {  	_ =	strace s3  }
0x95: {  	s3 =	sld [smem:$0x3FFD];
	_ =	sdelay $0x3  }
0x96: {  	_ =	strace s3  }
0x97: {  	_ =	strace $0x8FFFFFFF  }
0x98: {  	s19 =	sld [smem:$0x3FDB];
	_ =	sdelay $0x1  }
0x99: {  	s4 =	simm.s32 $_scs_section_size  }
0x9a: {  	s5 =	simm.s32 $_size__tile_overlayer_lowered;
	s6 =	simm.s32 $_tile_overlayer_lowered  }
0x9b: {  	s22 =	simm.s32 $0x1BFF;
	s21 =	sshll.u32 s6, $0x1;
	s3 =	sadd.s32 s4, s19  }
0x9c: {  	s7 =	simm.s32 $0x0;
	s20 =	sshll.u32 s5, $0x1;
	s5 =	sadd.s32 s21, s3  }
0x9d: {  	[timem:s7], [sflag:s22] =	dma.local [hbm:s5], s20  }
0x9e: {  	_ =	swait.ge [sflag:s22], s20  }
0x9f: {  	s4 =	ssub.s32 $0x0, s20;
	[sflag:s22] =	ssyncset.done $0x0  }
0xa0: {  	[sflag:s22] =	ssyncadd.s32 s4;
	_ =	sdelay $0x1  }
0xa1: {  	s23 =	simm.s32 $0x1B8B  }
0xa2: {  	_ =	swait.ge [sflag:s23], $0x1  }
0xa3: {  	[sflag:s23] =	ssyncset.done $0x0  }
0xa4: {  	s25 =	simm.s32 $0x1B8E;
	s24 =	sld [smem:$0x3FFE];
	[sflag:s23] =	ssyncadd.s32 $0xFFFFFFFF  }
0xa5: {  	s26 =	simm.s32 $execute0_lowered;
	[smem:$0x3FD2] =	sst s25  }
0xa6: {  	s5 =	sshll.u32 s26, $0x1;
	_ =	strace $0x80000049;
	[dreg:$0x1] =	wrdreg $0xFFFFFFFF  }
0xa7: {  	s28 =	simm.s32 $_size_execute0_lowered;
	s3 =	sadd.s32 s3, s5;
	[dreg:$0x0] =	wrdreg $0x0  }
0xa8: {  	s5 =	sshll.u32 s28, $0x1;
	[dreg:$0x2] =	wrdreg s3  }
0xa9: {  	[dreg:$0x3] =	wrdreg s5  }
0xaa: {  	[dreg:$0x4] =	wrdreg $0xC0  }
0xab: {  	_ =	task [dreg:s7], $0x5FFFF  }
0xac: {  	[dreg:$0x1] =	wrdreg $0xFFFFFFFF  }
0xad: {  	[dreg:$0x0] =	wrdreg $0x60  }
0xae: {  	[dreg:$0x2] =	wrdreg s2  }
0xaf: {  	[dreg:$0x3] =	wrdreg s24  }
0xb0: {  	[dreg:$0x4] =	wrdreg $0xA6000  }
0xb1: {  	[dreg:$0x5] =	wrdreg $0x9  }
0xb2: {  	_ =	task.clear_ibuf [dreg:s7], $0x6FFFF;
	_ =	strace $0x90000049  }
0xb3: {  	s29 =	simm.s32 $0x9;
	_ =	strace $0x8000004B  }
0xb4: {  	_ =	swait.ge [sflag:s29], $0x1  }
0xb5: {  	[sflag:s29] =	ssyncadd.s32 $0xFFFFFFFF  }
0xb6: {  	_ =	strace $0x9000004B  }
0xb7: {  	_ =	sfence  }
0xb8: {  	s30 =	sld [smem:$0x0];
	_ =	sdelay $0x2  }
0xb9: {  	s31 =	sshll.u32 s1, $0xD;
	s1 =	sshrl.u32 s1, $0x2  }
0xba: {  	s3 =	sand.u32 $0x4000, s31;
	s1 =	sadd.s32 s1, s30  }
0xbb: {  	s0 =	sor.u32 s3, s0;
	s1 =	sshll.u32 s1, $0x11  }
0xbc: {  	s0 =	sor.u32 s1, s0  }
0xbd: {  	s0 =	sadd.s32 $0x8F2B, s0  }
0xbe: {  	[sflag:s0] =	ssyncadd.remote.s32 $0x1  }
0xbf: {  	_ =	sfence.sel $0xFFFF  }
0xc0: {  	[dreg:$0x0] =	wrdreg $0xFFFFFFFF;
	(pc) =	sbr.abs _section_cstart, $3  }
0xc1: {  	[dreg:$0x1] =	wrdreg $0xFFFFFFFF  }
0xc2: {  	_ =	task.clear_ibuf [dreg:s7], $0x2FFFF;
	_ =	strace $0x9FFFFFFF  }
0xc3: {  	(tm) =	ssettm $0x7FFFFFFF  }
tec
execute0_lowered:
.L_overlay_start_1:
0x0: {  	(tag) =	ssettag $0x1  }
0x1: {  	s1 =	rddreg [dreg:$0x0]  }
0x2: {  	s0 =	rddreg [dreg:$0x1]  }
0x3: {  	s2 =	rddreg [dreg:$0x2];
	s3 =	srdreg.scid;
	s4 =	simm.s32 $0x0  }
0x4: {  	s11 =	stileid.u32;
	s28 =	simm.s32 $0x3;
	s29 =	simm.s32 $0x2  }
0x5: {  	s30 =	simm.s32 $0x5600;
	s31 =	simm.s32 $0x50;
	s6 =	smul.u32 $0x14000, s11  }
0x6: {  	s3 =	sand.u32 $0x1, s3;
	[smem:$0x7FF] =	sst s4;
	s8 =	smul.u32 $0x50000, s11  }
0x7: {  	s7 =	sadd.s32 $0x4400, s0;
	s15 =	sshll.u32 s11, $0x1;
	s17 =	smul.u32 $0x5000, s11  }
0x8: {  	s9 =	sadd.s32 $0xE600, s0;
	s5 =	smul.u32 $0x140000, s3;
	s10 =	ssub.s32 $0x2, s3  }
0x9: {  	_ =	strace $0x8000004A;
	s16 =	sshrl.u32 s8, $0x2;
	s18 =	sshrl.u32 s10, $0x1  }
0xa: {  	s5 =	sadd.s32 s6, s5;
	s6 =	sor.u32 s3, s15;
	s3 =	smul.u32 $0x2800, s3  }
0xb: {  	s11 =	ssub.s32 s10, s18;
	s5 =	sshrl.u32 s5, $0x3;
	s6 =	smul.u32 $0x2800, s6  }
0xc: {  	s0 =	sadd.s32 s5, s0;
	s5 =	sadd.s32 s16, s2;
	s3 =	sadd.s32 s3, s17  }
0xd: {  	s19 =	sadd.s32 $0x4000, s5;
	s20 =	sadd.s32 $0x8000, s5;
	s21 =	sadd.s32 $0xC000, s5  }
0xe: {  	s6 =	sshrl.u32 s6, $0x3;
	s22 =	sadd.s32 $0x10000, s5;
	[dreg:$0xe] =	wrdreg s19  }
0xf: {  	s23 =	sor.u32 $0x320, s3;
	s13 =	sor.u32 $0x280, s3;
	[dreg:$0xf] =	wrdreg s20  }
0x10: {  	s14 =	sor.u32 $0x1E0, s3;
	s0 =	sadd.s32 $0x68800, s0;
	[dreg:$0x10] =	wrdreg s21  }
0x11: {  	[dreg:$0x11] =	wrdreg s22;
	s10 =	sadd.s32 s9, s6;
	s12 =	sadd.s32 s7, s6  }
0x12: {  	s8 =	sshrl.u32 s23, $0x3;
	s6 =	sor.u32 $0x14, s6;
	s26 =	sshrl.u32 s13, $0x3  }
0x13: {  	s16 =	sshrl.u32 s14, $0x3;
	s19 =	sor.u32 $0x230, s3;
	[dreg:$0x17] =	wrdreg s0  }
0x14: {  	s21 =	sor.u32 $0x140, s3;
	[dreg:$0x12] =	wrdreg s12;
	s24 =	sadd.s32 $0xA, s10  }
0x15: {  	s3 =	sor.u32 $0x190, s3;
	s25 =	sadd.s32 s8, s9;
	[dreg:$0x13] =	wrdreg s24  }
0x16: {  	s0 =	simm.s32 $0x2E00;
	s8 =	sadd.s32 s8, s7;
	[dreg:$0x4] =	wrdreg s25  }
0x17: {  	s13 =	sadd.s32 s26, s9;
	s15 =	sadd.s32 s26, s7;
	[dreg:$0x5] =	wrdreg s8  }
0x18: {  	s17 =	sadd.s32 s7, s6;
	s18 =	sadd.s32 s16, s9;
	[dreg:$0x6] =	wrdreg s13  }
0x19: {  	s6 =	sadd.s32 s9, s6;
	s20 =	sadd.s32 s16, s7;
	[dreg:$0x14] =	wrdreg s17  }
0x1a: {  	s22 =	sshrl.u32 s21, $0x3;
	s3 =	sshrl.u32 s3, $0x3;
	[dreg:$0x7] =	wrdreg s15  }
0x1b: {  	s26 =	smax.u32 s11, $0x1;
	s21 =	simm.s32 $0x280;
	[dreg:$0x15] =	wrdreg s6  }
0x1c: {  	s11 =	simm.s32 $0x580;
	s12 =	simm.s32 $0x0;
	[dreg:$0x8] =	wrdreg s18  }
0x1d: {  	s6 =	sshrl.u32 s19, $0x3;
	[dreg:$0x9] =	wrdreg s20;
	s23 =	sadd.s32 s22, s9  }
0x1e: {  	s24 =	sadd.s32 s22, s7;
	s17 =	smov.u32 s10;
	s25 =	sadd.s32 $0x1E, s10  }
0x1f: {  	s3 =	sadd.s32 s3, s9;
	[dreg:$0x18] =	wrdreg s26;
	s18 =	simm.s32 $0x600  }
0x20: {  	s19 =	simm.s32 $0x5;
	s20 =	simm.s32 $0x200;
	[dreg:$0xb] =	wrdreg s23  }
0x21: {  	s22 =	simm.s32 $0x1;
	s26 =	simm.s32 $0x380;
	[dreg:$0x16] =	wrdreg s25  }
0x22: {  	s7 =	simm.s32 $0x4;
	s8 =	simm.s32 $0x7E00;
	[dreg:$0xc] =	wrdreg s24  }
0x23: {  	s6 =	sadd.s32 s6, s9;
	[dreg:$0xd] =	wrdreg s3;
	s23 =	simm.s32 $0xA0  }
0x24: {  	s24 =	simm.s32 $0x100;
	s25 =	simm.s32 $0x300;
	s3 =	simm.s32 $0x400  }
0x25: {  	v0 =	vimm.f32 $0.0e+00;
	s9 =	simm.s32 $0x500;
	[dreg:$0xa] =	wrdreg s6;
	s6 =	simm.s32 $0x480  }
.LBB2_1:
0x26: {  	s13 =	simm.s32 $0x0;
	s14 =	simm.s32 $0x200  }
.LBB2_2:
0x27: {  	p0 =	sne.s32 s14, $0xFE00;
	[tilespmem:s13+$0x670] =	vst v0  }
0x28: {  	[tilespmem:s13+$0x600] =	vst v0  }
0x29: {  	[tilespmem:s13+$0x610] =	vst v0  }
.Ltmp0:
0x2a: {  	[tilespmem:s13+$0x620] =	vst v0;
	(pc) =	sbr.rel @p0 .LBB2_2-.Ltmp0, $4  }
0x2b: {  	[tilespmem:s13+$0x630] =	vst v0  }
0x2c: {  	[tilespmem:s13+$0x640] =	vst v0  }
0x2d: {  	[tilespmem:s13+$0x650] =	vst v0  }
0x2e: {  	[tilespmem:s13+$0x660] =	vst v0;
	s13 =	sshra.s32 s14, $0x2;
	s14 =	sadd.s32 $0x200, s14  }
0x2f: {  	[tilespmem:s13+$0x670] =	vst v0  }
0x30: {  	[tilespmem:s13+$0x600] =	vst v0  }
0x31: {  	[tilespmem:s13+$0x610] =	vst v0  }
0x32: {  	[tilespmem:s13+$0x620] =	vst v0  }
0x33: {  	[tilespmem:s13+$0x630] =	vst v0  }
0x34: {  	[tilespmem:s13+$0x640] =	vst v0  }
0x35: {  	[tilespmem:s13+$0x650] =	vst v0  }
0x36: {  	[tilespmem:s13+$0x660] =	vst v0  }
0x37: {  	[spmem:s5] =	stream.linear.scatter [tilespmem:s18], [sflag:$0x5], $0x4000, $0x38;
	[tilespmem:$0x1E600] =	vst v63  }
0x38: {  	_ =	swait.ge [sflag:s19], $0x4000  }
0x39: {  	[sflag:s19] =	ssyncset.done $0x0  }
0x3a: {  	s10 =	rddreg [dreg:$0xe];
	[sflag:s19] =	ssyncadd.s32 $0xFFFFC000  }
0x3b: {  	[spmem:s10] =	stream.linear.scatter [tilespmem:s18], [sflag:$0x5], $0x4000, $0x38;
	[tilespmem:$0x1E600] =	vst v63  }
0x3c: {  	_ =	swait.ge [sflag:s19], $0x4000  }
0x3d: {  	[sflag:s19] =	ssyncset.done $0x0  }
0x3e: {  	s16 =	rddreg [dreg:$0xf];
	[sflag:s19] =	ssyncadd.s32 $0xFFFFC000  }
0x3f: {  	[spmem:s16] =	stream.linear.scatter [tilespmem:s18], [sflag:$0x5], $0x4000, $0x38;
	[tilespmem:$0x1E600] =	vst v63  }
0x40: {  	_ =	swait.ge [sflag:s19], $0x4000  }
0x41: {  	[sflag:s19] =	ssyncset.done $0x0  }
0x42: {  	s13 =	rddreg [dreg:$0x10];
	[sflag:s19] =	ssyncadd.s32 $0xFFFFC000  }
0x43: {  	[spmem:s13] =	stream.linear.scatter [tilespmem:s18], [sflag:$0x5], $0x4000, $0x38;
	[tilespmem:$0x1E600] =	vst v63  }
0x44: {  	_ =	swait.ge [sflag:s19], $0x4000  }
0x45: {  	[sflag:s19] =	ssyncset.done $0x0  }
0x46: {  	s14 =	rddreg [dreg:$0x11];
	[sflag:s19] =	ssyncadd.s32 $0xFFFFC000  }
0x47: {  	[spmem:s14] =	stream.linear.scatter [tilespmem:s18], [sflag:$0x5], $0x4000, $0x38;
	[tilespmem:$0x1E600] =	vst v63  }
0x48: {  	_ =	swait.ge [sflag:s19], $0x4000  }
0x49: {  	[sflag:s19] =	ssyncset.done $0x0  }
0x4a: {  	s13 =	simm.s32 $0x0;
	s15 =	rddreg [dreg:$0x12];
	[sflag:s19] =	ssyncadd.s32 $0xFFFFC000  }
0x4b: {  	[tilespmem:s13], [sflag:$0x1] =	stream.linear.gather [hbm4b:s15+s13], $0xA0, $0x38;
	[tilespmem:$0x1E600] =	vst v63  }
0x4c: {  	_ = 	snop  }
0x4d: {  	[tilespmem:s20], [sflag:$0x1] =	stream.linear.gather [hbm4b:s17+s13], $0x50, $0x38;
	[tilespmem:$0x1E600] =	vst v63  }
0x4e: {  	s16 =	rddreg [dreg:$0x13]  }
0x4f: {  	[tilespmem:s21], [sflag:$0x1] =	stream.linear.gather [hbm4b:s16+s13], $0x50, $0x38;
	[tilespmem:$0x1E600] =	vst v63  }
0x50: {  	[bflag:$0x0] =	sbarrier.arrive $0xFFFF  }
0x51: {  	_ =	swait.ge [sflag:s22], $0xA0  }
0x52: {  	[sflag:s22] =	ssyncset.done $0x0  }
0x53: {  	[sflag:s22] =	ssyncadd.s32 $0xFFFFFF60  }
0x54: {  	_ =	swait.ge [sflag:s22], $0x50  }
0x55: {  	[sflag:s22] =	ssyncset.done $0x0  }
0x56: {  	[sflag:s22] =	ssyncadd.s32 $0xFFFFFFB0  }
0x57: {  	_ =	swait.ge [sflag:s22], $0x50  }
0x58: {  	[sflag:s22] =	ssyncset.done $0x0  }
0x59: {  	[sflag:s22] =	ssyncadd.s32 $0xFFFFFFB0  }
0x5a: {  	[tilespmem:s18], [sflag:$0x3] =	stream.indirect.gather [hbm4b:s1+s23], $0x80, s13, s23, $0xb8;
	[tilespmem:$0x1E600] =	vst v63  }
0x5b: {  	s14 =	rddreg [dreg:$0x14]  }
0x5c: {  	[tilespmem:s24], [sflag:$0x2] =	stream.linear.gather [hbm4b:s14+s13], $0xA0, $0x38;
	[tilespmem:$0x1E600] =	vst v63  }
0x5d: {  	s15 =	rddreg [dreg:$0x15]  }
0x5e: {  	[tilespmem:s25], [sflag:$0x2] =	stream.linear.gather [hbm4b:s15+s13], $0x50, $0x38;
	[tilespmem:$0x1E600] =	vst v63  }
0x5f: {  	s16 =	rddreg [dreg:$0x16]  }
0x60: {  	[tilespmem:s26], [sflag:$0x2] =	stream.linear.gather [hbm4b:s16+s13], $0x50, $0x38;
	[tilespmem:$0x1E600] =	vst v63  }
0x61: {  	_ =	swait.ge [sflag:s28], $0x5000  }
0x62: {  	[sflag:s28] =	ssyncset.done $0x0  }
0x63: {  	[sflag:s28] =	ssyncadd.s32 $0xFFFFB000  }
0x64: {  	_ =	swait.ge [sflag:s29], $0xA0  }
0x65: {  	[sflag:s29] =	ssyncset.done $0x0  }
0x66: {  	[sflag:s29] =	ssyncadd.s32 $0xFFFFFF60  }
0x67: {  	_ =	swait.ge [sflag:s29], $0x50  }
0x68: {  	[sflag:s29] =	ssyncset.done $0x0  }
0x69: {  	[sflag:s29] =	ssyncadd.s32 $0xFFFFFFB0  }
0x6a: {  	_ =	swait.ge [sflag:s29], $0x50  }
0x6b: {  	[sflag:s29] =	ssyncset.done $0x0  }
0x6c: {  	[sflag:s29] =	ssyncadd.s32 $0xFFFFFFB0  }
0x6d: {  	[tilespmem:s30], [sflag:$0x4] =	stream.indirect.gather [hbm4b:s1+s23], $0x80, s24, s23, $0xb8;
	[tilespmem:$0x1E600] =	vst v63  }
0x6e: {  	_ = 	snop  }
0x6f: {  	[spmem:s2] =	stream.indirect.scatter.add.f32 [tilespmem:s18], [sflag:$0x5], $0x80, s20, s31, $0xb8;
	[tilespmem:$0x1E600] =	vst v63  }
0x70: {  	_ =	swait.ge [sflag:s19], $0x2800  }
0x71: {  	[sflag:s19] =	ssyncset.done $0x0  }
0x72: {  	[sflag:s19] =	ssyncadd.s32 $0xFFFFD800  }
0x73: {  	[spmem:s2] =	stream.indirect.scatter.add.f32 [tilespmem:s0], [sflag:$0x5], $0x80, s21, s31, $0xb8;
	[tilespmem:$0x1E600] =	vst v63  }
0x74: {  	_ =	swait.ge [sflag:s19], $0x2800  }
0x75: {  	s10 =	rddreg [dreg:$0xc];
	[sflag:s19] =	ssyncset.done $0x0  }
0x76: {  	s14 =	rddreg [dreg:$0xb];
	[sflag:s19] =	ssyncadd.s32 $0xFFFFD800;
	s13 =	sadd.s32 $0x0, s10  }
0x77: {  	[tilespmem:s4], [sflag:$0x1] =	stream.linear.gather [hbm4b:s13+s4], $0xA0, $0x38;
	[tilespmem:$0x1E600] =	vst v63  }
0x78: {  	s15 =	rddreg [dreg:$0xd];
	s14 =	sadd.s32 $0x0, s14  }
0x79: {  	[tilespmem:s3], [sflag:$0x1] =	stream.linear.gather [hbm4b:s14+s4], $0x50, $0x38;
	[tilespmem:$0x1E600] =	vst v63  }
0x7a: {  	s13 =	sadd.s32 $0x0, s15  }
0x7b: {  	[tilespmem:s6], [sflag:$0x1] =	stream.linear.gather [hbm4b:s13+s4], $0x50, $0x38;
	[tilespmem:$0x1E600] =	vst v63  }
0x7c: {  	_ =	swait.ge [sflag:s7], $0x5000  }
0x7d: {  	[sflag:s7] =	ssyncset.done $0x0  }
0x7e: {  	[sflag:s7] =	ssyncadd.s32 $0xFFFFB000  }
0x7f: {  	_ =	swait.ge [sflag:s22], $0xA0  }
0x80: {  	[sflag:s22] =	ssyncset.done $0x0  }
0x81: {  	[sflag:s22] =	ssyncadd.s32 $0xFFFFFF60  }
0x82: {  	_ =	swait.ge [sflag:s22], $0x50  }
0x83: {  	[sflag:s22] =	ssyncset.done $0x0  }
0x84: {  	[sflag:s22] =	ssyncadd.s32 $0xFFFFFFB0  }
0x85: {  	_ =	swait.ge [sflag:s22], $0x50  }
0x86: {  	[sflag:s22] =	ssyncset.done $0x0  }
0x87: {  	[sflag:s22] =	ssyncadd.s32 $0xFFFFFFB0  }
0x88: {  	[tilespmem:s18], [sflag:$0x3] =	stream.indirect.gather [hbm4b:s1+s23], $0x80, s4, s23, $0xb8;
	[tilespmem:$0x1E600] =	vst v63  }
0x89: {  	_ = 	snop  }
0x8a: {  	[spmem:s2] =	stream.indirect.scatter.add.f32 [tilespmem:s30], [sflag:$0x5], $0x80, s25, s31, $0xb8;
	[tilespmem:$0x1E600] =	vst v63  }
0x8b: {  	_ =	swait.ge [sflag:s19], $0x2800  }
0x8c: {  	[sflag:s19] =	ssyncset.done $0x0  }
0x8d: {  	[sflag:s19] =	ssyncadd.s32 $0xFFFFD800  }
0x8e: {  	[spmem:s2] =	stream.indirect.scatter.add.f32 [tilespmem:s8], [sflag:$0x5], $0x80, s26, s31, $0xb8;
	[tilespmem:$0x1E600] =	vst v63  }
0x8f: {  	_ =	swait.ge [sflag:s19], $0x2800  }
0x90: {  	s16 =	rddreg [dreg:$0x9];
	[sflag:s19] =	ssyncset.done $0x0  }
0x91: {  	s10 =	rddreg [dreg:$0x8];
	[sflag:s19] =	ssyncadd.s32 $0xFFFFD800;
	s13 =	sadd.s32 $0x0, s16  }
0x92: {  	[tilespmem:s24], [sflag:$0x2] =	stream.linear.gather [hbm4b:s13+s4], $0xA0, $0x38;
	[tilespmem:$0x1E600] =	vst v63  }
0x93: {  	s15 =	rddreg [dreg:$0xa];
	s14 =	sadd.s32 $0x0, s10  }
0x94: {  	[tilespmem:s9], [sflag:$0x2] =	stream.linear.gather [hbm4b:s14+s4], $0x50, $0x38;
	[tilespmem:$0x1E600] =	vst v63  }
0x95: {  	s13 =	sadd.s32 $0x0, s15  }
0x96: {  	[tilespmem:s11], [sflag:$0x2] =	stream.linear.gather [hbm4b:s13+s4], $0x50, $0x38;
	[tilespmem:$0x1E600] =	vst v63  }
0x97: {  	_ =	swait.ge [sflag:s28], $0x5000  }
0x98: {  	[sflag:s28] =	ssyncset.done $0x0  }
0x99: {  	[sflag:s28] =	ssyncadd.s32 $0xFFFFB000  }
0x9a: {  	_ =	swait.ge [sflag:s29], $0xA0  }
0x9b: {  	[sflag:s29] =	ssyncset.done $0x0  }
0x9c: {  	[sflag:s29] =	ssyncadd.s32 $0xFFFFFF60  }
0x9d: {  	_ =	swait.ge [sflag:s29], $0x50  }
0x9e: {  	[sflag:s29] =	ssyncset.done $0x0  }
0x9f: {  	[sflag:s29] =	ssyncadd.s32 $0xFFFFFFB0  }
0xa0: {  	_ =	swait.ge [sflag:s29], $0x50  }
0xa1: {  	[sflag:s29] =	ssyncset.done $0x0  }
0xa2: {  	[sflag:s29] =	ssyncadd.s32 $0xFFFFFFB0  }
0xa3: {  	[tilespmem:s30], [sflag:$0x4] =	stream.indirect.gather [hbm4b:s1+s23], $0x80, s24, s23, $0xb8;
	[tilespmem:$0x1E600] =	vst v63  }
0xa4: {  	_ = 	snop  }
0xa5: {  	[spmem:s2] =	stream.indirect.scatter.add.f32 [tilespmem:s18], [sflag:$0x5], $0x80, s3, s31, $0xb8;
	[tilespmem:$0x1E600] =	vst v63  }
0xa6: {  	_ =	swait.ge [sflag:s19], $0x2800  }
0xa7: {  	[sflag:s19] =	ssyncset.done $0x0  }
0xa8: {  	[sflag:s19] =	ssyncadd.s32 $0xFFFFD800  }
0xa9: {  	[spmem:s2] =	stream.indirect.scatter.add.f32 [tilespmem:s0], [sflag:$0x5], $0x80, s6, s31, $0xb8;
	[tilespmem:$0x1E600] =	vst v63  }
0xaa: {  	_ =	swait.ge [sflag:s19], $0x2800  }
0xab: {  	s16 =	rddreg [dreg:$0x7];
	[sflag:s19] =	ssyncset.done $0x0  }
0xac: {  	s10 =	rddreg [dreg:$0x6];
	[sflag:s19] =	ssyncadd.s32 $0xFFFFD800;
	s13 =	sadd.s32 $0x0, s16  }
0xad: {  	[tilespmem:s4], [sflag:$0x1] =	stream.linear.gather [hbm4b:s13+s4], $0xA0, $0x38;
	[tilespmem:$0x1E600] =	vst v63  }
0xae: {  	s14 =	sadd.s32 $0x0, s10  }
0xaf: {  	[tilespmem:s20], [sflag:$0x1] =	stream.linear.gather [hbm4b:s14+s4], $0x50, $0x38;
	[tilespmem:$0x1E600] =	vst v63  }
0xb0: {  	s13 =	sadd.s32 $0xA, s14  }
0xb1: {  	[tilespmem:s21], [sflag:$0x1] =	stream.linear.gather [hbm4b:s13+s4], $0x50, $0x38;
	[tilespmem:$0x1E600] =	vst v63  }
0xb2: {  	_ =	swait.ge [sflag:s7], $0x5000  }
0xb3: {  	[sflag:s7] =	ssyncset.done $0x0  }
0xb4: {  	[sflag:s7] =	ssyncadd.s32 $0xFFFFB000  }
0xb5: {  	_ =	swait.ge [sflag:s22], $0xA0  }
0xb6: {  	[sflag:s22] =	ssyncset.done $0x0  }
0xb7: {  	[sflag:s22] =	ssyncadd.s32 $0xFFFFFF60  }
0xb8: {  	_ =	swait.ge [sflag:s22], $0x50  }
0xb9: {  	[sflag:s22] =	ssyncset.done $0x0  }
0xba: {  	[sflag:s22] =	ssyncadd.s32 $0xFFFFFFB0  }
0xbb: {  	_ =	swait.ge [sflag:s22], $0x50  }
0xbc: {  	[sflag:s22] =	ssyncset.done $0x0  }
0xbd: {  	[sflag:s22] =	ssyncadd.s32 $0xFFFFFFB0  }
0xbe: {  	[tilespmem:s18], [sflag:$0x3] =	stream.indirect.gather [hbm4b:s1+s23], $0x80, s4, s23, $0xb8;
	[tilespmem:$0x1E600] =	vst v63  }
0xbf: {  	_ = 	snop  }
0xc0: {  	[spmem:s2] =	stream.indirect.scatter.add.f32 [tilespmem:s30], [sflag:$0x5], $0x80, s9, s31, $0xb8;
	[tilespmem:$0x1E600] =	vst v63  }
0xc1: {  	_ =	swait.ge [sflag:s19], $0x2800  }
0xc2: {  	[sflag:s19] =	ssyncset.done $0x0  }
0xc3: {  	[sflag:s19] =	ssyncadd.s32 $0xFFFFD800  }
0xc4: {  	[spmem:s2] =	stream.indirect.scatter.add.f32 [tilespmem:s8], [sflag:$0x5], $0x80, s11, s31, $0xb8;
	[tilespmem:$0x1E600] =	vst v63  }
0xc5: {  	_ =	swait.ge [sflag:s19], $0x2800  }
0xc6: {  	s15 =	rddreg [dreg:$0x5];
	[sflag:s19] =	ssyncset.done $0x0  }
0xc7: {  	s16 =	rddreg [dreg:$0x4];
	[sflag:s19] =	ssyncadd.s32 $0xFFFFD800;
	s13 =	sadd.s32 $0x0, s15  }
0xc8: {  	[tilespmem:s24], [sflag:$0x2] =	stream.linear.gather [hbm4b:s13+s4], $0xA0, $0x38;
	[tilespmem:$0x1E600] =	vst v63  }
0xc9: {  	s14 =	sadd.s32 $0x0, s16  }
0xca: {  	[tilespmem:s25], [sflag:$0x2] =	stream.linear.gather [hbm4b:s14+s4], $0x50, $0x38;
	[tilespmem:$0x1E600] =	vst v63  }
0xcb: {  	s13 =	simm.s32 $0x50;
	s14 =	sadd.s32 $0xA, s14  }
.LBB2_4:
0xcc: {  	[tilespmem:s26], [sflag:$0x2] =	stream.linear.gather [hbm4b:s14+s4], $0x50, $0x38;
	[tilespmem:$0x1E600] =	vst v63  }
0xcd: {  	_ =	swait.ge [sflag:s28], $0x5000  }
0xce: {  	[sflag:s28] =	ssyncset.done $0x0  }
0xcf: {  	[sflag:s28] =	ssyncadd.s32 $0xFFFFB000  }
0xd0: {  	_ =	swait.ge [sflag:s29], $0xA0  }
0xd1: {  	[sflag:s29] =	ssyncset.done $0x0  }
0xd2: {  	[sflag:s29] =	ssyncadd.s32 $0xFFFFFF60  }
0xd3: {  	_ =	swait.ge [sflag:s29], $0x50  }
0xd4: {  	[sflag:s29] =	ssyncset.done $0x0  }
0xd5: {  	[sflag:s29] =	ssyncadd.s32 $0xFFFFFFB0  }
0xd6: {  	_ =	swait.ge [sflag:s29], $0x50  }
0xd7: {  	[sflag:s29] =	ssyncset.done $0x0  }
0xd8: {  	[sflag:s29] =	ssyncadd.s32 $0xFFFFFFB0  }
0xd9: {  	[tilespmem:s30], [sflag:$0x4] =	stream.indirect.gather [hbm4b:s1+s23], $0x80, s24, s23, $0xb8;
	[tilespmem:$0x1E600] =	vst v63  }
0xda: {  	_ = 	snop  }
0xdb: {  	[spmem:s2] =	stream.indirect.scatter.add.f32 [tilespmem:s18], [sflag:$0x5], $0x80, s20, s31, $0xb8;
	[tilespmem:$0x1E600] =	vst v63  }
0xdc: {  	_ =	swait.ge [sflag:s19], $0x2800  }
0xdd: {  	[sflag:s19] =	ssyncset.done $0x0  }
0xde: {  	[sflag:s19] =	ssyncadd.s32 $0xFFFFD800  }
0xdf: {  	[spmem:s2] =	stream.indirect.scatter.add.f32 [tilespmem:s0], [sflag:$0x5], $0x80, s21, s31, $0xb8;
	[tilespmem:$0x1E600] =	vst v63  }
0xe0: {  	_ =	swait.ge [sflag:s19], $0x2800  }
0xe1: {  	s14 =	smov.u32 s13;
	s10 =	rddreg [dreg:$0xc];
	[sflag:s19] =	ssyncset.done $0x0  }
0xe2: {  	s15 =	rddreg [dreg:$0xb];
	[sflag:s19] =	ssyncadd.s32 $0xFFFFD800;
	s10 =	sadd.s32 s14, s10  }
0xe3: {  	[tilespmem:s4], [sflag:$0x1] =	stream.linear.gather [hbm4b:s10+s4], $0xA0, $0x38;
	[tilespmem:$0x1E600] =	vst v63  }
0xe4: {  	s16 =	rddreg [dreg:$0xd];
	s15 =	sadd.s32 s14, s15  }
0xe5: {  	[tilespmem:s3], [sflag:$0x1] =	stream.linear.gather [hbm4b:s15+s4], $0x50, $0x38;
	[tilespmem:$0x1E600] =	vst v63  }
0xe6: {  	s15 =	sadd.s32 s14, s16  }
0xe7: {  	[tilespmem:s6], [sflag:$0x1] =	stream.linear.gather [hbm4b:s15+s4], $0x50, $0x38;
	[tilespmem:$0x1E600] =	vst v63  }
0xe8: {  	_ =	swait.ge [sflag:s7], $0x5000  }
0xe9: {  	[sflag:s7] =	ssyncset.done $0x0  }
0xea: {  	[sflag:s7] =	ssyncadd.s32 $0xFFFFB000  }
0xeb: {  	_ =	swait.ge [sflag:s22], $0xA0  }
0xec: {  	[sflag:s22] =	ssyncset.done $0x0  }
0xed: {  	[sflag:s22] =	ssyncadd.s32 $0xFFFFFF60  }
0xee: {  	_ =	swait.ge [sflag:s22], $0x50  }
0xef: {  	[sflag:s22] =	ssyncset.done $0x0  }
0xf0: {  	[sflag:s22] =	ssyncadd.s32 $0xFFFFFFB0  }
0xf1: {  	_ =	swait.ge [sflag:s22], $0x50  }
0xf2: {  	[sflag:s22] =	ssyncset.done $0x0  }
0xf3: {  	[sflag:s22] =	ssyncadd.s32 $0xFFFFFFB0  }
0xf4: {  	[tilespmem:s18], [sflag:$0x3] =	stream.indirect.gather [hbm4b:s1+s23], $0x80, s4, s23, $0xb8;
	[tilespmem:$0x1E600] =	vst v63  }
0xf5: {  	_ = 	snop  }
0xf6: {  	[spmem:s2] =	stream.indirect.scatter.add.f32 [tilespmem:s30], [sflag:$0x5], $0x80, s25, s31, $0xb8;
	[tilespmem:$0x1E600] =	vst v63  }
0xf7: {  	_ =	swait.ge [sflag:s19], $0x2800  }
0xf8: {  	[sflag:s19] =	ssyncset.done $0x0  }
0xf9: {  	[sflag:s19] =	ssyncadd.s32 $0xFFFFD800  }
0xfa: {  	[spmem:s2] =	stream.indirect.scatter.add.f32 [tilespmem:s8], [sflag:$0x5], $0x80, s26, s31, $0xb8;
	[tilespmem:$0x1E600] =	vst v63  }
0xfb: {  	_ =	swait.ge [sflag:s19], $0x2800  }
0xfc: {  	s16 =	rddreg [dreg:$0x9];
	[sflag:s19] =	ssyncset.done $0x0  }
0xfd: {  	s15 =	rddreg [dreg:$0x8];
	[sflag:s19] =	ssyncadd.s32 $0xFFFFD800;
	s10 =	sadd.s32 s14, s16  }
0xfe: {  	[tilespmem:s24], [sflag:$0x2] =	stream.linear.gather [hbm4b:s10+s4], $0xA0, $0x38;
	[tilespmem:$0x1E600] =	vst v63  }
0xff: {  	s16 =	rddreg [dreg:$0xa];
	s15 =	sadd.s32 s14, s15  }
0x100: {  	[tilespmem:s9], [sflag:$0x2] =	stream.linear.gather [hbm4b:s15+s4], $0x50, $0x38;
	[tilespmem:$0x1E600] =	vst v63  }
0x101: {  	s16 =	sadd.s32 s14, s16  }
0x102: {  	[tilespmem:s11], [sflag:$0x2] =	stream.linear.gather [hbm4b:s16+s4], $0x50, $0x38;
	[tilespmem:$0x1E600] =	vst v63  }
0x103: {  	_ =	swait.ge [sflag:s28], $0x5000  }
0x104: {  	[sflag:s28] =	ssyncset.done $0x0  }
0x105: {  	[sflag:s28] =	ssyncadd.s32 $0xFFFFB000  }
0x106: {  	_ =	swait.ge [sflag:s29], $0xA0  }
0x107: {  	[sflag:s29] =	ssyncset.done $0x0  }
0x108: {  	[sflag:s29] =	ssyncadd.s32 $0xFFFFFF60  }
0x109: {  	_ =	swait.ge [sflag:s29], $0x50  }
0x10a: {  	[sflag:s29] =	ssyncset.done $0x0  }
0x10b: {  	[sflag:s29] =	ssyncadd.s32 $0xFFFFFFB0  }
0x10c: {  	_ =	swait.ge [sflag:s29], $0x50  }
0x10d: {  	[sflag:s29] =	ssyncset.done $0x0  }
0x10e: {  	[sflag:s29] =	ssyncadd.s32 $0xFFFFFFB0  }
0x10f: {  	[tilespmem:s30], [sflag:$0x4] =	stream.indirect.gather [hbm4b:s1+s23], $0x80, s24, s23, $0xb8;
	[tilespmem:$0x1E600] =	vst v63  }
0x110: {  	_ = 	snop  }
0x111: {  	[spmem:s2] =	stream.indirect.scatter.add.f32 [tilespmem:s18], [sflag:$0x5], $0x80, s3, s31, $0xb8;
	[tilespmem:$0x1E600] =	vst v63  }
0x112: {  	_ =	swait.ge [sflag:s19], $0x2800  }
0x113: {  	[sflag:s19] =	ssyncset.done $0x0  }
0x114: {  	[sflag:s19] =	ssyncadd.s32 $0xFFFFD800  }
0x115: {  	[spmem:s2] =	stream.indirect.scatter.add.f32 [tilespmem:s0], [sflag:$0x5], $0x80, s6, s31, $0xb8;
	[tilespmem:$0x1E600] =	vst v63  }
0x116: {  	_ =	swait.ge [sflag:s19], $0x2800  }
0x117: {  	s15 =	rddreg [dreg:$0x7];
	[sflag:s19] =	ssyncset.done $0x0  }
0x118: {  	s16 =	rddreg [dreg:$0x6];
	[sflag:s19] =	ssyncadd.s32 $0xFFFFD800;
	s10 =	sadd.s32 s14, s15  }
0x119: {  	[tilespmem:s4], [sflag:$0x1] =	stream.linear.gather [hbm4b:s10+s4], $0xA0, $0x38;
	[tilespmem:$0x1E600] =	vst v63  }
0x11a: {  	s16 =	sadd.s32 s14, s16  }
0x11b: {  	[tilespmem:s20], [sflag:$0x1] =	stream.linear.gather [hbm4b:s16+s4], $0x50, $0x38;
	[tilespmem:$0x1E600] =	vst v63  }
0x11c: {  	s10 =	sadd.s32 $0xA, s16  }
0x11d: {  	[tilespmem:s21], [sflag:$0x1] =	stream.linear.gather [hbm4b:s10+s4], $0x50, $0x38;
	[tilespmem:$0x1E600] =	vst v63  }
0x11e: {  	_ =	swait.ge [sflag:s7], $0x5000  }
0x11f: {  	[sflag:s7] =	ssyncset.done $0x0  }
0x120: {  	[sflag:s7] =	ssyncadd.s32 $0xFFFFB000  }
0x121: {  	_ =	swait.ge [sflag:s22], $0xA0  }
0x122: {  	[sflag:s22] =	ssyncset.done $0x0  }
0x123: {  	[sflag:s22] =	ssyncadd.s32 $0xFFFFFF60  }
0x124: {  	_ =	swait.ge [sflag:s22], $0x50  }
0x125: {  	[sflag:s22] =	ssyncset.done $0x0  }
0x126: {  	[sflag:s22] =	ssyncadd.s32 $0xFFFFFFB0  }
0x127: {  	_ =	swait.ge [sflag:s22], $0x50  }
0x128: {  	[sflag:s22] =	ssyncset.done $0x0  }
0x129: {  	[sflag:s22] =	ssyncadd.s32 $0xFFFFFFB0  }
0x12a: {  	[tilespmem:s18], [sflag:$0x3] =	stream.indirect.gather [hbm4b:s1+s23], $0x80, s4, s23, $0xb8;
	[tilespmem:$0x1E600] =	vst v63  }
0x12b: {  	_ = 	snop  }
0x12c: {  	[spmem:s2] =	stream.indirect.scatter.add.f32 [tilespmem:s30], [sflag:$0x5], $0x80, s9, s31, $0xb8;
	[tilespmem:$0x1E600] =	vst v63  }
0x12d: {  	_ =	swait.ge [sflag:s19], $0x2800  }
0x12e: {  	[sflag:s19] =	ssyncset.done $0x0  }
0x12f: {  	[sflag:s19] =	ssyncadd.s32 $0xFFFFD800  }
0x130: {  	[spmem:s2] =	stream.indirect.scatter.add.f32 [tilespmem:s8], [sflag:$0x5], $0x80, s11, s31, $0xb8;
	[tilespmem:$0x1E600] =	vst v63  }
0x131: {  	_ =	swait.ge [sflag:s19], $0x2800  }
0x132: {  	p0 =	sne.s32 s13, $0x4B0;
	s15 =	rddreg [dreg:$0x5]  }
.Ltmp1:
0x133: {  	s16 =	rddreg [dreg:$0x4];
	[sflag:s19] =	ssyncset.done $0x0;
	(pc) =	sbr.rel @p0 .LBB2_4-.Ltmp1, $4  }
0x134: {  	[sflag:s19] =	ssyncadd.s32 $0xFFFFD800;
	s10 =	sadd.s32 s14, s15;
	s16 =	sadd.s32 s14, s16  }
0x135: {  	[tilespmem:s24], [sflag:$0x2] =	stream.linear.gather [hbm4b:s10+s4], $0xA0, $0x38;
	[tilespmem:$0x1E600] =	vst v63  }
0x136: {  	s13 =	sadd.s32 $0x50, s13;
	s14 =	sadd.s32 $0xA, s16  }
0x137: {  	[tilespmem:s25], [sflag:$0x2] =	stream.linear.gather [hbm4b:s16+s4], $0x50, $0x38;
	[tilespmem:$0x1E600] =	vst v63  }
0x138: {  	[tilespmem:s26], [sflag:$0x2] =	stream.linear.gather [hbm4b:s14+s4], $0x50, $0x38;
	[tilespmem:$0x1E600] =	vst v63  }
0x139: {  	_ =	swait.ge [sflag:s28], $0x5000  }
0x13a: {  	[sflag:s28] =	ssyncset.done $0x0  }
0x13b: {  	[sflag:s28] =	ssyncadd.s32 $0xFFFFB000  }
0x13c: {  	_ =	swait.ge [sflag:s29], $0xA0  }
0x13d: {  	[sflag:s29] =	ssyncset.done $0x0  }
0x13e: {  	[sflag:s29] =	ssyncadd.s32 $0xFFFFFF60  }
0x13f: {  	_ =	swait.ge [sflag:s29], $0x50  }
0x140: {  	[sflag:s29] =	ssyncset.done $0x0  }
0x141: {  	[sflag:s29] =	ssyncadd.s32 $0xFFFFFFB0  }
0x142: {  	_ =	swait.ge [sflag:s29], $0x50  }
0x143: {  	[sflag:s29] =	ssyncset.done $0x0  }
0x144: {  	s10 =	stileid.u32;
	[sflag:s29] =	ssyncadd.s32 $0xFFFFFFB0  }
0x145: {  	s10 =	sshll.u32 s10, $0x6;
	[bflag:$0x0] =	sbarrier.arrive $0xFFFF  }
0x146: {  	s13 =	sshrl.u32 s5, $0x3;
	s10 =	sor.u32 $0x1C05, s10;
	s15 =	rddreg [dreg:$0x17]  }
0x147: {  	[hbm:s15], [sflag:s10] =	dma.local [spmem:s13], $0x2800  }
0x148: {  	_ =	swait.ge [sflag:s19], $0x2800  }
0x149: {  	s12 =	sadd.s32 $0x1, s12;
	s16 =	rddreg [dreg:$0x18]  }
0x14a: {  	p0 =	sne.s32 s12, s16  }
.Ltmp2:
0x14b: {  	_ = 	snop;
	(pc) =	sbr.rel @p0 .LBB2_1-.Ltmp2, $3  }
0x14c: {  	_ =	sdelay $0x1  }
0x14d: {  	[sflag:s19] =	ssyncset.done $0x0  }
0x14e: {  	[sflag:s19] =	ssyncadd.s32 $0xFFFFD800  }
0x14f: {  	_ =	sfence.sel $0x180000  }
0x150: {  	[bflag:$0x0] =	sbarrier.arrive $0xFFFF  }
0x151: {  	_ =	strace $0x9000004A  }
0x152: {  	s0 =	stileid.u32;
	[bflag:$0x2] =	sbarrier.arrive $0xFFFF  }
0x153: {  	p0 =	sne.s32 s0, $0x0;
	s0 =	rddreg [dreg:$0x3]  }
0x154: {  	s0 =	sadd.s32 @!p0 $0x100000, s0  }
0x155: {  	[sflag:s0] =	ssyncadd.tile.s32 @!p0 $0x1;
	_ =	shalt  }
.Lfunc_end2:
_tile_overlayer_lowered:
.L_overlay_start_2:
0x156: {  	(tag) =	ssettag $0x2  }
0x157: {  	s0 =	rddreg [dreg:$0x0];
	s2 =	stileid.u32  }
0x158: {  	s1 =	rddreg [dreg:$0x1];
	p0 =	sne.s32 s2, $0x0  }
0x159: {  	s3 =	rddreg [dreg:$0x2];
	[bflag:$0x3] =	sbarrier.arrive $0xFFFF;
	s2 =	simm.s32 @!p0 $0x1C05  }
0x15a: {  	[timem:s3], [sflag:s2] =	dma.local @!p0 [hbm:s0], s1  }
0x15b: {  	s0 =	simm.s32 @!p0 $0x5  }
0x15c: {  	_ =	swait.ge @!p0 [sflag:s0], s1  }
0x15d: {  	s1 =	ssub.s32 @!p0 $0x0, s1;
	[sflag:s0] =	ssyncset.done @!p0 $0x0  }
0x15e: {  	[sflag:s0] =	ssyncadd.s32 @!p0 s1  }
0x15f: {  	[bflag:$0x3] =	sbarrier.arrive $0xFFFF  }
0x160: {  	_ =	shalt  }

// kernel: kernel.14.cloned.1.call-start
scs
__scs_entry_jumppad:
0x0: {  	(pc) =	sbr.rel $0x88, $3  }
0x1: {  	(tag) =	ssettag $0x0;
	lr =	simm.s32 $0x1  }
0x2: {  	[smem:$0x3F96] =	sst lr;
	_ =	strace $0xD0000000  }
0x3: {  	_ = 	snop  }
0x4: {  	_ = 	snop  }
0x5: {  	_ = 	snop  }
0x6: {  	_ = 	snop  }
0x7: {  	_ = 	snop  }
__scs_overlays_trampoline_lowered:
0x8: {  	[smem:$0x3FA5] =	sst s0  }
0x9: {  	[smem:$0x3FA6] =	sst s1  }
0xa: {  	[smem:$0x3FA7] =	sst s2  }
0xb: {  	[smem:$0x3FA8] =	sst s3  }
0xc: {  	[smem:$0x3FA9] =	sst s4  }
0xd: {  	[smem:$0x3FAA] =	sst s5  }
0xe: {  	[smem:$0x3FAB] =	sst s6  }
0xf: {  	[smem:$0x3FAC] =	sst s7  }
0x10: {  	[smem:$0x3FAD] =	sst s8  }
0x11: {  	[smem:$0x3FAE] =	sst s9;
	s0 =	simm.s32 @!p0 $0x0  }
0x12: {  	s1 =	sld [smem:$0x3F94];
	s0 =	simm.s32 @p0 $0x1  }
0x13: {  	[smem:$0x3FAF] =	sst s0;
	s0 =	simm.s32 @!p1 $0x0  }
0x14: {  	s2 =	sld [smem:$0x3F93];
	s0 =	simm.s32 @p1 $0x1  }
0x15: {  	[smem:$0x3FB0] =	sst s0;
	s0 =	simm.s32 @!p2 $0x0  }
0x16: {  	s3 =	sld [smem:$0x3FDB];
	s0 =	simm.s32 @p2 $0x1  }
0x17: {  	s4 =	simm.s32 $0x1BF5;
	[smem:$0x3FB2] =	sst s0  }
0x18: {  	s0 =	sld [smem:$0x3F95];
	_ =	swait.ge [sflag:s4], $0x0  }
0x19: {  	s7 =	sld [smem:$0x3F96]  }
0x1a: {  	s8 =	sadd.s32 $0xFFFFE003, lr  }
0x1b: {  	s9 =	sadd.s32 $0xFFFFFEF7, lr;
	s5 =	simm.s32 $0xFFFFFFFF;
	p2 =	slt.u32 s8, $0xFFFFF086  }
0x1c: {  	p1 =	slt.u32 s9, $0xF7A;
	s5 =	simm.s32 @!p2 $0x0  }
0x1d: {  	s5 =	simm.s32 @p1 $0x1;
	p0 =	seq.s32 s7, s2  }
0x1e: {  	s7 =	smul.u32 @!p0 $0xF7A, s2;
	p2 =	seq.s32 @!p0 s5, $0x0  }
0x1f: {  	s9 =	smul.u32 $0xF7A, s1;
	s8 =	simm.s32 @!p0 $0x1BF5;
	p2 =	por !p2, p0  }
0x20: {  	[sflag:s8] =	ssyncset.s32 @!p0 $0xFFFFF086;
	s6 =	sadd.s32 @!p0 s3, s7;
	s7 =	simm.s32 @!p0 $0x108  }
0x21: {  	s3 =	sadd.s32 s3, s9;
	s6 =	sadd.s32 @!p0 $0x88, s6;
	s7 =	simm.s32 @p2 $0x1082  }
0x22: {  	[simem:s7], [sflag:s8] =	dma.local @!p0 [hbm:s6], $0xF7A  }
0x23: {  	s9 =	sor.u32 $0xD0000000, s2;
	s6 =	simm.s32 $0x108;
	_ =	swait.ge @!p0 [sflag:s8], $0x0  }
0x24: {  	s3 =	sadd.s32 $0x88, s3;
	s6 =	simm.s32 @!p1 $0x1082;
	[sflag:s4] =	ssyncset.s32 $0xFFFFF086  }
0x25: {  	[simem:s6], [sflag:s4] =	dma.local [hbm:s3], $0xF7A  }
0x26: {  	[smem:$0x3F96] =	sst s1;
	(tag) =	ssettag s2;
	_ =	strace s9  }
0x27: {  	s1 =	sld [smem:$0x3FA6]  }
0x28: {  	s2 =	sld [smem:$0x3FA7]  }
0x29: {  	s4 =	sld [smem:$0x3FA9]  }
0x2a: {  	p0 =	seq.s32 s5, $0x0;
	s5 =	sld [smem:$0x3FAA]  }
0x2b: {  	s6 =	sld [smem:$0x3FAB]  }
0x2c: {  	s7 =	sld [smem:$0x3FAC]  }
0x2d: {  	s3 =	simm.s32 $0x108;
	s8 =	sld [smem:$0x3FAD]  }
0x2e: {  	s3 =	simm.s32 @!p0 $0x1082;
	s9 =	sld [smem:$0x3FAE]  }
0x2f: {  	lr =	sadd.s32 s0, s3;
	s0 =	sld [smem:$0x3FA5]  }
0x30: {  	s3 =	sld [smem:$0x3FA8]  }
0x31: {  	[smem:$0x3FB1] =	sst s10  }
0x32: {  	s10 =	sld [smem:$0x3FAF];
	_ =	sdelay $0x3  }
0x33: {  	p0 =	seq.s32 s10, $0x1;
	s10 =	sld [smem:$0x3FB1];
	_ =	sdelay $0x3  }
0x34: {  	[smem:$0x3FB1] =	sst s10  }
0x35: {  	s10 =	sld [smem:$0x3FB0];
	_ =	sdelay $0x3  }
0x36: {  	p1 =	seq.s32 s10, $0x1;
	s10 =	sld [smem:$0x3FB1];
	_ =	sdelay $0x3  }
0x37: {  	[smem:$0x3FB1] =	sst s10  }
0x38: {  	s10 =	sld [smem:$0x3FB2]  }
0x39: {  	_ = 	snop;
	(pc) =	sbr.ind lr, $3  }
0x3a: {  	_ = 	snop  }
0x3b: {  	_ = 	snop  }
0x3c: {  	p2 =	seq.s32 s10, $0x1;
	s10 =	sld [smem:$0x3FB1]  }
0x3d: {  	_ =	shalt  }
0x3e: {  	_ =	shalt  }
0x3f: {  	_ =	shalt  }
0x40: {  	_ =	shalt  }
0x41: {  	_ =	shalt  }
0x42: {  	_ =	shalt  }
0x43: {  	_ =	shalt  }
0x44: {  	_ =	shalt  }
0x45: {  	_ =	shalt  }
0x46: {  	_ =	shalt  }
0x47: {  	_ =	shalt  }
0x48: {  	_ =	shalt  }
0x49: {  	_ =	shalt  }
0x4a: {  	_ =	shalt  }
0x4b: {  	_ =	shalt  }
0x4c: {  	_ =	shalt  }
0x4d: {  	_ =	shalt  }
0x4e: {  	_ =	shalt  }
0x4f: {  	_ =	shalt  }
0x50: {  	_ =	shalt  }
0x51: {  	_ =	shalt  }
0x52: {  	_ =	shalt  }
0x53: {  	_ =	shalt  }
0x54: {  	_ =	shalt  }
0x55: {  	_ =	shalt  }
0x56: {  	_ =	shalt  }
0x57: {  	_ =	shalt  }
0x58: {  	_ =	shalt  }
0x59: {  	_ =	shalt  }
0x5a: {  	_ =	shalt  }
0x5b: {  	_ =	shalt  }
0x5c: {  	_ =	shalt  }
0x5d: {  	_ =	shalt  }
0x5e: {  	_ =	shalt  }
0x5f: {  	_ =	shalt  }
0x60: {  	_ =	shalt  }
0x61: {  	_ =	shalt  }
0x62: {  	_ =	shalt  }
0x63: {  	_ =	shalt  }
0x64: {  	_ =	shalt  }
0x65: {  	_ =	shalt  }
0x66: {  	_ =	shalt  }
0x67: {  	_ =	shalt  }
0x68: {  	_ =	shalt  }
0x69: {  	_ =	shalt  }
0x6a: {  	_ =	shalt  }
0x6b: {  	_ =	shalt  }
0x6c: {  	_ =	shalt  }
0x6d: {  	_ =	shalt  }
0x6e: {  	_ =	shalt  }
0x6f: {  	_ =	shalt  }
0x70: {  	_ =	shalt  }
0x71: {  	_ =	shalt  }
0x72: {  	_ =	shalt  }
0x73: {  	_ =	shalt  }
0x74: {  	_ =	shalt  }
0x75: {  	_ =	shalt  }
0x76: {  	_ =	shalt  }
0x77: {  	_ =	shalt  }
0x78: {  	_ =	shalt  }
0x79: {  	_ =	shalt  }
0x7a: {  	_ =	shalt  }
0x7b: {  	_ =	shalt  }
0x7c: {  	_ =	shalt  }
0x7d: {  	_ =	shalt  }
0x7e: {  	_ =	shalt  }
0x7f: {  	_ =	shalt  }
0x80: {  	_ =	shalt  }
0x81: {  	_ =	shalt  }
0x82: {  	_ =	shalt  }
0x83: {  	_ =	shalt  }
0x84: {  	_ =	shalt  }
0x85: {  	_ =	shalt  }
0x86: {  	_ =	shalt  }
0x87: {  	_ =	shalt  }
.Lfunc_end0:
.L_simem_size_0:
called_computation.2_lowered:
.L_overlay_start_0:
0x88: {  	s2 =	sld [smem:$0x3FD9]  }
0x89: {  	s3 =	sld [smem:$0x3FFE];
	_ =	sdelay $0x1  }
0x8a: {  	s1 =	srdreg.scid  }
0x8b: {  	s0 =	sand.u32 $0x1, s1  }
0x8c: {  	s17 =	sshll.u32 s0, $0xA;
	s2 =	sadd.s32 s3, s2  }
0x8d: {  	s2 =	sadd.s32 s2, s17  }
0x8e: {  	[smem:$0x3FBD] =	sst s2  }
0x8f: {  	_ = 	snop  }
0x90: {  	s2 =	sld [smem:$0x3FD0];
	(tm) =	ssettm $0x1  }
0x91: {  	s18 =	sld [smem:$0x3FFB];
	_ =	sdelay $0x3  }
0x92: {  	_ =	strace s18  }
0x93: {  	s3 =	sld [smem:$0x3FFC];
	_ =	sdelay $0x3  }
0x94: {  	_ =	strace s3  }
0x95: {  	s3 =	sld [smem:$0x3FFD];
	_ =	sdelay $0x3  }
0x96: {  	_ =	strace s3  }
0x97: {  	_ =	strace $0x8FFFFFFF  }
0x98: {  	s19 =	sld [smem:$0x3FDB];
	_ =	sdelay $0x1  }
0x99: {  	s4 =	simm.s32 $_scs_section_size  }
0x9a: {  	s5 =	simm.s32 $_size__tile_overlayer_lowered;
	s6 =	simm.s32 $_tile_overlayer_lowered  }
0x9b: {  	s22 =	simm.s32 $0x1BFF;
	s21 =	sshll.u32 s6, $0x1;
	s3 =	sadd.s32 s4, s19  }
0x9c: {  	s7 =	simm.s32 $0x0;
	s20 =	sshll.u32 s5, $0x1;
	s5 =	sadd.s32 s21, s3  }
0x9d: {  	[timem:s7], [sflag:s22] =	dma.local [hbm:s5], s20  }
0x9e: {  	_ =	swait.ge [sflag:s22], s20  }
0x9f: {  	s4 =	ssub.s32 $0x0, s20;
	[sflag:s22] =	ssyncset.done $0x0  }
0xa0: {  	[sflag:s22] =	ssyncadd.s32 s4;
	_ =	sdelay $0x1  }
0xa1: {  	s23 =	simm.s32 $0x1B8B  }
0xa2: {  	_ =	swait.ge [sflag:s23], $0x1  }
0xa3: {  	[sflag:s23] =	ssyncset.done $0x0  }
0xa4: {  	s25 =	simm.s32 $0x1B8E;
	s24 =	sld [smem:$0x3FFE];
	[sflag:s23] =	ssyncadd.s32 $0xFFFFFFFF  }
0xa5: {  	s26 =	simm.s32 $execute0_lowered;
	[smem:$0x3FD2] =	sst s25  }
0xa6: {  	s5 =	sshll.u32 s26, $0x1;
	_ =	strace $0x8000004C;
	[dreg:$0x1] =	wrdreg $0xFFFFFFFF  }
0xa7: {  	s28 =	simm.s32 $_size_execute0_lowered;
	s3 =	sadd.s32 s3, s5;
	[dreg:$0x0] =	wrdreg $0x0  }
0xa8: {  	s5 =	sshll.u32 s28, $0x1;
	[dreg:$0x2] =	wrdreg s3  }
0xa9: {  	[dreg:$0x3] =	wrdreg s5  }
0xaa: {  	[dreg:$0x4] =	wrdreg $0xC0  }
0xab: {  	_ =	task [dreg:s7], $0x5FFFF  }
0xac: {  	[dreg:$0x1] =	wrdreg $0xFFFFFFFF  }
0xad: {  	[dreg:$0x0] =	wrdreg $0x60  }
0xae: {  	[dreg:$0x2] =	wrdreg s2  }
0xaf: {  	[dreg:$0x3] =	wrdreg s24  }
0xb0: {  	[dreg:$0x4] =	wrdreg $0xA6000  }
0xb1: {  	[dreg:$0x5] =	wrdreg $0x9  }
0xb2: {  	_ =	task.clear_ibuf [dreg:s7], $0x6FFFF;
	_ =	strace $0x9000004C  }
0xb3: {  	s29 =	simm.s32 $0x9;
	_ =	strace $0x8000004E  }
0xb4: {  	_ =	swait.ge [sflag:s29], $0x1  }
0xb5: {  	[sflag:s29] =	ssyncadd.s32 $0xFFFFFFFF  }
0xb6: {  	_ =	strace $0x9000004E  }
0xb7: {  	_ =	sfence  }
0xb8: {  	s30 =	sld [smem:$0x0];
	_ =	sdelay $0x2  }
0xb9: {  	s31 =	sshll.u32 s1, $0xD;
	s1 =	sshrl.u32 s1, $0x2  }
0xba: {  	s3 =	sand.u32 $0x4000, s31;
	s1 =	sadd.s32 s1, s30  }
0xbb: {  	s0 =	sor.u32 s3, s0;
	s1 =	sshll.u32 s1, $0x11  }
0xbc: {  	s0 =	sor.u32 s1, s0  }
0xbd: {  	s0 =	sadd.s32 $0x8F2B, s0  }
0xbe: {  	[sflag:s0] =	ssyncadd.remote.s32 $0x1  }
0xbf: {  	_ =	sfence.sel $0xFFFF  }
0xc0: {  	[dreg:$0x0] =	wrdreg $0xFFFFFFFF;
	(pc) =	sbr.abs _section_cstart, $3  }
0xc1: {  	[dreg:$0x1] =	wrdreg $0xFFFFFFFF  }
0xc2: {  	_ =	task.clear_ibuf [dreg:s7], $0x2FFFF;
	_ =	strace $0x9FFFFFFF  }
0xc3: {  	(tm) =	ssettm $0x7FFFFFFF  }
tec
execute0_lowered:
.L_overlay_start_1:
0x0: {  	(tag) =	ssettag $0x1  }
0x1: {  	s1 =	rddreg [dreg:$0x0]  }
0x2: {  	s0 =	rddreg [dreg:$0x1]  }
0x3: {  	s2 =	rddreg [dreg:$0x2];
	s3 =	srdreg.scid;
	s4 =	simm.s32 $0x0  }
0x4: {  	s11 =	stileid.u32;
	s28 =	simm.s32 $0x3;
	s29 =	simm.s32 $0x2  }
0x5: {  	s30 =	simm.s32 $0x5600;
	s31 =	simm.s32 $0x50;
	s6 =	smul.u32 $0x14000, s11  }
0x6: {  	s3 =	sand.u32 $0x1, s3;
	[smem:$0x7FF] =	sst s4;
	s8 =	smul.u32 $0x50000, s11  }
0x7: {  	s7 =	sadd.s32 $0x4400, s0;
	s15 =	sshll.u32 s11, $0x1;
	s17 =	smul.u32 $0x5000, s11  }
0x8: {  	s9 =	sadd.s32 $0xE600, s0;
	s5 =	smul.u32 $0x140000, s3;
	s10 =	ssub.s32 $0x2, s3  }
0x9: {  	_ =	strace $0x8000004D;
	s16 =	sshrl.u32 s8, $0x2;
	s18 =	sshrl.u32 s10, $0x1  }
0xa: {  	s5 =	sadd.s32 s6, s5;
	s6 =	sor.u32 s3, s15;
	s3 =	smul.u32 $0x2800, s3  }
0xb: {  	s11 =	ssub.s32 s10, s18;
	s5 =	sshrl.u32 s5, $0x3;
	s6 =	smul.u32 $0x2800, s6  }
0xc: {  	s0 =	sadd.s32 s5, s0;
	s5 =	sadd.s32 s16, s2;
	s3 =	sadd.s32 s3, s17  }
0xd: {  	s19 =	sadd.s32 $0x4000, s5;
	s20 =	sadd.s32 $0x8000, s5;
	s21 =	sadd.s32 $0xC000, s5  }
0xe: {  	s6 =	sshrl.u32 s6, $0x3;
	s22 =	sadd.s32 $0x10000, s5;
	[dreg:$0xe] =	wrdreg s19  }
0xf: {  	s23 =	sor.u32 $0x320, s3;
	s13 =	sor.u32 $0x280, s3;
	[dreg:$0xf] =	wrdreg s20  }
0x10: {  	s14 =	sor.u32 $0x1E0, s3;
	s0 =	sadd.s32 $0x68800, s0;
	[dreg:$0x10] =	wrdreg s21  }
0x11: {  	[dreg:$0x11] =	wrdreg s22;
	s10 =	sadd.s32 s9, s6;
	s12 =	sadd.s32 s7, s6  }
0x12: {  	s8 =	sshrl.u32 s23, $0x3;
	s6 =	sor.u32 $0x14, s6;
	s26 =	sshrl.u32 s13, $0x3  }
0x13: {  	s16 =	sshrl.u32 s14, $0x3;
	s19 =	sor.u32 $0x230, s3;
	[dreg:$0x17] =	wrdreg s0  }
0x14: {  	s21 =	sor.u32 $0x140, s3;
	[dreg:$0x12] =	wrdreg s12;
	s24 =	sadd.s32 $0xA, s10  }
0x15: {  	s3 =	sor.u32 $0x190, s3;
	s25 =	sadd.s32 s8, s9;
	[dreg:$0x13] =	wrdreg s24  }
0x16: {  	s0 =	simm.s32 $0x2E00;
	s8 =	sadd.s32 s8, s7;
	[dreg:$0x4] =	wrdreg s25  }
0x17: {  	s13 =	sadd.s32 s26, s9;
	s15 =	sadd.s32 s26, s7;
	[dreg:$0x5] =	wrdreg s8  }
0x18: {  	s17 =	sadd.s32 s7, s6;
	s18 =	sadd.s32 s16, s9;
	[dreg:$0x6] =	wrdreg s13  }
0x19: {  	s6 =	sadd.s32 s9, s6;
	s20 =	sadd.s32 s16, s7;
	[dreg:$0x14] =	wrdreg s17  }
0x1a: {  	s22 =	sshrl.u32 s21, $0x3;
	s3 =	sshrl.u32 s3, $0x3;
	[dreg:$0x7] =	wrdreg s15  }
0x1b: {  	s26 =	smax.u32 s11, $0x1;
	s21 =	simm.s32 $0x280;
	[dreg:$0x15] =	wrdreg s6  }
0x1c: {  	s11 =	simm.s32 $0x580;
	s12 =	simm.s32 $0x0;
	[dreg:$0x8] =	wrdreg s18  }
0x1d: {  	s6 =	sshrl.u32 s19, $0x3;
	[dreg:$0x9] =	wrdreg s20;
	s23 =	sadd.s32 s22, s9  }
0x1e: {  	s24 =	sadd.s32 s22, s7;
	s17 =	smov.u32 s10;
	s25 =	sadd.s32 $0x1E, s10  }
0x1f: {  	s3 =	sadd.s32 s3, s9;
	[dreg:$0x18] =	wrdreg s26;
	s18 =	simm.s32 $0x600  }
0x20: {  	s19 =	simm.s32 $0x5;
	s20 =	simm.s32 $0x200;
	[dreg:$0xb] =	wrdreg s23  }
0x21: {  	s22 =	simm.s32 $0x1;
	s26 =	simm.s32 $0x380;
	[dreg:$0x16] =	wrdreg s25  }
0x22: {  	s7 =	simm.s32 $0x4;
	s8 =	simm.s32 $0x7E00;
	[dreg:$0xc] =	wrdreg s24  }
0x23: {  	s6 =	sadd.s32 s6, s9;
	[dreg:$0xd] =	wrdreg s3;
	s23 =	simm.s32 $0xA0  }
0x24: {  	s24 =	simm.s32 $0x100;
	s25 =	simm.s32 $0x300;
	s3 =	simm.s32 $0x400  }
0x25: {  	v0 =	vimm.f32 $0.0e+00;
	s9 =	simm.s32 $0x500;
	[dreg:$0xa] =	wrdreg s6;
	s6 =	simm.s32 $0x480  }
.LBB2_1:
0x26: {  	s13 =	simm.s32 $0x0;
	s14 =	simm.s32 $0x200  }
.LBB2_2:
0x27: {  	p0 =	sne.s32 s14, $0xFE00;
	[tilespmem:s13+$0x670] =	vst v0  }
0x28: {  	[tilespmem:s13+$0x600] =	vst v0  }
0x29: {  	[tilespmem:s13+$0x610] =	vst v0  }
.Ltmp0:
0x2a: {  	[tilespmem:s13+$0x620] =	vst v0;
	(pc) =	sbr.rel @p0 .LBB2_2-.Ltmp0, $4  }
0x2b: {  	[tilespmem:s13+$0x630] =	vst v0  }
0x2c: {  	[tilespmem:s13+$0x640] =	vst v0  }
0x2d: {  	[tilespmem:s13+$0x650] =	vst v0  }
0x2e: {  	[tilespmem:s13+$0x660] =	vst v0;
	s13 =	sshra.s32 s14, $0x2;
	s14 =	sadd.s32 $0x200, s14  }
0x2f: {  	[tilespmem:s13+$0x670] =	vst v0  }
0x30: {  	[tilespmem:s13+$0x600] =	vst v0  }
0x31: {  	[tilespmem:s13+$0x610] =	vst v0  }
0x32: {  	[tilespmem:s13+$0x620] =	vst v0  }
0x33: {  	[tilespmem:s13+$0x630] =	vst v0  }
0x34: {  	[tilespmem:s13+$0x640] =	vst v0  }
0x35: {  	[tilespmem:s13+$0x650] =	vst v0  }
0x36: {  	[tilespmem:s13+$0x660] =	vst v0  }
0x37: {  	[spmem:s5] =	stream.linear.scatter [tilespmem:s18], [sflag:$0x5], $0x4000, $0x38;
	[tilespmem:$0x1E600] =	vst v63  }
0x38: {  	_ =	swait.ge [sflag:s19], $0x4000  }
0x39: {  	[sflag:s19] =	ssyncset.done $0x0  }
0x3a: {  	s10 =	rddreg [dreg:$0xe];
	[sflag:s19] =	ssyncadd.s32 $0xFFFFC000  }
0x3b: {  	[spmem:s10] =	stream.linear.scatter [tilespmem:s18], [sflag:$0x5], $0x4000, $0x38;
	[tilespmem:$0x1E600] =	vst v63  }
0x3c: {  	_ =	swait.ge [sflag:s19], $0x4000  }
0x3d: {  	[sflag:s19] =	ssyncset.done $0x0  }
0x3e: {  	s16 =	rddreg [dreg:$0xf];
	[sflag:s19] =	ssyncadd.s32 $0xFFFFC000  }
0x3f: {  	[spmem:s16] =	stream.linear.scatter [tilespmem:s18], [sflag:$0x5], $0x4000, $0x38;
	[tilespmem:$0x1E600] =	vst v63  }
0x40: {  	_ =	swait.ge [sflag:s19], $0x4000  }
0x41: {  	[sflag:s19] =	ssyncset.done $0x0  }
0x42: {  	s13 =	rddreg [dreg:$0x10];
	[sflag:s19] =	ssyncadd.s32 $0xFFFFC000  }
0x43: {  	[spmem:s13] =	stream.linear.scatter [tilespmem:s18], [sflag:$0x5], $0x4000, $0x38;
	[tilespmem:$0x1E600] =	vst v63  }
0x44: {  	_ =	swait.ge [sflag:s19], $0x4000  }
0x45: {  	[sflag:s19] =	ssyncset.done $0x0  }
0x46: {  	s14 =	rddreg [dreg:$0x11];
	[sflag:s19] =	ssyncadd.s32 $0xFFFFC000  }
0x47: {  	[spmem:s14] =	stream.linear.scatter [tilespmem:s18], [sflag:$0x5], $0x4000, $0x38;
	[tilespmem:$0x1E600] =	vst v63  }
0x48: {  	_ =	swait.ge [sflag:s19], $0x4000  }
0x49: {  	[sflag:s19] =	ssyncset.done $0x0  }
0x4a: {  	s13 =	simm.s32 $0x0;
	s15 =	rddreg [dreg:$0x12];
	[sflag:s19] =	ssyncadd.s32 $0xFFFFC000  }
0x4b: {  	[tilespmem:s13], [sflag:$0x1] =	stream.linear.gather [hbm4b:s15+s13], $0xA0, $0x38;
	[tilespmem:$0x1E600] =	vst v63  }
0x4c: {  	_ = 	snop  }
0x4d: {  	[tilespmem:s20], [sflag:$0x1] =	stream.linear.gather [hbm4b:s17+s13], $0x50, $0x38;
	[tilespmem:$0x1E600] =	vst v63  }
0x4e: {  	s16 =	rddreg [dreg:$0x13]  }
0x4f: {  	[tilespmem:s21], [sflag:$0x1] =	stream.linear.gather [hbm4b:s16+s13], $0x50, $0x38;
	[tilespmem:$0x1E600] =	vst v63  }
0x50: {  	[bflag:$0x0] =	sbarrier.arrive $0xFFFF  }
0x51: {  	_ =	swait.ge [sflag:s22], $0xA0  }
0x52: {  	[sflag:s22] =	ssyncset.done $0x0  }
0x53: {  	[sflag:s22] =	ssyncadd.s32 $0xFFFFFF60  }
0x54: {  	_ =	swait.ge [sflag:s22], $0x50  }
0x55: {  	[sflag:s22] =	ssyncset.done $0x0  }
0x56: {  	[sflag:s22] =	ssyncadd.s32 $0xFFFFFFB0  }
0x57: {  	_ =	swait.ge [sflag:s22], $0x50  }
0x58: {  	[sflag:s22] =	ssyncset.done $0x0  }
0x59: {  	[sflag:s22] =	ssyncadd.s32 $0xFFFFFFB0  }
0x5a: {  	[tilespmem:s18], [sflag:$0x3] =	stream.indirect.gather [hbm4b:s1+s23], $0x80, s13, s23, $0xb8;
	[tilespmem:$0x1E600] =	vst v63  }
0x5b: {  	s14 =	rddreg [dreg:$0x14]  }
0x5c: {  	[tilespmem:s24], [sflag:$0x2] =	stream.linear.gather [hbm4b:s14+s13], $0xA0, $0x38;
	[tilespmem:$0x1E600] =	vst v63  }
0x5d: {  	s15 =	rddreg [dreg:$0x15]  }
0x5e: {  	[tilespmem:s25], [sflag:$0x2] =	stream.linear.gather [hbm4b:s15+s13], $0x50, $0x38;
	[tilespmem:$0x1E600] =	vst v63  }
0x5f: {  	s16 =	rddreg [dreg:$0x16]  }
0x60: {  	[tilespmem:s26], [sflag:$0x2] =	stream.linear.gather [hbm4b:s16+s13], $0x50, $0x38;
	[tilespmem:$0x1E600] =	vst v63  }
0x61: {  	_ =	swait.ge [sflag:s28], $0x5000  }
0x62: {  	[sflag:s28] =	ssyncset.done $0x0  }
0x63: {  	[sflag:s28] =	ssyncadd.s32 $0xFFFFB000  }
0x64: {  	_ =	swait.ge [sflag:s29], $0xA0  }
0x65: {  	[sflag:s29] =	ssyncset.done $0x0  }
0x66: {  	[sflag:s29] =	ssyncadd.s32 $0xFFFFFF60  }
0x67: {  	_ =	swait.ge [sflag:s29], $0x50  }
0x68: {  	[sflag:s29] =	ssyncset.done $0x0  }
0x69: {  	[sflag:s29] =	ssyncadd.s32 $0xFFFFFFB0  }
0x6a: {  	_ =	swait.ge [sflag:s29], $0x50  }
0x6b: {  	[sflag:s29] =	ssyncset.done $0x0  }
0x6c: {  	[sflag:s29] =	ssyncadd.s32 $0xFFFFFFB0  }
0x6d: {  	[tilespmem:s30], [sflag:$0x4] =	stream.indirect.gather [hbm4b:s1+s23], $0x80, s24, s23, $0xb8;
	[tilespmem:$0x1E600] =	vst v63  }
0x6e: {  	_ = 	snop  }
0x6f: {  	[spmem:s2] =	stream.indirect.scatter.add.f32 [tilespmem:s18], [sflag:$0x5], $0x80, s20, s31, $0xb8;
	[tilespmem:$0x1E600] =	vst v63  }
0x70: {  	_ =	swait.ge [sflag:s19], $0x2800  }
0x71: {  	[sflag:s19] =	ssyncset.done $0x0  }
0x72: {  	[sflag:s19] =	ssyncadd.s32 $0xFFFFD800  }
0x73: {  	[spmem:s2] =	stream.indirect.scatter.add.f32 [tilespmem:s0], [sflag:$0x5], $0x80, s21, s31, $0xb8;
	[tilespmem:$0x1E600] =	vst v63  }
0x74: {  	_ =	swait.ge [sflag:s19], $0x2800  }
0x75: {  	s10 =	rddreg [dreg:$0xc];
	[sflag:s19] =	ssyncset.done $0x0  }
0x76: {  	s14 =	rddreg [dreg:$0xb];
	[sflag:s19] =	ssyncadd.s32 $0xFFFFD800;
	s13 =	sadd.s32 $0x0, s10  }
0x77: {  	[tilespmem:s4], [sflag:$0x1] =	stream.linear.gather [hbm4b:s13+s4], $0xA0, $0x38;
	[tilespmem:$0x1E600] =	vst v63  }
0x78: {  	s15 =	rddreg [dreg:$0xd];
	s14 =	sadd.s32 $0x0, s14  }
0x79: {  	[tilespmem:s3], [sflag:$0x1] =	stream.linear.gather [hbm4b:s14+s4], $0x50, $0x38;
	[tilespmem:$0x1E600] =	vst v63  }
0x7a: {  	s13 =	sadd.s32 $0x0, s15  }
0x7b: {  	[tilespmem:s6], [sflag:$0x1] =	stream.linear.gather [hbm4b:s13+s4], $0x50, $0x38;
	[tilespmem:$0x1E600] =	vst v63  }
0x7c: {  	_ =	swait.ge [sflag:s7], $0x5000  }
0x7d: {  	[sflag:s7] =	ssyncset.done $0x0  }
0x7e: {  	[sflag:s7] =	ssyncadd.s32 $0xFFFFB000  }
0x7f: {  	_ =	swait.ge [sflag:s22], $0xA0  }
0x80: {  	[sflag:s22] =	ssyncset.done $0x0  }
0x81: {  	[sflag:s22] =	ssyncadd.s32 $0xFFFFFF60  }
0x82: {  	_ =	swait.ge [sflag:s22], $0x50  }
0x83: {  	[sflag:s22] =	ssyncset.done $0x0  }
0x84: {  	[sflag:s22] =	ssyncadd.s32 $0xFFFFFFB0  }
0x85: {  	_ =	swait.ge [sflag:s22], $0x50  }
0x86: {  	[sflag:s22] =	ssyncset.done $0x0  }
0x87: {  	[sflag:s22] =	ssyncadd.s32 $0xFFFFFFB0  }
0x88: {  	[tilespmem:s18], [sflag:$0x3] =	stream.indirect.gather [hbm4b:s1+s23], $0x80, s4, s23, $0xb8;
	[tilespmem:$0x1E600] =	vst v63  }
0x89: {  	_ = 	snop  }
0x8a: {  	[spmem:s2] =	stream.indirect.scatter.add.f32 [tilespmem:s30], [sflag:$0x5], $0x80, s25, s31, $0xb8;
	[tilespmem:$0x1E600] =	vst v63  }
0x8b: {  	_ =	swait.ge [sflag:s19], $0x2800  }
0x8c: {  	[sflag:s19] =	ssyncset.done $0x0  }
0x8d: {  	[sflag:s19] =	ssyncadd.s32 $0xFFFFD800  }
0x8e: {  	[spmem:s2] =	stream.indirect.scatter.add.f32 [tilespmem:s8], [sflag:$0x5], $0x80, s26, s31, $0xb8;
	[tilespmem:$0x1E600] =	vst v63  }
0x8f: {  	_ =	swait.ge [sflag:s19], $0x2800  }
0x90: {  	s16 =	rddreg [dreg:$0x9];
	[sflag:s19] =	ssyncset.done $0x0  }
0x91: {  	s10 =	rddreg [dreg:$0x8];
	[sflag:s19] =	ssyncadd.s32 $0xFFFFD800;
	s13 =	sadd.s32 $0x0, s16  }
0x92: {  	[tilespmem:s24], [sflag:$0x2] =	stream.linear.gather [hbm4b:s13+s4], $0xA0, $0x38;
	[tilespmem:$0x1E600] =	vst v63  }
0x93: {  	s15 =	rddreg [dreg:$0xa];
	s14 =	sadd.s32 $0x0, s10  }
0x94: {  	[tilespmem:s9], [sflag:$0x2] =	stream.linear.gather [hbm4b:s14+s4], $0x50, $0x38;
	[tilespmem:$0x1E600] =	vst v63  }
0x95: {  	s13 =	sadd.s32 $0x0, s15  }
0x96: {  	[tilespmem:s11], [sflag:$0x2] =	stream.linear.gather [hbm4b:s13+s4], $0x50, $0x38;
	[tilespmem:$0x1E600] =	vst v63  }
0x97: {  	_ =	swait.ge [sflag:s28], $0x5000  }
0x98: {  	[sflag:s28] =	ssyncset.done $0x0  }
0x99: {  	[sflag:s28] =	ssyncadd.s32 $0xFFFFB000  }
0x9a: {  	_ =	swait.ge [sflag:s29], $0xA0  }
0x9b: {  	[sflag:s29] =	ssyncset.done $0x0  }
0x9c: {  	[sflag:s29] =	ssyncadd.s32 $0xFFFFFF60  }
0x9d: {  	_ =	swait.ge [sflag:s29], $0x50  }
0x9e: {  	[sflag:s29] =	ssyncset.done $0x0  }
0x9f: {  	[sflag:s29] =	ssyncadd.s32 $0xFFFFFFB0  }
0xa0: {  	_ =	swait.ge [sflag:s29], $0x50  }
0xa1: {  	[sflag:s29] =	ssyncset.done $0x0  }
0xa2: {  	[sflag:s29] =	ssyncadd.s32 $0xFFFFFFB0  }
0xa3: {  	[tilespmem:s30], [sflag:$0x4] =	stream.indirect.gather [hbm4b:s1+s23], $0x80, s24, s23, $0xb8;
	[tilespmem:$0x1E600] =	vst v63  }
0xa4: {  	_ = 	snop  }
0xa5: {  	[spmem:s2] =	stream.indirect.scatter.add.f32 [tilespmem:s18], [sflag:$0x5], $0x80, s3, s31, $0xb8;
	[tilespmem:$0x1E600] =	vst v63  }
0xa6: {  	_ =	swait.ge [sflag:s19], $0x2800  }
0xa7: {  	[sflag:s19] =	ssyncset.done $0x0  }
0xa8: {  	[sflag:s19] =	ssyncadd.s32 $0xFFFFD800  }
0xa9: {  	[spmem:s2] =	stream.indirect.scatter.add.f32 [tilespmem:s0], [sflag:$0x5], $0x80, s6, s31, $0xb8;
	[tilespmem:$0x1E600] =	vst v63  }
0xaa: {  	_ =	swait.ge [sflag:s19], $0x2800  }
0xab: {  	s16 =	rddreg [dreg:$0x7];
	[sflag:s19] =	ssyncset.done $0x0  }
0xac: {  	s10 =	rddreg [dreg:$0x6];
	[sflag:s19] =	ssyncadd.s32 $0xFFFFD800;
	s13 =	sadd.s32 $0x0, s16  }
0xad: {  	[tilespmem:s4], [sflag:$0x1] =	stream.linear.gather [hbm4b:s13+s4], $0xA0, $0x38;
	[tilespmem:$0x1E600] =	vst v63  }
0xae: {  	s14 =	sadd.s32 $0x0, s10  }
0xaf: {  	[tilespmem:s20], [sflag:$0x1] =	stream.linear.gather [hbm4b:s14+s4], $0x50, $0x38;
	[tilespmem:$0x1E600] =	vst v63  }
0xb0: {  	s13 =	sadd.s32 $0xA, s14  }
0xb1: {  	[tilespmem:s21], [sflag:$0x1] =	stream.linear.gather [hbm4b:s13+s4], $0x50, $0x38;
	[tilespmem:$0x1E600] =	vst v63  }
0xb2: {  	_ =	swait.ge [sflag:s7], $0x5000  }
0xb3: {  	[sflag:s7] =	ssyncset.done $0x0  }
0xb4: {  	[sflag:s7] =	ssyncadd.s32 $0xFFFFB000  }
0xb5: {  	_ =	swait.ge [sflag:s22], $0xA0  }
0xb6: {  	[sflag:s22] =	ssyncset.done $0x0  }
0xb7: {  	[sflag:s22] =	ssyncadd.s32 $0xFFFFFF60  }
0xb8: {  	_ =	swait.ge [sflag:s22], $0x50  }
0xb9: {  	[sflag:s22] =	ssyncset.done $0x0  }
0xba: {  	[sflag:s22] =	ssyncadd.s32 $0xFFFFFFB0  }
0xbb: {  	_ =	swait.ge [sflag:s22], $0x50  }
0xbc: {  	[sflag:s22] =	ssyncset.done $0x0  }
0xbd: {  	[sflag:s22] =	ssyncadd.s32 $0xFFFFFFB0  }
0xbe: {  	[tilespmem:s18], [sflag:$0x3] =	stream.indirect.gather [hbm4b:s1+s23], $0x80, s4, s23, $0xb8;
	[tilespmem:$0x1E600] =	vst v63  }
0xbf: {  	_ = 	snop  }
0xc0: {  	[spmem:s2] =	stream.indirect.scatter.add.f32 [tilespmem:s30], [sflag:$0x5], $0x80, s9, s31, $0xb8;
	[tilespmem:$0x1E600] =	vst v63  }
0xc1: {  	_ =	swait.ge [sflag:s19], $0x2800  }
0xc2: {  	[sflag:s19] =	ssyncset.done $0x0  }
0xc3: {  	[sflag:s19] =	ssyncadd.s32 $0xFFFFD800  }
0xc4: {  	[spmem:s2] =	stream.indirect.scatter.add.f32 [tilespmem:s8], [sflag:$0x5], $0x80, s11, s31, $0xb8;
	[tilespmem:$0x1E600] =	vst v63  }
0xc5: {  	_ =	swait.ge [sflag:s19], $0x2800  }
0xc6: {  	s15 =	rddreg [dreg:$0x5];
	[sflag:s19] =	ssyncset.done $0x0  }
0xc7: {  	s16 =	rddreg [dreg:$0x4];
	[sflag:s19] =	ssyncadd.s32 $0xFFFFD800;
	s13 =	sadd.s32 $0x0, s15  }
0xc8: {  	[tilespmem:s24], [sflag:$0x2] =	stream.linear.gather [hbm4b:s13+s4], $0xA0, $0x38;
	[tilespmem:$0x1E600] =	vst v63  }
0xc9: {  	s14 =	sadd.s32 $0x0, s16  }
0xca: {  	[tilespmem:s25], [sflag:$0x2] =	stream.linear.gather [hbm4b:s14+s4], $0x50, $0x38;
	[tilespmem:$0x1E600] =	vst v63  }
0xcb: {  	s13 =	simm.s32 $0x50;
	s14 =	sadd.s32 $0xA, s14  }
.LBB2_4:
0xcc: {  	[tilespmem:s26], [sflag:$0x2] =	stream.linear.gather [hbm4b:s14+s4], $0x50, $0x38;
	[tilespmem:$0x1E600] =	vst v63  }
0xcd: {  	_ =	swait.ge [sflag:s28], $0x5000  }
0xce: {  	[sflag:s28] =	ssyncset.done $0x0  }
0xcf: {  	[sflag:s28] =	ssyncadd.s32 $0xFFFFB000  }
0xd0: {  	_ =	swait.ge [sflag:s29], $0xA0  }
0xd1: {  	[sflag:s29] =	ssyncset.done $0x0  }
0xd2: {  	[sflag:s29] =	ssyncadd.s32 $0xFFFFFF60  }
0xd3: {  	_ =	swait.ge [sflag:s29], $0x50  }
0xd4: {  	[sflag:s29] =	ssyncset.done $0x0  }
0xd5: {  	[sflag:s29] =	ssyncadd.s32 $0xFFFFFFB0  }
0xd6: {  	_ =	swait.ge [sflag:s29], $0x50  }
0xd7: {  	[sflag:s29] =	ssyncset.done $0x0  }
0xd8: {  	[sflag:s29] =	ssyncadd.s32 $0xFFFFFFB0  }
0xd9: {  	[tilespmem:s30], [sflag:$0x4] =	stream.indirect.gather [hbm4b:s1+s23], $0x80, s24, s23, $0xb8;
	[tilespmem:$0x1E600] =	vst v63  }
0xda: {  	_ = 	snop  }
0xdb: {  	[spmem:s2] =	stream.indirect.scatter.add.f32 [tilespmem:s18], [sflag:$0x5], $0x80, s20, s31, $0xb8;
	[tilespmem:$0x1E600] =	vst v63  }
0xdc: {  	_ =	swait.ge [sflag:s19], $0x2800  }
0xdd: {  	[sflag:s19] =	ssyncset.done $0x0  }
0xde: {  	[sflag:s19] =	ssyncadd.s32 $0xFFFFD800  }
0xdf: {  	[spmem:s2] =	stream.indirect.scatter.add.f32 [tilespmem:s0], [sflag:$0x5], $0x80, s21, s31, $0xb8;
	[tilespmem:$0x1E600] =	vst v63  }
0xe0: {  	_ =	swait.ge [sflag:s19], $0x2800  }
0xe1: {  	s14 =	smov.u32 s13;
	s10 =	rddreg [dreg:$0xc];
	[sflag:s19] =	ssyncset.done $0x0  }
0xe2: {  	s15 =	rddreg [dreg:$0xb];
	[sflag:s19] =	ssyncadd.s32 $0xFFFFD800;
	s10 =	sadd.s32 s14, s10  }
0xe3: {  	[tilespmem:s4], [sflag:$0x1] =	stream.linear.gather [hbm4b:s10+s4], $0xA0, $0x38;
	[tilespmem:$0x1E600] =	vst v63  }
0xe4: {  	s16 =	rddreg [dreg:$0xd];
	s15 =	sadd.s32 s14, s15  }
0xe5: {  	[tilespmem:s3], [sflag:$0x1] =	stream.linear.gather [hbm4b:s15+s4], $0x50, $0x38;
	[tilespmem:$0x1E600] =	vst v63  }
0xe6: {  	s15 =	sadd.s32 s14, s16  }
0xe7: {  	[tilespmem:s6], [sflag:$0x1] =	stream.linear.gather [hbm4b:s15+s4], $0x50, $0x38;
	[tilespmem:$0x1E600] =	vst v63  }
0xe8: {  	_ =	swait.ge [sflag:s7], $0x5000  }
0xe9: {  	[sflag:s7] =	ssyncset.done $0x0  }
0xea: {  	[sflag:s7] =	ssyncadd.s32 $0xFFFFB000  }
0xeb: {  	_ =	swait.ge [sflag:s22], $0xA0  }
0xec: {  	[sflag:s22] =	ssyncset.done $0x0  }
0xed: {  	[sflag:s22] =	ssyncadd.s32 $0xFFFFFF60  }
0xee: {  	_ =	swait.ge [sflag:s22], $0x50  }
0xef: {  	[sflag:s22] =	ssyncset.done $0x0  }
0xf0: {  	[sflag:s22] =	ssyncadd.s32 $0xFFFFFFB0  }
0xf1: {  	_ =	swait.ge [sflag:s22], $0x50  }
0xf2: {  	[sflag:s22] =	ssyncset.done $0x0  }
0xf3: {  	[sflag:s22] =	ssyncadd.s32 $0xFFFFFFB0  }
0xf4: {  	[tilespmem:s18], [sflag:$0x3] =	stream.indirect.gather [hbm4b:s1+s23], $0x80, s4, s23, $0xb8;
	[tilespmem:$0x1E600] =	vst v63  }
0xf5: {  	_ = 	snop  }
0xf6: {  	[spmem:s2] =	stream.indirect.scatter.add.f32 [tilespmem:s30], [sflag:$0x5], $0x80, s25, s31, $0xb8;
	[tilespmem:$0x1E600] =	vst v63  }
0xf7: {  	_ =	swait.ge [sflag:s19], $0x2800  }
0xf8: {  	[sflag:s19] =	ssyncset.done $0x0  }
0xf9: {  	[sflag:s19] =	ssyncadd.s32 $0xFFFFD800  }
0xfa: {  	[spmem:s2] =	stream.indirect.scatter.add.f32 [tilespmem:s8], [sflag:$0x5], $0x80, s26, s31, $0xb8;
	[tilespmem:$0x1E600] =	vst v63  }
0xfb: {  	_ =	swait.ge [sflag:s19], $0x2800  }
0xfc: {  	s16 =	rddreg [dreg:$0x9];
	[sflag:s19] =	ssyncset.done $0x0  }
0xfd: {  	s15 =	rddreg [dreg:$0x8];
	[sflag:s19] =	ssyncadd.s32 $0xFFFFD800;
	s10 =	sadd.s32 s14, s16  }
0xfe: {  	[tilespmem:s24], [sflag:$0x2] =	stream.linear.gather [hbm4b:s10+s4], $0xA0, $0x38;
	[tilespmem:$0x1E600] =	vst v63  }
0xff: {  	s16 =	rddreg [dreg:$0xa];
	s15 =	sadd.s32 s14, s15  }
0x100: {  	[tilespmem:s9], [sflag:$0x2] =	stream.linear.gather [hbm4b:s15+s4], $0x50, $0x38;
	[tilespmem:$0x1E600] =	vst v63  }
0x101: {  	s16 =	sadd.s32 s14, s16  }
0x102: {  	[tilespmem:s11], [sflag:$0x2] =	stream.linear.gather [hbm4b:s16+s4], $0x50, $0x38;
	[tilespmem:$0x1E600] =	vst v63  }
0x103: {  	_ =	swait.ge [sflag:s28], $0x5000  }
0x104: {  	[sflag:s28] =	ssyncset.done $0x0  }
0x105: {  	[sflag:s28] =	ssyncadd.s32 $0xFFFFB000  }
0x106: {  	_ =	swait.ge [sflag:s29], $0xA0  }
0x107: {  	[sflag:s29] =	ssyncset.done $0x0  }
0x108: {  	[sflag:s29] =	ssyncadd.s32 $0xFFFFFF60  }
0x109: {  	_ =	swait.ge [sflag:s29], $0x50  }
0x10a: {  	[sflag:s29] =	ssyncset.done $0x0  }
0x10b: {  	[sflag:s29] =	ssyncadd.s32 $0xFFFFFFB0  }
0x10c: {  	_ =	swait.ge [sflag:s29], $0x50  }
0x10d: {  	[sflag:s29] =	ssyncset.done $0x0  }
0x10e: {  	[sflag:s29] =	ssyncadd.s32 $0xFFFFFFB0  }
0x10f: {  	[tilespmem:s30], [sflag:$0x4] =	stream.indirect.gather [hbm4b:s1+s23], $0x80, s24, s23, $0xb8;
	[tilespmem:$0x1E600] =	vst v63  }
0x110: {  	_ = 	snop  }
0x111: {  	[spmem:s2] =	stream.indirect.scatter.add.f32 [tilespmem:s18], [sflag:$0x5], $0x80, s3, s31, $0xb8;
	[tilespmem:$0x1E600] =	vst v63  }
0x112: {  	_ =	swait.ge [sflag:s19], $0x2800  }
0x113: {  	[sflag:s19] =	ssyncset.done $0x0  }
0x114: {  	[sflag:s19] =	ssyncadd.s32 $0xFFFFD800  }
0x115: {  	[spmem:s2] =	stream.indirect.scatter.add.f32 [tilespmem:s0], [sflag:$0x5], $0x80, s6, s31, $0xb8;
	[tilespmem:$0x1E600] =	vst v63  }
0x116: {  	_ =	swait.ge [sflag:s19], $0x2800  }
0x117: {  	s15 =	rddreg [dreg:$0x7];
	[sflag:s19] =	ssyncset.done $0x0  }
0x118: {  	s16 =	rddreg [dreg:$0x6];
	[sflag:s19] =	ssyncadd.s32 $0xFFFFD800;
	s10 =	sadd.s32 s14, s15  }
0x119: {  	[tilespmem:s4], [sflag:$0x1] =	stream.linear.gather [hbm4b:s10+s4], $0xA0, $0x38;
	[tilespmem:$0x1E600] =	vst v63  }
0x11a: {  	s16 =	sadd.s32 s14, s16  }
0x11b: {  	[tilespmem:s20], [sflag:$0x1] =	stream.linear.gather [hbm4b:s16+s4], $0x50, $0x38;
	[tilespmem:$0x1E600] =	vst v63  }
0x11c: {  	s10 =	sadd.s32 $0xA, s16  }
0x11d: {  	[tilespmem:s21], [sflag:$0x1] =	stream.linear.gather [hbm4b:s10+s4], $0x50, $0x38;
	[tilespmem:$0x1E600] =	vst v63  }
0x11e: {  	_ =	swait.ge [sflag:s7], $0x5000  }
0x11f: {  	[sflag:s7] =	ssyncset.done $0x0  }
0x120: {  	[sflag:s7] =	ssyncadd.s32 $0xFFFFB000  }
0x121: {  	_ =	swait.ge [sflag:s22], $0xA0  }
0x122: {  	[sflag:s22] =	ssyncset.done $0x0  }
0x123: {  	[sflag:s22] =	ssyncadd.s32 $0xFFFFFF60  }
0x124: {  	_ =	swait.ge [sflag:s22], $0x50  }
0x125: {  	[sflag:s22] =	ssyncset.done $0x0  }
0x126: {  	[sflag:s22] =	ssyncadd.s32 $0xFFFFFFB0  }
0x127: {  	_ =	swait.ge [sflag:s22], $0x50  }
0x128: {  	[sflag:s22] =	ssyncset.done $0x0  }
0x129: {  	[sflag:s22] =	ssyncadd.s32 $0xFFFFFFB0  }
0x12a: {  	[tilespmem:s18], [sflag:$0x3] =	stream.indirect.gather [hbm4b:s1+s23], $0x80, s4, s23, $0xb8;
	[tilespmem:$0x1E600] =	vst v63  }
0x12b: {  	_ = 	snop  }
0x12c: {  	[spmem:s2] =	stream.indirect.scatter.add.f32 [tilespmem:s30], [sflag:$0x5], $0x80, s9, s31, $0xb8;
	[tilespmem:$0x1E600] =	vst v63  }
0x12d: {  	_ =	swait.ge [sflag:s19], $0x2800  }
0x12e: {  	[sflag:s19] =	ssyncset.done $0x0  }
0x12f: {  	[sflag:s19] =	ssyncadd.s32 $0xFFFFD800  }
0x130: {  	[spmem:s2] =	stream.indirect.scatter.add.f32 [tilespmem:s8], [sflag:$0x5], $0x80, s11, s31, $0xb8;
	[tilespmem:$0x1E600] =	vst v63  }
0x131: {  	_ =	swait.ge [sflag:s19], $0x2800  }
0x132: {  	p0 =	sne.s32 s13, $0x4B0;
	s15 =	rddreg [dreg:$0x5]  }
.Ltmp1:
0x133: {  	s16 =	rddreg [dreg:$0x4];
	[sflag:s19] =	ssyncset.done $0x0;
	(pc) =	sbr.rel @p0 .LBB2_4-.Ltmp1, $4  }
0x134: {  	[sflag:s19] =	ssyncadd.s32 $0xFFFFD800;
	s10 =	sadd.s32 s14, s15;
	s16 =	sadd.s32 s14, s16  }
0x135: {  	[tilespmem:s24], [sflag:$0x2] =	stream.linear.gather [hbm4b:s10+s4], $0xA0, $0x38;
	[tilespmem:$0x1E600] =	vst v63  }
0x136: {  	s13 =	sadd.s32 $0x50, s13;
	s14 =	sadd.s32 $0xA, s16  }
0x137: {  	[tilespmem:s25], [sflag:$0x2] =	stream.linear.gather [hbm4b:s16+s4], $0x50, $0x38;
	[tilespmem:$0x1E600] =	vst v63  }
0x138: {  	[tilespmem:s26], [sflag:$0x2] =	stream.linear.gather [hbm4b:s14+s4], $0x50, $0x38;
	[tilespmem:$0x1E600] =	vst v63  }
0x139: {  	_ =	swait.ge [sflag:s28], $0x5000  }
0x13a: {  	[sflag:s28] =	ssyncset.done $0x0  }
0x13b: {  	[sflag:s28] =	ssyncadd.s32 $0xFFFFB000  }
0x13c: {  	_ =	swait.ge [sflag:s29], $0xA0  }
0x13d: {  	[sflag:s29] =	ssyncset.done $0x0  }
0x13e: {  	[sflag:s29] =	ssyncadd.s32 $0xFFFFFF60  }
0x13f: {  	_ =	swait.ge [sflag:s29], $0x50  }
0x140: {  	[sflag:s29] =	ssyncset.done $0x0  }
0x141: {  	[sflag:s29] =	ssyncadd.s32 $0xFFFFFFB0  }
0x142: {  	_ =	swait.ge [sflag:s29], $0x50  }
0x143: {  	[sflag:s29] =	ssyncset.done $0x0  }
0x144: {  	s10 =	stileid.u32;
	[sflag:s29] =	ssyncadd.s32 $0xFFFFFFB0  }
0x145: {  	s10 =	sshll.u32 s10, $0x6;
	[bflag:$0x0] =	sbarrier.arrive $0xFFFF  }
0x146: {  	s13 =	sshrl.u32 s5, $0x3;
	s10 =	sor.u32 $0x1C05, s10;
	s15 =	rddreg [dreg:$0x17]  }
0x147: {  	[hbm:s15], [sflag:s10] =	dma.local [spmem:s13], $0x2800  }
0x148: {  	_ =	swait.ge [sflag:s19], $0x2800  }
0x149: {  	s12 =	sadd.s32 $0x1, s12;
	s16 =	rddreg [dreg:$0x18]  }
0x14a: {  	p0 =	sne.s32 s12, s16  }
.Ltmp2:
0x14b: {  	_ = 	snop;
	(pc) =	sbr.rel @p0 .LBB2_1-.Ltmp2, $3  }
0x14c: {  	_ =	sdelay $0x1  }
0x14d: {  	[sflag:s19] =	ssyncset.done $0x0  }
0x14e: {  	[sflag:s19] =	ssyncadd.s32 $0xFFFFD800  }
0x14f: {  	_ =	sfence.sel $0x180000  }
0x150: {  	[bflag:$0x0] =	sbarrier.arrive $0xFFFF  }
0x151: {  	_ =	strace $0x9000004D  }
0x152: {  	s0 =	stileid.u32;
	[bflag:$0x2] =	sbarrier.arrive $0xFFFF  }
0x153: {  	p0 =	sne.s32 s0, $0x0;
	s0 =	rddreg [dreg:$0x3]  }
0x154: {  	s0 =	sadd.s32 @!p0 $0x100000, s0  }
0x155: {  	[sflag:s0] =	ssyncadd.tile.s32 @!p0 $0x1;
	_ =	shalt  }
.Lfunc_end2:
_tile_overlayer_lowered:
.L_overlay_start_2:
0x156: {  	(tag) =	ssettag $0x2  }
0x157: {  	s0 =	rddreg [dreg:$0x0];
	s2 =	stileid.u32  }
0x158: {  	s1 =	rddreg [dreg:$0x1];
	p0 =	sne.s32 s2, $0x0  }
0x159: {  	s3 =	rddreg [dreg:$0x2];
	[bflag:$0x3] =	sbarrier.arrive $0xFFFF;
	s2 =	simm.s32 @!p0 $0x1C05  }
0x15a: {  	[timem:s3], [sflag:s2] =	dma.local @!p0 [hbm:s0], s1  }
0x15b: {  	s0 =	simm.s32 @!p0 $0x5  }
0x15c: {  	_ =	swait.ge @!p0 [sflag:s0], s1  }
0x15d: {  	s1 =	ssub.s32 @!p0 $0x0, s1;
	[sflag:s0] =	ssyncset.done @!p0 $0x0  }
0x15e: {  	[sflag:s0] =	ssyncadd.s32 @!p0 s1  }
0x15f: {  	[bflag:$0x3] =	sbarrier.arrive $0xFFFF  }
0x160: {  	_ =	shalt  }

// kernel: kernel.8.cloned.1.call-start
scs
__scs_entry_jumppad:
0x0: {  	(pc) =	sbr.rel $0x88, $3  }
0x1: {  	(tag) =	ssettag $0x0;
	lr =	simm.s32 $0x1  }
0x2: {  	[smem:$0x3F96] =	sst lr;
	_ =	strace $0xD0000000  }
0x3: {  	_ = 	snop  }
0x4: {  	_ = 	snop  }
0x5: {  	_ = 	snop  }
0x6: {  	_ = 	snop  }
0x7: {  	_ = 	snop  }
__scs_overlays_trampoline_lowered:
0x8: {  	[smem:$0x3FA5] =	sst s0  }
0x9: {  	[smem:$0x3FA6] =	sst s1  }
0xa: {  	[smem:$0x3FA7] =	sst s2  }
0xb: {  	[smem:$0x3FA8] =	sst s3  }
0xc: {  	[smem:$0x3FA9] =	sst s4  }
0xd: {  	[smem:$0x3FAA] =	sst s5  }
0xe: {  	[smem:$0x3FAB] =	sst s6  }
0xf: {  	[smem:$0x3FAC] =	sst s7  }
0x10: {  	[smem:$0x3FAD] =	sst s8  }
0x11: {  	[smem:$0x3FAE] =	sst s9;
	s0 =	simm.s32 @!p0 $0x0  }
0x12: {  	s1 =	sld [smem:$0x3F94];
	s0 =	simm.s32 @p0 $0x1  }
0x13: {  	[smem:$0x3FAF] =	sst s0;
	s0 =	simm.s32 @!p1 $0x0  }
0x14: {  	s2 =	sld [smem:$0x3F93];
	s0 =	simm.s32 @p1 $0x1  }
0x15: {  	[smem:$0x3FB0] =	sst s0;
	s0 =	simm.s32 @!p2 $0x0  }
0x16: {  	s3 =	sld [smem:$0x3FDB];
	s0 =	simm.s32 @p2 $0x1  }
0x17: {  	s4 =	simm.s32 $0x1BF5;
	[smem:$0x3FB2] =	sst s0  }
0x18: {  	s0 =	sld [smem:$0x3F95];
	_ =	swait.ge [sflag:s4], $0x0  }
0x19: {  	s7 =	sld [smem:$0x3F96]  }
0x1a: {  	s8 =	sadd.s32 $0xFFFFE003, lr  }
0x1b: {  	s9 =	sadd.s32 $0xFFFFFEF7, lr;
	s5 =	simm.s32 $0xFFFFFFFF;
	p2 =	slt.u32 s8, $0xFFFFF086  }
0x1c: {  	p1 =	slt.u32 s9, $0xF7A;
	s5 =	simm.s32 @!p2 $0x0  }
0x1d: {  	s5 =	simm.s32 @p1 $0x1;
	p0 =	seq.s32 s7, s2  }
0x1e: {  	s7 =	smul.u32 @!p0 $0xF7A, s2;
	p2 =	seq.s32 @!p0 s5, $0x0  }
0x1f: {  	s9 =	smul.u32 $0xF7A, s1;
	s8 =	simm.s32 @!p0 $0x1BF5;
	p2 =	por !p2, p0  }
0x20: {  	[sflag:s8] =	ssyncset.s32 @!p0 $0xFFFFF086;
	s6 =	sadd.s32 @!p0 s3, s7;
	s7 =	simm.s32 @!p0 $0x108  }
0x21: {  	s3 =	sadd.s32 s3, s9;
	s6 =	sadd.s32 @!p0 $0x88, s6;
	s7 =	simm.s32 @p2 $0x1082  }
0x22: {  	[simem:s7], [sflag:s8] =	dma.local @!p0 [hbm:s6], $0xF7A  }
0x23: {  	s9 =	sor.u32 $0xD0000000, s2;
	s6 =	simm.s32 $0x108;
	_ =	swait.ge @!p0 [sflag:s8], $0x0  }
0x24: {  	s3 =	sadd.s32 $0x88, s3;
	s6 =	simm.s32 @!p1 $0x1082;
	[sflag:s4] =	ssyncset.s32 $0xFFFFF086  }
0x25: {  	[simem:s6], [sflag:s4] =	dma.local [hbm:s3], $0xF7A  }
0x26: {  	[smem:$0x3F96] =	sst s1;
	(tag) =	ssettag s2;
	_ =	strace s9  }
0x27: {  	s1 =	sld [smem:$0x3FA6]  }
0x28: {  	s2 =	sld [smem:$0x3FA7]  }
0x29: {  	s4 =	sld [smem:$0x3FA9]  }
0x2a: {  	p0 =	seq.s32 s5, $0x0;
	s5 =	sld [smem:$0x3FAA]  }
0x2b: {  	s6 =	sld [smem:$0x3FAB]  }
0x2c: {  	s7 =	sld [smem:$0x3FAC]  }
0x2d: {  	s3 =	simm.s32 $0x108;
	s8 =	sld [smem:$0x3FAD]  }
0x2e: {  	s3 =	simm.s32 @!p0 $0x1082;
	s9 =	sld [smem:$0x3FAE]  }
0x2f: {  	lr =	sadd.s32 s0, s3;
	s0 =	sld [smem:$0x3FA5]  }
0x30: {  	s3 =	sld [smem:$0x3FA8]  }
0x31: {  	[smem:$0x3FB1] =	sst s10  }
0x32: {  	s10 =	sld [smem:$0x3FAF];
	_ =	sdelay $0x3  }
0x33: {  	p0 =	seq.s32 s10, $0x1;
	s10 =	sld [smem:$0x3FB1];
	_ =	sdelay $0x3  }
0x34: {  	[smem:$0x3FB1] =	sst s10  }
0x35: {  	s10 =	sld [smem:$0x3FB0];
	_ =	sdelay $0x3  }
0x36: {  	p1 =	seq.s32 s10, $0x1;
	s10 =	sld [smem:$0x3FB1];
	_ =	sdelay $0x3  }
0x37: {  	[smem:$0x3FB1] =	sst s10  }
0x38: {  	s10 =	sld [smem:$0x3FB2]  }
0x39: {  	_ = 	snop;
	(pc) =	sbr.ind lr, $3  }
0x3a: {  	_ = 	snop  }
0x3b: {  	_ = 	snop  }
0x3c: {  	p2 =	seq.s32 s10, $0x1;
	s10 =	sld [smem:$0x3FB1]  }
0x3d: {  	_ =	shalt  }
0x3e: {  	_ =	shalt  }
0x3f: {  	_ =	shalt  }
0x40: {  	_ =	shalt  }
0x41: {  	_ =	shalt  }
0x42: {  	_ =	shalt  }
0x43: {  	_ =	shalt  }
0x44: {  	_ =	shalt  }
0x45: {  	_ =	shalt  }
0x46: {  	_ =	shalt  }
0x47: {  	_ =	shalt  }
0x48: {  	_ =	shalt  }
0x49: {  	_ =	shalt  }
0x4a: {  	_ =	shalt  }
0x4b: {  	_ =	shalt  }
0x4c: {  	_ =	shalt  }
0x4d: {  	_ =	shalt  }
0x4e: {  	_ =	shalt  }
0x4f: {  	_ =	shalt  }
0x50: {  	_ =	shalt  }
0x51: {  	_ =	shalt  }
0x52: {  	_ =	shalt  }
0x53: {  	_ =	shalt  }
0x54: {  	_ =	shalt  }
0x55: {  	_ =	shalt  }
0x56: {  	_ =	shalt  }
0x57: {  	_ =	shalt  }
0x58: {  	_ =	shalt  }
0x59: {  	_ =	shalt  }
0x5a: {  	_ =	shalt  }
0x5b: {  	_ =	shalt  }
0x5c: {  	_ =	shalt  }
0x5d: {  	_ =	shalt  }
0x5e: {  	_ =	shalt  }
0x5f: {  	_ =	shalt  }
0x60: {  	_ =	shalt  }
0x61: {  	_ =	shalt  }
0x62: {  	_ =	shalt  }
0x63: {  	_ =	shalt  }
0x64: {  	_ =	shalt  }
0x65: {  	_ =	shalt  }
0x66: {  	_ =	shalt  }
0x67: {  	_ =	shalt  }
0x68: {  	_ =	shalt  }
0x69: {  	_ =	shalt  }
0x6a: {  	_ =	shalt  }
0x6b: {  	_ =	shalt  }
0x6c: {  	_ =	shalt  }
0x6d: {  	_ =	shalt  }
0x6e: {  	_ =	shalt  }
0x6f: {  	_ =	shalt  }
0x70: {  	_ =	shalt  }
0x71: {  	_ =	shalt  }
0x72: {  	_ =	shalt  }
0x73: {  	_ =	shalt  }
0x74: {  	_ =	shalt  }
0x75: {  	_ =	shalt  }
0x76: {  	_ =	shalt  }
0x77: {  	_ =	shalt  }
0x78: {  	_ =	shalt  }
0x79: {  	_ =	shalt  }
0x7a: {  	_ =	shalt  }
0x7b: {  	_ =	shalt  }
0x7c: {  	_ =	shalt  }
0x7d: {  	_ =	shalt  }
0x7e: {  	_ =	shalt  }
0x7f: {  	_ =	shalt  }
0x80: {  	_ =	shalt  }
0x81: {  	_ =	shalt  }
0x82: {  	_ =	shalt  }
0x83: {  	_ =	shalt  }
0x84: {  	_ =	shalt  }
0x85: {  	_ =	shalt  }
0x86: {  	_ =	shalt  }
0x87: {  	_ =	shalt  }
.Lfunc_end0:
.L_simem_size_0:
called_computation_lowered:
.L_overlay_start_0:
0x88: {  	s2 =	sld [smem:$0x3FD9]  }
0x89: {  	s3 =	sld [smem:$0x3FFE];
	_ =	sdelay $0x1  }
0x8a: {  	s1 =	srdreg.scid  }
0x8b: {  	s0 =	sand.u32 $0x1, s1  }
0x8c: {  	s17 =	sshll.u32 s0, $0xA;
	s2 =	sadd.s32 s3, s2  }
0x8d: {  	s2 =	sadd.s32 s2, s17  }
0x8e: {  	[smem:$0x3FBD] =	sst s2  }
0x8f: {  	_ = 	snop  }
0x90: {  	s2 =	sld [smem:$0x3FC9]  }
0x91: {  	s18 =	sld [smem:$0x3FD0];
	(tm) =	ssettm $0x1  }
0x92: {  	s4 =	sld [smem:$0x3FFB];
	_ =	sdelay $0x3  }
0x93: {  	_ =	strace s4  }
0x94: {  	s4 =	sld [smem:$0x3FFC];
	_ =	sdelay $0x3  }
0x95: {  	_ =	strace s4  }
0x96: {  	s4 =	sld [smem:$0x3FFD];
	_ =	sdelay $0x3  }
0x97: {  	_ =	strace s4  }
0x98: {  	_ =	strace $0x8FFFFFFF  }
0x99: {  	s19 =	sld [smem:$0x3FDB];
	_ =	sdelay $0x1  }
0x9a: {  	s5 =	simm.s32 $_scs_section_size  }
0x9b: {  	s6 =	simm.s32 $_size__tile_overlayer_lowered;
	s7 =	simm.s32 $_tile_overlayer_lowered  }
0x9c: {  	s22 =	simm.s32 $0x1BFF;
	s21 =	sshll.u32 s7, $0x1;
	s4 =	sadd.s32 s5, s19  }
0x9d: {  	s8 =	simm.s32 $0x0;
	s20 =	sshll.u32 s6, $0x1;
	s6 =	sadd.s32 s21, s4  }
0x9e: {  	[timem:s8], [sflag:s22] =	dma.local [hbm:s6], s20  }
0x9f: {  	_ =	swait.ge [sflag:s22], s20  }
0xa0: {  	s5 =	ssub.s32 $0x0, s20;
	[sflag:s22] =	ssyncset.done $0x0  }
0xa1: {  	[sflag:s22] =	ssyncadd.s32 s5;
	_ =	sdelay $0x1  }
0xa2: {  	s23 =	simm.s32 $0x1B8B  }
0xa3: {  	_ =	swait.ge [sflag:s23], $0x1  }
0xa4: {  	[sflag:s23] =	ssyncset.done $0x0  }
0xa5: {  	s25 =	simm.s32 $0x1B8E;
	s24 =	sld [smem:$0x3FFE];
	[sflag:s23] =	ssyncadd.s32 $0xFFFFFFFF  }
0xa6: {  	s26 =	simm.s32 $execute0_lowered;
	[smem:$0x3FD2] =	sst s25  }
0xa7: {  	s6 =	sshll.u32 s26, $0x1;
	_ =	strace $0x80000046;
	[dreg:$0x1] =	wrdreg $0xFFFFFFFF  }
0xa8: {  	s28 =	simm.s32 $_size_execute0_lowered;
	s4 =	sadd.s32 s4, s6;
	[dreg:$0x0] =	wrdreg $0x0  }
0xa9: {  	s6 =	sshll.u32 s28, $0x1;
	[dreg:$0x2] =	wrdreg s4  }
0xaa: {  	[dreg:$0x3] =	wrdreg s6  }
0xab: {  	[dreg:$0x4] =	wrdreg $0xC0  }
0xac: {  	_ =	task [dreg:s8], $0x5FFFF  }
0xad: {  	[dreg:$0x1] =	wrdreg $0xFFFFFFFF  }
0xae: {  	[dreg:$0x0] =	wrdreg $0x60  }
0xaf: {  	[dreg:$0x2] =	wrdreg s2  }
0xb0: {  	[dreg:$0x3] =	wrdreg s24  }
0xb1: {  	[dreg:$0x4] =	wrdreg s18  }
0xb2: {  	[dreg:$0x5] =	wrdreg $0xA6800  }
0xb3: {  	[dreg:$0x6] =	wrdreg $0x1E6800  }
0xb4: {  	[dreg:$0x7] =	wrdreg $0x9  }
0xb5: {  	_ =	task.clear_ibuf [dreg:s8], $0x8FFFF;
	_ =	strace $0x90000046  }
0xb6: {  	s29 =	simm.s32 $0x9;
	_ =	strace $0x80000048  }
0xb7: {  	_ =	swait.ge [sflag:s29], $0x1  }
0xb8: {  	[sflag:s29] =	ssyncadd.s32 $0xFFFFFFFF  }
0xb9: {  	_ =	strace $0x90000048  }
0xba: {  	_ =	sfence  }
0xbb: {  	s30 =	sld [smem:$0x0];
	_ =	sdelay $0x2  }
0xbc: {  	s31 =	sshll.u32 s1, $0xD;
	s1 =	sshrl.u32 s1, $0x2  }
0xbd: {  	s3 =	sand.u32 $0x4000, s31;
	s1 =	sadd.s32 s1, s30  }
0xbe: {  	s0 =	sor.u32 s3, s0;
	s1 =	sshll.u32 s1, $0x11  }
0xbf: {  	s0 =	sor.u32 s1, s0  }
0xc0: {  	s0 =	sadd.s32 $0x8F2B, s0  }
0xc1: {  	[sflag:s0] =	ssyncadd.remote.s32 $0x1  }
0xc2: {  	_ =	sfence.sel $0xFFFF  }
0xc3: {  	[dreg:$0x0] =	wrdreg $0xFFFFFFFF;
	(pc) =	sbr.abs _section_cstart, $3  }
0xc4: {  	[dreg:$0x1] =	wrdreg $0xFFFFFFFF  }
0xc5: {  	_ =	task.clear_ibuf [dreg:s8], $0x2FFFF;
	_ =	strace $0x9FFFFFFF  }
0xc6: {  	(tm) =	ssettm $0x7FFFFFFF  }
0xc7: {  	_ =	shalt  }
tec
execute0_lowered:
.L_overlay_start_1:
0x0: {  	(tag) =	ssettag $0x1  }
0x1: {  	s0 =	rddreg [dreg:$0x0]  }
0x2: {  	s2 =	rddreg [dreg:$0x1]  }
0x3: {  	s9 =	rddreg [dreg:$0x2]  }
0x4: {  	s3 =	rddreg [dreg:$0x3];
	s1 =	srdreg.scid  }
0x5: {  	s4 =	rddreg [dreg:$0x4];
	s20 =	stileid.u32  }
0x6: {  	s5 =	simm.s32 $0x0;
	s28 =	simm.s32 $0x200;
	s6 =	smul.u32 $0x14000, s20  }
0x7: {  	s29 =	simm.s32 $0x280;
	s30 =	simm.s32 $0x1;
	s11 =	smul.u32 $0x50000, s20  }
0x8: {  	s31 =	simm.s32 $0xA0;
	s10 =	sand.u32 $0x1, s1;
	s13 =	smul.u32 $0x280, s20  }
0x9: {  	[smem:$0x7FF] =	sst s5;
	s7 =	sadd.s32 $0x4400, s2;
	s16 =	smul.u32 $0x5000, s20  }
0xa: {  	s12 =	sshll.u32 s20, $0x1;
	s1 =	smul.u32 $0x140000, s10;
	_ =	strace $0x80000047  }
0xb: {  	s21 =	ssub.s32 $0x2, s10;
	s22 =	sor.u32 s10, s12;
	s19 =	smul.u32 $0x2800, s10  }
0xc: {  	s10 =	sshll.u32 s10, $0x7;
	s8 =	sshrl.u32 s21, $0x1;
	s11 =	sshrl.u32 s11, $0x2  }
0xd: {  	s12 =	smul.u32 $0x2800, s22;
	s14 =	sadd.s32 $0x80, s13;
	s15 =	sadd.s32 $0x100, s13  }
0xe: {  	s18 =	sadd.s32 $0x180, s13;
	s22 =	smul.u32 $0x500, s20;
	s6 =	sadd.s32 s6, s1  }
0xf: {  	s1 =	sadd.s32 $0xE600, s2;
	s8 =	ssub.s32 s21, s8;
	s23 =	sadd.s32 s11, s3  }
0x10: {  	s24 =	sshll.u32 s14, $0x7;
	s17 =	sshll.u32 s15, $0x7;
	s16 =	sadd.s32 s19, s16  }
0x11: {  	s11 =	sadd.s32 s14, s4;
	s19 =	sadd.s32 s15, s4;
	s6 =	sshrl.u32 s6, $0x3  }
0x12: {  	[dreg:$0x10] =	wrdreg s23;
	s25 =	sadd.s32 s24, s3;
	s26 =	sadd.s32 s17, s3  }
0x13: {  	s23 =	sor.u32 $0x320, s16;
	s10 =	sor.u32 s10, s22;
	[dreg:$0x16] =	wrdreg s11  }
0x14: {  	s14 =	sor.u32 $0x280, s16;
	[dreg:$0x17] =	wrdreg s19;
	s22 =	sadd.s32 s18, s4  }
0x15: {  	s12 =	sshrl.u32 s12, $0x3;
	s11 =	sor.u32 $0x230, s16;
	[dreg:$0x11] =	wrdreg s25  }
0x16: {  	s2 =	sadd.s32 s6, s2;
	[dreg:$0x12] =	wrdreg s26;
	s6 =	sshll.u32 s18, $0x7  }
0x17: {  	s20 =	sshrl.u32 s23, $0x3;
	s25 =	sadd.s32 s13, s4;
	[dreg:$0x18] =	wrdreg s22  }
0x18: {  	s10 =	sshrl.u32 s10, $0x3;
	s19 =	sadd.s32 s1, s12;
	[dreg:$0x15] =	wrdreg s25  }
0x19: {  	s22 =	sor.u32 $0x190, s16;
	s17 =	sadd.s32 s6, s3;
	[dreg:$0x1c] =	wrdreg s19  }
0x1a: {  	s26 =	sadd.s32 s20, s1;
	s25 =	sor.u32 $0x1E0, s16;
	[dreg:$0x13] =	wrdreg s17  }
0x1b: {  	s10 =	sadd.s32 s9, s10;
	s9 =	sshrl.u32 s11, $0x3;
	[dreg:$0x6] =	wrdreg s26  }
0x1c: {  	s6 =	sadd.s32 $0x1E, s19;
	s2 =	sadd.s32 $0x18800, s2;
	[dreg:$0x1a] =	wrdreg s10  }
0x1d: {  	s17 =	sadd.s32 $0x200, s13;
	s13 =	sshrl.u32 s14, $0x3;
	[smem:$0x7FB] =	sst s6  }
0x1e: {  	s14 =	sshrl.u32 s25, $0x3;
	s9 =	sadd.s32 s9, s1;
	[smem:$0x7FC] =	sst s2  }
0x1f: {  	s2 =	simm.s32 $0x300;
	s10 =	simm.s32 $0x5600;
	s21 =	sshll.u32 s17, $0x7  }
0x20: {  	s23 =	sadd.s32 s13, s1;
	s13 =	sadd.s32 s13, s7;
	[dreg:$0xc] =	wrdreg s9  }
0x21: {  	s26 =	sadd.s32 s14, s1;
	s9 =	simm.s32 $0x2;
	[dreg:$0x8] =	wrdreg s23  }
0x22: {  	s24 =	sadd.s32 s21, s3;
	s21 =	sadd.s32 s20, s7;
	[dreg:$0x9] =	wrdreg s13  }
0x23: {  	[dreg:$0xa] =	wrdreg s26;
	s13 =	sadd.s32 s14, s7;
	s14 =	sor.u32 $0x140, s16  }
0x24: {  	s23 =	sadd.s32 $0xA, s19;
	s26 =	smax.u32 s8, $0x1;
	[dreg:$0x14] =	wrdreg s24  }
0x25: {  	s8 =	simm.s32 $0x3;
	s16 =	simm.s32 $0x480;
	[dreg:$0x7] =	wrdreg s21  }
0x26: {  	s19 =	simm.s32 $0x7E00;
	s24 =	sadd.s32 s17, s4;
	[dreg:$0xb] =	wrdreg s13  }
0x27: {  	s15 =	sshrl.u32 s14, $0x3;
	s17 =	sadd.s32 s7, s12;
	[dreg:$0x1d] =	wrdreg s23  }
0x28: {  	s21 =	sor.u32 $0x14, s12;
	[smem:$0x7FD] =	sst s26;
	s26 =	simm.s32 $0x5  }
0x29: {  	s12 =	simm.s32 $0x50;
	s13 =	simm.s32 $0x2E00;
	[dreg:$0x19] =	wrdreg s24  }
0x2a: {  	s14 =	simm.s32 $0xA600;
	[dreg:$0x1b] =	wrdreg s17;
	s18 =	sadd.s32 s15, s1  }
0x2b: {  	s20 =	sadd.s32 s15, s7;
	s7 =	sadd.s32 s7, s21;
	[dreg:$0xd] =	wrdreg s18  }
0x2c: {  	s24 =	sshrl.u32 s22, $0x3;
	s25 =	sadd.s32 s1, s21;
	[dreg:$0xe] =	wrdreg s20  }
0x2d: {  	s15 =	simm.s32 $0x400;
	s17 =	simm.s32 $0x4;
	[dreg:$0x1e] =	wrdreg s7  }
0x2e: {  	s21 =	simm.s32 $0x580;
	s22 =	simm.s32 $0x0;
	[dreg:$0x1f] =	wrdreg s25  }
0x2f: {  	s1 =	sadd.s32 s24, s1;
	s25 =	simm.s32 $0x600;
	s7 =	simm.s32 $0x380  }
0x30: {  	v0 =	vimm.f32 $0.0e+00;
	v1 =	vimm.f32 $1.000000000e+00;
	s20 =	simm.s32 $0x500;
	[dreg:$0xf] =	wrdreg s1;
	s1 =	simm.s32 $0x100  }
.LBB2_1:
0x31: {  	s23 =	simm.s32 $0x0;
	s24 =	simm.s32 $0x200  }
.LBB2_2:
0x32: {  	p0 =	sne.s32 s24, $0xFE00;
	[tilespmem:s23+$0x670] =	vst v0  }
0x33: {  	[tilespmem:s23+$0x600] =	vst v0  }
0x34: {  	[tilespmem:s23+$0x610] =	vst v0  }
.Ltmp0:
0x35: {  	[tilespmem:s23+$0x620] =	vst v0;
	(pc) =	sbr.rel @p0 .LBB2_2-.Ltmp0, $4  }
0x36: {  	[tilespmem:s23+$0x630] =	vst v0  }
0x37: {  	[tilespmem:s23+$0x640] =	vst v0  }
0x38: {  	[tilespmem:s23+$0x650] =	vst v0  }
0x39: {  	[tilespmem:s23+$0x660] =	vst v0;
	s23 =	sshra.s32 s24, $0x2;
	s24 =	sadd.s32 $0x200, s24  }
0x3a: {  	[tilespmem:s23+$0x670] =	vst v0  }
0x3b: {  	[tilespmem:s23+$0x600] =	vst v0  }
0x3c: {  	[tilespmem:s23+$0x610] =	vst v0  }
0x3d: {  	[tilespmem:s23+$0x620] =	vst v0  }
0x3e: {  	[tilespmem:s23+$0x630] =	vst v0  }
0x3f: {  	[tilespmem:s23+$0x640] =	vst v0  }
0x40: {  	[tilespmem:s23+$0x650] =	vst v0  }
0x41: {  	[tilespmem:s23+$0x660] =	vst v0;
	s6 =	rddreg [dreg:$0x10]  }
0x42: {  	[spmem:s6] =	stream.linear.scatter [tilespmem:s25], [sflag:$0x5], $0x4000, $0x38;
	[tilespmem:$0x1E900] =	vst v63  }
0x43: {  	_ =	swait.ge [sflag:s26], $0x4000  }
0x44: {  	[sflag:s26] =	ssyncset.done $0x0  }
0x45: {  	s11 =	rddreg [dreg:$0x11];
	[sflag:s26] =	ssyncadd.s32 $0xFFFFC000  }
0x46: {  	[spmem:s11] =	stream.linear.scatter [tilespmem:s25], [sflag:$0x5], $0x4000, $0x38;
	[tilespmem:$0x1E900] =	vst v63  }
0x47: {  	_ =	swait.ge [sflag:s26], $0x4000  }
0x48: {  	[sflag:s26] =	ssyncset.done $0x0  }
0x49: {  	s18 =	rddreg [dreg:$0x12];
	[sflag:s26] =	ssyncadd.s32 $0xFFFFC000  }
0x4a: {  	[spmem:s18] =	stream.linear.scatter [tilespmem:s25], [sflag:$0x5], $0x4000, $0x38;
	[tilespmem:$0x1E900] =	vst v63  }
0x4b: {  	_ =	swait.ge [sflag:s26], $0x4000  }
0x4c: {  	[sflag:s26] =	ssyncset.done $0x0  }
0x4d: {  	s23 =	rddreg [dreg:$0x13];
	[sflag:s26] =	ssyncadd.s32 $0xFFFFC000  }
0x4e: {  	[spmem:s23] =	stream.linear.scatter [tilespmem:s25], [sflag:$0x5], $0x4000, $0x38;
	[tilespmem:$0x1E900] =	vst v63  }
0x4f: {  	_ =	swait.ge [sflag:s26], $0x4000  }
0x50: {  	[sflag:s26] =	ssyncset.done $0x0  }
0x51: {  	s24 =	rddreg [dreg:$0x14];
	[sflag:s26] =	ssyncadd.s32 $0xFFFFC000  }
0x52: {  	[spmem:s24] =	stream.linear.scatter [tilespmem:s25], [sflag:$0x5], $0x4000, $0x38;
	[tilespmem:$0x1E900] =	vst v63  }
0x53: {  	_ =	swait.ge [sflag:s26], $0x4000  }
0x54: {  	[sflag:s26] =	ssyncset.done $0x0  }
0x55: {  	[sflag:s26] =	ssyncadd.s32 $0xFFFFC000  }
0x56: {  	[tilespmem:$0xA600] =	vst v1  }
0x57: {  	[tilespmem:$0xA610] =	vst v1  }
0x58: {  	[tilespmem:$0xA620] =	vst v1  }
0x59: {  	[tilespmem:$0xA630] =	vst v1  }
0x5a: {  	s11 =	rddreg [dreg:$0x15];
	[tilespmem:$0xA640] =	vst v1  }
0x5b: {  	[spmem:s11] =	stream.linear.scatter [tilespmem:s25], [sflag:$0x5], $0x80, $0x38;
	[tilespmem:$0x1E900] =	vst v63  }
0x5c: {  	_ =	swait.ge [sflag:s26], $0x80  }
0x5d: {  	[sflag:s26] =	ssyncset.done $0x0  }
0x5e: {  	s18 =	rddreg [dreg:$0x16];
	[sflag:s26] =	ssyncadd.s32 $0xFFFFFF80  }
0x5f: {  	[spmem:s18] =	stream.linear.scatter [tilespmem:s25], [sflag:$0x5], $0x80, $0x38;
	[tilespmem:$0x1E900] =	vst v63  }
0x60: {  	_ =	swait.ge [sflag:s26], $0x80  }
0x61: {  	[sflag:s26] =	ssyncset.done $0x0  }
0x62: {  	s23 =	rddreg [dreg:$0x17];
	[sflag:s26] =	ssyncadd.s32 $0xFFFFFF80  }
0x63: {  	[spmem:s23] =	stream.linear.scatter [tilespmem:s25], [sflag:$0x5], $0x80, $0x38;
	[tilespmem:$0x1E900] =	vst v63  }
0x64: {  	_ =	swait.ge [sflag:s26], $0x80  }
0x65: {  	[sflag:s26] =	ssyncset.done $0x0  }
0x66: {  	s24 =	rddreg [dreg:$0x18];
	[sflag:s26] =	ssyncadd.s32 $0xFFFFFF80  }
0x67: {  	[spmem:s24] =	stream.linear.scatter [tilespmem:s25], [sflag:$0x5], $0x80, $0x38;
	[tilespmem:$0x1E900] =	vst v63  }
0x68: {  	_ =	swait.ge [sflag:s26], $0x80  }
0x69: {  	[sflag:s26] =	ssyncset.done $0x0  }
0x6a: {  	s11 =	rddreg [dreg:$0x19];
	[sflag:s26] =	ssyncadd.s32 $0xFFFFFF80  }
0x6b: {  	[spmem:s11] =	stream.linear.scatter [tilespmem:s25], [sflag:$0x5], $0x80, $0x38;
	[tilespmem:$0x1E900] =	vst v63  }
0x6c: {  	_ =	swait.ge [sflag:s26], $0x80  }
0x6d: {  	[sflag:s26] =	ssyncset.done $0x0  }
0x6e: {  	s23 =	simm.s32 $0x0;
	s18 =	rddreg [dreg:$0x1b];
	[sflag:s26] =	ssyncadd.s32 $0xFFFFFF80  }
0x6f: {  	[tilespmem:s23], [sflag:$0x1] =	stream.linear.gather [hbm4b:s18+s23], $0xA0, $0x38;
	[tilespmem:$0x1E900] =	vst v63  }
0x70: {  	s24 =	rddreg [dreg:$0x1c]  }
0x71: {  	[tilespmem:s28], [sflag:$0x1] =	stream.linear.gather [hbm4b:s24+s23], $0x50, $0x38;
	[tilespmem:$0x1E900] =	vst v63  }
0x72: {  	s11 =	rddreg [dreg:$0x1d]  }
0x73: {  	[tilespmem:s29], [sflag:$0x1] =	stream.linear.gather [hbm4b:s11+s23], $0x50, $0x38;
	[tilespmem:$0x1E900] =	vst v63  }
0x74: {  	[bflag:$0x0] =	sbarrier.arrive $0xFFFF  }
0x75: {  	_ =	swait.ge [sflag:s30], $0xA0  }
0x76: {  	[sflag:s30] =	ssyncset.done $0x0  }
0x77: {  	[sflag:s30] =	ssyncadd.s32 $0xFFFFFF60  }
0x78: {  	_ =	swait.ge [sflag:s30], $0x50  }
0x79: {  	[sflag:s30] =	ssyncset.done $0x0  }
0x7a: {  	[sflag:s30] =	ssyncadd.s32 $0xFFFFFFB0  }
0x7b: {  	_ =	swait.ge [sflag:s30], $0x50  }
0x7c: {  	[sflag:s30] =	ssyncset.done $0x0  }
0x7d: {  	s18 =	rddreg [dreg:$0x1e];
	[sflag:s30] =	ssyncadd.s32 $0xFFFFFFB0  }
0x7e: {  	[tilespmem:s25], [sflag:$0x3] =	stream.indirect.gather [hbm4b:s0+s31], $0x80, s23, s31, $0xb8;
	[tilespmem:$0x1E900] =	vst v63  }
0x7f: {  	s24 =	rddreg [dreg:$0x1f]  }
0x80: {  	[tilespmem:s1], [sflag:$0x2] =	stream.linear.gather [hbm4b:s18+s23], $0xA0, $0x38;
	[tilespmem:$0x1E900] =	vst v63  }
0x81: {  	s11 =	sld [smem:$0x7FB]  }
0x82: {  	[tilespmem:s2], [sflag:$0x2] =	stream.linear.gather [hbm4b:s24+s23], $0x50, $0x38;
	[tilespmem:$0x1E900] =	vst v63  }
0x83: {  	_ = 	snop  }
0x84: {  	[tilespmem:s7], [sflag:$0x2] =	stream.linear.gather [hbm4b:s11+s23], $0x50, $0x38;
	[tilespmem:$0x1E900] =	vst v63  }
0x85: {  	_ =	swait.ge [sflag:s8], $0x5000  }
0x86: {  	[sflag:s8] =	ssyncset.done $0x0  }
0x87: {  	[sflag:s8] =	ssyncadd.s32 $0xFFFFB000  }
0x88: {  	_ =	swait.ge [sflag:s9], $0xA0  }
0x89: {  	[sflag:s9] =	ssyncset.done $0x0  }
0x8a: {  	[sflag:s9] =	ssyncadd.s32 $0xFFFFFF60  }
0x8b: {  	_ =	swait.ge [sflag:s9], $0x50  }
0x8c: {  	[sflag:s9] =	ssyncset.done $0x0  }
0x8d: {  	[sflag:s9] =	ssyncadd.s32 $0xFFFFFFB0  }
0x8e: {  	_ =	swait.ge [sflag:s9], $0x50  }
0x8f: {  	[sflag:s9] =	ssyncset.done $0x0  }
0x90: {  	[sflag:s9] =	ssyncadd.s32 $0xFFFFFFB0  }
0x91: {  	[tilespmem:s10], [sflag:$0x4] =	stream.indirect.gather [hbm4b:s0+s31], $0x80, s1, s31, $0xb8;
	[tilespmem:$0x1E900] =	vst v63  }
0x92: {  	_ = 	snop  }
0x93: {  	[spmem:s3] =	stream.indirect.scatter.add.f32 [tilespmem:s25], [sflag:$0x5], $0x80, s28, s12, $0xb8;
	[tilespmem:$0x1E900] =	vst v63  }
0x94: {  	_ =	swait.ge [sflag:s26], $0x2800  }
0x95: {  	[sflag:s26] =	ssyncset.done $0x0  }
0x96: {  	[sflag:s26] =	ssyncadd.s32 $0xFFFFD800  }
0x97: {  	[spmem:s3] =	stream.indirect.scatter.add.f32 [tilespmem:s13], [sflag:$0x5], $0x80, s29, s12, $0xb8;
	[tilespmem:$0x1E900] =	vst v63  }
0x98: {  	_ =	swait.ge [sflag:s26], $0x2800  }
0x99: {  	[sflag:s26] =	ssyncset.done $0x0  }
0x9a: {  	[sflag:s26] =	ssyncadd.s32 $0xFFFFD800  }
0x9b: {  	[spmem:s4] =	stream.indirect.scatter.add.f32 [tilespmem:s14], [sflag:$0x5], $0x1, s28, s12, $0xb8;
	[tilespmem:$0x1E900] =	vst v63  }
0x9c: {  	_ =	swait.ge [sflag:s26], $0x50  }
0x9d: {  	[sflag:s26] =	ssyncset.done $0x0  }
0x9e: {  	[sflag:s26] =	ssyncadd.s32 $0xFFFFFFB0  }
0x9f: {  	[spmem:s4] =	stream.indirect.scatter.add.f32 [tilespmem:s14], [sflag:$0x5], $0x1, s29, s12, $0xb8;
	[tilespmem:$0x1E900] =	vst v63  }
0xa0: {  	_ =	swait.ge [sflag:s26], $0x50  }
0xa1: {  	s18 =	rddreg [dreg:$0xe];
	[sflag:s26] =	ssyncset.done $0x0  }
0xa2: {  	s24 =	rddreg [dreg:$0xd];
	[sflag:s26] =	ssyncadd.s32 $0xFFFFFFB0;
	s23 =	sadd.s32 $0x0, s18  }
0xa3: {  	[tilespmem:s5], [sflag:$0x1] =	stream.linear.gather [hbm4b:s23+s5], $0xA0, $0x38;
	[tilespmem:$0x1E900] =	vst v63  }
0xa4: {  	s6 =	rddreg [dreg:$0xf];
	s24 =	sadd.s32 $0x0, s24  }
0xa5: {  	[tilespmem:s15], [sflag:$0x1] =	stream.linear.gather [hbm4b:s24+s5], $0x50, $0x38;
	[tilespmem:$0x1E900] =	vst v63  }
0xa6: {  	s23 =	sadd.s32 $0x0, s6  }
0xa7: {  	[tilespmem:s16], [sflag:$0x1] =	stream.linear.gather [hbm4b:s23+s5], $0x50, $0x38;
	[tilespmem:$0x1E900] =	vst v63  }
0xa8: {  	_ =	swait.ge [sflag:s17], $0x5000  }
0xa9: {  	[sflag:s17] =	ssyncset.done $0x0  }
0xaa: {  	[sflag:s17] =	ssyncadd.s32 $0xFFFFB000  }
0xab: {  	_ =	swait.ge [sflag:s30], $0xA0  }
0xac: {  	[sflag:s30] =	ssyncset.done $0x0  }
0xad: {  	[sflag:s30] =	ssyncadd.s32 $0xFFFFFF60  }
0xae: {  	_ =	swait.ge [sflag:s30], $0x50  }
0xaf: {  	[sflag:s30] =	ssyncset.done $0x0  }
0xb0: {  	[sflag:s30] =	ssyncadd.s32 $0xFFFFFFB0  }
0xb1: {  	_ =	swait.ge [sflag:s30], $0x50  }
0xb2: {  	[sflag:s30] =	ssyncset.done $0x0  }
0xb3: {  	[sflag:s30] =	ssyncadd.s32 $0xFFFFFFB0  }
0xb4: {  	[tilespmem:s25], [sflag:$0x3] =	stream.indirect.gather [hbm4b:s0+s31], $0x80, s5, s31, $0xb8;
	[tilespmem:$0x1E900] =	vst v63  }
0xb5: {  	_ = 	snop  }
0xb6: {  	[spmem:s3] =	stream.indirect.scatter.add.f32 [tilespmem:s10], [sflag:$0x5], $0x80, s2, s12, $0xb8;
	[tilespmem:$0x1E900] =	vst v63  }
0xb7: {  	_ =	swait.ge [sflag:s26], $0x2800  }
0xb8: {  	[sflag:s26] =	ssyncset.done $0x0  }
0xb9: {  	[sflag:s26] =	ssyncadd.s32 $0xFFFFD800  }
0xba: {  	[spmem:s3] =	stream.indirect.scatter.add.f32 [tilespmem:s19], [sflag:$0x5], $0x80, s7, s12, $0xb8;
	[tilespmem:$0x1E900] =	vst v63  }
0xbb: {  	_ =	swait.ge [sflag:s26], $0x2800  }
0xbc: {  	[sflag:s26] =	ssyncset.done $0x0  }
0xbd: {  	[sflag:s26] =	ssyncadd.s32 $0xFFFFD800  }
0xbe: {  	[spmem:s4] =	stream.indirect.scatter.add.f32 [tilespmem:s14], [sflag:$0x5], $0x1, s2, s12, $0xb8;
	[tilespmem:$0x1E900] =	vst v63  }
0xbf: {  	_ =	swait.ge [sflag:s26], $0x50  }
0xc0: {  	[sflag:s26] =	ssyncset.done $0x0  }
0xc1: {  	[sflag:s26] =	ssyncadd.s32 $0xFFFFFFB0  }
0xc2: {  	[spmem:s4] =	stream.indirect.scatter.add.f32 [tilespmem:s14], [sflag:$0x5], $0x1, s7, s12, $0xb8;
	[tilespmem:$0x1E900] =	vst v63  }
0xc3: {  	_ =	swait.ge [sflag:s26], $0x50  }
0xc4: {  	s11 =	rddreg [dreg:$0xb];
	[sflag:s26] =	ssyncset.done $0x0  }
0xc5: {  	s18 =	rddreg [dreg:$0xa];
	[sflag:s26] =	ssyncadd.s32 $0xFFFFFFB0;
	s23 =	sadd.s32 $0x0, s11  }
0xc6: {  	[tilespmem:s1], [sflag:$0x2] =	stream.linear.gather [hbm4b:s23+s5], $0xA0, $0x38;
	[tilespmem:$0x1E900] =	vst v63  }
0xc7: {  	s6 =	rddreg [dreg:$0xc];
	s24 =	sadd.s32 $0x0, s18  }
0xc8: {  	[tilespmem:s20], [sflag:$0x2] =	stream.linear.gather [hbm4b:s24+s5], $0x50, $0x38;
	[tilespmem:$0x1E900] =	vst v63  }
0xc9: {  	s23 =	sadd.s32 $0x0, s6  }
0xca: {  	[tilespmem:s21], [sflag:$0x2] =	stream.linear.gather [hbm4b:s23+s5], $0x50, $0x38;
	[tilespmem:$0x1E900] =	vst v63  }
0xcb: {  	_ =	swait.ge [sflag:s8], $0x5000  }
0xcc: {  	[sflag:s8] =	ssyncset.done $0x0  }
0xcd: {  	[sflag:s8] =	ssyncadd.s32 $0xFFFFB000  }
0xce: {  	_ =	swait.ge [sflag:s9], $0xA0  }
0xcf: {  	[sflag:s9] =	ssyncset.done $0x0  }
0xd0: {  	[sflag:s9] =	ssyncadd.s32 $0xFFFFFF60  }
0xd1: {  	_ =	swait.ge [sflag:s9], $0x50  }
0xd2: {  	[sflag:s9] =	ssyncset.done $0x0  }
0xd3: {  	[sflag:s9] =	ssyncadd.s32 $0xFFFFFFB0  }
0xd4: {  	_ =	swait.ge [sflag:s9], $0x50  }
0xd5: {  	[sflag:s9] =	ssyncset.done $0x0  }
0xd6: {  	[sflag:s9] =	ssyncadd.s32 $0xFFFFFFB0  }
0xd7: {  	[tilespmem:s10], [sflag:$0x4] =	stream.indirect.gather [hbm4b:s0+s31], $0x80, s1, s31, $0xb8;
	[tilespmem:$0x1E900] =	vst v63  }
0xd8: {  	_ = 	snop  }
0xd9: {  	[spmem:s3] =	stream.indirect.scatter.add.f32 [tilespmem:s25], [sflag:$0x5], $0x80, s15, s12, $0xb8;
	[tilespmem:$0x1E900] =	vst v63  }
0xda: {  	_ =	swait.ge [sflag:s26], $0x2800  }
0xdb: {  	[sflag:s26] =	ssyncset.done $0x0  }
0xdc: {  	[sflag:s26] =	ssyncadd.s32 $0xFFFFD800  }
0xdd: {  	[spmem:s3] =	stream.indirect.scatter.add.f32 [tilespmem:s13], [sflag:$0x5], $0x80, s16, s12, $0xb8;
	[tilespmem:$0x1E900] =	vst v63  }
0xde: {  	_ =	swait.ge [sflag:s26], $0x2800  }
0xdf: {  	[sflag:s26] =	ssyncset.done $0x0  }
0xe0: {  	[sflag:s26] =	ssyncadd.s32 $0xFFFFD800  }
0xe1: {  	[spmem:s4] =	stream.indirect.scatter.add.f32 [tilespmem:s14], [sflag:$0x5], $0x1, s15, s12, $0xb8;
	[tilespmem:$0x1E900] =	vst v63  }
0xe2: {  	_ =	swait.ge [sflag:s26], $0x50  }
0xe3: {  	[sflag:s26] =	ssyncset.done $0x0  }
0xe4: {  	[sflag:s26] =	ssyncadd.s32 $0xFFFFFFB0  }
0xe5: {  	[spmem:s4] =	stream.indirect.scatter.add.f32 [tilespmem:s14], [sflag:$0x5], $0x1, s16, s12, $0xb8;
	[tilespmem:$0x1E900] =	vst v63  }
0xe6: {  	_ =	swait.ge [sflag:s26], $0x50  }
0xe7: {  	s11 =	rddreg [dreg:$0x9];
	[sflag:s26] =	ssyncset.done $0x0  }
0xe8: {  	s18 =	rddreg [dreg:$0x8];
	[sflag:s26] =	ssyncadd.s32 $0xFFFFFFB0;
	s23 =	sadd.s32 $0x0, s11  }
0xe9: {  	[tilespmem:s5], [sflag:$0x1] =	stream.linear.gather [hbm4b:s23+s5], $0xA0, $0x38;
	[tilespmem:$0x1E900] =	vst v63  }
0xea: {  	s6 =	sadd.s32 $0x0, s18  }
0xeb: {  	[tilespmem:s28], [sflag:$0x1] =	stream.linear.gather [hbm4b:s6+s5], $0x50, $0x38;
	[tilespmem:$0x1E900] =	vst v63  }
0xec: {  	s23 =	sadd.s32 $0xA, s6  }
0xed: {  	[tilespmem:s29], [sflag:$0x1] =	stream.linear.gather [hbm4b:s23+s5], $0x50, $0x38;
	[tilespmem:$0x1E900] =	vst v63  }
0xee: {  	_ =	swait.ge [sflag:s17], $0x5000  }
0xef: {  	[sflag:s17] =	ssyncset.done $0x0  }
0xf0: {  	[sflag:s17] =	ssyncadd.s32 $0xFFFFB000  }
0xf1: {  	_ =	swait.ge [sflag:s30], $0xA0  }
0xf2: {  	[sflag:s30] =	ssyncset.done $0x0  }
0xf3: {  	[sflag:s30] =	ssyncadd.s32 $0xFFFFFF60  }
0xf4: {  	_ =	swait.ge [sflag:s30], $0x50  }
0xf5: {  	[sflag:s30] =	ssyncset.done $0x0  }
0xf6: {  	[sflag:s30] =	ssyncadd.s32 $0xFFFFFFB0  }
0xf7: {  	_ =	swait.ge [sflag:s30], $0x50  }
0xf8: {  	[sflag:s30] =	ssyncset.done $0x0  }
0xf9: {  	[sflag:s30] =	ssyncadd.s32 $0xFFFFFFB0  }
0xfa: {  	[tilespmem:s25], [sflag:$0x3] =	stream.indirect.gather [hbm4b:s0+s31], $0x80, s5, s31, $0xb8;
	[tilespmem:$0x1E900] =	vst v63  }
0xfb: {  	_ = 	snop  }
0xfc: {  	[spmem:s3] =	stream.indirect.scatter.add.f32 [tilespmem:s10], [sflag:$0x5], $0x80, s20, s12, $0xb8;
	[tilespmem:$0x1E900] =	vst v63  }
0xfd: {  	_ =	swait.ge [sflag:s26], $0x2800  }
0xfe: {  	[sflag:s26] =	ssyncset.done $0x0  }
0xff: {  	[sflag:s26] =	ssyncadd.s32 $0xFFFFD800  }
0x100: {  	[spmem:s3] =	stream.indirect.scatter.add.f32 [tilespmem:s19], [sflag:$0x5], $0x80, s21, s12, $0xb8;
	[tilespmem:$0x1E900] =	vst v63  }
0x101: {  	_ =	swait.ge [sflag:s26], $0x2800  }
0x102: {  	[sflag:s26] =	ssyncset.done $0x0  }
0x103: {  	[sflag:s26] =	ssyncadd.s32 $0xFFFFD800  }
0x104: {  	[spmem:s4] =	stream.indirect.scatter.add.f32 [tilespmem:s14], [sflag:$0x5], $0x1, s20, s12, $0xb8;
	[tilespmem:$0x1E900] =	vst v63  }
0x105: {  	_ =	swait.ge [sflag:s26], $0x50  }
0x106: {  	[sflag:s26] =	ssyncset.done $0x0  }
0x107: {  	[sflag:s26] =	ssyncadd.s32 $0xFFFFFFB0  }
0x108: {  	[spmem:s4] =	stream.indirect.scatter.add.f32 [tilespmem:s14], [sflag:$0x5], $0x1, s21, s12, $0xb8;
	[tilespmem:$0x1E900] =	vst v63  }
0x109: {  	_ =	swait.ge [sflag:s26], $0x50  }
0x10a: {  	s11 =	rddreg [dreg:$0x7];
	[sflag:s26] =	ssyncset.done $0x0  }
0x10b: {  	s18 =	rddreg [dreg:$0x6];
	[sflag:s26] =	ssyncadd.s32 $0xFFFFFFB0;
	s23 =	sadd.s32 $0x0, s11  }
0x10c: {  	[tilespmem:s1], [sflag:$0x2] =	stream.linear.gather [hbm4b:s23+s5], $0xA0, $0x38;
	[tilespmem:$0x1E900] =	vst v63  }
0x10d: {  	s24 =	sadd.s32 $0x0, s18  }
0x10e: {  	[tilespmem:s2], [sflag:$0x2] =	stream.linear.gather [hbm4b:s24+s5], $0x50, $0x38;
	[tilespmem:$0x1E900] =	vst v63  }
0x10f: {  	s23 =	simm.s32 $0x50;
	s24 =	sadd.s32 $0xA, s24  }
.LBB2_4:
0x110: {  	[tilespmem:s7], [sflag:$0x2] =	stream.linear.gather [hbm4b:s24+s5], $0x50, $0x38;
	[tilespmem:$0x1E900] =	vst v63  }
0x111: {  	_ =	swait.ge [sflag:s8], $0x5000  }
0x112: {  	[sflag:s8] =	ssyncset.done $0x0  }
0x113: {  	[sflag:s8] =	ssyncadd.s32 $0xFFFFB000  }
0x114: {  	_ =	swait.ge [sflag:s9], $0xA0  }
0x115: {  	[sflag:s9] =	ssyncset.done $0x0  }
0x116: {  	[sflag:s9] =	ssyncadd.s32 $0xFFFFFF60  }
0x117: {  	_ =	swait.ge [sflag:s9], $0x50  }
0x118: {  	[sflag:s9] =	ssyncset.done $0x0  }
0x119: {  	[sflag:s9] =	ssyncadd.s32 $0xFFFFFFB0  }
0x11a: {  	_ =	swait.ge [sflag:s9], $0x50  }
0x11b: {  	[sflag:s9] =	ssyncset.done $0x0  }
0x11c: {  	[sflag:s9] =	ssyncadd.s32 $0xFFFFFFB0  }
0x11d: {  	[tilespmem:s10], [sflag:$0x4] =	stream.indirect.gather [hbm4b:s0+s31], $0x80, s1, s31, $0xb8;
	[tilespmem:$0x1E900] =	vst v63  }
0x11e: {  	_ = 	snop  }
0x11f: {  	[spmem:s3] =	stream.indirect.scatter.add.f32 [tilespmem:s25], [sflag:$0x5], $0x80, s28, s12, $0xb8;
	[tilespmem:$0x1E900] =	vst v63  }
0x120: {  	_ =	swait.ge [sflag:s26], $0x2800  }
0x121: {  	[sflag:s26] =	ssyncset.done $0x0  }
0x122: {  	[sflag:s26] =	ssyncadd.s32 $0xFFFFD800  }
0x123: {  	[spmem:s3] =	stream.indirect.scatter.add.f32 [tilespmem:s13], [sflag:$0x5], $0x80, s29, s12, $0xb8;
	[tilespmem:$0x1E900] =	vst v63  }
0x124: {  	_ =	swait.ge [sflag:s26], $0x2800  }
0x125: {  	[sflag:s26] =	ssyncset.done $0x0  }
0x126: {  	[sflag:s26] =	ssyncadd.s32 $0xFFFFD800  }
0x127: {  	[spmem:s4] =	stream.indirect.scatter.add.f32 [tilespmem:s14], [sflag:$0x5], $0x1, s28, s12, $0xb8;
	[tilespmem:$0x1E900] =	vst v63  }
0x128: {  	_ =	swait.ge [sflag:s26], $0x50  }
0x129: {  	[sflag:s26] =	ssyncset.done $0x0  }
0x12a: {  	[sflag:s26] =	ssyncadd.s32 $0xFFFFFFB0  }
0x12b: {  	[spmem:s4] =	stream.indirect.scatter.add.f32 [tilespmem:s14], [sflag:$0x5], $0x1, s29, s12, $0xb8;
	[tilespmem:$0x1E900] =	vst v63  }
0x12c: {  	_ =	swait.ge [sflag:s26], $0x50  }
0x12d: {  	s24 =	smov.u32 s23;
	s18 =	rddreg [dreg:$0xe];
	[sflag:s26] =	ssyncset.done $0x0  }
0x12e: {  	s6 =	rddreg [dreg:$0xd];
	[sflag:s26] =	ssyncadd.s32 $0xFFFFFFB0;
	s18 =	sadd.s32 s24, s18  }
0x12f: {  	[tilespmem:s5], [sflag:$0x1] =	stream.linear.gather [hbm4b:s18+s5], $0xA0, $0x38;
	[tilespmem:$0x1E900] =	vst v63  }
0x130: {  	s11 =	rddreg [dreg:$0xf];
	s6 =	sadd.s32 s24, s6  }
0x131: {  	[tilespmem:s15], [sflag:$0x1] =	stream.linear.gather [hbm4b:s6+s5], $0x50, $0x38;
	[tilespmem:$0x1E900] =	vst v63  }
0x132: {  	s11 =	sadd.s32 s24, s11  }
0x133: {  	[tilespmem:s16], [sflag:$0x1] =	stream.linear.gather [hbm4b:s11+s5], $0x50, $0x38;
	[tilespmem:$0x1E900] =	vst v63  }
0x134: {  	_ =	swait.ge [sflag:s17], $0x5000  }
0x135: {  	[sflag:s17] =	ssyncset.done $0x0  }
0x136: {  	[sflag:s17] =	ssyncadd.s32 $0xFFFFB000  }
0x137: {  	_ =	swait.ge [sflag:s30], $0xA0  }
0x138: {  	[sflag:s30] =	ssyncset.done $0x0  }
0x139: {  	[sflag:s30] =	ssyncadd.s32 $0xFFFFFF60  }
0x13a: {  	_ =	swait.ge [sflag:s30], $0x50  }
0x13b: {  	[sflag:s30] =	ssyncset.done $0x0  }
0x13c: {  	[sflag:s30] =	ssyncadd.s32 $0xFFFFFFB0  }
0x13d: {  	_ =	swait.ge [sflag:s30], $0x50  }
0x13e: {  	[sflag:s30] =	ssyncset.done $0x0  }
0x13f: {  	[sflag:s30] =	ssyncadd.s32 $0xFFFFFFB0  }
0x140: {  	[tilespmem:s25], [sflag:$0x3] =	stream.indirect.gather [hbm4b:s0+s31], $0x80, s5, s31, $0xb8;
	[tilespmem:$0x1E900] =	vst v63  }
0x141: {  	_ = 	snop  }
0x142: {  	[spmem:s3] =	stream.indirect.scatter.add.f32 [tilespmem:s10], [sflag:$0x5], $0x80, s2, s12, $0xb8;
	[tilespmem:$0x1E900] =	vst v63  }
0x143: {  	_ =	swait.ge [sflag:s26], $0x2800  }
0x144: {  	[sflag:s26] =	ssyncset.done $0x0  }
0x145: {  	[sflag:s26] =	ssyncadd.s32 $0xFFFFD800  }
0x146: {  	[spmem:s3] =	stream.indirect.scatter.add.f32 [tilespmem:s19], [sflag:$0x5], $0x80, s7, s12, $0xb8;
	[tilespmem:$0x1E900] =	vst v63  }
0x147: {  	_ =	swait.ge [sflag:s26], $0x2800  }
0x148: {  	[sflag:s26] =	ssyncset.done $0x0  }
0x149: {  	[sflag:s26] =	ssyncadd.s32 $0xFFFFD800  }
0x14a: {  	[spmem:s4] =	stream.indirect.scatter.add.f32 [tilespmem:s14], [sflag:$0x5], $0x1, s2, s12, $0xb8;
	[tilespmem:$0x1E900] =	vst v63  }
0x14b: {  	_ =	swait.ge [sflag:s26], $0x50  }
0x14c: {  	[sflag:s26] =	ssyncset.done $0x0  }
0x14d: {  	[sflag:s26] =	ssyncadd.s32 $0xFFFFFFB0  }
0x14e: {  	[spmem:s4] =	stream.indirect.scatter.add.f32 [tilespmem:s14], [sflag:$0x5], $0x1, s7, s12, $0xb8;
	[tilespmem:$0x1E900] =	vst v63  }
0x14f: {  	_ =	swait.ge [sflag:s26], $0x50  }
0x150: {  	s18 =	rddreg [dreg:$0xb];
	[sflag:s26] =	ssyncset.done $0x0  }
0x151: {  	s11 =	rddreg [dreg:$0xa];
	[sflag:s26] =	ssyncadd.s32 $0xFFFFFFB0;
	s6 =	sadd.s32 s24, s18  }
0x152: {  	[tilespmem:s1], [sflag:$0x2] =	stream.linear.gather [hbm4b:s6+s5], $0xA0, $0x38;
	[tilespmem:$0x1E900] =	vst v63  }
0x153: {  	s18 =	rddreg [dreg:$0xc];
	s11 =	sadd.s32 s24, s11  }
0x154: {  	[tilespmem:s20], [sflag:$0x2] =	stream.linear.gather [hbm4b:s11+s5], $0x50, $0x38;
	[tilespmem:$0x1E900] =	vst v63  }
0x155: {  	s18 =	sadd.s32 s24, s18  }
0x156: {  	[tilespmem:s21], [sflag:$0x2] =	stream.linear.gather [hbm4b:s18+s5], $0x50, $0x38;
	[tilespmem:$0x1E900] =	vst v63  }
0x157: {  	_ =	swait.ge [sflag:s8], $0x5000  }
0x158: {  	[sflag:s8] =	ssyncset.done $0x0  }
0x159: {  	[sflag:s8] =	ssyncadd.s32 $0xFFFFB000  }
0x15a: {  	_ =	swait.ge [sflag:s9], $0xA0  }
0x15b: {  	[sflag:s9] =	ssyncset.done $0x0  }
0x15c: {  	[sflag:s9] =	ssyncadd.s32 $0xFFFFFF60  }
0x15d: {  	_ =	swait.ge [sflag:s9], $0x50  }
0x15e: {  	[sflag:s9] =	ssyncset.done $0x0  }
0x15f: {  	[sflag:s9] =	ssyncadd.s32 $0xFFFFFFB0  }
0x160: {  	_ =	swait.ge [sflag:s9], $0x50  }
0x161: {  	[sflag:s9] =	ssyncset.done $0x0  }
0x162: {  	[sflag:s9] =	ssyncadd.s32 $0xFFFFFFB0  }
0x163: {  	[tilespmem:s10], [sflag:$0x4] =	stream.indirect.gather [hbm4b:s0+s31], $0x80, s1, s31, $0xb8;
	[tilespmem:$0x1E900] =	vst v63  }
0x164: {  	_ = 	snop  }
0x165: {  	[spmem:s3] =	stream.indirect.scatter.add.f32 [tilespmem:s25], [sflag:$0x5], $0x80, s15, s12, $0xb8;
	[tilespmem:$0x1E900] =	vst v63  }
0x166: {  	_ =	swait.ge [sflag:s26], $0x2800  }
0x167: {  	[sflag:s26] =	ssyncset.done $0x0  }
0x168: {  	[sflag:s26] =	ssyncadd.s32 $0xFFFFD800  }
0x169: {  	[spmem:s3] =	stream.indirect.scatter.add.f32 [tilespmem:s13], [sflag:$0x5], $0x80, s16, s12, $0xb8;
	[tilespmem:$0x1E900] =	vst v63  }
0x16a: {  	_ =	swait.ge [sflag:s26], $0x2800  }
0x16b: {  	[sflag:s26] =	ssyncset.done $0x0  }
0x16c: {  	[sflag:s26] =	ssyncadd.s32 $0xFFFFD800  }
0x16d: {  	[spmem:s4] =	stream.indirect.scatter.add.f32 [tilespmem:s14], [sflag:$0x5], $0x1, s15, s12, $0xb8;
	[tilespmem:$0x1E900] =	vst v63  }
0x16e: {  	_ =	swait.ge [sflag:s26], $0x50  }
0x16f: {  	[sflag:s26] =	ssyncset.done $0x0  }
0x170: {  	[sflag:s26] =	ssyncadd.s32 $0xFFFFFFB0  }
0x171: {  	[spmem:s4] =	stream.indirect.scatter.add.f32 [tilespmem:s14], [sflag:$0x5], $0x1, s16, s12, $0xb8;
	[tilespmem:$0x1E900] =	vst v63  }
0x172: {  	_ =	swait.ge [sflag:s26], $0x50  }
0x173: {  	s11 =	rddreg [dreg:$0x9];
	[sflag:s26] =	ssyncset.done $0x0  }
0x174: {  	s18 =	rddreg [dreg:$0x8];
	[sflag:s26] =	ssyncadd.s32 $0xFFFFFFB0;
	s6 =	sadd.s32 s24, s11  }
0x175: {  	[tilespmem:s5], [sflag:$0x1] =	stream.linear.gather [hbm4b:s6+s5], $0xA0, $0x38;
	[tilespmem:$0x1E900] =	vst v63  }
0x176: {  	s18 =	sadd.s32 s24, s18  }
0x177: {  	[tilespmem:s28], [sflag:$0x1] =	stream.linear.gather [hbm4b:s18+s5], $0x50, $0x38;
	[tilespmem:$0x1E900] =	vst v63  }
0x178: {  	s6 =	sadd.s32 $0xA, s18  }
0x179: {  	[tilespmem:s29], [sflag:$0x1] =	stream.linear.gather [hbm4b:s6+s5], $0x50, $0x38;
	[tilespmem:$0x1E900] =	vst v63  }
0x17a: {  	_ =	swait.ge [sflag:s17], $0x5000  }
0x17b: {  	[sflag:s17] =	ssyncset.done $0x0  }
0x17c: {  	[sflag:s17] =	ssyncadd.s32 $0xFFFFB000  }
0x17d: {  	_ =	swait.ge [sflag:s30], $0xA0  }
0x17e: {  	[sflag:s30] =	ssyncset.done $0x0  }
0x17f: {  	[sflag:s30] =	ssyncadd.s32 $0xFFFFFF60  }
0x180: {  	_ =	swait.ge [sflag:s30], $0x50  }
0x181: {  	[sflag:s30] =	ssyncset.done $0x0  }
0x182: {  	[sflag:s30] =	ssyncadd.s32 $0xFFFFFFB0  }
0x183: {  	_ =	swait.ge [sflag:s30], $0x50  }
0x184: {  	[sflag:s30] =	ssyncset.done $0x0  }
0x185: {  	[sflag:s30] =	ssyncadd.s32 $0xFFFFFFB0  }
0x186: {  	[tilespmem:s25], [sflag:$0x3] =	stream.indirect.gather [hbm4b:s0+s31], $0x80, s5, s31, $0xb8;
	[tilespmem:$0x1E900] =	vst v63  }
0x187: {  	_ = 	snop  }
0x188: {  	[spmem:s3] =	stream.indirect.scatter.add.f32 [tilespmem:s10], [sflag:$0x5], $0x80, s20, s12, $0xb8;
	[tilespmem:$0x1E900] =	vst v63  }
0x189: {  	_ =	swait.ge [sflag:s26], $0x2800  }
0x18a: {  	[sflag:s26] =	ssyncset.done $0x0  }
0x18b: {  	[sflag:s26] =	ssyncadd.s32 $0xFFFFD800  }
0x18c: {  	[spmem:s3] =	stream.indirect.scatter.add.f32 [tilespmem:s19], [sflag:$0x5], $0x80, s21, s12, $0xb8;
	[tilespmem:$0x1E900] =	vst v63  }
0x18d: {  	_ =	swait.ge [sflag:s26], $0x2800  }
0x18e: {  	[sflag:s26] =	ssyncset.done $0x0  }
0x18f: {  	[sflag:s26] =	ssyncadd.s32 $0xFFFFD800  }
0x190: {  	[spmem:s4] =	stream.indirect.scatter.add.f32 [tilespmem:s14], [sflag:$0x5], $0x1, s20, s12, $0xb8;
	[tilespmem:$0x1E900] =	vst v63  }
0x191: {  	_ =	swait.ge [sflag:s26], $0x50  }
0x192: {  	[sflag:s26] =	ssyncset.done $0x0  }
0x193: {  	[sflag:s26] =	ssyncadd.s32 $0xFFFFFFB0  }
0x194: {  	[spmem:s4] =	stream.indirect.scatter.add.f32 [tilespmem:s14], [sflag:$0x5], $0x1, s21, s12, $0xb8;
	[tilespmem:$0x1E900] =	vst v63  }
0x195: {  	_ =	swait.ge [sflag:s26], $0x50  }
0x196: {  	s11 =	rddreg [dreg:$0x7]  }
0x197: {  	p0 =	sne.s32 s23, $0x4B0;
	s18 =	rddreg [dreg:$0x6];
	[sflag:s26] =	ssyncset.done $0x0  }
.Ltmp1:
0x198: {  	[sflag:s26] =	ssyncadd.s32 $0xFFFFFFB0;
	s6 =	sadd.s32 s24, s11;
	(pc) =	sbr.rel @p0 .LBB2_4-.Ltmp1, $4  }
0x199: {  	[tilespmem:s1], [sflag:$0x2] =	stream.linear.gather [hbm4b:s6+s5], $0xA0, $0x38;
	[tilespmem:$0x1E900] =	vst v63  }
0x19a: {  	s24 =	sadd.s32 s24, s18  }
0x19b: {  	[tilespmem:s2], [sflag:$0x2] =	stream.linear.gather [hbm4b:s24+s5], $0x50, $0x38;
	[tilespmem:$0x1E900] =	vst v63  }
0x19c: {  	s23 =	sadd.s32 $0x50, s23;
	s24 =	sadd.s32 $0xA, s24  }
0x19d: {  	[tilespmem:s7], [sflag:$0x2] =	stream.linear.gather [hbm4b:s24+s5], $0x50, $0x38;
	[tilespmem:$0x1E900] =	vst v63  }
0x19e: {  	_ =	swait.ge [sflag:s8], $0x5000  }
0x19f: {  	[sflag:s8] =	ssyncset.done $0x0  }
0x1a0: {  	[sflag:s8] =	ssyncadd.s32 $0xFFFFB000  }
0x1a1: {  	_ =	swait.ge [sflag:s9], $0xA0  }
0x1a2: {  	[sflag:s9] =	ssyncset.done $0x0  }
0x1a3: {  	[sflag:s9] =	ssyncadd.s32 $0xFFFFFF60  }
0x1a4: {  	_ =	swait.ge [sflag:s9], $0x50  }
0x1a5: {  	[sflag:s9] =	ssyncset.done $0x0  }
0x1a6: {  	[sflag:s9] =	ssyncadd.s32 $0xFFFFFFB0  }
0x1a7: {  	_ =	swait.ge [sflag:s9], $0x50  }
0x1a8: {  	[sflag:s9] =	ssyncset.done $0x0  }
0x1a9: {  	[sflag:s9] =	ssyncadd.s32 $0xFFFFFFB0  }
0x1aa: {  	[bflag:$0x0] =	sbarrier.arrive $0xFFFF  }
0x1ab: {  	s6 =	stileid.u32;
	s18 =	sld [smem:$0x7FC]  }
0x1ac: {  	s6 =	sshll.u32 s6, $0x6;
	s11 =	rddreg [dreg:$0x10]  }
0x1ad: {  	s6 =	sor.u32 $0x1C05, s6;
	s11 =	sshrl.u32 s11, $0x3  }
0x1ae: {  	[hbm:s18], [sflag:s6] =	dma.local [spmem:s11], $0x2800  }
0x1af: {  	_ =	swait.ge [sflag:s26], $0x2800  }
0x1b0: {  	s23 =	rddreg [dreg:$0x15]  }
0x1b1: {  	s24 =	simm.s32 $0x10;
	[sflag:s26] =	ssyncset.done $0x0;
	s18 =	rddreg [dreg:$0x1a]  }
0x1b2: {  	[sflag:s26] =	ssyncadd.s32 $0xFFFFD800;
	s11 =	sshrl.u32 s23, $0x3;
	s23 =	simm.s32 $0x20  }
0x1b3: {  	[hbm:s18@s23], [sflag:s6] =	dma.strided [spmem:s11@s24], $0x50, s30, $0x10   }
0x1b4: {  	_ =	swait.ge [sflag:s26], $0x50  }
0x1b5: {  	s24 =	sld [smem:$0x7FD];
	_ =	sdelay $0x1  }
0x1b6: {  	s22 =	sadd.s32 $0x1, s22  }
0x1b7: {  	p0 =	sne.s32 s22, s24  }
.Ltmp2:
0x1b8: {  	_ = 	snop;
	(pc) =	sbr.rel @p0 .LBB2_1-.Ltmp2, $3  }
0x1b9: {  	_ =	sdelay $0x1  }
0x1ba: {  	[sflag:s26] =	ssyncset.done $0x0  }
0x1bb: {  	[sflag:s26] =	ssyncadd.s32 $0xFFFFFFB0  }
0x1bc: {  	_ =	sfence.sel $0x180000  }
0x1bd: {  	[bflag:$0x0] =	sbarrier.arrive $0xFFFF  }
0x1be: {  	_ =	strace $0x90000047  }
0x1bf: {  	s0 =	stileid.u32;
	[bflag:$0x2] =	sbarrier.arrive $0xFFFF  }
0x1c0: {  	p0 =	sne.s32 s0, $0x0;
	s0 =	rddreg [dreg:$0x5]  }
0x1c1: {  	s0 =	sadd.s32 @!p0 $0x100000, s0  }
0x1c2: {  	[sflag:s0] =	ssyncadd.tile.s32 @!p0 $0x1;
	_ =	shalt  }
.Lfunc_end2:
_tile_overlayer_lowered:
.L_overlay_start_2:
0x1c3: {  	(tag) =	ssettag $0x2  }
0x1c4: {  	s0 =	rddreg [dreg:$0x0];
	s2 =	stileid.u32  }
0x1c5: {  	s1 =	rddreg [dreg:$0x1];
	p0 =	sne.s32 s2, $0x0  }
0x1c6: {  	s3 =	rddreg [dreg:$0x2];
	[bflag:$0x3] =	sbarrier.arrive $0xFFFF;
	s2 =	simm.s32 @!p0 $0x1C05  }
0x1c7: {  	[timem:s3], [sflag:s2] =	dma.local @!p0 [hbm:s0], s1  }
0x1c8: {  	s0 =	simm.s32 @!p0 $0x5  }
0x1c9: {  	_ =	swait.ge @!p0 [sflag:s0], s1  }
0x1ca: {  	s1 =	ssub.s32 @!p0 $0x0, s1;
	[sflag:s0] =	ssyncset.done @!p0 $0x0  }
0x1cb: {  	[sflag:s0] =	ssyncadd.s32 @!p0 s1  }
0x1cc: {  	[bflag:$0x3] =	sbarrier.arrive $0xFFFF  }
0x1cd: {  	_ =	shalt  }

</sc_bundles>
